<compile_context>
chip_gen: v7x
topology: tpu7x:2x2x1
jax: 0.10.2.dev20260603
libtpu: 0.0.44.dev20260713+nightly
codegen_flags: <defaults>
</compile_context>

<pallas_src>
import functools

import jax
import jax.numpy as jnp
from jax import lax
from jax.experimental import pallas as pl
from jax.experimental.pallas import tpu as pltpu
from jax.experimental.pallas import tpu_sc as plsc

N = 10000
E = 320000
F_IN = 128
H = 32

NC = 2
NS = 16
NW = NC * NS
CHUNK = 128
KCH = 80
GRP = 8
NG = KCH // GRP
EPW = KCH * CHUNK
EPAD = NW * EPW
NPAD = 10112
ROWS_PER_TILE = NPAD // NS



_MESH = plsc.VectorSubcoreMesh(core_axis_name="c", subcore_axis_name="s")
_SC_PARAMS = pltpu.CompilerParams(use_tc_tiling_on_sc=False)


@functools.partial(
    pl.kernel,
    out_type=jax.ShapeDtypeStruct((NC, NPAD, H), jnp.float32),
    mesh=_MESH,
    compiler_params=_SC_PARAMS,
    scratch_types=[
        pltpu.VMEM((KCH, CHUNK), jnp.int32),
        pltpu.VMEM((CHUNK, H), jnp.float32),
        pltpu.VMEM_SHARED((NPAD, H), jnp.float32),
        pltpu.SemaphoreType.DMA,
    ],
)
def _sc_degree(dst_hbm, ones_hbm, zeros_hbm, out_hbm, dst_v, ones_v, deg_s, ssem):
    cid = lax.axis_index("c")
    sid = lax.axis_index("s")
    wid = cid * NS + sid

    pltpu.sync_copy(dst_hbm.at[wid], dst_v)
    pltpu.sync_copy(ones_hbm, ones_v)
    pltpu.sync_copy(
        zeros_hbm.at[pl.ds(sid * ROWS_PER_TILE, ROWS_PER_TILE)],
        deg_s.at[pl.ds(sid * ROWS_PER_TILE, ROWS_PER_TILE)],
    )
    plsc.subcore_barrier()

    def fire(j, carry):
        pltpu.async_copy(ones_v, deg_s.at[dst_v.at[j]], ssem, add=True)
        return carry

    def drain(j, carry):
        pltpu.make_async_copy(ones_v, deg_s.at[dst_v.at[j]], ssem).wait()
        return carry

    lax.fori_loop(0, KCH, fire, 0)
    lax.fori_loop(0, KCH, drain, 0)
    plsc.subcore_barrier()

    pltpu.sync_copy(
        deg_s.at[pl.ds(sid * ROWS_PER_TILE, ROWS_PER_TILE)],
        out_hbm.at[cid, pl.ds(sid * ROWS_PER_TILE, ROWS_PER_TILE)],
    )


@functools.partial(
    pl.kernel,
    out_type=jax.ShapeDtypeStruct((NC, NPAD, H), jnp.float32),
    mesh=_MESH,
    compiler_params=_SC_PARAMS,
    scratch_types=[
        pltpu.VMEM((KCH, CHUNK), jnp.int32),
        pltpu.VMEM((KCH, CHUNK), jnp.int32),
        pltpu.VMEM((2, GRP, CHUNK, H), jnp.float32),
        pltpu.VMEM_SHARED((NPAD, H), jnp.float32),
        pltpu.VMEM_SHARED((NPAD, H), jnp.float32),
        pltpu.SemaphoreType.DMA,
        pltpu.SemaphoreType.DMA,
    ],
)
def _sc_aggregate(table_hbm, src_hbm, dst_hbm, zeros_hbm, out_hbm,
                  src_v, dst_v, rows_v, acc_s, table_s, gsem, ssem):
    cid = lax.axis_index("c")
    sid = lax.axis_index("s")
    wid = cid * NS + sid

    pltpu.sync_copy(src_hbm.at[wid], src_v)
    pltpu.sync_copy(dst_hbm.at[wid], dst_v)
    sl = pl.ds(sid * ROWS_PER_TILE, ROWS_PER_TILE)

    @pl.when(cid == 0)
    def _():
        pltpu.sync_copy(table_hbm.at[sl], acc_s.at[sl])

    @pl.when(cid != 0)
    def _():
        pltpu.sync_copy(zeros_hbm.at[sl], acc_s.at[sl])

    pltpu.sync_copy(table_hbm.at[sl], table_s.at[sl])
    plsc.subcore_barrier()

    def fire_gathers(g, p):
        for b in range(GRP):
            pltpu.async_copy(table_s.at[src_v.at[g * GRP + b]],
                             rows_v.at[p, b], gsem)

    def drain_gathers(p):
        for b in range(GRP):
            pltpu.make_async_copy(table_s.at[src_v.at[0]],
                                  rows_v.at[p, b], gsem).wait()

    def fire_scatters(g, p):
        for b in range(GRP):
            pltpu.async_copy(rows_v.at[p, b],
                             acc_s.at[dst_v.at[g * GRP + b]], ssem, add=True)

    def drain_scatters(g, p):
        for b in range(GRP):
            pltpu.make_async_copy(rows_v.at[p, b],
                                  acc_s.at[dst_v.at[g * GRP + b]], ssem).wait()

    fire_gathers(0, 0)
    fire_gathers(1, 1)

    def body(k, carry):
        g0 = 2 * k
        g1 = g0 + 1
        drain_gathers(0)
        fire_scatters(g0, 0)
        drain_gathers(1)
        fire_scatters(g1, 1)
        drain_scatters(g0, 0)

        @pl.when(g0 + 2 < NG)
        def _():
            fire_gathers(g0 + 2, 0)

        drain_scatters(g1, 1)

        @pl.when(g1 + 2 < NG)
        def _():
            fire_gathers(g1 + 2, 1)

        return carry

    lax.fori_loop(0, NG // 2, body, 0)
    plsc.subcore_barrier()

    pltpu.sync_copy(
        acc_s.at[pl.ds(sid * ROWS_PER_TILE, ROWS_PER_TILE)],
        out_hbm.at[cid, pl.ds(sid * ROWS_PER_TILE, ROWS_PER_TILE)],
    )





NP4 = NPAD // 4


_PREP_GRID = 4
_PREP_ROWS = NPAD // _PREP_GRID
_PREP_P4 = NP4 // _PREP_GRID


def _tc_mm1_body(x_ref, w1_ref, hp_ref):
    h = jnp.dot(x_ref[...], w1_ref[...], preferred_element_type=jnp.float32)
    h3 = jnp.reshape(h, (_PREP_P4, 4, H))
    for k in range(4):
        hp_ref[:, k * H:(k + 1) * H] = h3[:, k, :]


def _tc_mm1(x, w1):
    return pl.pallas_call(
        _tc_mm1_body,
        grid=(_PREP_GRID,),
        in_specs=[
            pl.BlockSpec((_PREP_ROWS, F_IN), lambda i: (i, 0)),
            pl.BlockSpec((F_IN, H), lambda i: (0, 0)),
        ],
        out_specs=pl.BlockSpec((_PREP_P4, 128), lambda i: (i, 0)),
        out_shape=jax.ShapeDtypeStruct((NP4, 128), jnp.float32),
    )(x, w1)


def _tc_scale_body(hp_ref, degp_ref, h1p_ref, dinv_ref):
    dinv = lax.rsqrt(1.0 + degp_ref[0] + degp_ref[1])
    h1p_ref[...] = hp_ref[...] * dinv
    dinv_ref[...] = dinv


def _tc_scale(hp, degp):
    return pl.pallas_call(
        _tc_scale_body,
        out_shape=(
            jax.ShapeDtypeStruct((NP4, 128), jnp.float32),
            jax.ShapeDtypeStruct((NP4, 128), jnp.float32),
        ),
    )(hp, degp)


def _tc_mid_body(accp_ref, dinv_ref, w2p_ref, b1p_ref, h2p_ref):
    dinv = dinv_ref[...]
    acc = accp_ref[0] + accp_ref[1]
    h1 = jnp.maximum(acc * dinv + b1p_ref[...], 0.0)
    g = jnp.dot(h1, w2p_ref[...], preferred_element_type=jnp.float32)
    h2p_ref[...] = g * dinv


def _tc_mid(accp, dinv, w2p, b1p):
    return pl.pallas_call(
        _tc_mid_body,
        out_shape=jax.ShapeDtypeStruct((NP4, 128), jnp.float32),
    )(accp, dinv, w2p, b1p)


def _tc_final_body(accp_ref, dinv_ref, w3p_ref, b2p_ref, b3p_ref, out_ref):
    dinv = dinv_ref[...]
    acc = accp_ref[0] + accp_ref[1]
    h2 = jnp.maximum(acc * dinv + b2p_ref[...], 0.0)
    out_ref[...] = jnp.dot(
        h2, w3p_ref[...], preferred_element_type=jnp.float32) + b3p_ref[...]


def _tc_final(accp, dinv, w3p, b2p, b3p):
    return pl.pallas_call(
        _tc_final_body,
        out_shape=jax.ShapeDtypeStruct((NP4, 4), jnp.float32),
    )(accp, dinv, w3p, b2p, b3p)




@jax.jit
def kernel(x, edge_index, W1, b1, W2, b2, W3, b3):
    pad_e = EPAD - E
    src = jnp.concatenate(
        [edge_index[0], jnp.zeros((pad_e,), jnp.int32)]).reshape(NW, KCH, CHUNK)
    dst = jnp.concatenate(
        [edge_index[1], jnp.full((pad_e,), N, jnp.int32)]).reshape(NW, KCH, CHUNK)

    ones_rows = jnp.ones((CHUNK, H), jnp.float32)
    zeros_h = jnp.zeros((NPAD, H), jnp.float32)
    eye4 = jnp.eye(4, dtype=jnp.float32)
    w2p = (eye4[:, None, :, None] * W2[None, :, None, :]).reshape(128, 128)
    w3p = (eye4[:, None, :, None] * W3[None, :, None, :]).reshape(128, 4)
    b1p = jnp.tile(b1, 4).reshape(1, 128)
    b2p = jnp.tile(b2, 4).reshape(1, 128)
    b3p = jnp.tile(b3, 4).reshape(1, 4)

    x_pad = jnp.pad(x, ((0, NPAD - N), (0, 0)))
    degp = _sc_degree(dst, ones_rows, zeros_h)
    hp = _tc_mm1(x_pad, W1)
    h1p, dinv = _tc_scale(hp, degp.reshape(NC, NP4, 128))
    acc1 = _sc_aggregate(h1p.reshape(NPAD, H), src, dst, zeros_h)
    h2p = _tc_mid(acc1.reshape(NC, NP4, 128), dinv, w2p, b1p)
    acc2 = _sc_aggregate(h2p.reshape(NPAD, H), src, dst, zeros_h)
    outp = _tc_final(acc2.reshape(NC, NP4, 128), dinv, w3p, b2p, b3p)
    return outp.reshape(NPAD, 1)[:N]

# --- scband reference (transcript-rebuilt; emitter-appended) ---
"""Pipeline reference for scband-temporal-gnn-21114059227634 (READ-ONLY COPY).

The authoritative reference and input builder live on the scoring server;
editing this copy changes nothing except your own understanding.
"""

import jax, jax.numpy as jnp
import numpy as np


def gcn_conv(x, edge_index, W, b):
    # Faithful GCNConv: add self-loops, symmetric D^-1/2 A D^-1/2 normalization,
    # linear transform, then scatter-add aggregation over destination nodes.
    N = x.shape[0]
    loops = jnp.arange(N, dtype=edge_index.dtype)
    src = jnp.concatenate([edge_index[0], loops])
    dst = jnp.concatenate([edge_index[1], loops])
    deg = jax.ops.segment_sum(jnp.ones(src.shape[0], dtype=x.dtype), dst, num_segments=N)
    dinv = jnp.where(deg > 0, jax.lax.rsqrt(deg), 0.0)
    norm = dinv[src] * dinv[dst]
    h = x @ W
    msg = h[src] * norm[:, None]
    out = jax.ops.segment_sum(msg, dst, num_segments=N)
    return out + b


def setup_inputs(seed: int = 0) -> dict:
    key = jax.random.key(seed)
    ks = jax.random.split(key, 8)
    N, E, F_in, H = 10000, 320000, 128, 32
    x = jax.random.normal(ks[0], (N, F_in), dtype=jnp.float32)
    edge_index = jax.random.randint(ks[1], (2, E), 0, N, dtype=jnp.int32)
    W1 = jax.random.normal(ks[2], (F_in, H), dtype=jnp.float32) * (1.0 / np.sqrt(F_in))
    b1 = jnp.zeros((H,), dtype=jnp.float32)
    W2 = jax.random.normal(ks[3], (H, H), dtype=jnp.float32) * (1.0 / np.sqrt(H))
    b2 = jnp.zeros((H,), dtype=jnp.float32)
    W3 = jax.random.normal(ks[4], (H, 1), dtype=jnp.float32) * (1.0 / np.sqrt(H))
    b3 = jnp.zeros((1,), dtype=jnp.float32)
    return {"x": x, "edge_index": edge_index, "W1": W1, "b1": b1, "W2": W2, "b2": b2, "W3": W3, "b3": b3}


def reference(x, edge_index, W1, b1, W2, b2, W3, b3):
    h1 = jax.nn.relu(gcn_conv(x, edge_index, W1, b1))
    h2 = jax.nn.relu(gcn_conv(h1, edge_index, W2, b2))
    h = h2 @ W3 + b3
    return h

if __name__ == "__main__":
    import jax
    _d = setup_inputs()
    print(jax.jit(kernel)(*tuple(_d.values())))

</pallas_src>

<mosaic_0001>
#map = affine_map<(d0, d1) -> (0, 0)>
#map1 = affine_map<(d0, d1) -> (0, 0, 0)>
module attributes {stable_mosaic.version = 14 : i64} {
  func.func @_sc_aggregate(%arg0: i32, %arg1: i32, %arg2: memref<10112x32xf32, #tpu.memory_space<hbm>>, %arg3: memref<32x80x128xi32, #tpu.memory_space<hbm>>, %arg4: memref<32x80x128xi32, #tpu.memory_space<hbm>>, %arg5: memref<10112x32xf32, #tpu.memory_space<hbm>>, %arg6: memref<2x10112x32xf32, #tpu.memory_space<hbm>>, %arg7: memref<80x128xi32, #tpu.memory_space<vmem>>, %arg8: memref<80x128xi32, #tpu.memory_space<vmem>>, %arg9: memref<2x8x128x32xf32, #tpu.memory_space<vmem>>, %arg10: memref<10112x32xf32, #tpu.memory_space<vmem_shared>>, %arg11: memref<10112x32xf32, #tpu.memory_space<vmem_shared>>, %arg12: memref<!tpu.dma_semaphore, #tpu.memory_space<semaphore_mem>>, %arg13: memref<!tpu.dma_semaphore, #tpu.memory_space<semaphore_mem>>) attributes {dimension_semantics = [#tpu.dimension_semantics<core_parallel>, #tpu.dimension_semantics<subcore_parallel>], iteration_bounds = array<i64: 2, 16>, scalar_prefetch = 0 : i64, scratch_operands = 7 : i64, tpu.core_type = #tpu.core_type<sc_vector_subcore>, window_params = [{transform_indices = #map}, {transform_indices = #map1}, {transform_indices = #map1}, {transform_indices = #map}, {transform_indices = #map1}]} {
    %mul3A = arith.constant 16 : i32
    %mul3A_0 = arith.muli %arg0, %mul3A : i32
    %add3A = arith.addi %mul3A_0, %arg1 : i32
    "tpu.region"() ({
      %run_scoped3A = tpu.sem_alloc : memref<!tpu.dma_semaphore, #tpu.memory_space<semaphore_mem>>
      %dma_start3A_226 = arith.constant 0 : i32
      %dma_start3A_227 = arith.constant 0 : i32
      %dma_start3A_228 = tpu.memref_slice %arg3[%add3A, %dma_start3A_226, %dma_start3A_227] : memref<32x80x128xi32, #tpu.memory_space<hbm>> -> memref<1x80x128xi32, #tpu.memory_space<hbm>>
      %dma_start3A_229 = tpu.memref_squeeze %dma_start3A_228 : memref<1x80x128xi32, #tpu.memory_space<hbm>> -> memref<80x128xi32, #tpu.memory_space<hbm>>
      %dma_start3A_230 = arith.constant 0 : i32
      %dma_start3A_231 = arith.constant 0 : i32
      %dma_start3A_232 = tpu.memref_slice %arg3[%add3A, %dma_start3A_230, %dma_start3A_231] : memref<32x80x128xi32, #tpu.memory_space<hbm>> -> memref<1x80x128xi32, #tpu.memory_space<hbm>>
      %dma_start3A_233 = tpu.memref_squeeze %dma_start3A_232 : memref<1x80x128xi32, #tpu.memory_space<hbm>> -> memref<80x128xi32, #tpu.memory_space<hbm>>
      tpu.enqueue_dma source(%dma_start3A_233 : memref<80x128xi32, #tpu.memory_space<hbm>>) target(%arg7 : memref<80x128xi32, #tpu.memory_space<vmem>>) target_semaphore(%run_scoped3A : memref<!tpu.dma_semaphore, #tpu.memory_space<semaphore_mem>>)
      %dma_wait3A = arith.constant 0 : i32
      %dma_wait3A_234 = arith.constant 0 : i32
      %dma_wait3A_235 = tpu.memref_slice %arg3[%add3A, %dma_wait3A, %dma_wait3A_234] : memref<32x80x128xi32, #tpu.memory_space<hbm>> -> memref<1x80x128xi32, #tpu.memory_space<hbm>>
      %dma_wait3A_236 = tpu.memref_squeeze %dma_wait3A_235 : memref<1x80x128xi32, #tpu.memory_space<hbm>> -> memref<80x128xi32, #tpu.memory_space<hbm>>
      %dma_wait3A_237 = arith.constant 0 : i32
      %dma_wait3A_238 = arith.constant 0 : i32
      %dma_wait3A_239 = tpu.memref_slice %arg3[%add3A, %dma_wait3A_237, %dma_wait3A_238] : memref<32x80x128xi32, #tpu.memory_space<hbm>> -> memref<1x80x128xi32, #tpu.memory_space<hbm>>
      %dma_wait3A_240 = tpu.memref_squeeze %dma_wait3A_239 : memref<1x80x128xi32, #tpu.memory_space<hbm>> -> memref<80x128xi32, #tpu.memory_space<hbm>>
      tpu.wait_dma2 semaphore(%run_scoped3A : memref<!tpu.dma_semaphore, #tpu.memory_space<semaphore_mem>>) src(%dma_wait3A_240 : memref<80x128xi32, #tpu.memory_space<hbm>>) dst(%arg7 : memref<80x128xi32, #tpu.memory_space<vmem>>)
      tpu.yield
    }) : () -> ()
    "tpu.region"() ({
      %run_scoped3A = tpu.sem_alloc : memref<!tpu.dma_semaphore, #tpu.memory_space<semaphore_mem>>
      %dma_start3A_226 = arith.constant 0 : i32
      %dma_start3A_227 = arith.constant 0 : i32
      %dma_start3A_228 = tpu.memref_slice %arg4[%add3A, %dma_start3A_226, %dma_start3A_227] : memref<32x80x128xi32, #tpu.memory_space<hbm>> -> memref<1x80x128xi32, #tpu.memory_space<hbm>>
      %dma_start3A_229 = tpu.memref_squeeze %dma_start3A_228 : memref<1x80x128xi32, #tpu.memory_space<hbm>> -> memref<80x128xi32, #tpu.memory_space<hbm>>
      %dma_start3A_230 = arith.constant 0 : i32
      %dma_start3A_231 = arith.constant 0 : i32
      %dma_start3A_232 = tpu.memref_slice %arg4[%add3A, %dma_start3A_230, %dma_start3A_231] : memref<32x80x128xi32, #tpu.memory_space<hbm>> -> memref<1x80x128xi32, #tpu.memory_space<hbm>>
      %dma_start3A_233 = tpu.memref_squeeze %dma_start3A_232 : memref<1x80x128xi32, #tpu.memory_space<hbm>> -> memref<80x128xi32, #tpu.memory_space<hbm>>
      tpu.enqueue_dma source(%dma_start3A_233 : memref<80x128xi32, #tpu.memory_space<hbm>>) target(%arg8 : memref<80x128xi32, #tpu.memory_space<vmem>>) target_semaphore(%run_scoped3A : memref<!tpu.dma_semaphore, #tpu.memory_space<semaphore_mem>>)
      %dma_wait3A = arith.constant 0 : i32
      %dma_wait3A_234 = arith.constant 0 : i32
      %dma_wait3A_235 = tpu.memref_slice %arg4[%add3A, %dma_wait3A, %dma_wait3A_234] : memref<32x80x128xi32, #tpu.memory_space<hbm>> -> memref<1x80x128xi32, #tpu.memory_space<hbm>>
      %dma_wait3A_236 = tpu.memref_squeeze %dma_wait3A_235 : memref<1x80x128xi32, #tpu.memory_space<hbm>> -> memref<80x128xi32, #tpu.memory_space<hbm>>
      %dma_wait3A_237 = arith.constant 0 : i32
      %dma_wait3A_238 = arith.constant 0 : i32
      %dma_wait3A_239 = tpu.memref_slice %arg4[%add3A, %dma_wait3A_237, %dma_wait3A_238] : memref<32x80x128xi32, #tpu.memory_space<hbm>> -> memref<1x80x128xi32, #tpu.memory_space<hbm>>
      %dma_wait3A_240 = tpu.memref_squeeze %dma_wait3A_239 : memref<1x80x128xi32, #tpu.memory_space<hbm>> -> memref<80x128xi32, #tpu.memory_space<hbm>>
      tpu.wait_dma2 semaphore(%run_scoped3A : memref<!tpu.dma_semaphore, #tpu.memory_space<semaphore_mem>>) src(%dma_wait3A_240 : memref<80x128xi32, #tpu.memory_space<hbm>>) dst(%arg8 : memref<80x128xi32, #tpu.memory_space<vmem>>)
      tpu.yield
    }) : () -> ()
    %mul3A_1 = arith.constant 632 : i32
    %mul3A_2 = arith.muli %arg1, %mul3A_1 : i32
    %eq3A = arith.constant 0 : i32
    %eq3A_3 = arith.cmpi eq, %arg0, %eq3A : i32
    %convert_element_type3A = arith.extui %eq3A_3 : i1 to i32
    %cond3A = arith.constant 0 : i32
    %cond3A_4 = arith.cmpi ne, %convert_element_type3A, %cond3A : i32
    scf.if %cond3A_4 {
      "tpu.region"() ({
        %run_scoped3A = tpu.sem_alloc : memref<!tpu.dma_semaphore, #tpu.memory_space<semaphore_mem>>
        %dma_start3A_226 = arith.constant 0 : i32
        %dma_start3A_227 = tpu.memref_slice %arg10[%mul3A_2, %dma_start3A_226] : memref<10112x32xf32, #tpu.memory_space<vmem_shared>> -> memref<632x32xf32, #tpu.memory_space<vmem_shared>>
        %dma_start3A_228 = arith.constant 0 : i32
        %dma_start3A_229 = tpu.memref_slice %arg2[%mul3A_2, %dma_start3A_228] : memref<10112x32xf32, #tpu.memory_space<hbm>> -> memref<632x32xf32, #tpu.memory_space<hbm>>
        tpu.enqueue_dma source(%dma_start3A_229 : memref<632x32xf32, #tpu.memory_space<hbm>>) target(%dma_start3A_227 : memref<632x32xf32, #tpu.memory_space<vmem_shared>>) target_semaphore(%run_scoped3A : memref<!tpu.dma_semaphore, #tpu.memory_space<semaphore_mem>>)
        %dma_wait3A = arith.constant 0 : i32
        %dma_wait3A_230 = tpu.memref_slice %arg10[%mul3A_2, %dma_wait3A] : memref<10112x32xf32, #tpu.memory_space<vmem_shared>> -> memref<632x32xf32, #tpu.memory_space<vmem_shared>>
        %dma_wait3A_231 = arith.constant 0 : i32
        %dma_wait3A_232 = tpu.memref_slice %arg2[%mul3A_2, %dma_wait3A_231] : memref<10112x32xf32, #tpu.memory_space<hbm>> -> memref<632x32xf32, #tpu.memory_space<hbm>>
        tpu.wait_dma2 semaphore(%run_scoped3A : memref<!tpu.dma_semaphore, #tpu.memory_space<semaphore_mem>>) src(%dma_wait3A_232 : memref<632x32xf32, #tpu.memory_space<hbm>>) dst(%dma_wait3A_230 : memref<632x32xf32, #tpu.memory_space<vmem_shared>>)
        tpu.yield
      }) : () -> ()
    } else {
    }
    %ne3A = arith.constant 0 : i32
    %ne3A_5 = arith.cmpi ne, %arg0, %ne3A : i32
    %convert_element_type3A_6 = arith.extui %ne3A_5 : i1 to i32
    %cond3A_7 = arith.constant 0 : i32
    %cond3A_8 = arith.cmpi ne, %convert_element_type3A_6, %cond3A_7 : i32
    scf.if %cond3A_8 {
      "tpu.region"() ({
        %run_scoped3A = tpu.sem_alloc : memref<!tpu.dma_semaphore, #tpu.memory_space<semaphore_mem>>
        %dma_start3A_226 = arith.constant 0 : i32
        %dma_start3A_227 = tpu.memref_slice %arg10[%mul3A_2, %dma_start3A_226] : memref<10112x32xf32, #tpu.memory_space<vmem_shared>> -> memref<632x32xf32, #tpu.memory_space<vmem_shared>>
        %dma_start3A_228 = arith.constant 0 : i32
        %dma_start3A_229 = tpu.memref_slice %arg5[%mul3A_2, %dma_start3A_228] : memref<10112x32xf32, #tpu.memory_space<hbm>> -> memref<632x32xf32, #tpu.memory_space<hbm>>
        tpu.enqueue_dma source(%dma_start3A_229 : memref<632x32xf32, #tpu.memory_space<hbm>>) target(%dma_start3A_227 : memref<632x32xf32, #tpu.memory_space<vmem_shared>>) target_semaphore(%run_scoped3A : memref<!tpu.dma_semaphore, #tpu.memory_space<semaphore_mem>>)
        %dma_wait3A = arith.constant 0 : i32
        %dma_wait3A_230 = tpu.memref_slice %arg10[%mul3A_2, %dma_wait3A] : memref<10112x32xf32, #tpu.memory_space<vmem_shared>> -> memref<632x32xf32, #tpu.memory_space<vmem_shared>>
        %dma_wait3A_231 = arith.constant 0 : i32
        %dma_wait3A_232 = tpu.memref_slice %arg5[%mul3A_2, %dma_wait3A_231] : memref<10112x32xf32, #tpu.memory_space<hbm>> -> memref<632x32xf32, #tpu.memory_space<hbm>>
        tpu.wait_dma2 semaphore(%run_scoped3A : memref<!tpu.dma_semaphore, #tpu.memory_space<semaphore_mem>>) src(%dma_wait3A_232 : memref<632x32xf32, #tpu.memory_space<hbm>>) dst(%dma_wait3A_230 : memref<632x32xf32, #tpu.memory_space<vmem_shared>>)
        tpu.yield
      }) : () -> ()
    } else {
    }
    "tpu.region"() ({
      %run_scoped3A = tpu.sem_alloc : memref<!tpu.dma_semaphore, #tpu.memory_space<semaphore_mem>>
      %dma_start3A_226 = arith.constant 0 : i32
      %dma_start3A_227 = tpu.memref_slice %arg11[%mul3A_2, %dma_start3A_226] : memref<10112x32xf32, #tpu.memory_space<vmem_shared>> -> memref<632x32xf32, #tpu.memory_space<vmem_shared>>
      %dma_start3A_228 = arith.constant 0 : i32
      %dma_start3A_229 = tpu.memref_slice %arg2[%mul3A_2, %dma_start3A_228] : memref<10112x32xf32, #tpu.memory_space<hbm>> -> memref<632x32xf32, #tpu.memory_space<hbm>>
      tpu.enqueue_dma source(%dma_start3A_229 : memref<632x32xf32, #tpu.memory_space<hbm>>) target(%dma_start3A_227 : memref<632x32xf32, #tpu.memory_space<vmem_shared>>) target_semaphore(%run_scoped3A : memref<!tpu.dma_semaphore, #tpu.memory_space<semaphore_mem>>)
      %dma_wait3A = arith.constant 0 : i32
      %dma_wait3A_230 = tpu.memref_slice %arg11[%mul3A_2, %dma_wait3A] : memref<10112x32xf32, #tpu.memory_space<vmem_shared>> -> memref<632x32xf32, #tpu.memory_space<vmem_shared>>
      %dma_wait3A_231 = arith.constant 0 : i32
      %dma_wait3A_232 = tpu.memref_slice %arg2[%mul3A_2, %dma_wait3A_231] : memref<10112x32xf32, #tpu.memory_space<hbm>> -> memref<632x32xf32, #tpu.memory_space<hbm>>
      tpu.wait_dma2 semaphore(%run_scoped3A : memref<!tpu.dma_semaphore, #tpu.memory_space<semaphore_mem>>) src(%dma_wait3A_232 : memref<632x32xf32, #tpu.memory_space<hbm>>) dst(%dma_wait3A_230 : memref<632x32xf32, #tpu.memory_space<vmem_shared>>)
      tpu.yield
    }) : () -> ()
    %barrier3A = arith.constant 0 : index
    tpu.barrier barrier_id(%barrier3A)
    %dma_start3A = arith.constant 0 : i32
    %dma_start3A_9 = arith.constant 0 : i32
    %dma_start3A_10 = arith.constant 0 : i32
    %dma_start3A_11 = arith.constant 0 : i32
    %dma_start3A_12 = arith.constant 0 : i32
    %dma_start3A_13 = tpu.memref_slice %arg9[%dma_start3A_9, %dma_start3A_10, %dma_start3A_11, %dma_start3A_12] : memref<2x8x128x32xf32, #tpu.memory_space<vmem>> -> memref<1x1x128x32xf32, #tpu.memory_space<vmem>>
    %dma_start3A_14 = tpu.memref_squeeze %dma_start3A_13 : memref<1x1x128x32xf32, #tpu.memory_space<vmem>> -> memref<128x32xf32, #tpu.memory_space<vmem>>
    %dma_start3A_15 = arith.constant 0 : i32
    %dma_start3A_16 = tpu.memref_slice %arg7[%dma_start3A, %dma_start3A_15] : memref<80x128xi32, #tpu.memory_space<vmem>> -> memref<1x128xi32, #tpu.memory_space<vmem>>
    %dma_start3A_17 = tpu.memref_squeeze %dma_start3A_16 : memref<1x128xi32, #tpu.memory_space<vmem>> -> memref<128xi32, #tpu.memory_space<vmem>>
    %dma_start3A_18 = arith.constant 0 : i32
    %dma_start3A_19 = arith.constant 0 : i32
    %dma_start3A_20 = tpu.memref_slice %arg11[%dma_start3A_18, %dma_start3A_19] : memref<10112x32xf32, #tpu.memory_space<vmem_shared>> -> memref<10112x32xf32, #tpu.memory_space<vmem_shared>>
    tpu.enqueue_indirect_dma source(%dma_start3A_20 : memref<10112x32xf32, #tpu.memory_space<vmem_shared>>) target(%dma_start3A_14 : memref<128x32xf32, #tpu.memory_space<vmem>>) offsets(%dma_start3A_17 : memref<128xi32, #tpu.memory_space<vmem>>) semaphore(%arg12 : memref<!tpu.dma_semaphore, #tpu.memory_space<semaphore_mem>>)
    %dma_start3A_21 = arith.constant 1 : i32
    %dma_start3A_22 = arith.constant 0 : i32
    %dma_start3A_23 = arith.constant 1 : i32
    %dma_start3A_24 = arith.constant 0 : i32
    %dma_start3A_25 = arith.constant 0 : i32
    %dma_start3A_26 = tpu.memref_slice %arg9[%dma_start3A_22, %dma_start3A_23, %dma_start3A_24, %dma_start3A_25] : memref<2x8x128x32xf32, #tpu.memory_space<vmem>> -> memref<1x1x128x32xf32, #tpu.memory_space<vmem>>
    %dma_start3A_27 = tpu.memref_squeeze %dma_start3A_26 : memref<1x1x128x32xf32, #tpu.memory_space<vmem>> -> memref<128x32xf32, #tpu.memory_space<vmem>>
    %dma_start3A_28 = arith.constant 0 : i32
    %dma_start3A_29 = tpu.memref_slice %arg7[%dma_start3A_21, %dma_start3A_28] : memref<80x128xi32, #tpu.memory_space<vmem>> -> memref<1x128xi32, #tpu.memory_space<vmem>>
    %dma_start3A_30 = tpu.memref_squeeze %dma_start3A_29 : memref<1x128xi32, #tpu.memory_space<vmem>> -> memref<128xi32, #tpu.memory_space<vmem>>
    %dma_start3A_31 = arith.constant 0 : i32
    %dma_start3A_32 = arith.constant 0 : i32
    %dma_start3A_33 = tpu.memref_slice %arg11[%dma_start3A_31, %dma_start3A_32] : memref<10112x32xf32, #tpu.memory_space<vmem_shared>> -> memref<10112x32xf32, #tpu.memory_space<vmem_shared>>
    tpu.enqueue_indirect_dma source(%dma_start3A_33 : memref<10112x32xf32, #tpu.memory_space<vmem_shared>>) target(%dma_start3A_27 : memref<128x32xf32, #tpu.memory_space<vmem>>) offsets(%dma_start3A_30 : memref<128xi32, #tpu.memory_space<vmem>>) semaphore(%arg12 : memref<!tpu.dma_semaphore, #tpu.memory_space<semaphore_mem>>)
    %dma_start3A_34 = arith.constant 2 : i32
    %dma_start3A_35 = arith.constant 0 : i32
    %dma_start3A_36 = arith.constant 2 : i32
    %dma_start3A_37 = arith.constant 0 : i32
    %dma_start3A_38 = arith.constant 0 : i32
    %dma_start3A_39 = tpu.memref_slice %arg9[%dma_start3A_35, %dma_start3A_36, %dma_start3A_37, %dma_start3A_38] : memref<2x8x128x32xf32, #tpu.memory_space<vmem>> -> memref<1x1x128x32xf32, #tpu.memory_space<vmem>>
    %dma_start3A_40 = tpu.memref_squeeze %dma_start3A_39 : memref<1x1x128x32xf32, #tpu.memory_space<vmem>> -> memref<128x32xf32, #tpu.memory_space<vmem>>
    %dma_start3A_41 = arith.constant 0 : i32
    %dma_start3A_42 = tpu.memref_slice %arg7[%dma_start3A_34, %dma_start3A_41] : memref<80x128xi32, #tpu.memory_space<vmem>> -> memref<1x128xi32, #tpu.memory_space<vmem>>
    %dma_start3A_43 = tpu.memref_squeeze %dma_start3A_42 : memref<1x128xi32, #tpu.memory_space<vmem>> -> memref<128xi32, #tpu.memory_space<vmem>>
    %dma_start3A_44 = arith.constant 0 : i32
    %dma_start3A_45 = arith.constant 0 : i32
    %dma_start3A_46 = tpu.memref_slice %arg11[%dma_start3A_44, %dma_start3A_45] : memref<10112x32xf32, #tpu.memory_space<vmem_shared>> -> memref<10112x32xf32, #tpu.memory_space<vmem_shared>>
    tpu.enqueue_indirect_dma source(%dma_start3A_46 : memref<10112x32xf32, #tpu.memory_space<vmem_shared>>) target(%dma_start3A_40 : memref<128x32xf32, #tpu.memory_space<vmem>>) offsets(%dma_start3A_43 : memref<128xi32, #tpu.memory_space<vmem>>) semaphore(%arg12 : memref<!tpu.dma_semaphore, #tpu.memory_space<semaphore_mem>>)
    %dma_start3A_47 = arith.constant 3 : i32
    %dma_start3A_48 = arith.constant 0 : i32
    %dma_start3A_49 = arith.constant 3 : i32
    %dma_start3A_50 = arith.constant 0 : i32
    %dma_start3A_51 = arith.constant 0 : i32
    %dma_start3A_52 = tpu.memref_slice %arg9[%dma_start3A_48, %dma_start3A_49, %dma_start3A_50, %dma_start3A_51] : memref<2x8x128x32xf32, #tpu.memory_space<vmem>> -> memref<1x1x128x32xf32, #tpu.memory_space<vmem>>
    %dma_start3A_53 = tpu.memref_squeeze %dma_start3A_52 : memref<1x1x128x32xf32, #tpu.memory_space<vmem>> -> memref<128x32xf32, #tpu.memory_space<vmem>>
    %dma_start3A_54 = arith.constant 0 : i32
    %dma_start3A_55 = tpu.memref_slice %arg7[%dma_start3A_47, %dma_start3A_54] : memref<80x128xi32, #tpu.memory_space<vmem>> -> memref<1x128xi32, #tpu.memory_space<vmem>>
    %dma_start3A_56 = tpu.memref_squeeze %dma_start3A_55 : memref<1x128xi32, #tpu.memory_space<vmem>> -> memref<128xi32, #tpu.memory_space<vmem>>
    %dma_start3A_57 = arith.constant 0 : i32
    %dma_start3A_58 = arith.constant 0 : i32
    %dma_start3A_59 = tpu.memref_slice %arg11[%dma_start3A_57, %dma_start3A_58] : memref<10112x32xf32, #tpu.memory_space<vmem_shared>> -> memref<10112x32xf32, #tpu.memory_space<vmem_shared>>
    tpu.enqueue_indirect_dma source(%dma_start3A_59 : memref<10112x32xf32, #tpu.memory_space<vmem_shared>>) target(%dma_start3A_53 : memref<128x32xf32, #tpu.memory_space<vmem>>) offsets(%dma_start3A_56 : memref<128xi32, #tpu.memory_space<vmem>>) semaphore(%arg12 : memref<!tpu.dma_semaphore, #tpu.memory_space<semaphore_mem>>)
    %dma_start3A_60 = arith.constant 4 : i32
    %dma_start3A_61 = arith.constant 0 : i32
    %dma_start3A_62 = arith.constant 4 : i32
    %dma_start3A_63 = arith.constant 0 : i32
    %dma_start3A_64 = arith.constant 0 : i32
    %dma_start3A_65 = tpu.memref_slice %arg9[%dma_start3A_61, %dma_start3A_62, %dma_start3A_63, %dma_start3A_64] : memref<2x8x128x32xf32, #tpu.memory_space<vmem>> -> memref<1x1x128x32xf32, #tpu.memory_space<vmem>>
    %dma_start3A_66 = tpu.memref_squeeze %dma_start3A_65 : memref<1x1x128x32xf32, #tpu.memory_space<vmem>> -> memref<128x32xf32, #tpu.memory_space<vmem>>
    %dma_start3A_67 = arith.constant 0 : i32
    %dma_start3A_68 = tpu.memref_slice %arg7[%dma_start3A_60, %dma_start3A_67] : memref<80x128xi32, #tpu.memory_space<vmem>> -> memref<1x128xi32, #tpu.memory_space<vmem>>
    %dma_start3A_69 = tpu.memref_squeeze %dma_start3A_68 : memref<1x128xi32, #tpu.memory_space<vmem>> -> memref<128xi32, #tpu.memory_space<vmem>>
    %dma_start3A_70 = arith.constant 0 : i32
    %dma_start3A_71 = arith.constant 0 : i32
    %dma_start3A_72 = tpu.memref_slice %arg11[%dma_start3A_70, %dma_start3A_71] : memref<10112x32xf32, #tpu.memory_space<vmem_shared>> -> memref<10112x32xf32, #tpu.memory_space<vmem_shared>>
    tpu.enqueue_indirect_dma source(%dma_start3A_72 : memref<10112x32xf32, #tpu.memory_space<vmem_shared>>) target(%dma_start3A_66 : memref<128x32xf32, #tpu.memory_space<vmem>>) offsets(%dma_start3A_69 : memref<128xi32, #tpu.memory_space<vmem>>) semaphore(%arg12 : memref<!tpu.dma_semaphore, #tpu.memory_space<semaphore_mem>>)
    %dma_start3A_73 = arith.constant 5 : i32
    %dma_start3A_74 = arith.constant 0 : i32
    %dma_start3A_75 = arith.constant 5 : i32
    %dma_start3A_76 = arith.constant 0 : i32
    %dma_start3A_77 = arith.constant 0 : i32
    %dma_start3A_78 = tpu.memref_slice %arg9[%dma_start3A_74, %dma_start3A_75, %dma_start3A_76, %dma_start3A_77] : memref<2x8x128x32xf32, #tpu.memory_space<vmem>> -> memref<1x1x128x32xf32, #tpu.memory_space<vmem>>
    %dma_start3A_79 = tpu.memref_squeeze %dma_start3A_78 : memref<1x1x128x32xf32, #tpu.memory_space<vmem>> -> memref<128x32xf32, #tpu.memory_space<vmem>>
    %dma_start3A_80 = arith.constant 0 : i32
    %dma_start3A_81 = tpu.memref_slice %arg7[%dma_start3A_73, %dma_start3A_80] : memref<80x128xi32, #tpu.memory_space<vmem>> -> memref<1x128xi32, #tpu.memory_space<vmem>>
    %dma_start3A_82 = tpu.memref_squeeze %dma_start3A_81 : memref<1x128xi32, #tpu.memory_space<vmem>> -> memref<128xi32, #tpu.memory_space<vmem>>
    %dma_start3A_83 = arith.constant 0 : i32
    %dma_start3A_84 = arith.constant 0 : i32
    %dma_start3A_85 = tpu.memref_slice %arg11[%dma_start3A_83, %dma_start3A_84] : memref<10112x32xf32, #tpu.memory_space<vmem_shared>> -> memref<10112x32xf32, #tpu.memory_space<vmem_shared>>
    tpu.enqueue_indirect_dma source(%dma_start3A_85 : memref<10112x32xf32, #tpu.memory_space<vmem_shared>>) target(%dma_start3A_79 : memref<128x32xf32, #tpu.memory_space<vmem>>) offsets(%dma_start3A_82 : memref<128xi32, #tpu.memory_space<vmem>>) semaphore(%arg12 : memref<!tpu.dma_semaphore, #tpu.memory_space<semaphore_mem>>)
    %dma_start3A_86 = arith.constant 6 : i32
    %dma_start3A_87 = arith.constant 0 : i32
    %dma_start3A_88 = arith.constant 6 : i32
    %dma_start3A_89 = arith.constant 0 : i32
    %dma_start3A_90 = arith.constant 0 : i32
    %dma_start3A_91 = tpu.memref_slice %arg9[%dma_start3A_87, %dma_start3A_88, %dma_start3A_89, %dma_start3A_90] : memref<2x8x128x32xf32, #tpu.memory_space<vmem>> -> memref<1x1x128x32xf32, #tpu.memory_space<vmem>>
    %dma_start3A_92 = tpu.memref_squeeze %dma_start3A_91 : memref<1x1x128x32xf32, #tpu.memory_space<vmem>> -> memref<128x32xf32, #tpu.memory_space<vmem>>
    %dma_start3A_93 = arith.constant 0 : i32
    %dma_start3A_94 = tpu.memref_slice %arg7[%dma_start3A_86, %dma_start3A_93] : memref<80x128xi32, #tpu.memory_space<vmem>> -> memref<1x128xi32, #tpu.memory_space<vmem>>
    %dma_start3A_95 = tpu.memref_squeeze %dma_start3A_94 : memref<1x128xi32, #tpu.memory_space<vmem>> -> memref<128xi32, #tpu.memory_space<vmem>>
    %dma_start3A_96 = arith.constant 0 : i32
    %dma_start3A_97 = arith.constant 0 : i32
    %dma_start3A_98 = tpu.memref_slice %arg11[%dma_start3A_96, %dma_start3A_97] : memref<10112x32xf32, #tpu.memory_space<vmem_shared>> -> memref<10112x32xf32, #tpu.memory_space<vmem_shared>>
    tpu.enqueue_indirect_dma source(%dma_start3A_98 : memref<10112x32xf32, #tpu.memory_space<vmem_shared>>) target(%dma_start3A_92 : memref<128x32xf32, #tpu.memory_space<vmem>>) offsets(%dma_start3A_95 : memref<128xi32, #tpu.memory_space<vmem>>) semaphore(%arg12 : memref<!tpu.dma_semaphore, #tpu.memory_space<semaphore_mem>>)
    %dma_start3A_99 = arith.constant 7 : i32
    %dma_start3A_100 = arith.constant 0 : i32
    %dma_start3A_101 = arith.constant 7 : i32
    %dma_start3A_102 = arith.constant 0 : i32
    %dma_start3A_103 = arith.constant 0 : i32
    %dma_start3A_104 = tpu.memref_slice %arg9[%dma_start3A_100, %dma_start3A_101, %dma_start3A_102, %dma_start3A_103] : memref<2x8x128x32xf32, #tpu.memory_space<vmem>> -> memref<1x1x128x32xf32, #tpu.memory_space<vmem>>
    %dma_start3A_105 = tpu.memref_squeeze %dma_start3A_104 : memref<1x1x128x32xf32, #tpu.memory_space<vmem>> -> memref<128x32xf32, #tpu.memory_space<vmem>>
    %dma_start3A_106 = arith.constant 0 : i32
    %dma_start3A_107 = tpu.memref_slice %arg7[%dma_start3A_99, %dma_start3A_106] : memref<80x128xi32, #tpu.memory_space<vmem>> -> memref<1x128xi32, #tpu.memory_space<vmem>>
    %dma_start3A_108 = tpu.memref_squeeze %dma_start3A_107 : memref<1x128xi32, #tpu.memory_space<vmem>> -> memref<128xi32, #tpu.memory_space<vmem>>
    %dma_start3A_109 = arith.constant 0 : i32
    %dma_start3A_110 = arith.constant 0 : i32
    %dma_start3A_111 = tpu.memref_slice %arg11[%dma_start3A_109, %dma_start3A_110] : memref<10112x32xf32, #tpu.memory_space<vmem_shared>> -> memref<10112x32xf32, #tpu.memory_space<vmem_shared>>
    tpu.enqueue_indirect_dma source(%dma_start3A_111 : memref<10112x32xf32, #tpu.memory_space<vmem_shared>>) target(%dma_start3A_105 : memref<128x32xf32, #tpu.memory_space<vmem>>) offsets(%dma_start3A_108 : memref<128xi32, #tpu.memory_space<vmem>>) semaphore(%arg12 : memref<!tpu.dma_semaphore, #tpu.memory_space<semaphore_mem>>)
    %dma_start3A_112 = arith.constant 8 : i32
    %dma_start3A_113 = arith.constant 1 : i32
    %dma_start3A_114 = arith.constant 0 : i32
    %dma_start3A_115 = arith.constant 0 : i32
    %dma_start3A_116 = arith.constant 0 : i32
    %dma_start3A_117 = tpu.memref_slice %arg9[%dma_start3A_113, %dma_start3A_114, %dma_start3A_115, %dma_start3A_116] : memref<2x8x128x32xf32, #tpu.memory_space<vmem>> -> memref<1x1x128x32xf32, #tpu.memory_space<vmem>>
    %dma_start3A_118 = tpu.memref_squeeze %dma_start3A_117 : memref<1x1x128x32xf32, #tpu.memory_space<vmem>> -> memref<128x32xf32, #tpu.memory_space<vmem>>
    %dma_start3A_119 = arith.constant 0 : i32
    %dma_start3A_120 = tpu.memref_slice %arg7[%dma_start3A_112, %dma_start3A_119] : memref<80x128xi32, #tpu.memory_space<vmem>> -> memref<1x128xi32, #tpu.memory_space<vmem>>
    %dma_start3A_121 = tpu.memref_squeeze %dma_start3A_120 : memref<1x128xi32, #tpu.memory_space<vmem>> -> memref<128xi32, #tpu.memory_space<vmem>>
    %dma_start3A_122 = arith.constant 0 : i32
    %dma_start3A_123 = arith.constant 0 : i32
    %dma_start3A_124 = tpu.memref_slice %arg11[%dma_start3A_122, %dma_start3A_123] : memref<10112x32xf32, #tpu.memory_space<vmem_shared>> -> memref<10112x32xf32, #tpu.memory_space<vmem_shared>>
    tpu.enqueue_indirect_dma source(%dma_start3A_124 : memref<10112x32xf32, #tpu.memory_space<vmem_shared>>) target(%dma_start3A_118 : memref<128x32xf32, #tpu.memory_space<vmem>>) offsets(%dma_start3A_121 : memref<128xi32, #tpu.memory_space<vmem>>) semaphore(%arg12 : memref<!tpu.dma_semaphore, #tpu.memory_space<semaphore_mem>>)
    %dma_start3A_125 = arith.constant 9 : i32
    %dma_start3A_126 = arith.constant 1 : i32
    %dma_start3A_127 = arith.constant 1 : i32
    %dma_start3A_128 = arith.constant 0 : i32
    %dma_start3A_129 = arith.constant 0 : i32
    %dma_start3A_130 = tpu.memref_slice %arg9[%dma_start3A_126, %dma_start3A_127, %dma_start3A_128, %dma_start3A_129] : memref<2x8x128x32xf32, #tpu.memory_space<vmem>> -> memref<1x1x128x32xf32, #tpu.memory_space<vmem>>
    %dma_start3A_131 = tpu.memref_squeeze %dma_start3A_130 : memref<1x1x128x32xf32, #tpu.memory_space<vmem>> -> memref<128x32xf32, #tpu.memory_space<vmem>>
    %dma_start3A_132 = arith.constant 0 : i32
    %dma_start3A_133 = tpu.memref_slice %arg7[%dma_start3A_125, %dma_start3A_132] : memref<80x128xi32, #tpu.memory_space<vmem>> -> memref<1x128xi32, #tpu.memory_space<vmem>>
    %dma_start3A_134 = tpu.memref_squeeze %dma_start3A_133 : memref<1x128xi32, #tpu.memory_space<vmem>> -> memref<128xi32, #tpu.memory_space<vmem>>
    %dma_start3A_135 = arith.constant 0 : i32
    %dma_start3A_136 = arith.constant 0 : i32
    %dma_start3A_137 = tpu.memref_slice %arg11[%dma_start3A_135, %dma_start3A_136] : memref<10112x32xf32, #tpu.memory_space<vmem_shared>> -> memref<10112x32xf32, #tpu.memory_space<vmem_shared>>
    tpu.enqueue_indirect_dma source(%dma_start3A_137 : memref<10112x32xf32, #tpu.memory_space<vmem_shared>>) target(%dma_start3A_131 : memref<128x32xf32, #tpu.memory_space<vmem>>) offsets(%dma_start3A_134 : memref<128xi32, #tpu.memory_space<vmem>>) semaphore(%arg12 : memref<!tpu.dma_semaphore, #tpu.memory_space<semaphore_mem>>)
    %dma_start3A_138 = arith.constant 10 : i32
    %dma_start3A_139 = arith.constant 1 : i32
    %dma_start3A_140 = arith.constant 2 : i32
    %dma_start3A_141 = arith.constant 0 : i32
    %dma_start3A_142 = arith.constant 0 : i32
    %dma_start3A_143 = tpu.memref_slice %arg9[%dma_start3A_139, %dma_start3A_140, %dma_start3A_141, %dma_start3A_142] : memref<2x8x128x32xf32, #tpu.memory_space<vmem>> -> memref<1x1x128x32xf32, #tpu.memory_space<vmem>>
    %dma_start3A_144 = tpu.memref_squeeze %dma_start3A_143 : memref<1x1x128x32xf32, #tpu.memory_space<vmem>> -> memref<128x32xf32, #tpu.memory_space<vmem>>
    %dma_start3A_145 = arith.constant 0 : i32
    %dma_start3A_146 = tpu.memref_slice %arg7[%dma_start3A_138, %dma_start3A_145] : memref<80x128xi32, #tpu.memory_space<vmem>> -> memref<1x128xi32, #tpu.memory_space<vmem>>
    %dma_start3A_147 = tpu.memref_squeeze %dma_start3A_146 : memref<1x128xi32, #tpu.memory_space<vmem>> -> memref<128xi32, #tpu.memory_space<vmem>>
    %dma_start3A_148 = arith.constant 0 : i32
    %dma_start3A_149 = arith.constant 0 : i32
    %dma_start3A_150 = tpu.memref_slice %arg11[%dma_start3A_148, %dma_start3A_149] : memref<10112x32xf32, #tpu.memory_space<vmem_shared>> -> memref<10112x32xf32, #tpu.memory_space<vmem_shared>>
    tpu.enqueue_indirect_dma source(%dma_start3A_150 : memref<10112x32xf32, #tpu.memory_space<vmem_shared>>) target(%dma_start3A_144 : memref<128x32xf32, #tpu.memory_space<vmem>>) offsets(%dma_start3A_147 : memref<128xi32, #tpu.memory_space<vmem>>) semaphore(%arg12 : memref<!tpu.dma_semaphore, #tpu.memory_space<semaphore_mem>>)
    %dma_start3A_151 = arith.constant 11 : i32
    %dma_start3A_152 = arith.constant 1 : i32
    %dma_start3A_153 = arith.constant 3 : i32
    %dma_start3A_154 = arith.constant 0 : i32
    %dma_start3A_155 = arith.constant 0 : i32
    %dma_start3A_156 = tpu.memref_slice %arg9[%dma_start3A_152, %dma_start3A_153, %dma_start3A_154, %dma_start3A_155] : memref<2x8x128x32xf32, #tpu.memory_space<vmem>> -> memref<1x1x128x32xf32, #tpu.memory_space<vmem>>
    %dma_start3A_157 = tpu.memref_squeeze %dma_start3A_156 : memref<1x1x128x32xf32, #tpu.memory_space<vmem>> -> memref<128x32xf32, #tpu.memory_space<vmem>>
    %dma_start3A_158 = arith.constant 0 : i32
    %dma_start3A_159 = tpu.memref_slice %arg7[%dma_start3A_151, %dma_start3A_158] : memref<80x128xi32, #tpu.memory_space<vmem>> -> memref<1x128xi32, #tpu.memory_space<vmem>>
    %dma_start3A_160 = tpu.memref_squeeze %dma_start3A_159 : memref<1x128xi32, #tpu.memory_space<vmem>> -> memref<128xi32, #tpu.memory_space<vmem>>
    %dma_start3A_161 = arith.constant 0 : i32
    %dma_start3A_162 = arith.constant 0 : i32
    %dma_start3A_163 = tpu.memref_slice %arg11[%dma_start3A_161, %dma_start3A_162] : memref<10112x32xf32, #tpu.memory_space<vmem_shared>> -> memref<10112x32xf32, #tpu.memory_space<vmem_shared>>
    tpu.enqueue_indirect_dma source(%dma_start3A_163 : memref<10112x32xf32, #tpu.memory_space<vmem_shared>>) target(%dma_start3A_157 : memref<128x32xf32, #tpu.memory_space<vmem>>) offsets(%dma_start3A_160 : memref<128xi32, #tpu.memory_space<vmem>>) semaphore(%arg12 : memref<!tpu.dma_semaphore, #tpu.memory_space<semaphore_mem>>)
    %dma_start3A_164 = arith.constant 12 : i32
    %dma_start3A_165 = arith.constant 1 : i32
    %dma_start3A_166 = arith.constant 4 : i32
    %dma_start3A_167 = arith.constant 0 : i32
    %dma_start3A_168 = arith.constant 0 : i32
    %dma_start3A_169 = tpu.memref_slice %arg9[%dma_start3A_165, %dma_start3A_166, %dma_start3A_167, %dma_start3A_168] : memref<2x8x128x32xf32, #tpu.memory_space<vmem>> -> memref<1x1x128x32xf32, #tpu.memory_space<vmem>>
    %dma_start3A_170 = tpu.memref_squeeze %dma_start3A_169 : memref<1x1x128x32xf32, #tpu.memory_space<vmem>> -> memref<128x32xf32, #tpu.memory_space<vmem>>
    %dma_start3A_171 = arith.constant 0 : i32
    %dma_start3A_172 = tpu.memref_slice %arg7[%dma_start3A_164, %dma_start3A_171] : memref<80x128xi32, #tpu.memory_space<vmem>> -> memref<1x128xi32, #tpu.memory_space<vmem>>
    %dma_start3A_173 = tpu.memref_squeeze %dma_start3A_172 : memref<1x128xi32, #tpu.memory_space<vmem>> -> memref<128xi32, #tpu.memory_space<vmem>>
    %dma_start3A_174 = arith.constant 0 : i32
    %dma_start3A_175 = arith.constant 0 : i32
    %dma_start3A_176 = tpu.memref_slice %arg11[%dma_start3A_174, %dma_start3A_175] : memref<10112x32xf32, #tpu.memory_space<vmem_shared>> -> memref<10112x32xf32, #tpu.memory_space<vmem_shared>>
    tpu.enqueue_indirect_dma source(%dma_start3A_176 : memref<10112x32xf32, #tpu.memory_space<vmem_shared>>) target(%dma_start3A_170 : memref<128x32xf32, #tpu.memory_space<vmem>>) offsets(%dma_start3A_173 : memref<128xi32, #tpu.memory_space<vmem>>) semaphore(%arg12 : memref<!tpu.dma_semaphore, #tpu.memory_space<semaphore_mem>>)
    %dma_start3A_177 = arith.constant 13 : i32
    %dma_start3A_178 = arith.constant 1 : i32
    %dma_start3A_179 = arith.constant 5 : i32
    %dma_start3A_180 = arith.constant 0 : i32
    %dma_start3A_181 = arith.constant 0 : i32
    %dma_start3A_182 = tpu.memref_slice %arg9[%dma_start3A_178, %dma_start3A_179, %dma_start3A_180, %dma_start3A_181] : memref<2x8x128x32xf32, #tpu.memory_space<vmem>> -> memref<1x1x128x32xf32, #tpu.memory_space<vmem>>
    %dma_start3A_183 = tpu.memref_squeeze %dma_start3A_182 : memref<1x1x128x32xf32, #tpu.memory_space<vmem>> -> memref<128x32xf32, #tpu.memory_space<vmem>>
    %dma_start3A_184 = arith.constant 0 : i32
    %dma_start3A_185 = tpu.memref_slice %arg7[%dma_start3A_177, %dma_start3A_184] : memref<80x128xi32, #tpu.memory_space<vmem>> -> memref<1x128xi32, #tpu.memory_space<vmem>>
    %dma_start3A_186 = tpu.memref_squeeze %dma_start3A_185 : memref<1x128xi32, #tpu.memory_space<vmem>> -> memref<128xi32, #tpu.memory_space<vmem>>
    %dma_start3A_187 = arith.constant 0 : i32
    %dma_start3A_188 = arith.constant 0 : i32
    %dma_start3A_189 = tpu.memref_slice %arg11[%dma_start3A_187, %dma_start3A_188] : memref<10112x32xf32, #tpu.memory_space<vmem_shared>> -> memref<10112x32xf32, #tpu.memory_space<vmem_shared>>
    tpu.enqueue_indirect_dma source(%dma_start3A_189 : memref<10112x32xf32, #tpu.memory_space<vmem_shared>>) target(%dma_start3A_183 : memref<128x32xf32, #tpu.memory_space<vmem>>) offsets(%dma_start3A_186 : memref<128xi32, #tpu.memory_space<vmem>>) semaphore(%arg12 : memref<!tpu.dma_semaphore, #tpu.memory_space<semaphore_mem>>)
    %dma_start3A_190 = arith.constant 14 : i32
    %dma_start3A_191 = arith.constant 1 : i32
    %dma_start3A_192 = arith.constant 6 : i32
    %dma_start3A_193 = arith.constant 0 : i32
    %dma_start3A_194 = arith.constant 0 : i32
    %dma_start3A_195 = tpu.memref_slice %arg9[%dma_start3A_191, %dma_start3A_192, %dma_start3A_193, %dma_start3A_194] : memref<2x8x128x32xf32, #tpu.memory_space<vmem>> -> memref<1x1x128x32xf32, #tpu.memory_space<vmem>>
    %dma_start3A_196 = tpu.memref_squeeze %dma_start3A_195 : memref<1x1x128x32xf32, #tpu.memory_space<vmem>> -> memref<128x32xf32, #tpu.memory_space<vmem>>
    %dma_start3A_197 = arith.constant 0 : i32
    %dma_start3A_198 = tpu.memref_slice %arg7[%dma_start3A_190, %dma_start3A_197] : memref<80x128xi32, #tpu.memory_space<vmem>> -> memref<1x128xi32, #tpu.memory_space<vmem>>
    %dma_start3A_199 = tpu.memref_squeeze %dma_start3A_198 : memref<1x128xi32, #tpu.memory_space<vmem>> -> memref<128xi32, #tpu.memory_space<vmem>>
    %dma_start3A_200 = arith.constant 0 : i32
    %dma_start3A_201 = arith.constant 0 : i32
    %dma_start3A_202 = tpu.memref_slice %arg11[%dma_start3A_200, %dma_start3A_201] : memref<10112x32xf32, #tpu.memory_space<vmem_shared>> -> memref<10112x32xf32, #tpu.memory_space<vmem_shared>>
    tpu.enqueue_indirect_dma source(%dma_start3A_202 : memref<10112x32xf32, #tpu.memory_space<vmem_shared>>) target(%dma_start3A_196 : memref<128x32xf32, #tpu.memory_space<vmem>>) offsets(%dma_start3A_199 : memref<128xi32, #tpu.memory_space<vmem>>) semaphore(%arg12 : memref<!tpu.dma_semaphore, #tpu.memory_space<semaphore_mem>>)
    %dma_start3A_203 = arith.constant 15 : i32
    %dma_start3A_204 = arith.constant 1 : i32
    %dma_start3A_205 = arith.constant 7 : i32
    %dma_start3A_206 = arith.constant 0 : i32
    %dma_start3A_207 = arith.constant 0 : i32
    %dma_start3A_208 = tpu.memref_slice %arg9[%dma_start3A_204, %dma_start3A_205, %dma_start3A_206, %dma_start3A_207] : memref<2x8x128x32xf32, #tpu.memory_space<vmem>> -> memref<1x1x128x32xf32, #tpu.memory_space<vmem>>
    %dma_start3A_209 = tpu.memref_squeeze %dma_start3A_208 : memref<1x1x128x32xf32, #tpu.memory_space<vmem>> -> memref<128x32xf32, #tpu.memory_space<vmem>>
    %dma_start3A_210 = arith.constant 0 : i32
    %dma_start3A_211 = tpu.memref_slice %arg7[%dma_start3A_203, %dma_start3A_210] : memref<80x128xi32, #tpu.memory_space<vmem>> -> memref<1x128xi32, #tpu.memory_space<vmem>>
    %dma_start3A_212 = tpu.memref_squeeze %dma_start3A_211 : memref<1x128xi32, #tpu.memory_space<vmem>> -> memref<128xi32, #tpu.memory_space<vmem>>
    %dma_start3A_213 = arith.constant 0 : i32
    %dma_start3A_214 = arith.constant 0 : i32
    %dma_start3A_215 = tpu.memref_slice %arg11[%dma_start3A_213, %dma_start3A_214] : memref<10112x32xf32, #tpu.memory_space<vmem_shared>> -> memref<10112x32xf32, #tpu.memory_space<vmem_shared>>
    tpu.enqueue_indirect_dma source(%dma_start3A_215 : memref<10112x32xf32, #tpu.memory_space<vmem_shared>>) target(%dma_start3A_209 : memref<128x32xf32, #tpu.memory_space<vmem>>) offsets(%dma_start3A_212 : memref<128xi32, #tpu.memory_space<vmem>>) semaphore(%arg12 : memref<!tpu.dma_semaphore, #tpu.memory_space<semaphore_mem>>)
    %scan3A = arith.constant 0 : i32
    %scan3A_216 = arith.constant 0 : i32
    %scan3A_217 = arith.constant 5 : i32
    %scan3A_218 = arith.addi %scan3A_216, %scan3A_217 : i32
    %scan3A_219 = arith.constant 1 : i32
    scf.for %scan3A_226 = %scan3A_216 to %scan3A_218 step %scan3A_219  : i32 {
      %mul3A_227 = arith.constant 2 : i32
      %mul3A_228 = arith.muli %mul3A_227, %scan3A_226 : i32
      %add3A_229 = arith.constant 1 : i32
      %add3A_230 = arith.addi %mul3A_228, %add3A_229 : i32
      %dma_wait3A = arith.constant 0 : i32
      %dma_wait3A_231 = arith.constant 0 : i32
      %dma_wait3A_232 = arith.constant 0 : i32
      %dma_wait3A_233 = arith.constant 0 : i32
      %dma_wait3A_234 = arith.constant 0 : i32
      %dma_wait3A_235 = tpu.memref_slice %arg9[%dma_wait3A_231, %dma_wait3A_232, %dma_wait3A_233, %dma_wait3A_234] : memref<2x8x128x32xf32, #tpu.memory_space<vmem>> -> memref<1x1x128x32xf32, #tpu.memory_space<vmem>>
      %dma_wait3A_236 = tpu.memref_squeeze %dma_wait3A_235 : memref<1x1x128x32xf32, #tpu.memory_space<vmem>> -> memref<128x32xf32, #tpu.memory_space<vmem>>
      %dma_wait3A_237 = arith.constant 0 : i32
      %dma_wait3A_238 = tpu.memref_slice %arg7[%dma_wait3A, %dma_wait3A_237] : memref<80x128xi32, #tpu.memory_space<vmem>> -> memref<1x128xi32, #tpu.memory_space<vmem>>
      %dma_wait3A_239 = tpu.memref_squeeze %dma_wait3A_238 : memref<1x128xi32, #tpu.memory_space<vmem>> -> memref<128xi32, #tpu.memory_space<vmem>>
      %dma_wait3A_240 = arith.constant 0 : i32
      %dma_wait3A_241 = arith.constant 0 : i32
      %dma_wait3A_242 = tpu.memref_slice %arg11[%dma_wait3A_240, %dma_wait3A_241] : memref<10112x32xf32, #tpu.memory_space<vmem_shared>> -> memref<10112x32xf32, #tpu.memory_space<vmem_shared>>
      tpu.wait_indirect_dma semaphore(%arg12 : memref<!tpu.dma_semaphore, #tpu.memory_space<semaphore_mem>>) src(%dma_wait3A_242 : memref<10112x32xf32, #tpu.memory_space<vmem_shared>>) dst(%dma_wait3A_236 : memref<128x32xf32, #tpu.memory_space<vmem>>)
      %dma_wait3A_243 = arith.constant 0 : i32
      %dma_wait3A_244 = arith.constant 0 : i32
      %dma_wait3A_245 = arith.constant 1 : i32
      %dma_wait3A_246 = arith.constant 0 : i32
      %dma_wait3A_247 = arith.constant 0 : i32
      %dma_wait3A_248 = tpu.memref_slice %arg9[%dma_wait3A_244, %dma_wait3A_245, %dma_wait3A_246, %dma_wait3A_247] : memref<2x8x128x32xf32, #tpu.memory_space<vmem>> -> memref<1x1x128x32xf32, #tpu.memory_space<vmem>>
      %dma_wait3A_249 = tpu.memref_squeeze %dma_wait3A_248 : memref<1x1x128x32xf32, #tpu.memory_space<vmem>> -> memref<128x32xf32, #tpu.memory_space<vmem>>
      %dma_wait3A_250 = arith.constant 0 : i32
      %dma_wait3A_251 = tpu.memref_slice %arg7[%dma_wait3A_243, %dma_wait3A_250] : memref<80x128xi32, #tpu.memory_space<vmem>> -> memref<1x128xi32, #tpu.memory_space<vmem>>
      %dma_wait3A_252 = tpu.memref_squeeze %dma_wait3A_251 : memref<1x128xi32, #tpu.memory_space<vmem>> -> memref<128xi32, #tpu.memory_space<vmem>>
      %dma_wait3A_253 = arith.constant 0 : i32
      %dma_wait3A_254 = arith.constant 0 : i32
      %dma_wait3A_255 = tpu.memref_slice %arg11[%dma_wait3A_253, %dma_wait3A_254] : memref<10112x32xf32, #tpu.memory_space<vmem_shared>> -> memref<10112x32xf32, #tpu.memory_space<vmem_shared>>
      tpu.wait_indirect_dma semaphore(%arg12 : memref<!tpu.dma_semaphore, #tpu.memory_space<semaphore_mem>>) src(%dma_wait3A_255 : memref<10112x32xf32, #tpu.memory_space<vmem_shared>>) dst(%dma_wait3A_249 : memref<128x32xf32, #tpu.memory_space<vmem>>)
      %dma_wait3A_256 = arith.constant 0 : i32
      %dma_wait3A_257 = arith.constant 0 : i32
      %dma_wait3A_258 = arith.constant 2 : i32
      %dma_wait3A_259 = arith.constant 0 : i32
      %dma_wait3A_260 = arith.constant 0 : i32
      %dma_wait3A_261 = tpu.memref_slice %arg9[%dma_wait3A_257, %dma_wait3A_258, %dma_wait3A_259, %dma_wait3A_260] : memref<2x8x128x32xf32, #tpu.memory_space<vmem>> -> memref<1x1x128x32xf32, #tpu.memory_space<vmem>>
      %dma_wait3A_262 = tpu.memref_squeeze %dma_wait3A_261 : memref<1x1x128x32xf32, #tpu.memory_space<vmem>> -> memref<128x32xf32, #tpu.memory_space<vmem>>
      %dma_wait3A_263 = arith.constant 0 : i32
      %dma_wait3A_264 = tpu.memref_slice %arg7[%dma_wait3A_256, %dma_wait3A_263] : memref<80x128xi32, #tpu.memory_space<vmem>> -> memref<1x128xi32, #tpu.memory_space<vmem>>
      %dma_wait3A_265 = tpu.memref_squeeze %dma_wait3A_264 : memref<1x128xi32, #tpu.memory_space<vmem>> -> memref<128xi32, #tpu.memory_space<vmem>>
      %dma_wait3A_266 = arith.constant 0 : i32
      %dma_wait3A_267 = arith.constant 0 : i32
      %dma_wait3A_268 = tpu.memref_slice %arg11[%dma_wait3A_266, %dma_wait3A_267] : memref<10112x32xf32, #tpu.memory_space<vmem_shared>> -> memref<10112x32xf32, #tpu.memory_space<vmem_shared>>
      tpu.wait_indirect_dma semaphore(%arg12 : memref<!tpu.dma_semaphore, #tpu.memory_space<semaphore_mem>>) src(%dma_wait3A_268 : memref<10112x32xf32, #tpu.memory_space<vmem_shared>>) dst(%dma_wait3A_262 : memref<128x32xf32, #tpu.memory_space<vmem>>)
      %dma_wait3A_269 = arith.constant 0 : i32
      %dma_wait3A_270 = arith.constant 0 : i32
      %dma_wait3A_271 = arith.constant 3 : i32
      %dma_wait3A_272 = arith.constant 0 : i32
      %dma_wait3A_273 = arith.constant 0 : i32
      %dma_wait3A_274 = tpu.memref_slice %arg9[%dma_wait3A_270, %dma_wait3A_271, %dma_wait3A_272, %dma_wait3A_273] : memref<2x8x128x32xf32, #tpu.memory_space<vmem>> -> memref<1x1x128x32xf32, #tpu.memory_space<vmem>>
      %dma_wait3A_275 = tpu.memref_squeeze %dma_wait3A_274 : memref<1x1x128x32xf32, #tpu.memory_space<vmem>> -> memref<128x32xf32, #tpu.memory_space<vmem>>
      %dma_wait3A_276 = arith.constant 0 : i32
      %dma_wait3A_277 = tpu.memref_slice %arg7[%dma_wait3A_269, %dma_wait3A_276] : memref<80x128xi32, #tpu.memory_space<vmem>> -> memref<1x128xi32, #tpu.memory_space<vmem>>
      %dma_wait3A_278 = tpu.memref_squeeze %dma_wait3A_277 : memref<1x128xi32, #tpu.memory_space<vmem>> -> memref<128xi32, #tpu.memory_space<vmem>>
      %dma_wait3A_279 = arith.constant 0 : i32
      %dma_wait3A_280 = arith.constant 0 : i32
      %dma_wait3A_281 = tpu.memref_slice %arg11[%dma_wait3A_279, %dma_wait3A_280] : memref<10112x32xf32, #tpu.memory_space<vmem_shared>> -> memref<10112x32xf32, #tpu.memory_space<vmem_shared>>
      tpu.wait_indirect_dma semaphore(%arg12 : memref<!tpu.dma_semaphore, #tpu.memory_space<semaphore_mem>>) src(%dma_wait3A_281 : memref<10112x32xf32, #tpu.memory_space<vmem_shared>>) dst(%dma_wait3A_275 : memref<128x32xf32, #tpu.memory_space<vmem>>)
      %dma_wait3A_282 = arith.constant 0 : i32
      %dma_wait3A_283 = arith.constant 0 : i32
      %dma_wait3A_284 = arith.constant 4 : i32
      %dma_wait3A_285 = arith.constant 0 : i32
      %dma_wait3A_286 = arith.constant 0 : i32
      %dma_wait3A_287 = tpu.memref_slice %arg9[%dma_wait3A_283, %dma_wait3A_284, %dma_wait3A_285, %dma_wait3A_286] : memref<2x8x128x32xf32, #tpu.memory_space<vmem>> -> memref<1x1x128x32xf32, #tpu.memory_space<vmem>>
      %dma_wait3A_288 = tpu.memref_squeeze %dma_wait3A_287 : memref<1x1x128x32xf32, #tpu.memory_space<vmem>> -> memref<128x32xf32, #tpu.memory_space<vmem>>
      %dma_wait3A_289 = arith.constant 0 : i32
      %dma_wait3A_290 = tpu.memref_slice %arg7[%dma_wait3A_282, %dma_wait3A_289] : memref<80x128xi32, #tpu.memory_space<vmem>> -> memref<1x128xi32, #tpu.memory_space<vmem>>
      %dma_wait3A_291 = tpu.memref_squeeze %dma_wait3A_290 : memref<1x128xi32, #tpu.memory_space<vmem>> -> memref<128xi32, #tpu.memory_space<vmem>>
      %dma_wait3A_292 = arith.constant 0 : i32
      %dma_wait3A_293 = arith.constant 0 : i32
      %dma_wait3A_294 = tpu.memref_slice %arg11[%dma_wait3A_292, %dma_wait3A_293] : memref<10112x32xf32, #tpu.memory_space<vmem_shared>> -> memref<10112x32xf32, #tpu.memory_space<vmem_shared>>
      tpu.wait_indirect_dma semaphore(%arg12 : memref<!tpu.dma_semaphore, #tpu.memory_space<semaphore_mem>>) src(%dma_wait3A_294 : memref<10112x32xf32, #tpu.memory_space<vmem_shared>>) dst(%dma_wait3A_288 : memref<128x32xf32, #tpu.memory_space<vmem>>)
      %dma_wait3A_295 = arith.constant 0 : i32
      %dma_wait3A_296 = arith.constant 0 : i32
      %dma_wait3A_297 = arith.constant 5 : i32
      %dma_wait3A_298 = arith.constant 0 : i32
      %dma_wait3A_299 = arith.constant 0 : i32
      %dma_wait3A_300 = tpu.memref_slice %arg9[%dma_wait3A_296, %dma_wait3A_297, %dma_wait3A_298, %dma_wait3A_299] : memref<2x8x128x32xf32, #tpu.memory_space<vmem>> -> memref<1x1x128x32xf32, #tpu.memory_space<vmem>>
      %dma_wait3A_301 = tpu.memref_squeeze %dma_wait3A_300 : memref<1x1x128x32xf32, #tpu.memory_space<vmem>> -> memref<128x32xf32, #tpu.memory_space<vmem>>
      %dma_wait3A_302 = arith.constant 0 : i32
      %dma_wait3A_303 = tpu.memref_slice %arg7[%dma_wait3A_295, %dma_wait3A_302] : memref<80x128xi32, #tpu.memory_space<vmem>> -> memref<1x128xi32, #tpu.memory_space<vmem>>
      %dma_wait3A_304 = tpu.memref_squeeze %dma_wait3A_303 : memref<1x128xi32, #tpu.memory_space<vmem>> -> memref<128xi32, #tpu.memory_space<vmem>>
      %dma_wait3A_305 = arith.constant 0 : i32
      %dma_wait3A_306 = arith.constant 0 : i32
      %dma_wait3A_307 = tpu.memref_slice %arg11[%dma_wait3A_305, %dma_wait3A_306] : memref<10112x32xf32, #tpu.memory_space<vmem_shared>> -> memref<10112x32xf32, #tpu.memory_space<vmem_shared>>
      tpu.wait_indirect_dma semaphore(%arg12 : memref<!tpu.dma_semaphore, #tpu.memory_space<semaphore_mem>>) src(%dma_wait3A_307 : memref<10112x32xf32, #tpu.memory_space<vmem_shared>>) dst(%dma_wait3A_301 : memref<128x32xf32, #tpu.memory_space<vmem>>)
      %dma_wait3A_308 = arith.constant 0 : i32
      %dma_wait3A_309 = arith.constant 0 : i32
      %dma_wait3A_310 = arith.constant 6 : i32
      %dma_wait3A_311 = arith.constant 0 : i32
      %dma_wait3A_312 = arith.constant 0 : i32
      %dma_wait3A_313 = tpu.memref_slice %arg9[%dma_wait3A_309, %dma_wait3A_310, %dma_wait3A_311, %dma_wait3A_312] : memref<2x8x128x32xf32, #tpu.memory_space<vmem>> -> memref<1x1x128x32xf32, #tpu.memory_space<vmem>>
      %dma_wait3A_314 = tpu.memref_squeeze %dma_wait3A_313 : memref<1x1x128x32xf32, #tpu.memory_space<vmem>> -> memref<128x32xf32, #tpu.memory_space<vmem>>
      %dma_wait3A_315 = arith.constant 0 : i32
      %dma_wait3A_316 = tpu.memref_slice %arg7[%dma_wait3A_308, %dma_wait3A_315] : memref<80x128xi32, #tpu.memory_space<vmem>> -> memref<1x128xi32, #tpu.memory_space<vmem>>
      %dma_wait3A_317 = tpu.memref_squeeze %dma_wait3A_316 : memref<1x128xi32, #tpu.memory_space<vmem>> -> memref<128xi32, #tpu.memory_space<vmem>>
      %dma_wait3A_318 = arith.constant 0 : i32
      %dma_wait3A_319 = arith.constant 0 : i32
      %dma_wait3A_320 = tpu.memref_slice %arg11[%dma_wait3A_318, %dma_wait3A_319] : memref<10112x32xf32, #tpu.memory_space<vmem_shared>> -> memref<10112x32xf32, #tpu.memory_space<vmem_shared>>
      tpu.wait_indirect_dma semaphore(%arg12 : memref<!tpu.dma_semaphore, #tpu.memory_space<semaphore_mem>>) src(%dma_wait3A_320 : memref<10112x32xf32, #tpu.memory_space<vmem_shared>>) dst(%dma_wait3A_314 : memref<128x32xf32, #tpu.memory_space<vmem>>)
      %dma_wait3A_321 = arith.constant 0 : i32
      %dma_wait3A_322 = arith.constant 0 : i32
      %dma_wait3A_323 = arith.constant 7 : i32
      %dma_wait3A_324 = arith.constant 0 : i32
      %dma_wait3A_325 = arith.constant 0 : i32
      %dma_wait3A_326 = tpu.memref_slice %arg9[%dma_wait3A_322, %dma_wait3A_323, %dma_wait3A_324, %dma_wait3A_325] : memref<2x8x128x32xf32, #tpu.memory_space<vmem>> -> memref<1x1x128x32xf32, #tpu.memory_space<vmem>>
      %dma_wait3A_327 = tpu.memref_squeeze %dma_wait3A_326 : memref<1x1x128x32xf32, #tpu.memory_space<vmem>> -> memref<128x32xf32, #tpu.memory_space<vmem>>
      %dma_wait3A_328 = arith.constant 0 : i32
      %dma_wait3A_329 = tpu.memref_slice %arg7[%dma_wait3A_321, %dma_wait3A_328] : memref<80x128xi32, #tpu.memory_space<vmem>> -> memref<1x128xi32, #tpu.memory_space<vmem>>
      %dma_wait3A_330 = tpu.memref_squeeze %dma_wait3A_329 : memref<1x128xi32, #tpu.memory_space<vmem>> -> memref<128xi32, #tpu.memory_space<vmem>>
      %dma_wait3A_331 = arith.constant 0 : i32
      %dma_wait3A_332 = arith.constant 0 : i32
      %dma_wait3A_333 = tpu.memref_slice %arg11[%dma_wait3A_331, %dma_wait3A_332] : memref<10112x32xf32, #tpu.memory_space<vmem_shared>> -> memref<10112x32xf32, #tpu.memory_space<vmem_shared>>
      tpu.wait_indirect_dma semaphore(%arg12 : memref<!tpu.dma_semaphore, #tpu.memory_space<semaphore_mem>>) src(%dma_wait3A_333 : memref<10112x32xf32, #tpu.memory_space<vmem_shared>>) dst(%dma_wait3A_327 : memref<128x32xf32, #tpu.memory_space<vmem>>)
      %mul3A_334 = arith.constant 8 : i32
      %mul3A_335 = arith.muli %mul3A_228, %mul3A_334 : i32
      %add3A_336 = arith.constant 0 : i32
      %add3A_337 = arith.addi %mul3A_335, %add3A_336 : i32
      %dma_start3A_338 = arith.constant 0 : i32
      %dma_start3A_339 = arith.constant 0 : i32
      %dma_start3A_340 = arith.constant 0 : i32
      %dma_start3A_341 = arith.constant 0 : i32
      %dma_start3A_342 = tpu.memref_slice %arg9[%dma_start3A_338, %dma_start3A_339, %dma_start3A_340, %dma_start3A_341] : memref<2x8x128x32xf32, #tpu.memory_space<vmem>> -> memref<1x1x128x32xf32, #tpu.memory_space<vmem>>
      %dma_start3A_343 = tpu.memref_squeeze %dma_start3A_342 : memref<1x1x128x32xf32, #tpu.memory_space<vmem>> -> memref<128x32xf32, #tpu.memory_space<vmem>>
      %dma_start3A_344 = arith.constant 0 : i32
      %dma_start3A_345 = tpu.memref_slice %arg8[%add3A_337, %dma_start3A_344] : memref<80x128xi32, #tpu.memory_space<vmem>> -> memref<1x128xi32, #tpu.memory_space<vmem>>
      %dma_start3A_346 = tpu.memref_squeeze %dma_start3A_345 : memref<1x128xi32, #tpu.memory_space<vmem>> -> memref<128xi32, #tpu.memory_space<vmem>>
      %dma_start3A_347 = arith.constant 0 : i32
      %dma_start3A_348 = arith.constant 0 : i32
      %dma_start3A_349 = tpu.memref_slice %arg10[%dma_start3A_347, %dma_start3A_348] : memref<10112x32xf32, #tpu.memory_space<vmem_shared>> -> memref<10112x32xf32, #tpu.memory_space<vmem_shared>>
      tpu.enqueue_indirect_dma source(%dma_start3A_343 : memref<128x32xf32, #tpu.memory_space<vmem>>) target(%dma_start3A_349 : memref<10112x32xf32, #tpu.memory_space<vmem_shared>>) offsets(%dma_start3A_346 : memref<128xi32, #tpu.memory_space<vmem>>) semaphore(%arg13 : memref<!tpu.dma_semaphore, #tpu.memory_space<semaphore_mem>>) {add = true}
      %mul3A_350 = arith.constant 8 : i32
      %mul3A_351 = arith.muli %mul3A_228, %mul3A_350 : i32
      %add3A_352 = arith.constant 1 : i32
      %add3A_353 = arith.addi %mul3A_351, %add3A_352 : i32
      %dma_start3A_354 = arith.constant 0 : i32
      %dma_start3A_355 = arith.constant 1 : i32
      %dma_start3A_356 = arith.constant 0 : i32
      %dma_start3A_357 = arith.constant 0 : i32
      %dma_start3A_358 = tpu.memref_slice %arg9[%dma_start3A_354, %dma_start3A_355, %dma_start3A_356, %dma_start3A_357] : memref<2x8x128x32xf32, #tpu.memory_space<vmem>> -> memref<1x1x128x32xf32, #tpu.memory_space<vmem>>
      %dma_start3A_359 = tpu.memref_squeeze %dma_start3A_358 : memref<1x1x128x32xf32, #tpu.memory_space<vmem>> -> memref<128x32xf32, #tpu.memory_space<vmem>>
      %dma_start3A_360 = arith.constant 0 : i32
      %dma_start3A_361 = tpu.memref_slice %arg8[%add3A_353, %dma_start3A_360] : memref<80x128xi32, #tpu.memory_space<vmem>> -> memref<1x128xi32, #tpu.memory_space<vmem>>
      %dma_start3A_362 = tpu.memref_squeeze %dma_start3A_361 : memref<1x128xi32, #tpu.memory_space<vmem>> -> memref<128xi32, #tpu.memory_space<vmem>>
      %dma_start3A_363 = arith.constant 0 : i32
      %dma_start3A_364 = arith.constant 0 : i32
      %dma_start3A_365 = tpu.memref_slice %arg10[%dma_start3A_363, %dma_start3A_364] : memref<10112x32xf32, #tpu.memory_space<vmem_shared>> -> memref<10112x32xf32, #tpu.memory_space<vmem_shared>>
      tpu.enqueue_indirect_dma source(%dma_start3A_359 : memref<128x32xf32, #tpu.memory_space<vmem>>) target(%dma_start3A_365 : memref<10112x32xf32, #tpu.memory_space<vmem_shared>>) offsets(%dma_start3A_362 : memref<128xi32, #tpu.memory_space<vmem>>) semaphore(%arg13 : memref<!tpu.dma_semaphore, #tpu.memory_space<semaphore_mem>>) {add = true}
      %mul3A_366 = arith.constant 8 : i32
      %mul3A_367 = arith.muli %mul3A_228, %mul3A_366 : i32
      %add3A_368 = arith.constant 2 : i32
      %add3A_369 = arith.addi %mul3A_367, %add3A_368 : i32
      %dma_start3A_370 = arith.constant 0 : i32
      %dma_start3A_371 = arith.constant 2 : i32
      %dma_start3A_372 = arith.constant 0 : i32
      %dma_start3A_373 = arith.constant 0 : i32
      %dma_start3A_374 = tpu.memref_slice %arg9[%dma_start3A_370, %dma_start3A_371, %dma_start3A_372, %dma_start3A_373] : memref<2x8x128x32xf32, #tpu.memory_space<vmem>> -> memref<1x1x128x32xf32, #tpu.memory_space<vmem>>
      %dma_start3A_375 = tpu.memref_squeeze %dma_start3A_374 : memref<1x1x128x32xf32, #tpu.memory_space<vmem>> -> memref<128x32xf32, #tpu.memory_space<vmem>>
      %dma_start3A_376 = arith.constant 0 : i32
      %dma_start3A_377 = tpu.memref_slice %arg8[%add3A_369, %dma_start3A_376] : memref<80x128xi32, #tpu.memory_space<vmem>> -> memref<1x128xi32, #tpu.memory_space<vmem>>
      %dma_start3A_378 = tpu.memref_squeeze %dma_start3A_377 : memref<1x128xi32, #tpu.memory_space<vmem>> -> memref<128xi32, #tpu.memory_space<vmem>>
      %dma_start3A_379 = arith.constant 0 : i32
      %dma_start3A_380 = arith.constant 0 : i32
      %dma_start3A_381 = tpu.memref_slice %arg10[%dma_start3A_379, %dma_start3A_380] : memref<10112x32xf32, #tpu.memory_space<vmem_shared>> -> memref<10112x32xf32, #tpu.memory_space<vmem_shared>>
      tpu.enqueue_indirect_dma source(%dma_start3A_375 : memref<128x32xf32, #tpu.memory_space<vmem>>) target(%dma_start3A_381 : memref<10112x32xf32, #tpu.memory_space<vmem_shared>>) offsets(%dma_start3A_378 : memref<128xi32, #tpu.memory_space<vmem>>) semaphore(%arg13 : memref<!tpu.dma_semaphore, #tpu.memory_space<semaphore_mem>>) {add = true}
      %mul3A_382 = arith.constant 8 : i32
      %mul3A_383 = arith.muli %mul3A_228, %mul3A_382 : i32
      %add3A_384 = arith.constant 3 : i32
      %add3A_385 = arith.addi %mul3A_383, %add3A_384 : i32
      %dma_start3A_386 = arith.constant 0 : i32
      %dma_start3A_387 = arith.constant 3 : i32
      %dma_start3A_388 = arith.constant 0 : i32
      %dma_start3A_389 = arith.constant 0 : i32
      %dma_start3A_390 = tpu.memref_slice %arg9[%dma_start3A_386, %dma_start3A_387, %dma_start3A_388, %dma_start3A_389] : memref<2x8x128x32xf32, #tpu.memory_space<vmem>> -> memref<1x1x128x32xf32, #tpu.memory_space<vmem>>
      %dma_start3A_391 = tpu.memref_squeeze %dma_start3A_390 : memref<1x1x128x32xf32, #tpu.memory_space<vmem>> -> memref<128x32xf32, #tpu.memory_space<vmem>>
      %dma_start3A_392 = arith.constant 0 : i32
      %dma_start3A_393 = tpu.memref_slice %arg8[%add3A_385, %dma_start3A_392] : memref<80x128xi32, #tpu.memory_space<vmem>> -> memref<1x128xi32, #tpu.memory_space<vmem>>
      %dma_start3A_394 = tpu.memref_squeeze %dma_start3A_393 : memref<1x128xi32, #tpu.memory_space<vmem>> -> memref<128xi32, #tpu.memory_space<vmem>>
      %dma_start3A_395 = arith.constant 0 : i32
      %dma_start3A_396 = arith.constant 0 : i32
      %dma_start3A_397 = tpu.memref_slice %arg10[%dma_start3A_395, %dma_start3A_396] : memref<10112x32xf32, #tpu.memory_space<vmem_shared>> -> memref<10112x32xf32, #tpu.memory_space<vmem_shared>>
      tpu.enqueue_indirect_dma source(%dma_start3A_391 : memref<128x32xf32, #tpu.memory_space<vmem>>) target(%dma_start3A_397 : memref<10112x32xf32, #tpu.memory_space<vmem_shared>>) offsets(%dma_start3A_394 : memref<128xi32, #tpu.memory_space<vmem>>) semaphore(%arg13 : memref<!tpu.dma_semaphore, #tpu.memory_space<semaphore_mem>>) {add = true}
      %mul3A_398 = arith.constant 8 : i32
      %mul3A_399 = arith.muli %mul3A_228, %mul3A_398 : i32
      %add3A_400 = arith.constant 4 : i32
      %add3A_401 = arith.addi %mul3A_399, %add3A_400 : i32
      %dma_start3A_402 = arith.constant 0 : i32
      %dma_start3A_403 = arith.constant 4 : i32
      %dma_start3A_404 = arith.constant 0 : i32
      %dma_start3A_405 = arith.constant 0 : i32
      %dma_start3A_406 = tpu.memref_slice %arg9[%dma_start3A_402, %dma_start3A_403, %dma_start3A_404, %dma_start3A_405] : memref<2x8x128x32xf32, #tpu.memory_space<vmem>> -> memref<1x1x128x32xf32, #tpu.memory_space<vmem>>
      %dma_start3A_407 = tpu.memref_squeeze %dma_start3A_406 : memref<1x1x128x32xf32, #tpu.memory_space<vmem>> -> memref<128x32xf32, #tpu.memory_space<vmem>>
      %dma_start3A_408 = arith.constant 0 : i32
      %dma_start3A_409 = tpu.memref_slice %arg8[%add3A_401, %dma_start3A_408] : memref<80x128xi32, #tpu.memory_space<vmem>> -> memref<1x128xi32, #tpu.memory_space<vmem>>
      %dma_start3A_410 = tpu.memref_squeeze %dma_start3A_409 : memref<1x128xi32, #tpu.memory_space<vmem>> -> memref<128xi32, #tpu.memory_space<vmem>>
      %dma_start3A_411 = arith.constant 0 : i32
      %dma_start3A_412 = arith.constant 0 : i32
      %dma_start3A_413 = tpu.memref_slice %arg10[%dma_start3A_411, %dma_start3A_412] : memref<10112x32xf32, #tpu.memory_space<vmem_shared>> -> memref<10112x32xf32, #tpu.memory_space<vmem_shared>>
      tpu.enqueue_indirect_dma source(%dma_start3A_407 : memref<128x32xf32, #tpu.memory_space<vmem>>) target(%dma_start3A_413 : memref<10112x32xf32, #tpu.memory_space<vmem_shared>>) offsets(%dma_start3A_410 : memref<128xi32, #tpu.memory_space<vmem>>) semaphore(%arg13 : memref<!tpu.dma_semaphore, #tpu.memory_space<semaphore_mem>>) {add = true}
      %mul3A_414 = arith.constant 8 : i32
      %mul3A_415 = arith.muli %mul3A_228, %mul3A_414 : i32
      %add3A_416 = arith.constant 5 : i32
      %add3A_417 = arith.addi %mul3A_415, %add3A_416 : i32
      %dma_start3A_418 = arith.constant 0 : i32
      %dma_start3A_419 = arith.constant 5 : i32
      %dma_start3A_420 = arith.constant 0 : i32
      %dma_start3A_421 = arith.constant 0 : i32
      %dma_start3A_422 = tpu.memref_slice %arg9[%dma_start3A_418, %dma_start3A_419, %dma_start3A_420, %dma_start3A_421] : memref<2x8x128x32xf32, #tpu.memory_space<vmem>> -> memref<1x1x128x32xf32, #tpu.memory_space<vmem>>
      %dma_start3A_423 = tpu.memref_squeeze %dma_start3A_422 : memref<1x1x128x32xf32, #tpu.memory_space<vmem>> -> memref<128x32xf32, #tpu.memory_space<vmem>>
      %dma_start3A_424 = arith.constant 0 : i32
      %dma_start3A_425 = tpu.memref_slice %arg8[%add3A_417, %dma_start3A_424] : memref<80x128xi32, #tpu.memory_space<vmem>> -> memref<1x128xi32, #tpu.memory_space<vmem>>
      %dma_start3A_426 = tpu.memref_squeeze %dma_start3A_425 : memref<1x128xi32, #tpu.memory_space<vmem>> -> memref<128xi32, #tpu.memory_space<vmem>>
      %dma_start3A_427 = arith.constant 0 : i32
      %dma_start3A_428 = arith.constant 0 : i32
      %dma_start3A_429 = tpu.memref_slice %arg10[%dma_start3A_427, %dma_start3A_428] : memref<10112x32xf32, #tpu.memory_space<vmem_shared>> -> memref<10112x32xf32, #tpu.memory_space<vmem_shared>>
      tpu.enqueue_indirect_dma source(%dma_start3A_423 : memref<128x32xf32, #tpu.memory_space<vmem>>) target(%dma_start3A_429 : memref<10112x32xf32, #tpu.memory_space<vmem_shared>>) offsets(%dma_start3A_426 : memref<128xi32, #tpu.memory_space<vmem>>) semaphore(%arg13 : memref<!tpu.dma_semaphore, #tpu.memory_space<semaphore_mem>>) {add = true}
      %mul3A_430 = arith.constant 8 : i32
      %mul3A_431 = arith.muli %mul3A_228, %mul3A_430 : i32
      %add3A_432 = arith.constant 6 : i32
      %add3A_433 = arith.addi %mul3A_431, %add3A_432 : i32
      %dma_start3A_434 = arith.constant 0 : i32
      %dma_start3A_435 = arith.constant 6 : i32
      %dma_start3A_436 = arith.constant 0 : i32
      %dma_start3A_437 = arith.constant 0 : i32
      %dma_start3A_438 = tpu.memref_slice %arg9[%dma_start3A_434, %dma_start3A_435, %dma_start3A_436, %dma_start3A_437] : memref<2x8x128x32xf32, #tpu.memory_space<vmem>> -> memref<1x1x128x32xf32, #tpu.memory_space<vmem>>
      %dma_start3A_439 = tpu.memref_squeeze %dma_start3A_438 : memref<1x1x128x32xf32, #tpu.memory_space<vmem>> -> memref<128x32xf32, #tpu.memory_space<vmem>>
      %dma_start3A_440 = arith.constant 0 : i32
      %dma_start3A_441 = tpu.memref_slice %arg8[%add3A_433, %dma_start3A_440] : memref<80x128xi32, #tpu.memory_space<vmem>> -> memref<1x128xi32, #tpu.memory_space<vmem>>
      %dma_start3A_442 = tpu.memref_squeeze %dma_start3A_441 : memref<1x128xi32, #tpu.memory_space<vmem>> -> memref<128xi32, #tpu.memory_space<vmem>>
      %dma_start3A_443 = arith.constant 0 : i32
      %dma_start3A_444 = arith.constant 0 : i32
      %dma_start3A_445 = tpu.memref_slice %arg10[%dma_start3A_443, %dma_start3A_444] : memref<10112x32xf32, #tpu.memory_space<vmem_shared>> -> memref<10112x32xf32, #tpu.memory_space<vmem_shared>>
      tpu.enqueue_indirect_dma source(%dma_start3A_439 : memref<128x32xf32, #tpu.memory_space<vmem>>) target(%dma_start3A_445 : memref<10112x32xf32, #tpu.memory_space<vmem_shared>>) offsets(%dma_start3A_442 : memref<128xi32, #tpu.memory_space<vmem>>) semaphore(%arg13 : memref<!tpu.dma_semaphore, #tpu.memory_space<semaphore_mem>>) {add = true}
      %mul3A_446 = arith.constant 8 : i32
      %mul3A_447 = arith.muli %mul3A_228, %mul3A_446 : i32
      %add3A_448 = arith.constant 7 : i32
      %add3A_449 = arith.addi %mul3A_447, %add3A_448 : i32
      %dma_start3A_450 = arith.constant 0 : i32
      %dma_start3A_451 = arith.constant 7 : i32
      %dma_start3A_452 = arith.constant 0 : i32
      %dma_start3A_453 = arith.constant 0 : i32
      %dma_start3A_454 = tpu.memref_slice %arg9[%dma_start3A_450, %dma_start3A_451, %dma_start3A_452, %dma_start3A_453] : memref<2x8x128x32xf32, #tpu.memory_space<vmem>> -> memref<1x1x128x32xf32, #tpu.memory_space<vmem>>
      %dma_start3A_455 = tpu.memref_squeeze %dma_start3A_454 : memref<1x1x128x32xf32, #tpu.memory_space<vmem>> -> memref<128x32xf32, #tpu.memory_space<vmem>>
      %dma_start3A_456 = arith.constant 0 : i32
      %dma_start3A_457 = tpu.memref_slice %arg8[%add3A_449, %dma_start3A_456] : memref<80x128xi32, #tpu.memory_space<vmem>> -> memref<1x128xi32, #tpu.memory_space<vmem>>
      %dma_start3A_458 = tpu.memref_squeeze %dma_start3A_457 : memref<1x128xi32, #tpu.memory_space<vmem>> -> memref<128xi32, #tpu.memory_space<vmem>>
      %dma_start3A_459 = arith.constant 0 : i32
      %dma_start3A_460 = arith.constant 0 : i32
      %dma_start3A_461 = tpu.memref_slice %arg10[%dma_start3A_459, %dma_start3A_460] : memref<10112x32xf32, #tpu.memory_space<vmem_shared>> -> memref<10112x32xf32, #tpu.memory_space<vmem_shared>>
      tpu.enqueue_indirect_dma source(%dma_start3A_455 : memref<128x32xf32, #tpu.memory_space<vmem>>) target(%dma_start3A_461 : memref<10112x32xf32, #tpu.memory_space<vmem_shared>>) offsets(%dma_start3A_458 : memref<128xi32, #tpu.memory_space<vmem>>) semaphore(%arg13 : memref<!tpu.dma_semaphore, #tpu.memory_space<semaphore_mem>>) {add = true}
      %dma_wait3A_462 = arith.constant 0 : i32
      %dma_wait3A_463 = arith.constant 1 : i32
      %dma_wait3A_464 = arith.constant 0 : i32
      %dma_wait3A_465 = arith.constant 0 : i32
      %dma_wait3A_466 = arith.constant 0 : i32
      %dma_wait3A_467 = tpu.memref_slice %arg9[%dma_wait3A_463, %dma_wait3A_464, %dma_wait3A_465, %dma_wait3A_466] : memref<2x8x128x32xf32, #tpu.memory_space<vmem>> -> memref<1x1x128x32xf32, #tpu.memory_space<vmem>>
      %dma_wait3A_468 = tpu.memref_squeeze %dma_wait3A_467 : memref<1x1x128x32xf32, #tpu.memory_space<vmem>> -> memref<128x32xf32, #tpu.memory_space<vmem>>
      %dma_wait3A_469 = arith.constant 0 : i32
      %dma_wait3A_470 = tpu.memref_slice %arg7[%dma_wait3A_462, %dma_wait3A_469] : memref<80x128xi32, #tpu.memory_space<vmem>> -> memref<1x128xi32, #tpu.memory_space<vmem>>
      %dma_wait3A_471 = tpu.memref_squeeze %dma_wait3A_470 : memref<1x128xi32, #tpu.memory_space<vmem>> -> memref<128xi32, #tpu.memory_space<vmem>>
      %dma_wait3A_472 = arith.constant 0 : i32
      %dma_wait3A_473 = arith.constant 0 : i32
      %dma_wait3A_474 = tpu.memref_slice %arg11[%dma_wait3A_472, %dma_wait3A_473] : memref<10112x32xf32, #tpu.memory_space<vmem_shared>> -> memref<10112x32xf32, #tpu.memory_space<vmem_shared>>
      tpu.wait_indirect_dma semaphore(%arg12 : memref<!tpu.dma_semaphore, #tpu.memory_space<semaphore_mem>>) src(%dma_wait3A_474 : memref<10112x32xf32, #tpu.memory_space<vmem_shared>>) dst(%dma_wait3A_468 : memref<128x32xf32, #tpu.memory_space<vmem>>)
      %dma_wait3A_475 = arith.constant 0 : i32
      %dma_wait3A_476 = arith.constant 1 : i32
      %dma_wait3A_477 = arith.constant 1 : i32
      %dma_wait3A_478 = arith.constant 0 : i32
      %dma_wait3A_479 = arith.constant 0 : i32
      %dma_wait3A_480 = tpu.memref_slice %arg9[%dma_wait3A_476, %dma_wait3A_477, %dma_wait3A_478, %dma_wait3A_479] : memref<2x8x128x32xf32, #tpu.memory_space<vmem>> -> memref<1x1x128x32xf32, #tpu.memory_space<vmem>>
      %dma_wait3A_481 = tpu.memref_squeeze %dma_wait3A_480 : memref<1x1x128x32xf32, #tpu.memory_space<vmem>> -> memref<128x32xf32, #tpu.memory_space<vmem>>
      %dma_wait3A_482 = arith.constant 0 : i32
      %dma_wait3A_483 = tpu.memref_slice %arg7[%dma_wait3A_475, %dma_wait3A_482] : memref<80x128xi32, #tpu.memory_space<vmem>> -> memref<1x128xi32, #tpu.memory_space<vmem>>
      %dma_wait3A_484 = tpu.memref_squeeze %dma_wait3A_483 : memref<1x128xi32, #tpu.memory_space<vmem>> -> memref<128xi32, #tpu.memory_space<vmem>>
      %dma_wait3A_485 = arith.constant 0 : i32
      %dma_wait3A_486 = arith.constant 0 : i32
      %dma_wait3A_487 = tpu.memref_slice %arg11[%dma_wait3A_485, %dma_wait3A_486] : memref<10112x32xf32, #tpu.memory_space<vmem_shared>> -> memref<10112x32xf32, #tpu.memory_space<vmem_shared>>
      tpu.wait_indirect_dma semaphore(%arg12 : memref<!tpu.dma_semaphore, #tpu.memory_space<semaphore_mem>>) src(%dma_wait3A_487 : memref<10112x32xf32, #tpu.memory_space<vmem_shared>>) dst(%dma_wait3A_481 : memref<128x32xf32, #tpu.memory_space<vmem>>)
      %dma_wait3A_488 = arith.constant 0 : i32
      %dma_wait3A_489 = arith.constant 1 : i32
      %dma_wait3A_490 = arith.constant 2 : i32
      %dma_wait3A_491 = arith.constant 0 : i32
      %dma_wait3A_492 = arith.constant 0 : i32
      %dma_wait3A_493 = tpu.memref_slice %arg9[%dma_wait3A_489, %dma_wait3A_490, %dma_wait3A_491, %dma_wait3A_492] : memref<2x8x128x32xf32, #tpu.memory_space<vmem>> -> memref<1x1x128x32xf32, #tpu.memory_space<vmem>>
      %dma_wait3A_494 = tpu.memref_squeeze %dma_wait3A_493 : memref<1x1x128x32xf32, #tpu.memory_space<vmem>> -> memref<128x32xf32, #tpu.memory_space<vmem>>
      %dma_wait3A_495 = arith.constant 0 : i32
      %dma_wait3A_496 = tpu.memref_slice %arg7[%dma_wait3A_488, %dma_wait3A_495] : memref<80x128xi32, #tpu.memory_space<vmem>> -> memref<1x128xi32, #tpu.memory_space<vmem>>
      %dma_wait3A_497 = tpu.memref_squeeze %dma_wait3A_496 : memref<1x128xi32, #tpu.memory_space<vmem>> -> memref<128xi32, #tpu.memory_space<vmem>>
      %dma_wait3A_498 = arith.constant 0 : i32
      %dma_wait3A_499 = arith.constant 0 : i32
      %dma_wait3A_500 = tpu.memref_slice %arg11[%dma_wait3A_498, %dma_wait3A_499] : memref<10112x32xf32, #tpu.memory_space<vmem_shared>> -> memref<10112x32xf32, #tpu.memory_space<vmem_shared>>
      tpu.wait_indirect_dma semaphore(%arg12 : memref<!tpu.dma_semaphore, #tpu.memory_space<semaphore_mem>>) src(%dma_wait3A_500 : memref<10112x32xf32, #tpu.memory_space<vmem_shared>>) dst(%dma_wait3A_494 : memref<128x32xf32, #tpu.memory_space<vmem>>)
      %dma_wait3A_501 = arith.constant 0 : i32
      %dma_wait3A_502 = arith.constant 1 : i32
      %dma_wait3A_503 = arith.constant 3 : i32
      %dma_wait3A_504 = arith.constant 0 : i32
      %dma_wait3A_505 = arith.constant 0 : i32
      %dma_wait3A_506 = tpu.memref_slice %arg9[%dma_wait3A_502, %dma_wait3A_503, %dma_wait3A_504, %dma_wait3A_505] : memref<2x8x128x32xf32, #tpu.memory_space<vmem>> -> memref<1x1x128x32xf32, #tpu.memory_space<vmem>>
      %dma_wait3A_507 = tpu.memref_squeeze %dma_wait3A_506 : memref<1x1x128x32xf32, #tpu.memory_space<vmem>> -> memref<128x32xf32, #tpu.memory_space<vmem>>
      %dma_wait3A_508 = arith.constant 0 : i32
      %dma_wait3A_509 = tpu.memref_slice %arg7[%dma_wait3A_501, %dma_wait3A_508] : memref<80x128xi32, #tpu.memory_space<vmem>> -> memref<1x128xi32, #tpu.memory_space<vmem>>
      %dma_wait3A_510 = tpu.memref_squeeze %dma_wait3A_509 : memref<1x128xi32, #tpu.memory_space<vmem>> -> memref<128xi32, #tpu.memory_space<vmem>>
      %dma_wait3A_511 = arith.constant 0 : i32
      %dma_wait3A_512 = arith.constant 0 : i32
      %dma_wait3A_513 = tpu.memref_slice %arg11[%dma_wait3A_511, %dma_wait3A_512] : memref<10112x32xf32, #tpu.memory_space<vmem_shared>> -> memref<10112x32xf32, #tpu.memory_space<vmem_shared>>
      tpu.wait_indirect_dma semaphore(%arg12 : memref<!tpu.dma_semaphore, #tpu.memory_space<semaphore_mem>>) src(%dma_wait3A_513 : memref<10112x32xf32, #tpu.memory_space<vmem_shared>>) dst(%dma_wait3A_507 : memref<128x32xf32, #tpu.memory_space<vmem>>)
      %dma_wait3A_514 = arith.constant 0 : i32
      %dma_wait3A_515 = arith.constant 1 : i32
      %dma_wait3A_516 = arith.constant 4 : i32
      %dma_wait3A_517 = arith.constant 0 : i32
      %dma_wait3A_518 = arith.constant 0 : i32
      %dma_wait3A_519 = tpu.memref_slice %arg9[%dma_wait3A_515, %dma_wait3A_516, %dma_wait3A_517, %dma_wait3A_518] : memref<2x8x128x32xf32, #tpu.memory_space<vmem>> -> memref<1x1x128x32xf32, #tpu.memory_space<vmem>>
      %dma_wait3A_520 = tpu.memref_squeeze %dma_wait3A_519 : memref<1x1x128x32xf32, #tpu.memory_space<vmem>> -> memref<128x32xf32, #tpu.memory_space<vmem>>
      %dma_wait3A_521 = arith.constant 0 : i32
      %dma_wait3A_522 = tpu.memref_slice %arg7[%dma_wait3A_514, %dma_wait3A_521] : memref<80x128xi32, #tpu.memory_space<vmem>> -> memref<1x128xi32, #tpu.memory_space<vmem>>
      %dma_wait3A_523 = tpu.memref_squeeze %dma_wait3A_522 : memref<1x128xi32, #tpu.memory_space<vmem>> -> memref<128xi32, #tpu.memory_space<vmem>>
      %dma_wait3A_524 = arith.constant 0 : i32
      %dma_wait3A_525 = arith.constant 0 : i32
      %dma_wait3A_526 = tpu.memref_slice %arg11[%dma_wait3A_524, %dma_wait3A_525] : memref<10112x32xf32, #tpu.memory_space<vmem_shared>> -> memref<10112x32xf32, #tpu.memory_space<vmem_shared>>
      tpu.wait_indirect_dma semaphore(%arg12 : memref<!tpu.dma_semaphore, #tpu.memory_space<semaphore_mem>>) src(%dma_wait3A_526 : memref<10112x32xf32, #tpu.memory_space<vmem_shared>>) dst(%dma_wait3A_520 : memref<128x32xf32, #tpu.memory_space<vmem>>)
      %dma_wait3A_527 = arith.constant 0 : i32
      %dma_wait3A_528 = arith.constant 1 : i32
      %dma_wait3A_529 = arith.constant 5 : i32
      %dma_wait3A_530 = arith.constant 0 : i32
      %dma_wait3A_531 = arith.constant 0 : i32
      %dma_wait3A_532 = tpu.memref_slice %arg9[%dma_wait3A_528, %dma_wait3A_529, %dma_wait3A_530, %dma_wait3A_531] : memref<2x8x128x32xf32, #tpu.memory_space<vmem>> -> memref<1x1x128x32xf32, #tpu.memory_space<vmem>>
      %dma_wait3A_533 = tpu.memref_squeeze %dma_wait3A_532 : memref<1x1x128x32xf32, #tpu.memory_space<vmem>> -> memref<128x32xf32, #tpu.memory_space<vmem>>
      %dma_wait3A_534 = arith.constant 0 : i32
      %dma_wait3A_535 = tpu.memref_slice %arg7[%dma_wait3A_527, %dma_wait3A_534] : memref<80x128xi32, #tpu.memory_space<vmem>> -> memref<1x128xi32, #tpu.memory_space<vmem>>
      %dma_wait3A_536 = tpu.memref_squeeze %dma_wait3A_535 : memref<1x128xi32, #tpu.memory_space<vmem>> -> memref<128xi32, #tpu.memory_space<vmem>>
      %dma_wait3A_537 = arith.constant 0 : i32
      %dma_wait3A_538 = arith.constant 0 : i32
      %dma_wait3A_539 = tpu.memref_slice %arg11[%dma_wait3A_537, %dma_wait3A_538] : memref<10112x32xf32, #tpu.memory_space<vmem_shared>> -> memref<10112x32xf32, #tpu.memory_space<vmem_shared>>
      tpu.wait_indirect_dma semaphore(%arg12 : memref<!tpu.dma_semaphore, #tpu.memory_space<semaphore_mem>>) src(%dma_wait3A_539 : memref<10112x32xf32, #tpu.memory_space<vmem_shared>>) dst(%dma_wait3A_533 : memref<128x32xf32, #tpu.memory_space<vmem>>)
      %dma_wait3A_540 = arith.constant 0 : i32
      %dma_wait3A_541 = arith.constant 1 : i32
      %dma_wait3A_542 = arith.constant 6 : i32
      %dma_wait3A_543 = arith.constant 0 : i32
      %dma_wait3A_544 = arith.constant 0 : i32
      %dma_wait3A_545 = tpu.memref_slice %arg9[%dma_wait3A_541, %dma_wait3A_542, %dma_wait3A_543, %dma_wait3A_544] : memref<2x8x128x32xf32, #tpu.memory_space<vmem>> -> memref<1x1x128x32xf32, #tpu.memory_space<vmem>>
      %dma_wait3A_546 = tpu.memref_squeeze %dma_wait3A_545 : memref<1x1x128x32xf32, #tpu.memory_space<vmem>> -> memref<128x32xf32, #tpu.memory_space<vmem>>
      %dma_wait3A_547 = arith.constant 0 : i32
      %dma_wait3A_548 = tpu.memref_slice %arg7[%dma_wait3A_540, %dma_wait3A_547] : memref<80x128xi32, #tpu.memory_space<vmem>> -> memref<1x128xi32, #tpu.memory_space<vmem>>
      %dma_wait3A_549 = tpu.memref_squeeze %dma_wait3A_548 : memref<1x128xi32, #tpu.memory_space<vmem>> -> memref<128xi32, #tpu.memory_space<vmem>>
      %dma_wait3A_550 = arith.constant 0 : i32
      %dma_wait3A_551 = arith.constant 0 : i32
      %dma_wait3A_552 = tpu.memref_slice %arg11[%dma_wait3A_550, %dma_wait3A_551] : memref<10112x32xf32, #tpu.memory_space<vmem_shared>> -> memref<10112x32xf32, #tpu.memory_space<vmem_shared>>
      tpu.wait_indirect_dma semaphore(%arg12 : memref<!tpu.dma_semaphore, #tpu.memory_space<semaphore_mem>>) src(%dma_wait3A_552 : memref<10112x32xf32, #tpu.memory_space<vmem_shared>>) dst(%dma_wait3A_546 : memref<128x32xf32, #tpu.memory_space<vmem>>)
      %dma_wait3A_553 = arith.constant 0 : i32
      %dma_wait3A_554 = arith.constant 1 : i32
      %dma_wait3A_555 = arith.constant 7 : i32
      %dma_wait3A_556 = arith.constant 0 : i32
      %dma_wait3A_557 = arith.constant 0 : i32
      %dma_wait3A_558 = tpu.memref_slice %arg9[%dma_wait3A_554, %dma_wait3A_555, %dma_wait3A_556, %dma_wait3A_557] : memref<2x8x128x32xf32, #tpu.memory_space<vmem>> -> memref<1x1x128x32xf32, #tpu.memory_space<vmem>>
      %dma_wait3A_559 = tpu.memref_squeeze %dma_wait3A_558 : memref<1x1x128x32xf32, #tpu.memory_space<vmem>> -> memref<128x32xf32, #tpu.memory_space<vmem>>
      %dma_wait3A_560 = arith.constant 0 : i32
      %dma_wait3A_561 = tpu.memref_slice %arg7[%dma_wait3A_553, %dma_wait3A_560] : memref<80x128xi32, #tpu.memory_space<vmem>> -> memref<1x128xi32, #tpu.memory_space<vmem>>
      %dma_wait3A_562 = tpu.memref_squeeze %dma_wait3A_561 : memref<1x128xi32, #tpu.memory_space<vmem>> -> memref<128xi32, #tpu.memory_space<vmem>>
      %dma_wait3A_563 = arith.constant 0 : i32
      %dma_wait3A_564 = arith.constant 0 : i32
      %dma_wait3A_565 = tpu.memref_slice %arg11[%dma_wait3A_563, %dma_wait3A_564] : memref<10112x32xf32, #tpu.memory_space<vmem_shared>> -> memref<10112x32xf32, #tpu.memory_space<vmem_shared>>
      tpu.wait_indirect_dma semaphore(%arg12 : memref<!tpu.dma_semaphore, #tpu.memory_space<semaphore_mem>>) src(%dma_wait3A_565 : memref<10112x32xf32, #tpu.memory_space<vmem_shared>>) dst(%dma_wait3A_559 : memref<128x32xf32, #tpu.memory_space<vmem>>)
      %mul3A_566 = arith.constant 8 : i32
      %mul3A_567 = arith.muli %add3A_230, %mul3A_566 : i32
      %add3A_568 = arith.constant 0 : i32
      %add3A_569 = arith.addi %mul3A_567, %add3A_568 : i32
      %dma_start3A_570 = arith.constant 1 : i32
      %dma_start3A_571 = arith.constant 0 : i32
      %dma_start3A_572 = arith.constant 0 : i32
      %dma_start3A_573 = arith.constant 0 : i32
      %dma_start3A_574 = tpu.memref_slice %arg9[%dma_start3A_570, %dma_start3A_571, %dma_start3A_572, %dma_start3A_573] : memref<2x8x128x32xf32, #tpu.memory_space<vmem>> -> memref<1x1x128x32xf32, #tpu.memory_space<vmem>>
      %dma_start3A_575 = tpu.memref_squeeze %dma_start3A_574 : memref<1x1x128x32xf32, #tpu.memory_space<vmem>> -> memref<128x32xf32, #tpu.memory_space<vmem>>
      %dma_start3A_576 = arith.constant 0 : i32
      %dma_start3A_577 = tpu.memref_slice %arg8[%add3A_569, %dma_start3A_576] : memref<80x128xi32, #tpu.memory_space<vmem>> -> memref<1x128xi32, #tpu.memory_space<vmem>>
      %dma_start3A_578 = tpu.memref_squeeze %dma_start3A_577 : memref<1x128xi32, #tpu.memory_space<vmem>> -> memref<128xi32, #tpu.memory_space<vmem>>
      %dma_start3A_579 = arith.constant 0 : i32
      %dma_start3A_580 = arith.constant 0 : i32
      %dma_start3A_581 = tpu.memref_slice %arg10[%dma_start3A_579, %dma_start3A_580] : memref<10112x32xf32, #tpu.memory_space<vmem_shared>> -> memref<10112x32xf32, #tpu.memory_space<vmem_shared>>
      tpu.enqueue_indirect_dma source(%dma_start3A_575 : memref<128x32xf32, #tpu.memory_space<vmem>>) target(%dma_start3A_581 : memref<10112x32xf32, #tpu.memory_space<vmem_shared>>) offsets(%dma_start3A_578 : memref<128xi32, #tpu.memory_space<vmem>>) semaphore(%arg13 : memref<!tpu.dma_semaphore, #tpu.memory_space<semaphore_mem>>) {add = true}
      %mul3A_582 = arith.constant 8 : i32
      %mul3A_583 = arith.muli %add3A_230, %mul3A_582 : i32
      %add3A_584 = arith.constant 1 : i32
      %add3A_585 = arith.addi %mul3A_583, %add3A_584 : i32
      %dma_start3A_586 = arith.constant 1 : i32
      %dma_start3A_587 = arith.constant 1 : i32
      %dma_start3A_588 = arith.constant 0 : i32
      %dma_start3A_589 = arith.constant 0 : i32
      %dma_start3A_590 = tpu.memref_slice %arg9[%dma_start3A_586, %dma_start3A_587, %dma_start3A_588, %dma_start3A_589] : memref<2x8x128x32xf32, #tpu.memory_space<vmem>> -> memref<1x1x128x32xf32, #tpu.memory_space<vmem>>
      %dma_start3A_591 = tpu.memref_squeeze %dma_start3A_590 : memref<1x1x128x32xf32, #tpu.memory_space<vmem>> -> memref<128x32xf32, #tpu.memory_space<vmem>>
      %dma_start3A_592 = arith.constant 0 : i32
      %dma_start3A_593 = tpu.memref_slice %arg8[%add3A_585, %dma_start3A_592] : memref<80x128xi32, #tpu.memory_space<vmem>> -> memref<1x128xi32, #tpu.memory_space<vmem>>
      %dma_start3A_594 = tpu.memref_squeeze %dma_start3A_593 : memref<1x128xi32, #tpu.memory_space<vmem>> -> memref<128xi32, #tpu.memory_space<vmem>>
      %dma_start3A_595 = arith.constant 0 : i32
      %dma_start3A_596 = arith.constant 0 : i32
      %dma_start3A_597 = tpu.memref_slice %arg10[%dma_start3A_595, %dma_start3A_596] : memref<10112x32xf32, #tpu.memory_space<vmem_shared>> -> memref<10112x32xf32, #tpu.memory_space<vmem_shared>>
      tpu.enqueue_indirect_dma source(%dma_start3A_591 : memref<128x32xf32, #tpu.memory_space<vmem>>) target(%dma_start3A_597 : memref<10112x32xf32, #tpu.memory_space<vmem_shared>>) offsets(%dma_start3A_594 : memref<128xi32, #tpu.memory_space<vmem>>) semaphore(%arg13 : memref<!tpu.dma_semaphore, #tpu.memory_space<semaphore_mem>>) {add = true}
      %mul3A_598 = arith.constant 8 : i32
      %mul3A_599 = arith.muli %add3A_230, %mul3A_598 : i32
      %add3A_600 = arith.constant 2 : i32
      %add3A_601 = arith.addi %mul3A_599, %add3A_600 : i32
      %dma_start3A_602 = arith.constant 1 : i32
      %dma_start3A_603 = arith.constant 2 : i32
      %dma_start3A_604 = arith.constant 0 : i32
      %dma_start3A_605 = arith.constant 0 : i32
      %dma_start3A_606 = tpu.memref_slice %arg9[%dma_start3A_602, %dma_start3A_603, %dma_start3A_604, %dma_start3A_605] : memref<2x8x128x32xf32, #tpu.memory_space<vmem>> -> memref<1x1x128x32xf32, #tpu.memory_space<vmem>>
      %dma_start3A_607 = tpu.memref_squeeze %dma_start3A_606 : memref<1x1x128x32xf32, #tpu.memory_space<vmem>> -> memref<128x32xf32, #tpu.memory_space<vmem>>
      %dma_start3A_608 = arith.constant 0 : i32
      %dma_start3A_609 = tpu.memref_slice %arg8[%add3A_601, %dma_start3A_608] : memref<80x128xi32, #tpu.memory_space<vmem>> -> memref<1x128xi32, #tpu.memory_space<vmem>>
      %dma_start3A_610 = tpu.memref_squeeze %dma_start3A_609 : memref<1x128xi32, #tpu.memory_space<vmem>> -> memref<128xi32, #tpu.memory_space<vmem>>
      %dma_start3A_611 = arith.constant 0 : i32
      %dma_start3A_612 = arith.constant 0 : i32
      %dma_start3A_613 = tpu.memref_slice %arg10[%dma_start3A_611, %dma_start3A_612] : memref<10112x32xf32, #tpu.memory_space<vmem_shared>> -> memref<10112x32xf32, #tpu.memory_space<vmem_shared>>
      tpu.enqueue_indirect_dma source(%dma_start3A_607 : memref<128x32xf32, #tpu.memory_space<vmem>>) target(%dma_start3A_613 : memref<10112x32xf32, #tpu.memory_space<vmem_shared>>) offsets(%dma_start3A_610 : memref<128xi32, #tpu.memory_space<vmem>>) semaphore(%arg13 : memref<!tpu.dma_semaphore, #tpu.memory_space<semaphore_mem>>) {add = true}
      %mul3A_614 = arith.constant 8 : i32
      %mul3A_615 = arith.muli %add3A_230, %mul3A_614 : i32
      %add3A_616 = arith.constant 3 : i32
      %add3A_617 = arith.addi %mul3A_615, %add3A_616 : i32
      %dma_start3A_618 = arith.constant 1 : i32
      %dma_start3A_619 = arith.constant 3 : i32
      %dma_start3A_620 = arith.constant 0 : i32
      %dma_start3A_621 = arith.constant 0 : i32
      %dma_start3A_622 = tpu.memref_slice %arg9[%dma_start3A_618, %dma_start3A_619, %dma_start3A_620, %dma_start3A_621] : memref<2x8x128x32xf32, #tpu.memory_space<vmem>> -> memref<1x1x128x32xf32, #tpu.memory_space<vmem>>
      %dma_start3A_623 = tpu.memref_squeeze %dma_start3A_622 : memref<1x1x128x32xf32, #tpu.memory_space<vmem>> -> memref<128x32xf32, #tpu.memory_space<vmem>>
      %dma_start3A_624 = arith.constant 0 : i32
      %dma_start3A_625 = tpu.memref_slice %arg8[%add3A_617, %dma_start3A_624] : memref<80x128xi32, #tpu.memory_space<vmem>> -> memref<1x128xi32, #tpu.memory_space<vmem>>
      %dma_start3A_626 = tpu.memref_squeeze %dma_start3A_625 : memref<1x128xi32, #tpu.memory_space<vmem>> -> memref<128xi32, #tpu.memory_space<vmem>>
      %dma_start3A_627 = arith.constant 0 : i32
      %dma_start3A_628 = arith.constant 0 : i32
      %dma_start3A_629 = tpu.memref_slice %arg10[%dma_start3A_627, %dma_start3A_628] : memref<10112x32xf32, #tpu.memory_space<vmem_shared>> -> memref<10112x32xf32, #tpu.memory_space<vmem_shared>>
      tpu.enqueue_indirect_dma source(%dma_start3A_623 : memref<128x32xf32, #tpu.memory_space<vmem>>) target(%dma_start3A_629 : memref<10112x32xf32, #tpu.memory_space<vmem_shared>>) offsets(%dma_start3A_626 : memref<128xi32, #tpu.memory_space<vmem>>) semaphore(%arg13 : memref<!tpu.dma_semaphore, #tpu.memory_space<semaphore_mem>>) {add = true}
      %mul3A_630 = arith.constant 8 : i32
      %mul3A_631 = arith.muli %add3A_230, %mul3A_630 : i32
      %add3A_632 = arith.constant 4 : i32
      %add3A_633 = arith.addi %mul3A_631, %add3A_632 : i32
      %dma_start3A_634 = arith.constant 1 : i32
      %dma_start3A_635 = arith.constant 4 : i32
      %dma_start3A_636 = arith.constant 0 : i32
      %dma_start3A_637 = arith.constant 0 : i32
      %dma_start3A_638 = tpu.memref_slice %arg9[%dma_start3A_634, %dma_start3A_635, %dma_start3A_636, %dma_start3A_637] : memref<2x8x128x32xf32, #tpu.memory_space<vmem>> -> memref<1x1x128x32xf32, #tpu.memory_space<vmem>>
      %dma_start3A_639 = tpu.memref_squeeze %dma_start3A_638 : memref<1x1x128x32xf32, #tpu.memory_space<vmem>> -> memref<128x32xf32, #tpu.memory_space<vmem>>
      %dma_start3A_640 = arith.constant 0 : i32
      %dma_start3A_641 = tpu.memref_slice %arg8[%add3A_633, %dma_start3A_640] : memref<80x128xi32, #tpu.memory_space<vmem>> -> memref<1x128xi32, #tpu.memory_space<vmem>>
      %dma_start3A_642 = tpu.memref_squeeze %dma_start3A_641 : memref<1x128xi32, #tpu.memory_space<vmem>> -> memref<128xi32, #tpu.memory_space<vmem>>
      %dma_start3A_643 = arith.constant 0 : i32
      %dma_start3A_644 = arith.constant 0 : i32
      %dma_start3A_645 = tpu.memref_slice %arg10[%dma_start3A_643, %dma_start3A_644] : memref<10112x32xf32, #tpu.memory_space<vmem_shared>> -> memref<10112x32xf32, #tpu.memory_space<vmem_shared>>
      tpu.enqueue_indirect_dma source(%dma_start3A_639 : memref<128x32xf32, #tpu.memory_space<vmem>>) target(%dma_start3A_645 : memref<10112x32xf32, #tpu.memory_space<vmem_shared>>) offsets(%dma_start3A_642 : memref<128xi32, #tpu.memory_space<vmem>>) semaphore(%arg13 : memref<!tpu.dma_semaphore, #tpu.memory_space<semaphore_mem>>) {add = true}
      %mul3A_646 = arith.constant 8 : i32
      %mul3A_647 = arith.muli %add3A_230, %mul3A_646 : i32
      %add3A_648 = arith.constant 5 : i32
      %add3A_649 = arith.addi %mul3A_647, %add3A_648 : i32
      %dma_start3A_650 = arith.constant 1 : i32
      %dma_start3A_651 = arith.constant 5 : i32
      %dma_start3A_652 = arith.constant 0 : i32
      %dma_start3A_653 = arith.constant 0 : i32
      %dma_start3A_654 = tpu.memref_slice %arg9[%dma_start3A_650, %dma_start3A_651, %dma_start3A_652, %dma_start3A_653] : memref<2x8x128x32xf32, #tpu.memory_space<vmem>> -> memref<1x1x128x32xf32, #tpu.memory_space<vmem>>
      %dma_start3A_655 = tpu.memref_squeeze %dma_start3A_654 : memref<1x1x128x32xf32, #tpu.memory_space<vmem>> -> memref<128x32xf32, #tpu.memory_space<vmem>>
      %dma_start3A_656 = arith.constant 0 : i32
      %dma_start3A_657 = tpu.memref_slice %arg8[%add3A_649, %dma_start3A_656] : memref<80x128xi32, #tpu.memory_space<vmem>> -> memref<1x128xi32, #tpu.memory_space<vmem>>
      %dma_start3A_658 = tpu.memref_squeeze %dma_start3A_657 : memref<1x128xi32, #tpu.memory_space<vmem>> -> memref<128xi32, #tpu.memory_space<vmem>>
      %dma_start3A_659 = arith.constant 0 : i32
      %dma_start3A_660 = arith.constant 0 : i32
      %dma_start3A_661 = tpu.memref_slice %arg10[%dma_start3A_659, %dma_start3A_660] : memref<10112x32xf32, #tpu.memory_space<vmem_shared>> -> memref<10112x32xf32, #tpu.memory_space<vmem_shared>>
      tpu.enqueue_indirect_dma source(%dma_start3A_655 : memref<128x32xf32, #tpu.memory_space<vmem>>) target(%dma_start3A_661 : memref<10112x32xf32, #tpu.memory_space<vmem_shared>>) offsets(%dma_start3A_658 : memref<128xi32, #tpu.memory_space<vmem>>) semaphore(%arg13 : memref<!tpu.dma_semaphore, #tpu.memory_space<semaphore_mem>>) {add = true}
      %mul3A_662 = arith.constant 8 : i32
      %mul3A_663 = arith.muli %add3A_230, %mul3A_662 : i32
      %add3A_664 = arith.constant 6 : i32
      %add3A_665 = arith.addi %mul3A_663, %add3A_664 : i32
      %dma_start3A_666 = arith.constant 1 : i32
      %dma_start3A_667 = arith.constant 6 : i32
      %dma_start3A_668 = arith.constant 0 : i32
      %dma_start3A_669 = arith.constant 0 : i32
      %dma_start3A_670 = tpu.memref_slice %arg9[%dma_start3A_666, %dma_start3A_667, %dma_start3A_668, %dma_start3A_669] : memref<2x8x128x32xf32, #tpu.memory_space<vmem>> -> memref<1x1x128x32xf32, #tpu.memory_space<vmem>>
      %dma_start3A_671 = tpu.memref_squeeze %dma_start3A_670 : memref<1x1x128x32xf32, #tpu.memory_space<vmem>> -> memref<128x32xf32, #tpu.memory_space<vmem>>
      %dma_start3A_672 = arith.constant 0 : i32
      %dma_start3A_673 = tpu.memref_slice %arg8[%add3A_665, %dma_start3A_672] : memref<80x128xi32, #tpu.memory_space<vmem>> -> memref<1x128xi32, #tpu.memory_space<vmem>>
      %dma_start3A_674 = tpu.memref_squeeze %dma_start3A_673 : memref<1x128xi32, #tpu.memory_space<vmem>> -> memref<128xi32, #tpu.memory_space<vmem>>
      %dma_start3A_675 = arith.constant 0 : i32
      %dma_start3A_676 = arith.constant 0 : i32
      %dma_start3A_677 = tpu.memref_slice %arg10[%dma_start3A_675, %dma_start3A_676] : memref<10112x32xf32, #tpu.memory_space<vmem_shared>> -> memref<10112x32xf32, #tpu.memory_space<vmem_shared>>
      tpu.enqueue_indirect_dma source(%dma_start3A_671 : memref<128x32xf32, #tpu.memory_space<vmem>>) target(%dma_start3A_677 : memref<10112x32xf32, #tpu.memory_space<vmem_shared>>) offsets(%dma_start3A_674 : memref<128xi32, #tpu.memory_space<vmem>>) semaphore(%arg13 : memref<!tpu.dma_semaphore, #tpu.memory_space<semaphore_mem>>) {add = true}
      %mul3A_678 = arith.constant 8 : i32
      %mul3A_679 = arith.muli %add3A_230, %mul3A_678 : i32
      %add3A_680 = arith.constant 7 : i32
      %add3A_681 = arith.addi %mul3A_679, %add3A_680 : i32
      %dma_start3A_682 = arith.constant 1 : i32
      %dma_start3A_683 = arith.constant 7 : i32
      %dma_start3A_684 = arith.constant 0 : i32
      %dma_start3A_685 = arith.constant 0 : i32
      %dma_start3A_686 = tpu.memref_slice %arg9[%dma_start3A_682, %dma_start3A_683, %dma_start3A_684, %dma_start3A_685] : memref<2x8x128x32xf32, #tpu.memory_space<vmem>> -> memref<1x1x128x32xf32, #tpu.memory_space<vmem>>
      %dma_start3A_687 = tpu.memref_squeeze %dma_start3A_686 : memref<1x1x128x32xf32, #tpu.memory_space<vmem>> -> memref<128x32xf32, #tpu.memory_space<vmem>>
      %dma_start3A_688 = arith.constant 0 : i32
      %dma_start3A_689 = tpu.memref_slice %arg8[%add3A_681, %dma_start3A_688] : memref<80x128xi32, #tpu.memory_space<vmem>> -> memref<1x128xi32, #tpu.memory_space<vmem>>
      %dma_start3A_690 = tpu.memref_squeeze %dma_start3A_689 : memref<1x128xi32, #tpu.memory_space<vmem>> -> memref<128xi32, #tpu.memory_space<vmem>>
      %dma_start3A_691 = arith.constant 0 : i32
      %dma_start3A_692 = arith.constant 0 : i32
      %dma_start3A_693 = tpu.memref_slice %arg10[%dma_start3A_691, %dma_start3A_692] : memref<10112x32xf32, #tpu.memory_space<vmem_shared>> -> memref<10112x32xf32, #tpu.memory_space<vmem_shared>>
      tpu.enqueue_indirect_dma source(%dma_start3A_687 : memref<128x32xf32, #tpu.memory_space<vmem>>) target(%dma_start3A_693 : memref<10112x32xf32, #tpu.memory_space<vmem_shared>>) offsets(%dma_start3A_690 : memref<128xi32, #tpu.memory_space<vmem>>) semaphore(%arg13 : memref<!tpu.dma_semaphore, #tpu.memory_space<semaphore_mem>>) {add = true}
      %mul3A_694 = arith.constant 8 : i32
      %mul3A_695 = arith.muli %mul3A_228, %mul3A_694 : i32
      %add3A_696 = arith.constant 0 : i32
      %add3A_697 = arith.addi %mul3A_695, %add3A_696 : i32
      %dma_wait3A_698 = arith.constant 0 : i32
      %dma_wait3A_699 = arith.constant 0 : i32
      %dma_wait3A_700 = arith.constant 0 : i32
      %dma_wait3A_701 = arith.constant 0 : i32
      %dma_wait3A_702 = tpu.memref_slice %arg9[%dma_wait3A_698, %dma_wait3A_699, %dma_wait3A_700, %dma_wait3A_701] : memref<2x8x128x32xf32, #tpu.memory_space<vmem>> -> memref<1x1x128x32xf32, #tpu.memory_space<vmem>>
      %dma_wait3A_703 = tpu.memref_squeeze %dma_wait3A_702 : memref<1x1x128x32xf32, #tpu.memory_space<vmem>> -> memref<128x32xf32, #tpu.memory_space<vmem>>
      %dma_wait3A_704 = arith.constant 0 : i32
      %dma_wait3A_705 = tpu.memref_slice %arg8[%add3A_697, %dma_wait3A_704] : memref<80x128xi32, #tpu.memory_space<vmem>> -> memref<1x128xi32, #tpu.memory_space<vmem>>
      %dma_wait3A_706 = tpu.memref_squeeze %dma_wait3A_705 : memref<1x128xi32, #tpu.memory_space<vmem>> -> memref<128xi32, #tpu.memory_space<vmem>>
      %dma_wait3A_707 = arith.constant 0 : i32
      %dma_wait3A_708 = arith.constant 0 : i32
      %dma_wait3A_709 = tpu.memref_slice %arg10[%dma_wait3A_707, %dma_wait3A_708] : memref<10112x32xf32, #tpu.memory_space<vmem_shared>> -> memref<10112x32xf32, #tpu.memory_space<vmem_shared>>
      tpu.wait_indirect_dma semaphore(%arg13 : memref<!tpu.dma_semaphore, #tpu.memory_space<semaphore_mem>>) src(%dma_wait3A_703 : memref<128x32xf32, #tpu.memory_space<vmem>>) dst(%dma_wait3A_709 : memref<10112x32xf32, #tpu.memory_space<vmem_shared>>)
      %mul3A_710 = arith.constant 8 : i32
      %mul3A_711 = arith.muli %mul3A_228, %mul3A_710 : i32
      %add3A_712 = arith.constant 1 : i32
      %add3A_713 = arith.addi %mul3A_711, %add3A_712 : i32
      %dma_wait3A_714 = arith.constant 0 : i32
      %dma_wait3A_715 = arith.constant 1 : i32
      %dma_wait3A_716 = arith.constant 0 : i32
      %dma_wait3A_717 = arith.constant 0 : i32
      %dma_wait3A_718 = tpu.memref_slice %arg9[%dma_wait3A_714, %dma_wait3A_715, %dma_wait3A_716, %dma_wait3A_717] : memref<2x8x128x32xf32, #tpu.memory_space<vmem>> -> memref<1x1x128x32xf32, #tpu.memory_space<vmem>>
      %dma_wait3A_719 = tpu.memref_squeeze %dma_wait3A_718 : memref<1x1x128x32xf32, #tpu.memory_space<vmem>> -> memref<128x32xf32, #tpu.memory_space<vmem>>
      %dma_wait3A_720 = arith.constant 0 : i32
      %dma_wait3A_721 = tpu.memref_slice %arg8[%add3A_713, %dma_wait3A_720] : memref<80x128xi32, #tpu.memory_space<vmem>> -> memref<1x128xi32, #tpu.memory_space<vmem>>
      %dma_wait3A_722 = tpu.memref_squeeze %dma_wait3A_721 : memref<1x128xi32, #tpu.memory_space<vmem>> -> memref<128xi32, #tpu.memory_space<vmem>>
      %dma_wait3A_723 = arith.constant 0 : i32
      %dma_wait3A_724 = arith.constant 0 : i32
      %dma_wait3A_725 = tpu.memref_slice %arg10[%dma_wait3A_723, %dma_wait3A_724] : memref<10112x32xf32, #tpu.memory_space<vmem_shared>> -> memref<10112x32xf32, #tpu.memory_space<vmem_shared>>
      tpu.wait_indirect_dma semaphore(%arg13 : memref<!tpu.dma_semaphore, #tpu.memory_space<semaphore_mem>>) src(%dma_wait3A_719 : memref<128x32xf32, #tpu.memory_space<vmem>>) dst(%dma_wait3A_725 : memref<10112x32xf32, #tpu.memory_space<vmem_shared>>)
      %mul3A_726 = arith.constant 8 : i32
      %mul3A_727 = arith.muli %mul3A_228, %mul3A_726 : i32
      %add3A_728 = arith.constant 2 : i32
      %add3A_729 = arith.addi %mul3A_727, %add3A_728 : i32
      %dma_wait3A_730 = arith.constant 0 : i32
      %dma_wait3A_731 = arith.constant 2 : i32
      %dma_wait3A_732 = arith.constant 0 : i32
      %dma_wait3A_733 = arith.constant 0 : i32
      %dma_wait3A_734 = tpu.memref_slice %arg9[%dma_wait3A_730, %dma_wait3A_731, %dma_wait3A_732, %dma_wait3A_733] : memref<2x8x128x32xf32, #tpu.memory_space<vmem>> -> memref<1x1x128x32xf32, #tpu.memory_space<vmem>>
      %dma_wait3A_735 = tpu.memref_squeeze %dma_wait3A_734 : memref<1x1x128x32xf32, #tpu.memory_space<vmem>> -> memref<128x32xf32, #tpu.memory_space<vmem>>
      %dma_wait3A_736 = arith.constant 0 : i32
      %dma_wait3A_737 = tpu.memref_slice %arg8[%add3A_729, %dma_wait3A_736] : memref<80x128xi32, #tpu.memory_space<vmem>> -> memref<1x128xi32, #tpu.memory_space<vmem>>
      %dma_wait3A_738 = tpu.memref_squeeze %dma_wait3A_737 : memref<1x128xi32, #tpu.memory_space<vmem>> -> memref<128xi32, #tpu.memory_space<vmem>>
      %dma_wait3A_739 = arith.constant 0 : i32
      %dma_wait3A_740 = arith.constant 0 : i32
      %dma_wait3A_741 = tpu.memref_slice %arg10[%dma_wait3A_739, %dma_wait3A_740] : memref<10112x32xf32, #tpu.memory_space<vmem_shared>> -> memref<10112x32xf32, #tpu.memory_space<vmem_shared>>
      tpu.wait_indirect_dma semaphore(%arg13 : memref<!tpu.dma_semaphore, #tpu.memory_space<semaphore_mem>>) src(%dma_wait3A_735 : memref<128x32xf32, #tpu.memory_space<vmem>>) dst(%dma_wait3A_741 : memref<10112x32xf32, #tpu.memory_space<vmem_shared>>)
      %mul3A_742 = arith.constant 8 : i32
      %mul3A_743 = arith.muli %mul3A_228, %mul3A_742 : i32
      %add3A_744 = arith.constant 3 : i32
      %add3A_745 = arith.addi %mul3A_743, %add3A_744 : i32
      %dma_wait3A_746 = arith.constant 0 : i32
      %dma_wait3A_747 = arith.constant 3 : i32
      %dma_wait3A_748 = arith.constant 0 : i32
      %dma_wait3A_749 = arith.constant 0 : i32
      %dma_wait3A_750 = tpu.memref_slice %arg9[%dma_wait3A_746, %dma_wait3A_747, %dma_wait3A_748, %dma_wait3A_749] : memref<2x8x128x32xf32, #tpu.memory_space<vmem>> -> memref<1x1x128x32xf32, #tpu.memory_space<vmem>>
      %dma_wait3A_751 = tpu.memref_squeeze %dma_wait3A_750 : memref<1x1x128x32xf32, #tpu.memory_space<vmem>> -> memref<128x32xf32, #tpu.memory_space<vmem>>
      %dma_wait3A_752 = arith.constant 0 : i32
      %dma_wait3A_753 = tpu.memref_slice %arg8[%add3A_745, %dma_wait3A_752] : memref<80x128xi32, #tpu.memory_space<vmem>> -> memref<1x128xi32, #tpu.memory_space<vmem>>
      %dma_wait3A_754 = tpu.memref_squeeze %dma_wait3A_753 : memref<1x128xi32, #tpu.memory_space<vmem>> -> memref<128xi32, #tpu.memory_space<vmem>>
      %dma_wait3A_755 = arith.constant 0 : i32
      %dma_wait3A_756 = arith.constant 0 : i32
      %dma_wait3A_757 = tpu.memref_slice %arg10[%dma_wait3A_755, %dma_wait3A_756] : memref<10112x32xf32, #tpu.memory_space<vmem_shared>> -> memref<10112x32xf32, #tpu.memory_space<vmem_shared>>
      tpu.wait_indirect_dma semaphore(%arg13 : memref<!tpu.dma_semaphore, #tpu.memory_space<semaphore_mem>>) src(%dma_wait3A_751 : memref<128x32xf32, #tpu.memory_space<vmem>>) dst(%dma_wait3A_757 : memref<10112x32xf32, #tpu.memory_space<vmem_shared>>)
      %mul3A_758 = arith.constant 8 : i32
      %mul3A_759 = arith.muli %mul3A_228, %mul3A_758 : i32
      %add3A_760 = arith.constant 4 : i32
      %add3A_761 = arith.addi %mul3A_759, %add3A_760 : i32
      %dma_wait3A_762 = arith.constant 0 : i32
      %dma_wait3A_763 = arith.constant 4 : i32
      %dma_wait3A_764 = arith.constant 0 : i32
      %dma_wait3A_765 = arith.constant 0 : i32
      %dma_wait3A_766 = tpu.memref_slice %arg9[%dma_wait3A_762, %dma_wait3A_763, %dma_wait3A_764, %dma_wait3A_765] : memref<2x8x128x32xf32, #tpu.memory_space<vmem>> -> memref<1x1x128x32xf32, #tpu.memory_space<vmem>>
      %dma_wait3A_767 = tpu.memref_squeeze %dma_wait3A_766 : memref<1x1x128x32xf32, #tpu.memory_space<vmem>> -> memref<128x32xf32, #tpu.memory_space<vmem>>
      %dma_wait3A_768 = arith.constant 0 : i32
      %dma_wait3A_769 = tpu.memref_slice %arg8[%add3A_761, %dma_wait3A_768] : memref<80x128xi32, #tpu.memory_space<vmem>> -> memref<1x128xi32, #tpu.memory_space<vmem>>
      %dma_wait3A_770 = tpu.memref_squeeze %dma_wait3A_769 : memref<1x128xi32, #tpu.memory_space<vmem>> -> memref<128xi32, #tpu.memory_space<vmem>>
      %dma_wait3A_771 = arith.constant 0 : i32
      %dma_wait3A_772 = arith.constant 0 : i32
      %dma_wait3A_773 = tpu.memref_slice %arg10[%dma_wait3A_771, %dma_wait3A_772] : memref<10112x32xf32, #tpu.memory_space<vmem_shared>> -> memref<10112x32xf32, #tpu.memory_space<vmem_shared>>
      tpu.wait_indirect_dma semaphore(%arg13 : memref<!tpu.dma_semaphore, #tpu.memory_space<semaphore_mem>>) src(%dma_wait3A_767 : memref<128x32xf32, #tpu.memory_space<vmem>>) dst(%dma_wait3A_773 : memref<10112x32xf32, #tpu.memory_space<vmem_shared>>)
      %mul3A_774 = arith.constant 8 : i32
      %mul3A_775 = arith.muli %mul3A_228, %mul3A_774 : i32
      %add3A_776 = arith.constant 5 : i32
      %add3A_777 = arith.addi %mul3A_775, %add3A_776 : i32
      %dma_wait3A_778 = arith.constant 0 : i32
      %dma_wait3A_779 = arith.constant 5 : i32
      %dma_wait3A_780 = arith.constant 0 : i32
      %dma_wait3A_781 = arith.constant 0 : i32
      %dma_wait3A_782 = tpu.memref_slice %arg9[%dma_wait3A_778, %dma_wait3A_779, %dma_wait3A_780, %dma_wait3A_781] : memref<2x8x128x32xf32, #tpu.memory_space<vmem>> -> memref<1x1x128x32xf32, #tpu.memory_space<vmem>>
      %dma_wait3A_783 = tpu.memref_squeeze %dma_wait3A_782 : memref<1x1x128x32xf32, #tpu.memory_space<vmem>> -> memref<128x32xf32, #tpu.memory_space<vmem>>
      %dma_wait3A_784 = arith.constant 0 : i32
      %dma_wait3A_785 = tpu.memref_slice %arg8[%add3A_777, %dma_wait3A_784] : memref<80x128xi32, #tpu.memory_space<vmem>> -> memref<1x128xi32, #tpu.memory_space<vmem>>
      %dma_wait3A_786 = tpu.memref_squeeze %dma_wait3A_785 : memref<1x128xi32, #tpu.memory_space<vmem>> -> memref<128xi32, #tpu.memory_space<vmem>>
      %dma_wait3A_787 = arith.constant 0 : i32
      %dma_wait3A_788 = arith.constant 0 : i32
      %dma_wait3A_789 = tpu.memref_slice %arg10[%dma_wait3A_787, %dma_wait3A_788] : memref<10112x32xf32, #tpu.memory_space<vmem_shared>> -> memref<10112x32xf32, #tpu.memory_space<vmem_shared>>
      tpu.wait_indirect_dma semaphore(%arg13 : memref<!tpu.dma_semaphore, #tpu.memory_space<semaphore_mem>>) src(%dma_wait3A_783 : memref<128x32xf32, #tpu.memory_space<vmem>>) dst(%dma_wait3A_789 : memref<10112x32xf32, #tpu.memory_space<vmem_shared>>)
      %mul3A_790 = arith.constant 8 : i32
      %mul3A_791 = arith.muli %mul3A_228, %mul3A_790 : i32
      %add3A_792 = arith.constant 6 : i32
      %add3A_793 = arith.addi %mul3A_791, %add3A_792 : i32
      %dma_wait3A_794 = arith.constant 0 : i32
      %dma_wait3A_795 = arith.constant 6 : i32
      %dma_wait3A_796 = arith.constant 0 : i32
      %dma_wait3A_797 = arith.constant 0 : i32
      %dma_wait3A_798 = tpu.memref_slice %arg9[%dma_wait3A_794, %dma_wait3A_795, %dma_wait3A_796, %dma_wait3A_797] : memref<2x8x128x32xf32, #tpu.memory_space<vmem>> -> memref<1x1x128x32xf32, #tpu.memory_space<vmem>>
      %dma_wait3A_799 = tpu.memref_squeeze %dma_wait3A_798 : memref<1x1x128x32xf32, #tpu.memory_space<vmem>> -> memref<128x32xf32, #tpu.memory_space<vmem>>
      %dma_wait3A_800 = arith.constant 0 : i32
      %dma_wait3A_801 = tpu.memref_slice %arg8[%add3A_793, %dma_wait3A_800] : memref<80x128xi32, #tpu.memory_space<vmem>> -> memref<1x128xi32, #tpu.memory_space<vmem>>
      %dma_wait3A_802 = tpu.memref_squeeze %dma_wait3A_801 : memref<1x128xi32, #tpu.memory_space<vmem>> -> memref<128xi32, #tpu.memory_space<vmem>>
      %dma_wait3A_803 = arith.constant 0 : i32
      %dma_wait3A_804 = arith.constant 0 : i32
      %dma_wait3A_805 = tpu.memref_slice %arg10[%dma_wait3A_803, %dma_wait3A_804] : memref<10112x32xf32, #tpu.memory_space<vmem_shared>> -> memref<10112x32xf32, #tpu.memory_space<vmem_shared>>
      tpu.wait_indirect_dma semaphore(%arg13 : memref<!tpu.dma_semaphore, #tpu.memory_space<semaphore_mem>>) src(%dma_wait3A_799 : memref<128x32xf32, #tpu.memory_space<vmem>>) dst(%dma_wait3A_805 : memref<10112x32xf32, #tpu.memory_space<vmem_shared>>)
      %mul3A_806 = arith.constant 8 : i32
      %mul3A_807 = arith.muli %mul3A_228, %mul3A_806 : i32
      %add3A_808 = arith.constant 7 : i32
      %add3A_809 = arith.addi %mul3A_807, %add3A_808 : i32
      %dma_wait3A_810 = arith.constant 0 : i32
      %dma_wait3A_811 = arith.constant 7 : i32
      %dma_wait3A_812 = arith.constant 0 : i32
      %dma_wait3A_813 = arith.constant 0 : i32
      %dma_wait3A_814 = tpu.memref_slice %arg9[%dma_wait3A_810, %dma_wait3A_811, %dma_wait3A_812, %dma_wait3A_813] : memref<2x8x128x32xf32, #tpu.memory_space<vmem>> -> memref<1x1x128x32xf32, #tpu.memory_space<vmem>>
      %dma_wait3A_815 = tpu.memref_squeeze %dma_wait3A_814 : memref<1x1x128x32xf32, #tpu.memory_space<vmem>> -> memref<128x32xf32, #tpu.memory_space<vmem>>
      %dma_wait3A_816 = arith.constant 0 : i32
      %dma_wait3A_817 = tpu.memref_slice %arg8[%add3A_809, %dma_wait3A_816] : memref<80x128xi32, #tpu.memory_space<vmem>> -> memref<1x128xi32, #tpu.memory_space<vmem>>
      %dma_wait3A_818 = tpu.memref_squeeze %dma_wait3A_817 : memref<1x128xi32, #tpu.memory_space<vmem>> -> memref<128xi32, #tpu.memory_space<vmem>>
      %dma_wait3A_819 = arith.constant 0 : i32
      %dma_wait3A_820 = arith.constant 0 : i32
      %dma_wait3A_821 = tpu.memref_slice %arg10[%dma_wait3A_819, %dma_wait3A_820] : memref<10112x32xf32, #tpu.memory_space<vmem_shared>> -> memref<10112x32xf32, #tpu.memory_space<vmem_shared>>
      tpu.wait_indirect_dma semaphore(%arg13 : memref<!tpu.dma_semaphore, #tpu.memory_space<semaphore_mem>>) src(%dma_wait3A_815 : memref<128x32xf32, #tpu.memory_space<vmem>>) dst(%dma_wait3A_821 : memref<10112x32xf32, #tpu.memory_space<vmem_shared>>)
      %add3A_822 = arith.constant 2 : i32
      %add3A_823 = arith.addi %mul3A_228, %add3A_822 : i32
      %lt3A = arith.constant 10 : i32
      %lt3A_824 = arith.cmpi slt, %add3A_823, %lt3A : i32
      %convert_element_type3A_825 = arith.extui %lt3A_824 : i1 to i32
      %cond3A_826 = arith.constant 0 : i32
      %cond3A_827 = arith.cmpi ne, %convert_element_type3A_825, %cond3A_826 : i32
      scf.if %cond3A_827 {
        %add3A_963 = arith.constant 2 : i32
        %add3A_964 = arith.addi %mul3A_228, %add3A_963 : i32
        %mul3A_965 = arith.constant 8 : i32
        %mul3A_966 = arith.muli %add3A_964, %mul3A_965 : i32
        %add3A_967 = arith.constant 0 : i32
        %add3A_968 = arith.addi %mul3A_966, %add3A_967 : i32
        %dma_start3A_969 = arith.constant 0 : i32
        %dma_start3A_970 = arith.constant 0 : i32
        %dma_start3A_971 = arith.constant 0 : i32
        %dma_start3A_972 = arith.constant 0 : i32
        %dma_start3A_973 = tpu.memref_slice %arg9[%dma_start3A_969, %dma_start3A_970, %dma_start3A_971, %dma_start3A_972] : memref<2x8x128x32xf32, #tpu.memory_space<vmem>> -> memref<1x1x128x32xf32, #tpu.memory_space<vmem>>
        %dma_start3A_974 = tpu.memref_squeeze %dma_start3A_973 : memref<1x1x128x32xf32, #tpu.memory_space<vmem>> -> memref<128x32xf32, #tpu.memory_space<vmem>>
        %dma_start3A_975 = arith.constant 0 : i32
        %dma_start3A_976 = tpu.memref_slice %arg7[%add3A_968, %dma_start3A_975] : memref<80x128xi32, #tpu.memory_space<vmem>> -> memref<1x128xi32, #tpu.memory_space<vmem>>
        %dma_start3A_977 = tpu.memref_squeeze %dma_start3A_976 : memref<1x128xi32, #tpu.memory_space<vmem>> -> memref<128xi32, #tpu.memory_space<vmem>>
        %dma_start3A_978 = arith.constant 0 : i32
        %dma_start3A_979 = arith.constant 0 : i32
        %dma_start3A_980 = tpu.memref_slice %arg11[%dma_start3A_978, %dma_start3A_979] : memref<10112x32xf32, #tpu.memory_space<vmem_shared>> -> memref<10112x32xf32, #tpu.memory_space<vmem_shared>>
        tpu.enqueue_indirect_dma source(%dma_start3A_980 : memref<10112x32xf32, #tpu.memory_space<vmem_shared>>) target(%dma_start3A_974 : memref<128x32xf32, #tpu.memory_space<vmem>>) offsets(%dma_start3A_977 : memref<128xi32, #tpu.memory_space<vmem>>) semaphore(%arg12 : memref<!tpu.dma_semaphore, #tpu.memory_space<semaphore_mem>>)
        %mul3A_981 = arith.constant 8 : i32
        %mul3A_982 = arith.muli %add3A_964, %mul3A_981 : i32
        %add3A_983 = arith.constant 1 : i32
        %add3A_984 = arith.addi %mul3A_982, %add3A_983 : i32
        %dma_start3A_985 = arith.constant 0 : i32
        %dma_start3A_986 = arith.constant 1 : i32
        %dma_start3A_987 = arith.constant 0 : i32
        %dma_start3A_988 = arith.constant 0 : i32
        %dma_start3A_989 = tpu.memref_slice %arg9[%dma_start3A_985, %dma_start3A_986, %dma_start3A_987, %dma_start3A_988] : memref<2x8x128x32xf32, #tpu.memory_space<vmem>> -> memref<1x1x128x32xf32, #tpu.memory_space<vmem>>
        %dma_start3A_990 = tpu.memref_squeeze %dma_start3A_989 : memref<1x1x128x32xf32, #tpu.memory_space<vmem>> -> memref<128x32xf32, #tpu.memory_space<vmem>>
        %dma_start3A_991 = arith.constant 0 : i32
        %dma_start3A_992 = tpu.memref_slice %arg7[%add3A_984, %dma_start3A_991] : memref<80x128xi32, #tpu.memory_space<vmem>> -> memref<1x128xi32, #tpu.memory_space<vmem>>
        %dma_start3A_993 = tpu.memref_squeeze %dma_start3A_992 : memref<1x128xi32, #tpu.memory_space<vmem>> -> memref<128xi32, #tpu.memory_space<vmem>>
        %dma_start3A_994 = arith.constant 0 : i32
        %dma_start3A_995 = arith.constant 0 : i32
        %dma_start3A_996 = tpu.memref_slice %arg11[%dma_start3A_994, %dma_start3A_995] : memref<10112x32xf32, #tpu.memory_space<vmem_shared>> -> memref<10112x32xf32, #tpu.memory_space<vmem_shared>>
        tpu.enqueue_indirect_dma source(%dma_start3A_996 : memref<10112x32xf32, #tpu.memory_space<vmem_shared>>) target(%dma_start3A_990 : memref<128x32xf32, #tpu.memory_space<vmem>>) offsets(%dma_start3A_993 : memref<128xi32, #tpu.memory_space<vmem>>) semaphore(%arg12 : memref<!tpu.dma_semaphore, #tpu.memory_space<semaphore_mem>>)
        %mul3A_997 = arith.constant 8 : i32
        %mul3A_998 = arith.muli %add3A_964, %mul3A_997 : i32
        %add3A_999 = arith.constant 2 : i32
        %add3A_1000 = arith.addi %mul3A_998, %add3A_999 : i32
        %dma_start3A_1001 = arith.constant 0 : i32
        %dma_start3A_1002 = arith.constant 2 : i32
        %dma_start3A_1003 = arith.constant 0 : i32
        %dma_start3A_1004 = arith.constant 0 : i32
        %dma_start3A_1005 = tpu.memref_slice %arg9[%dma_start3A_1001, %dma_start3A_1002, %dma_start3A_1003, %dma_start3A_1004] : memref<2x8x128x32xf32, #tpu.memory_space<vmem>> -> memref<1x1x128x32xf32, #tpu.memory_space<vmem>>
        %dma_start3A_1006 = tpu.memref_squeeze %dma_start3A_1005 : memref<1x1x128x32xf32, #tpu.memory_space<vmem>> -> memref<128x32xf32, #tpu.memory_space<vmem>>
        %dma_start3A_1007 = arith.constant 0 : i32
        %dma_start3A_1008 = tpu.memref_slice %arg7[%add3A_1000, %dma_start3A_1007] : memref<80x128xi32, #tpu.memory_space<vmem>> -> memref<1x128xi32, #tpu.memory_space<vmem>>
        %dma_start3A_1009 = tpu.memref_squeeze %dma_start3A_1008 : memref<1x128xi32, #tpu.memory_space<vmem>> -> memref<128xi32, #tpu.memory_space<vmem>>
        %dma_start3A_1010 = arith.constant 0 : i32
        %dma_start3A_1011 = arith.constant 0 : i32
        %dma_start3A_1012 = tpu.memref_slice %arg11[%dma_start3A_1010, %dma_start3A_1011] : memref<10112x32xf32, #tpu.memory_space<vmem_shared>> -> memref<10112x32xf32, #tpu.memory_space<vmem_shared>>
        tpu.enqueue_indirect_dma source(%dma_start3A_1012 : memref<10112x32xf32, #tpu.memory_space<vmem_shared>>) target(%dma_start3A_1006 : memref<128x32xf32, #tpu.memory_space<vmem>>) offsets(%dma_start3A_1009 : memref<128xi32, #tpu.memory_space<vmem>>) semaphore(%arg12 : memref<!tpu.dma_semaphore, #tpu.memory_space<semaphore_mem>>)
        %mul3A_1013 = arith.constant 8 : i32
        %mul3A_1014 = arith.muli %add3A_964, %mul3A_1013 : i32
        %add3A_1015 = arith.constant 3 : i32
        %add3A_1016 = arith.addi %mul3A_1014, %add3A_1015 : i32
        %dma_start3A_1017 = arith.constant 0 : i32
        %dma_start3A_1018 = arith.constant 3 : i32
        %dma_start3A_1019 = arith.constant 0 : i32
        %dma_start3A_1020 = arith.constant 0 : i32
        %dma_start3A_1021 = tpu.memref_slice %arg9[%dma_start3A_1017, %dma_start3A_1018, %dma_start3A_1019, %dma_start3A_1020] : memref<2x8x128x32xf32, #tpu.memory_space<vmem>> -> memref<1x1x128x32xf32, #tpu.memory_space<vmem>>
        %dma_start3A_1022 = tpu.memref_squeeze %dma_start3A_1021 : memref<1x1x128x32xf32, #tpu.memory_space<vmem>> -> memref<128x32xf32, #tpu.memory_space<vmem>>
        %dma_start3A_1023 = arith.constant 0 : i32
        %dma_start3A_1024 = tpu.memref_slice %arg7[%add3A_1016, %dma_start3A_1023] : memref<80x128xi32, #tpu.memory_space<vmem>> -> memref<1x128xi32, #tpu.memory_space<vmem>>
        %dma_start3A_1025 = tpu.memref_squeeze %dma_start3A_1024 : memref<1x128xi32, #tpu.memory_space<vmem>> -> memref<128xi32, #tpu.memory_space<vmem>>
        %dma_start3A_1026 = arith.constant 0 : i32
        %dma_start3A_1027 = arith.constant 0 : i32
        %dma_start3A_1028 = tpu.memref_slice %arg11[%dma_start3A_1026, %dma_start3A_1027] : memref<10112x32xf32, #tpu.memory_space<vmem_shared>> -> memref<10112x32xf32, #tpu.memory_space<vmem_shared>>
        tpu.enqueue_indirect_dma source(%dma_start3A_1028 : memref<10112x32xf32, #tpu.memory_space<vmem_shared>>) target(%dma_start3A_1022 : memref<128x32xf32, #tpu.memory_space<vmem>>) offsets(%dma_start3A_1025 : memref<128xi32, #tpu.memory_space<vmem>>) semaphore(%arg12 : memref<!tpu.dma_semaphore, #tpu.memory_space<semaphore_mem>>)
        %mul3A_1029 = arith.constant 8 : i32
        %mul3A_1030 = arith.muli %add3A_964, %mul3A_1029 : i32
        %add3A_1031 = arith.constant 4 : i32
        %add3A_1032 = arith.addi %mul3A_1030, %add3A_1031 : i32
        %dma_start3A_1033 = arith.constant 0 : i32
        %dma_start3A_1034 = arith.constant 4 : i32
        %dma_start3A_1035 = arith.constant 0 : i32
        %dma_start3A_1036 = arith.constant 0 : i32
        %dma_start3A_1037 = tpu.memref_slice %arg9[%dma_start3A_1033, %dma_start3A_1034, %dma_start3A_1035, %dma_start3A_1036] : memref<2x8x128x32xf32, #tpu.memory_space<vmem>> -> memref<1x1x128x32xf32, #tpu.memory_space<vmem>>
        %dma_start3A_1038 = tpu.memref_squeeze %dma_start3A_1037 : memref<1x1x128x32xf32, #tpu.memory_space<vmem>> -> memref<128x32xf32, #tpu.memory_space<vmem>>
        %dma_start3A_1039 = arith.constant 0 : i32
        %dma_start3A_1040 = tpu.memref_slice %arg7[%add3A_1032, %dma_start3A_1039] : memref<80x128xi32, #tpu.memory_space<vmem>> -> memref<1x128xi32, #tpu.memory_space<vmem>>
        %dma_start3A_1041 = tpu.memref_squeeze %dma_start3A_1040 : memref<1x128xi32, #tpu.memory_space<vmem>> -> memref<128xi32, #tpu.memory_space<vmem>>
        %dma_start3A_1042 = arith.constant 0 : i32
        %dma_start3A_1043 = arith.constant 0 : i32
        %dma_start3A_1044 = tpu.memref_slice %arg11[%dma_start3A_1042, %dma_start3A_1043] : memref<10112x32xf32, #tpu.memory_space<vmem_shared>> -> memref<10112x32xf32, #tpu.memory_space<vmem_shared>>
        tpu.enqueue_indirect_dma source(%dma_start3A_1044 : memref<10112x32xf32, #tpu.memory_space<vmem_shared>>) target(%dma_start3A_1038 : memref<128x32xf32, #tpu.memory_space<vmem>>) offsets(%dma_start3A_1041 : memref<128xi32, #tpu.memory_space<vmem>>) semaphore(%arg12 : memref<!tpu.dma_semaphore, #tpu.memory_space<semaphore_mem>>)
        %mul3A_1045 = arith.constant 8 : i32
        %mul3A_1046 = arith.muli %add3A_964, %mul3A_1045 : i32
        %add3A_1047 = arith.constant 5 : i32
        %add3A_1048 = arith.addi %mul3A_1046, %add3A_1047 : i32
        %dma_start3A_1049 = arith.constant 0 : i32
        %dma_start3A_1050 = arith.constant 5 : i32
        %dma_start3A_1051 = arith.constant 0 : i32
        %dma_start3A_1052 = arith.constant 0 : i32
        %dma_start3A_1053 = tpu.memref_slice %arg9[%dma_start3A_1049, %dma_start3A_1050, %dma_start3A_1051, %dma_start3A_1052] : memref<2x8x128x32xf32, #tpu.memory_space<vmem>> -> memref<1x1x128x32xf32, #tpu.memory_space<vmem>>
        %dma_start3A_1054 = tpu.memref_squeeze %dma_start3A_1053 : memref<1x1x128x32xf32, #tpu.memory_space<vmem>> -> memref<128x32xf32, #tpu.memory_space<vmem>>
        %dma_start3A_1055 = arith.constant 0 : i32
        %dma_start3A_1056 = tpu.memref_slice %arg7[%add3A_1048, %dma_start3A_1055] : memref<80x128xi32, #tpu.memory_space<vmem>> -> memref<1x128xi32, #tpu.memory_space<vmem>>
        %dma_start3A_1057 = tpu.memref_squeeze %dma_start3A_1056 : memref<1x128xi32, #tpu.memory_space<vmem>> -> memref<128xi32, #tpu.memory_space<vmem>>
        %dma_start3A_1058 = arith.constant 0 : i32
        %dma_start3A_1059 = arith.constant 0 : i32
        %dma_start3A_1060 = tpu.memref_slice %arg11[%dma_start3A_1058, %dma_start3A_1059] : memref<10112x32xf32, #tpu.memory_space<vmem_shared>> -> memref<10112x32xf32, #tpu.memory_space<vmem_shared>>
        tpu.enqueue_indirect_dma source(%dma_start3A_1060 : memref<10112x32xf32, #tpu.memory_space<vmem_shared>>) target(%dma_start3A_1054 : memref<128x32xf32, #tpu.memory_space<vmem>>) offsets(%dma_start3A_1057 : memref<128xi32, #tpu.memory_space<vmem>>) semaphore(%arg12 : memref<!tpu.dma_semaphore, #tpu.memory_space<semaphore_mem>>)
        %mul3A_1061 = arith.constant 8 : i32
        %mul3A_1062 = arith.muli %add3A_964, %mul3A_1061 : i32
        %add3A_1063 = arith.constant 6 : i32
        %add3A_1064 = arith.addi %mul3A_1062, %add3A_1063 : i32
        %dma_start3A_1065 = arith.constant 0 : i32
        %dma_start3A_1066 = arith.constant 6 : i32
        %dma_start3A_1067 = arith.constant 0 : i32
        %dma_start3A_1068 = arith.constant 0 : i32
        %dma_start3A_1069 = tpu.memref_slice %arg9[%dma_start3A_1065, %dma_start3A_1066, %dma_start3A_1067, %dma_start3A_1068] : memref<2x8x128x32xf32, #tpu.memory_space<vmem>> -> memref<1x1x128x32xf32, #tpu.memory_space<vmem>>
        %dma_start3A_1070 = tpu.memref_squeeze %dma_start3A_1069 : memref<1x1x128x32xf32, #tpu.memory_space<vmem>> -> memref<128x32xf32, #tpu.memory_space<vmem>>
        %dma_start3A_1071 = arith.constant 0 : i32
        %dma_start3A_1072 = tpu.memref_slice %arg7[%add3A_1064, %dma_start3A_1071] : memref<80x128xi32, #tpu.memory_space<vmem>> -> memref<1x128xi32, #tpu.memory_space<vmem>>
        %dma_start3A_1073 = tpu.memref_squeeze %dma_start3A_1072 : memref<1x128xi32, #tpu.memory_space<vmem>> -> memref<128xi32, #tpu.memory_space<vmem>>
        %dma_start3A_1074 = arith.constant 0 : i32
        %dma_start3A_1075 = arith.constant 0 : i32
        %dma_start3A_1076 = tpu.memref_slice %arg11[%dma_start3A_1074, %dma_start3A_1075] : memref<10112x32xf32, #tpu.memory_space<vmem_shared>> -> memref<10112x32xf32, #tpu.memory_space<vmem_shared>>
        tpu.enqueue_indirect_dma source(%dma_start3A_1076 : memref<10112x32xf32, #tpu.memory_space<vmem_shared>>) target(%dma_start3A_1070 : memref<128x32xf32, #tpu.memory_space<vmem>>) offsets(%dma_start3A_1073 : memref<128xi32, #tpu.memory_space<vmem>>) semaphore(%arg12 : memref<!tpu.dma_semaphore, #tpu.memory_space<semaphore_mem>>)
        %mul3A_1077 = arith.constant 8 : i32
        %mul3A_1078 = arith.muli %add3A_964, %mul3A_1077 : i32
        %add3A_1079 = arith.constant 7 : i32
        %add3A_1080 = arith.addi %mul3A_1078, %add3A_1079 : i32
        %dma_start3A_1081 = arith.constant 0 : i32
        %dma_start3A_1082 = arith.constant 7 : i32
        %dma_start3A_1083 = arith.constant 0 : i32
        %dma_start3A_1084 = arith.constant 0 : i32
        %dma_start3A_1085 = tpu.memref_slice %arg9[%dma_start3A_1081, %dma_start3A_1082, %dma_start3A_1083, %dma_start3A_1084] : memref<2x8x128x32xf32, #tpu.memory_space<vmem>> -> memref<1x1x128x32xf32, #tpu.memory_space<vmem>>
        %dma_start3A_1086 = tpu.memref_squeeze %dma_start3A_1085 : memref<1x1x128x32xf32, #tpu.memory_space<vmem>> -> memref<128x32xf32, #tpu.memory_space<vmem>>
        %dma_start3A_1087 = arith.constant 0 : i32
        %dma_start3A_1088 = tpu.memref_slice %arg7[%add3A_1080, %dma_start3A_1087] : memref<80x128xi32, #tpu.memory_space<vmem>> -> memref<1x128xi32, #tpu.memory_space<vmem>>
        %dma_start3A_1089 = tpu.memref_squeeze %dma_start3A_1088 : memref<1x128xi32, #tpu.memory_space<vmem>> -> memref<128xi32, #tpu.memory_space<vmem>>
        %dma_start3A_1090 = arith.constant 0 : i32
        %dma_start3A_1091 = arith.constant 0 : i32
        %dma_start3A_1092 = tpu.memref_slice %arg11[%dma_start3A_1090, %dma_start3A_1091] : memref<10112x32xf32, #tpu.memory_space<vmem_shared>> -> memref<10112x32xf32, #tpu.memory_space<vmem_shared>>
        tpu.enqueue_indirect_dma source(%dma_start3A_1092 : memref<10112x32xf32, #tpu.memory_space<vmem_shared>>) target(%dma_start3A_1086 : memref<128x32xf32, #tpu.memory_space<vmem>>) offsets(%dma_start3A_1089 : memref<128xi32, #tpu.memory_space<vmem>>) semaphore(%arg12 : memref<!tpu.dma_semaphore, #tpu.memory_space<semaphore_mem>>)
      } else {
      }
      %mul3A_828 = arith.constant 8 : i32
      %mul3A_829 = arith.muli %add3A_230, %mul3A_828 : i32
      %add3A_830 = arith.constant 0 : i32
      %add3A_831 = arith.addi %mul3A_829, %add3A_830 : i32
      %dma_wait3A_832 = arith.constant 1 : i32
      %dma_wait3A_833 = arith.constant 0 : i32
      %dma_wait3A_834 = arith.constant 0 : i32
      %dma_wait3A_835 = arith.constant 0 : i32
      %dma_wait3A_836 = tpu.memref_slice %arg9[%dma_wait3A_832, %dma_wait3A_833, %dma_wait3A_834, %dma_wait3A_835] : memref<2x8x128x32xf32, #tpu.memory_space<vmem>> -> memref<1x1x128x32xf32, #tpu.memory_space<vmem>>
      %dma_wait3A_837 = tpu.memref_squeeze %dma_wait3A_836 : memref<1x1x128x32xf32, #tpu.memory_space<vmem>> -> memref<128x32xf32, #tpu.memory_space<vmem>>
      %dma_wait3A_838 = arith.constant 0 : i32
      %dma_wait3A_839 = tpu.memref_slice %arg8[%add3A_831, %dma_wait3A_838] : memref<80x128xi32, #tpu.memory_space<vmem>> -> memref<1x128xi32, #tpu.memory_space<vmem>>
      %dma_wait3A_840 = tpu.memref_squeeze %dma_wait3A_839 : memref<1x128xi32, #tpu.memory_space<vmem>> -> memref<128xi32, #tpu.memory_space<vmem>>
      %dma_wait3A_841 = arith.constant 0 : i32
      %dma_wait3A_842 = arith.constant 0 : i32
      %dma_wait3A_843 = tpu.memref_slice %arg10[%dma_wait3A_841, %dma_wait3A_842] : memref<10112x32xf32, #tpu.memory_space<vmem_shared>> -> memref<10112x32xf32, #tpu.memory_space<vmem_shared>>
      tpu.wait_indirect_dma semaphore(%arg13 : memref<!tpu.dma_semaphore, #tpu.memory_space<semaphore_mem>>) src(%dma_wait3A_837 : memref<128x32xf32, #tpu.memory_space<vmem>>) dst(%dma_wait3A_843 : memref<10112x32xf32, #tpu.memory_space<vmem_shared>>)
      %mul3A_844 = arith.constant 8 : i32
      %mul3A_845 = arith.muli %add3A_230, %mul3A_844 : i32
      %add3A_846 = arith.constant 1 : i32
      %add3A_847 = arith.addi %mul3A_845, %add3A_846 : i32
      %dma_wait3A_848 = arith.constant 1 : i32
      %dma_wait3A_849 = arith.constant 1 : i32
      %dma_wait3A_850 = arith.constant 0 : i32
      %dma_wait3A_851 = arith.constant 0 : i32
      %dma_wait3A_852 = tpu.memref_slice %arg9[%dma_wait3A_848, %dma_wait3A_849, %dma_wait3A_850, %dma_wait3A_851] : memref<2x8x128x32xf32, #tpu.memory_space<vmem>> -> memref<1x1x128x32xf32, #tpu.memory_space<vmem>>
      %dma_wait3A_853 = tpu.memref_squeeze %dma_wait3A_852 : memref<1x1x128x32xf32, #tpu.memory_space<vmem>> -> memref<128x32xf32, #tpu.memory_space<vmem>>
      %dma_wait3A_854 = arith.constant 0 : i32
      %dma_wait3A_855 = tpu.memref_slice %arg8[%add3A_847, %dma_wait3A_854] : memref<80x128xi32, #tpu.memory_space<vmem>> -> memref<1x128xi32, #tpu.memory_space<vmem>>
      %dma_wait3A_856 = tpu.memref_squeeze %dma_wait3A_855 : memref<1x128xi32, #tpu.memory_space<vmem>> -> memref<128xi32, #tpu.memory_space<vmem>>
      %dma_wait3A_857 = arith.constant 0 : i32
      %dma_wait3A_858 = arith.constant 0 : i32
      %dma_wait3A_859 = tpu.memref_slice %arg10[%dma_wait3A_857, %dma_wait3A_858] : memref<10112x32xf32, #tpu.memory_space<vmem_shared>> -> memref<10112x32xf32, #tpu.memory_space<vmem_shared>>
      tpu.wait_indirect_dma semaphore(%arg13 : memref<!tpu.dma_semaphore, #tpu.memory_space<semaphore_mem>>) src(%dma_wait3A_853 : memref<128x32xf32, #tpu.memory_space<vmem>>) dst(%dma_wait3A_859 : memref<10112x32xf32, #tpu.memory_space<vmem_shared>>)
      %mul3A_860 = arith.constant 8 : i32
      %mul3A_861 = arith.muli %add3A_230, %mul3A_860 : i32
      %add3A_862 = arith.constant 2 : i32
      %add3A_863 = arith.addi %mul3A_861, %add3A_862 : i32
      %dma_wait3A_864 = arith.constant 1 : i32
      %dma_wait3A_865 = arith.constant 2 : i32
      %dma_wait3A_866 = arith.constant 0 : i32
      %dma_wait3A_867 = arith.constant 0 : i32
      %dma_wait3A_868 = tpu.memref_slice %arg9[%dma_wait3A_864, %dma_wait3A_865, %dma_wait3A_866, %dma_wait3A_867] : memref<2x8x128x32xf32, #tpu.memory_space<vmem>> -> memref<1x1x128x32xf32, #tpu.memory_space<vmem>>
      %dma_wait3A_869 = tpu.memref_squeeze %dma_wait3A_868 : memref<1x1x128x32xf32, #tpu.memory_space<vmem>> -> memref<128x32xf32, #tpu.memory_space<vmem>>
      %dma_wait3A_870 = arith.constant 0 : i32
      %dma_wait3A_871 = tpu.memref_slice %arg8[%add3A_863, %dma_wait3A_870] : memref<80x128xi32, #tpu.memory_space<vmem>> -> memref<1x128xi32, #tpu.memory_space<vmem>>
      %dma_wait3A_872 = tpu.memref_squeeze %dma_wait3A_871 : memref<1x128xi32, #tpu.memory_space<vmem>> -> memref<128xi32, #tpu.memory_space<vmem>>
      %dma_wait3A_873 = arith.constant 0 : i32
      %dma_wait3A_874 = arith.constant 0 : i32
      %dma_wait3A_875 = tpu.memref_slice %arg10[%dma_wait3A_873, %dma_wait3A_874] : memref<10112x32xf32, #tpu.memory_space<vmem_shared>> -> memref<10112x32xf32, #tpu.memory_space<vmem_shared>>
      tpu.wait_indirect_dma semaphore(%arg13 : memref<!tpu.dma_semaphore, #tpu.memory_space<semaphore_mem>>) src(%dma_wait3A_869 : memref<128x32xf32, #tpu.memory_space<vmem>>) dst(%dma_wait3A_875 : memref<10112x32xf32, #tpu.memory_space<vmem_shared>>)
      %mul3A_876 = arith.constant 8 : i32
      %mul3A_877 = arith.muli %add3A_230, %mul3A_876 : i32
      %add3A_878 = arith.constant 3 : i32
      %add3A_879 = arith.addi %mul3A_877, %add3A_878 : i32
      %dma_wait3A_880 = arith.constant 1 : i32
      %dma_wait3A_881 = arith.constant 3 : i32
      %dma_wait3A_882 = arith.constant 0 : i32
      %dma_wait3A_883 = arith.constant 0 : i32
      %dma_wait3A_884 = tpu.memref_slice %arg9[%dma_wait3A_880, %dma_wait3A_881, %dma_wait3A_882, %dma_wait3A_883] : memref<2x8x128x32xf32, #tpu.memory_space<vmem>> -> memref<1x1x128x32xf32, #tpu.memory_space<vmem>>
      %dma_wait3A_885 = tpu.memref_squeeze %dma_wait3A_884 : memref<1x1x128x32xf32, #tpu.memory_space<vmem>> -> memref<128x32xf32, #tpu.memory_space<vmem>>
      %dma_wait3A_886 = arith.constant 0 : i32
      %dma_wait3A_887 = tpu.memref_slice %arg8[%add3A_879, %dma_wait3A_886] : memref<80x128xi32, #tpu.memory_space<vmem>> -> memref<1x128xi32, #tpu.memory_space<vmem>>
      %dma_wait3A_888 = tpu.memref_squeeze %dma_wait3A_887 : memref<1x128xi32, #tpu.memory_space<vmem>> -> memref<128xi32, #tpu.memory_space<vmem>>
      %dma_wait3A_889 = arith.constant 0 : i32
      %dma_wait3A_890 = arith.constant 0 : i32
      %dma_wait3A_891 = tpu.memref_slice %arg10[%dma_wait3A_889, %dma_wait3A_890] : memref<10112x32xf32, #tpu.memory_space<vmem_shared>> -> memref<10112x32xf32, #tpu.memory_space<vmem_shared>>
      tpu.wait_indirect_dma semaphore(%arg13 : memref<!tpu.dma_semaphore, #tpu.memory_space<semaphore_mem>>) src(%dma_wait3A_885 : memref<128x32xf32, #tpu.memory_space<vmem>>) dst(%dma_wait3A_891 : memref<10112x32xf32, #tpu.memory_space<vmem_shared>>)
      %mul3A_892 = arith.constant 8 : i32
      %mul3A_893 = arith.muli %add3A_230, %mul3A_892 : i32
      %add3A_894 = arith.constant 4 : i32
      %add3A_895 = arith.addi %mul3A_893, %add3A_894 : i32
      %dma_wait3A_896 = arith.constant 1 : i32
      %dma_wait3A_897 = arith.constant 4 : i32
      %dma_wait3A_898 = arith.constant 0 : i32
      %dma_wait3A_899 = arith.constant 0 : i32
      %dma_wait3A_900 = tpu.memref_slice %arg9[%dma_wait3A_896, %dma_wait3A_897, %dma_wait3A_898, %dma_wait3A_899] : memref<2x8x128x32xf32, #tpu.memory_space<vmem>> -> memref<1x1x128x32xf32, #tpu.memory_space<vmem>>
      %dma_wait3A_901 = tpu.memref_squeeze %dma_wait3A_900 : memref<1x1x128x32xf32, #tpu.memory_space<vmem>> -> memref<128x32xf32, #tpu.memory_space<vmem>>
      %dma_wait3A_902 = arith.constant 0 : i32
      %dma_wait3A_903 = tpu.memref_slice %arg8[%add3A_895, %dma_wait3A_902] : memref<80x128xi32, #tpu.memory_space<vmem>> -> memref<1x128xi32, #tpu.memory_space<vmem>>
      %dma_wait3A_904 = tpu.memref_squeeze %dma_wait3A_903 : memref<1x128xi32, #tpu.memory_space<vmem>> -> memref<128xi32, #tpu.memory_space<vmem>>
      %dma_wait3A_905 = arith.constant 0 : i32
      %dma_wait3A_906 = arith.constant 0 : i32
      %dma_wait3A_907 = tpu.memref_slice %arg10[%dma_wait3A_905, %dma_wait3A_906] : memref<10112x32xf32, #tpu.memory_space<vmem_shared>> -> memref<10112x32xf32, #tpu.memory_space<vmem_shared>>
      tpu.wait_indirect_dma semaphore(%arg13 : memref<!tpu.dma_semaphore, #tpu.memory_space<semaphore_mem>>) src(%dma_wait3A_901 : memref<128x32xf32, #tpu.memory_space<vmem>>) dst(%dma_wait3A_907 : memref<10112x32xf32, #tpu.memory_space<vmem_shared>>)
      %mul3A_908 = arith.constant 8 : i32
      %mul3A_909 = arith.muli %add3A_230, %mul3A_908 : i32
      %add3A_910 = arith.constant 5 : i32
      %add3A_911 = arith.addi %mul3A_909, %add3A_910 : i32
      %dma_wait3A_912 = arith.constant 1 : i32
      %dma_wait3A_913 = arith.constant 5 : i32
      %dma_wait3A_914 = arith.constant 0 : i32
      %dma_wait3A_915 = arith.constant 0 : i32
      %dma_wait3A_916 = tpu.memref_slice %arg9[%dma_wait3A_912, %dma_wait3A_913, %dma_wait3A_914, %dma_wait3A_915] : memref<2x8x128x32xf32, #tpu.memory_space<vmem>> -> memref<1x1x128x32xf32, #tpu.memory_space<vmem>>
      %dma_wait3A_917 = tpu.memref_squeeze %dma_wait3A_916 : memref<1x1x128x32xf32, #tpu.memory_space<vmem>> -> memref<128x32xf32, #tpu.memory_space<vmem>>
      %dma_wait3A_918 = arith.constant 0 : i32
      %dma_wait3A_919 = tpu.memref_slice %arg8[%add3A_911, %dma_wait3A_918] : memref<80x128xi32, #tpu.memory_space<vmem>> -> memref<1x128xi32, #tpu.memory_space<vmem>>
      %dma_wait3A_920 = tpu.memref_squeeze %dma_wait3A_919 : memref<1x128xi32, #tpu.memory_space<vmem>> -> memref<128xi32, #tpu.memory_space<vmem>>
      %dma_wait3A_921 = arith.constant 0 : i32
      %dma_wait3A_922 = arith.constant 0 : i32
      %dma_wait3A_923 = tpu.memref_slice %arg10[%dma_wait3A_921, %dma_wait3A_922] : memref<10112x32xf32, #tpu.memory_space<vmem_shared>> -> memref<10112x32xf32, #tpu.memory_space<vmem_shared>>
      tpu.wait_indirect_dma semaphore(%arg13 : memref<!tpu.dma_semaphore, #tpu.memory_space<semaphore_mem>>) src(%dma_wait3A_917 : memref<128x32xf32, #tpu.memory_space<vmem>>) dst(%dma_wait3A_923 : memref<10112x32xf32, #tpu.memory_space<vmem_shared>>)
      %mul3A_924 = arith.constant 8 : i32
      %mul3A_925 = arith.muli %add3A_230, %mul3A_924 : i32
      %add3A_926 = arith.constant 6 : i32
      %add3A_927 = arith.addi %mul3A_925, %add3A_926 : i32
      %dma_wait3A_928 = arith.constant 1 : i32
      %dma_wait3A_929 = arith.constant 6 : i32
      %dma_wait3A_930 = arith.constant 0 : i32
      %dma_wait3A_931 = arith.constant 0 : i32
      %dma_wait3A_932 = tpu.memref_slice %arg9[%dma_wait3A_928, %dma_wait3A_929, %dma_wait3A_930, %dma_wait3A_931] : memref<2x8x128x32xf32, #tpu.memory_space<vmem>> -> memref<1x1x128x32xf32, #tpu.memory_space<vmem>>
      %dma_wait3A_933 = tpu.memref_squeeze %dma_wait3A_932 : memref<1x1x128x32xf32, #tpu.memory_space<vmem>> -> memref<128x32xf32, #tpu.memory_space<vmem>>
      %dma_wait3A_934 = arith.constant 0 : i32
      %dma_wait3A_935 = tpu.memref_slice %arg8[%add3A_927, %dma_wait3A_934] : memref<80x128xi32, #tpu.memory_space<vmem>> -> memref<1x128xi32, #tpu.memory_space<vmem>>
      %dma_wait3A_936 = tpu.memref_squeeze %dma_wait3A_935 : memref<1x128xi32, #tpu.memory_space<vmem>> -> memref<128xi32, #tpu.memory_space<vmem>>
      %dma_wait3A_937 = arith.constant 0 : i32
      %dma_wait3A_938 = arith.constant 0 : i32
      %dma_wait3A_939 = tpu.memref_slice %arg10[%dma_wait3A_937, %dma_wait3A_938] : memref<10112x32xf32, #tpu.memory_space<vmem_shared>> -> memref<10112x32xf32, #tpu.memory_space<vmem_shared>>
      tpu.wait_indirect_dma semaphore(%arg13 : memref<!tpu.dma_semaphore, #tpu.memory_space<semaphore_mem>>) src(%dma_wait3A_933 : memref<128x32xf32, #tpu.memory_space<vmem>>) dst(%dma_wait3A_939 : memref<10112x32xf32, #tpu.memory_space<vmem_shared>>)
      %mul3A_940 = arith.constant 8 : i32
      %mul3A_941 = arith.muli %add3A_230, %mul3A_940 : i32
      %add3A_942 = arith.constant 7 : i32
      %add3A_943 = arith.addi %mul3A_941, %add3A_942 : i32
      %dma_wait3A_944 = arith.constant 1 : i32
      %dma_wait3A_945 = arith.constant 7 : i32
      %dma_wait3A_946 = arith.constant 0 : i32
      %dma_wait3A_947 = arith.constant 0 : i32
      %dma_wait3A_948 = tpu.memref_slice %arg9[%dma_wait3A_944, %dma_wait3A_945, %dma_wait3A_946, %dma_wait3A_947] : memref<2x8x128x32xf32, #tpu.memory_space<vmem>> -> memref<1x1x128x32xf32, #tpu.memory_space<vmem>>
      %dma_wait3A_949 = tpu.memref_squeeze %dma_wait3A_948 : memref<1x1x128x32xf32, #tpu.memory_space<vmem>> -> memref<128x32xf32, #tpu.memory_space<vmem>>
      %dma_wait3A_950 = arith.constant 0 : i32
      %dma_wait3A_951 = tpu.memref_slice %arg8[%add3A_943, %dma_wait3A_950] : memref<80x128xi32, #tpu.memory_space<vmem>> -> memref<1x128xi32, #tpu.memory_space<vmem>>
      %dma_wait3A_952 = tpu.memref_squeeze %dma_wait3A_951 : memref<1x128xi32, #tpu.memory_space<vmem>> -> memref<128xi32, #tpu.memory_space<vmem>>
      %dma_wait3A_953 = arith.constant 0 : i32
      %dma_wait3A_954 = arith.constant 0 : i32
      %dma_wait3A_955 = tpu.memref_slice %arg10[%dma_wait3A_953, %dma_wait3A_954] : memref<10112x32xf32, #tpu.memory_space<vmem_shared>> -> memref<10112x32xf32, #tpu.memory_space<vmem_shared>>
      tpu.wait_indirect_dma semaphore(%arg13 : memref<!tpu.dma_semaphore, #tpu.memory_space<semaphore_mem>>) src(%dma_wait3A_949 : memref<128x32xf32, #tpu.memory_space<vmem>>) dst(%dma_wait3A_955 : memref<10112x32xf32, #tpu.memory_space<vmem_shared>>)
      %add3A_956 = arith.constant 2 : i32
      %add3A_957 = arith.addi %add3A_230, %add3A_956 : i32
      %lt3A_958 = arith.constant 10 : i32
      %lt3A_959 = arith.cmpi slt, %add3A_957, %lt3A_958 : i32
      %convert_element_type3A_960 = arith.extui %lt3A_959 : i1 to i32
      %cond3A_961 = arith.constant 0 : i32
      %cond3A_962 = arith.cmpi ne, %convert_element_type3A_960, %cond3A_961 : i32
      scf.if %cond3A_962 {
        %add3A_963 = arith.constant 2 : i32
        %add3A_964 = arith.addi %add3A_230, %add3A_963 : i32
        %mul3A_965 = arith.constant 8 : i32
        %mul3A_966 = arith.muli %add3A_964, %mul3A_965 : i32
        %add3A_967 = arith.constant 0 : i32
        %add3A_968 = arith.addi %mul3A_966, %add3A_967 : i32
        %dma_start3A_969 = arith.constant 1 : i32
        %dma_start3A_970 = arith.constant 0 : i32
        %dma_start3A_971 = arith.constant 0 : i32
        %dma_start3A_972 = arith.constant 0 : i32
        %dma_start3A_973 = tpu.memref_slice %arg9[%dma_start3A_969, %dma_start3A_970, %dma_start3A_971, %dma_start3A_972] : memref<2x8x128x32xf32, #tpu.memory_space<vmem>> -> memref<1x1x128x32xf32, #tpu.memory_space<vmem>>
        %dma_start3A_974 = tpu.memref_squeeze %dma_start3A_973 : memref<1x1x128x32xf32, #tpu.memory_space<vmem>> -> memref<128x32xf32, #tpu.memory_space<vmem>>
        %dma_start3A_975 = arith.constant 0 : i32
        %dma_start3A_976 = tpu.memref_slice %arg7[%add3A_968, %dma_start3A_975] : memref<80x128xi32, #tpu.memory_space<vmem>> -> memref<1x128xi32, #tpu.memory_space<vmem>>
        %dma_start3A_977 = tpu.memref_squeeze %dma_start3A_976 : memref<1x128xi32, #tpu.memory_space<vmem>> -> memref<128xi32, #tpu.memory_space<vmem>>
        %dma_start3A_978 = arith.constant 0 : i32
        %dma_start3A_979 = arith.constant 0 : i32
        %dma_start3A_980 = tpu.memref_slice %arg11[%dma_start3A_978, %dma_start3A_979] : memref<10112x32xf32, #tpu.memory_space<vmem_shared>> -> memref<10112x32xf32, #tpu.memory_space<vmem_shared>>
        tpu.enqueue_indirect_dma source(%dma_start3A_980 : memref<10112x32xf32, #tpu.memory_space<vmem_shared>>) target(%dma_start3A_974 : memref<128x32xf32, #tpu.memory_space<vmem>>) offsets(%dma_start3A_977 : memref<128xi32, #tpu.memory_space<vmem>>) semaphore(%arg12 : memref<!tpu.dma_semaphore, #tpu.memory_space<semaphore_mem>>)
        %mul3A_981 = arith.constant 8 : i32
        %mul3A_982 = arith.muli %add3A_964, %mul3A_981 : i32
        %add3A_983 = arith.constant 1 : i32
        %add3A_984 = arith.addi %mul3A_982, %add3A_983 : i32
        %dma_start3A_985 = arith.constant 1 : i32
        %dma_start3A_986 = arith.constant 1 : i32
        %dma_start3A_987 = arith.constant 0 : i32
        %dma_start3A_988 = arith.constant 0 : i32
        %dma_start3A_989 = tpu.memref_slice %arg9[%dma_start3A_985, %dma_start3A_986, %dma_start3A_987, %dma_start3A_988] : memref<2x8x128x32xf32, #tpu.memory_space<vmem>> -> memref<1x1x128x32xf32, #tpu.memory_space<vmem>>
        %dma_start3A_990 = tpu.memref_squeeze %dma_start3A_989 : memref<1x1x128x32xf32, #tpu.memory_space<vmem>> -> memref<128x32xf32, #tpu.memory_space<vmem>>
        %dma_start3A_991 = arith.constant 0 : i32
        %dma_start3A_992 = tpu.memref_slice %arg7[%add3A_984, %dma_start3A_991] : memref<80x128xi32, #tpu.memory_space<vmem>> -> memref<1x128xi32, #tpu.memory_space<vmem>>
        %dma_start3A_993 = tpu.memref_squeeze %dma_start3A_992 : memref<1x128xi32, #tpu.memory_space<vmem>> -> memref<128xi32, #tpu.memory_space<vmem>>
        %dma_start3A_994 = arith.constant 0 : i32
        %dma_start3A_995 = arith.constant 0 : i32
        %dma_start3A_996 = tpu.memref_slice %arg11[%dma_start3A_994, %dma_start3A_995] : memref<10112x32xf32, #tpu.memory_space<vmem_shared>> -> memref<10112x32xf32, #tpu.memory_space<vmem_shared>>
        tpu.enqueue_indirect_dma source(%dma_start3A_996 : memref<10112x32xf32, #tpu.memory_space<vmem_shared>>) target(%dma_start3A_990 : memref<128x32xf32, #tpu.memory_space<vmem>>) offsets(%dma_start3A_993 : memref<128xi32, #tpu.memory_space<vmem>>) semaphore(%arg12 : memref<!tpu.dma_semaphore, #tpu.memory_space<semaphore_mem>>)
        %mul3A_997 = arith.constant 8 : i32
        %mul3A_998 = arith.muli %add3A_964, %mul3A_997 : i32
        %add3A_999 = arith.constant 2 : i32
        %add3A_1000 = arith.addi %mul3A_998, %add3A_999 : i32
        %dma_start3A_1001 = arith.constant 1 : i32
        %dma_start3A_1002 = arith.constant 2 : i32
        %dma_start3A_1003 = arith.constant 0 : i32
        %dma_start3A_1004 = arith.constant 0 : i32
        %dma_start3A_1005 = tpu.memref_slice %arg9[%dma_start3A_1001, %dma_start3A_1002, %dma_start3A_1003, %dma_start3A_1004] : memref<2x8x128x32xf32, #tpu.memory_space<vmem>> -> memref<1x1x128x32xf32, #tpu.memory_space<vmem>>
        %dma_start3A_1006 = tpu.memref_squeeze %dma_start3A_1005 : memref<1x1x128x32xf32, #tpu.memory_space<vmem>> -> memref<128x32xf32, #tpu.memory_space<vmem>>
        %dma_start3A_1007 = arith.constant 0 : i32
        %dma_start3A_1008 = tpu.memref_slice %arg7[%add3A_1000, %dma_start3A_1007] : memref<80x128xi32, #tpu.memory_space<vmem>> -> memref<1x128xi32, #tpu.memory_space<vmem>>
        %dma_start3A_1009 = tpu.memref_squeeze %dma_start3A_1008 : memref<1x128xi32, #tpu.memory_space<vmem>> -> memref<128xi32, #tpu.memory_space<vmem>>
        %dma_start3A_1010 = arith.constant 0 : i32
        %dma_start3A_1011 = arith.constant 0 : i32
        %dma_start3A_1012 = tpu.memref_slice %arg11[%dma_start3A_1010, %dma_start3A_1011] : memref<10112x32xf32, #tpu.memory_space<vmem_shared>> -> memref<10112x32xf32, #tpu.memory_space<vmem_shared>>
        tpu.enqueue_indirect_dma source(%dma_start3A_1012 : memref<10112x32xf32, #tpu.memory_space<vmem_shared>>) target(%dma_start3A_1006 : memref<128x32xf32, #tpu.memory_space<vmem>>) offsets(%dma_start3A_1009 : memref<128xi32, #tpu.memory_space<vmem>>) semaphore(%arg12 : memref<!tpu.dma_semaphore, #tpu.memory_space<semaphore_mem>>)
        %mul3A_1013 = arith.constant 8 : i32
        %mul3A_1014 = arith.muli %add3A_964, %mul3A_1013 : i32
        %add3A_1015 = arith.constant 3 : i32
        %add3A_1016 = arith.addi %mul3A_1014, %add3A_1015 : i32
        %dma_start3A_1017 = arith.constant 1 : i32
        %dma_start3A_1018 = arith.constant 3 : i32
        %dma_start3A_1019 = arith.constant 0 : i32
        %dma_start3A_1020 = arith.constant 0 : i32
        %dma_start3A_1021 = tpu.memref_slice %arg9[%dma_start3A_1017, %dma_start3A_1018, %dma_start3A_1019, %dma_start3A_1020] : memref<2x8x128x32xf32, #tpu.memory_space<vmem>> -> memref<1x1x128x32xf32, #tpu.memory_space<vmem>>
        %dma_start3A_1022 = tpu.memref_squeeze %dma_start3A_1021 : memref<1x1x128x32xf32, #tpu.memory_space<vmem>> -> memref<128x32xf32, #tpu.memory_space<vmem>>
        %dma_start3A_1023 = arith.constant 0 : i32
        %dma_start3A_1024 = tpu.memref_slice %arg7[%add3A_1016, %dma_start3A_1023] : memref<80x128xi32, #tpu.memory_space<vmem>> -> memref<1x128xi32, #tpu.memory_space<vmem>>
        %dma_start3A_1025 = tpu.memref_squeeze %dma_start3A_1024 : memref<1x128xi32, #tpu.memory_space<vmem>> -> memref<128xi32, #tpu.memory_space<vmem>>
        %dma_start3A_1026 = arith.constant 0 : i32
        %dma_start3A_1027 = arith.constant 0 : i32
        %dma_start3A_1028 = tpu.memref_slice %arg11[%dma_start3A_1026, %dma_start3A_1027] : memref<10112x32xf32, #tpu.memory_space<vmem_shared>> -> memref<10112x32xf32, #tpu.memory_space<vmem_shared>>
        tpu.enqueue_indirect_dma source(%dma_start3A_1028 : memref<10112x32xf32, #tpu.memory_space<vmem_shared>>) target(%dma_start3A_1022 : memref<128x32xf32, #tpu.memory_space<vmem>>) offsets(%dma_start3A_1025 : memref<128xi32, #tpu.memory_space<vmem>>) semaphore(%arg12 : memref<!tpu.dma_semaphore, #tpu.memory_space<semaphore_mem>>)
        %mul3A_1029 = arith.constant 8 : i32
        %mul3A_1030 = arith.muli %add3A_964, %mul3A_1029 : i32
        %add3A_1031 = arith.constant 4 : i32
        %add3A_1032 = arith.addi %mul3A_1030, %add3A_1031 : i32
        %dma_start3A_1033 = arith.constant 1 : i32
        %dma_start3A_1034 = arith.constant 4 : i32
        %dma_start3A_1035 = arith.constant 0 : i32
        %dma_start3A_1036 = arith.constant 0 : i32
        %dma_start3A_1037 = tpu.memref_slice %arg9[%dma_start3A_1033, %dma_start3A_1034, %dma_start3A_1035, %dma_start3A_1036] : memref<2x8x128x32xf32, #tpu.memory_space<vmem>> -> memref<1x1x128x32xf32, #tpu.memory_space<vmem>>
        %dma_start3A_1038 = tpu.memref_squeeze %dma_start3A_1037 : memref<1x1x128x32xf32, #tpu.memory_space<vmem>> -> memref<128x32xf32, #tpu.memory_space<vmem>>
        %dma_start3A_1039 = arith.constant 0 : i32
        %dma_start3A_1040 = tpu.memref_slice %arg7[%add3A_1032, %dma_start3A_1039] : memref<80x128xi32, #tpu.memory_space<vmem>> -> memref<1x128xi32, #tpu.memory_space<vmem>>
        %dma_start3A_1041 = tpu.memref_squeeze %dma_start3A_1040 : memref<1x128xi32, #tpu.memory_space<vmem>> -> memref<128xi32, #tpu.memory_space<vmem>>
        %dma_start3A_1042 = arith.constant 0 : i32
        %dma_start3A_1043 = arith.constant 0 : i32
        %dma_start3A_1044 = tpu.memref_slice %arg11[%dma_start3A_1042, %dma_start3A_1043] : memref<10112x32xf32, #tpu.memory_space<vmem_shared>> -> memref<10112x32xf32, #tpu.memory_space<vmem_shared>>
        tpu.enqueue_indirect_dma source(%dma_start3A_1044 : memref<10112x32xf32, #tpu.memory_space<vmem_shared>>) target(%dma_start3A_1038 : memref<128x32xf32, #tpu.memory_space<vmem>>) offsets(%dma_start3A_1041 : memref<128xi32, #tpu.memory_space<vmem>>) semaphore(%arg12 : memref<!tpu.dma_semaphore, #tpu.memory_space<semaphore_mem>>)
        %mul3A_1045 = arith.constant 8 : i32
        %mul3A_1046 = arith.muli %add3A_964, %mul3A_1045 : i32
        %add3A_1047 = arith.constant 5 : i32
        %add3A_1048 = arith.addi %mul3A_1046, %add3A_1047 : i32
        %dma_start3A_1049 = arith.constant 1 : i32
        %dma_start3A_1050 = arith.constant 5 : i32
        %dma_start3A_1051 = arith.constant 0 : i32
        %dma_start3A_1052 = arith.constant 0 : i32
        %dma_start3A_1053 = tpu.memref_slice %arg9[%dma_start3A_1049, %dma_start3A_1050, %dma_start3A_1051, %dma_start3A_1052] : memref<2x8x128x32xf32, #tpu.memory_space<vmem>> -> memref<1x1x128x32xf32, #tpu.memory_space<vmem>>
        %dma_start3A_1054 = tpu.memref_squeeze %dma_start3A_1053 : memref<1x1x128x32xf32, #tpu.memory_space<vmem>> -> memref<128x32xf32, #tpu.memory_space<vmem>>
        %dma_start3A_1055 = arith.constant 0 : i32
        %dma_start3A_1056 = tpu.memref_slice %arg7[%add3A_1048, %dma_start3A_1055] : memref<80x128xi32, #tpu.memory_space<vmem>> -> memref<1x128xi32, #tpu.memory_space<vmem>>
        %dma_start3A_1057 = tpu.memref_squeeze %dma_start3A_1056 : memref<1x128xi32, #tpu.memory_space<vmem>> -> memref<128xi32, #tpu.memory_space<vmem>>
        %dma_start3A_1058 = arith.constant 0 : i32
        %dma_start3A_1059 = arith.constant 0 : i32
        %dma_start3A_1060 = tpu.memref_slice %arg11[%dma_start3A_1058, %dma_start3A_1059] : memref<10112x32xf32, #tpu.memory_space<vmem_shared>> -> memref<10112x32xf32, #tpu.memory_space<vmem_shared>>
        tpu.enqueue_indirect_dma source(%dma_start3A_1060 : memref<10112x32xf32, #tpu.memory_space<vmem_shared>>) target(%dma_start3A_1054 : memref<128x32xf32, #tpu.memory_space<vmem>>) offsets(%dma_start3A_1057 : memref<128xi32, #tpu.memory_space<vmem>>) semaphore(%arg12 : memref<!tpu.dma_semaphore, #tpu.memory_space<semaphore_mem>>)
        %mul3A_1061 = arith.constant 8 : i32
        %mul3A_1062 = arith.muli %add3A_964, %mul3A_1061 : i32
        %add3A_1063 = arith.constant 6 : i32
        %add3A_1064 = arith.addi %mul3A_1062, %add3A_1063 : i32
        %dma_start3A_1065 = arith.constant 1 : i32
        %dma_start3A_1066 = arith.constant 6 : i32
        %dma_start3A_1067 = arith.constant 0 : i32
        %dma_start3A_1068 = arith.constant 0 : i32
        %dma_start3A_1069 = tpu.memref_slice %arg9[%dma_start3A_1065, %dma_start3A_1066, %dma_start3A_1067, %dma_start3A_1068] : memref<2x8x128x32xf32, #tpu.memory_space<vmem>> -> memref<1x1x128x32xf32, #tpu.memory_space<vmem>>
        %dma_start3A_1070 = tpu.memref_squeeze %dma_start3A_1069 : memref<1x1x128x32xf32, #tpu.memory_space<vmem>> -> memref<128x32xf32, #tpu.memory_space<vmem>>
        %dma_start3A_1071 = arith.constant 0 : i32
        %dma_start3A_1072 = tpu.memref_slice %arg7[%add3A_1064, %dma_start3A_1071] : memref<80x128xi32, #tpu.memory_space<vmem>> -> memref<1x128xi32, #tpu.memory_space<vmem>>
        %dma_start3A_1073 = tpu.memref_squeeze %dma_start3A_1072 : memref<1x128xi32, #tpu.memory_space<vmem>> -> memref<128xi32, #tpu.memory_space<vmem>>
        %dma_start3A_1074 = arith.constant 0 : i32
        %dma_start3A_1075 = arith.constant 0 : i32
        %dma_start3A_1076 = tpu.memref_slice %arg11[%dma_start3A_1074, %dma_start3A_1075] : memref<10112x32xf32, #tpu.memory_space<vmem_shared>> -> memref<10112x32xf32, #tpu.memory_space<vmem_shared>>
        tpu.enqueue_indirect_dma source(%dma_start3A_1076 : memref<10112x32xf32, #tpu.memory_space<vmem_shared>>) target(%dma_start3A_1070 : memref<128x32xf32, #tpu.memory_space<vmem>>) offsets(%dma_start3A_1073 : memref<128xi32, #tpu.memory_space<vmem>>) semaphore(%arg12 : memref<!tpu.dma_semaphore, #tpu.memory_space<semaphore_mem>>)
        %mul3A_1077 = arith.constant 8 : i32
        %mul3A_1078 = arith.muli %add3A_964, %mul3A_1077 : i32
        %add3A_1079 = arith.constant 7 : i32
        %add3A_1080 = arith.addi %mul3A_1078, %add3A_1079 : i32
        %dma_start3A_1081 = arith.constant 1 : i32
        %dma_start3A_1082 = arith.constant 7 : i32
        %dma_start3A_1083 = arith.constant 0 : i32
        %dma_start3A_1084 = arith.constant 0 : i32
        %dma_start3A_1085 = tpu.memref_slice %arg9[%dma_start3A_1081, %dma_start3A_1082, %dma_start3A_1083, %dma_start3A_1084] : memref<2x8x128x32xf32, #tpu.memory_space<vmem>> -> memref<1x1x128x32xf32, #tpu.memory_space<vmem>>
        %dma_start3A_1086 = tpu.memref_squeeze %dma_start3A_1085 : memref<1x1x128x32xf32, #tpu.memory_space<vmem>> -> memref<128x32xf32, #tpu.memory_space<vmem>>
        %dma_start3A_1087 = arith.constant 0 : i32
        %dma_start3A_1088 = tpu.memref_slice %arg7[%add3A_1080, %dma_start3A_1087] : memref<80x128xi32, #tpu.memory_space<vmem>> -> memref<1x128xi32, #tpu.memory_space<vmem>>
        %dma_start3A_1089 = tpu.memref_squeeze %dma_start3A_1088 : memref<1x128xi32, #tpu.memory_space<vmem>> -> memref<128xi32, #tpu.memory_space<vmem>>
        %dma_start3A_1090 = arith.constant 0 : i32
        %dma_start3A_1091 = arith.constant 0 : i32
        %dma_start3A_1092 = tpu.memref_slice %arg11[%dma_start3A_1090, %dma_start3A_1091] : memref<10112x32xf32, #tpu.memory_space<vmem_shared>> -> memref<10112x32xf32, #tpu.memory_space<vmem_shared>>
        tpu.enqueue_indirect_dma source(%dma_start3A_1092 : memref<10112x32xf32, #tpu.memory_space<vmem_shared>>) target(%dma_start3A_1086 : memref<128x32xf32, #tpu.memory_space<vmem>>) offsets(%dma_start3A_1089 : memref<128xi32, #tpu.memory_space<vmem>>) semaphore(%arg12 : memref<!tpu.dma_semaphore, #tpu.memory_space<semaphore_mem>>)
      } else {
      }
    }
    %scan3A_220 = arith.constant 5 : i32
    %barrier3A_221 = arith.constant 0 : index
    tpu.barrier barrier_id(%barrier3A_221)
    %mul3A_222 = arith.constant 632 : i32
    %mul3A_223 = arith.muli %arg1, %mul3A_222 : i32
    %mul3A_224 = arith.constant 632 : i32
    %mul3A_225 = arith.muli %arg1, %mul3A_224 : i32
    "tpu.region"() ({
      %run_scoped3A = tpu.sem_alloc : memref<!tpu.dma_semaphore, #tpu.memory_space<semaphore_mem>>
      %dma_start3A_226 = arith.constant 0 : i32
      %dma_start3A_227 = tpu.memref_slice %arg6[%arg0, %mul3A_225, %dma_start3A_226] : memref<2x10112x32xf32, #tpu.memory_space<hbm>> -> memref<1x632x32xf32, #tpu.memory_space<hbm>>
      %dma_start3A_228 = tpu.memref_squeeze %dma_start3A_227 : memref<1x632x32xf32, #tpu.memory_space<hbm>> -> memref<632x32xf32, #tpu.memory_space<hbm>>
      %dma_start3A_229 = arith.constant 0 : i32
      %dma_start3A_230 = tpu.memref_slice %arg10[%mul3A_223, %dma_start3A_229] : memref<10112x32xf32, #tpu.memory_space<vmem_shared>> -> memref<632x32xf32, #tpu.memory_space<vmem_shared>>
      tpu.enqueue_dma source(%dma_start3A_230 : memref<632x32xf32, #tpu.memory_space<vmem_shared>>) target(%dma_start3A_228 : memref<632x32xf32, #tpu.memory_space<hbm>>) target_semaphore(%run_scoped3A : memref<!tpu.dma_semaphore, #tpu.memory_space<semaphore_mem>>)
      %dma_wait3A = arith.constant 0 : i32
      %dma_wait3A_231 = tpu.memref_slice %arg6[%arg0, %mul3A_225, %dma_wait3A] : memref<2x10112x32xf32, #tpu.memory_space<hbm>> -> memref<1x632x32xf32, #tpu.memory_space<hbm>>
      %dma_wait3A_232 = tpu.memref_squeeze %dma_wait3A_231 : memref<1x632x32xf32, #tpu.memory_space<hbm>> -> memref<632x32xf32, #tpu.memory_space<hbm>>
      %dma_wait3A_233 = arith.constant 0 : i32
      %dma_wait3A_234 = tpu.memref_slice %arg10[%mul3A_223, %dma_wait3A_233] : memref<10112x32xf32, #tpu.memory_space<vmem_shared>> -> memref<632x32xf32, #tpu.memory_space<vmem_shared>>
      tpu.wait_dma2 semaphore(%run_scoped3A : memref<!tpu.dma_semaphore, #tpu.memory_space<semaphore_mem>>) src(%dma_wait3A_234 : memref<632x32xf32, #tpu.memory_space<vmem_shared>>) dst(%dma_wait3A_232 : memref<632x32xf32, #tpu.memory_space<hbm>>)
      tpu.yield
    }) : () -> ()
    return
  }
}

#map = affine_map<(d0, d1) -> (0, 0, 0)>
#map1 = affine_map<(d0, d1) -> (0, 0)>
module attributes {stable_mosaic.version = 14 : i64} {
  func.func @_sc_degree(%arg0: i32, %arg1: i32, %arg2: memref<32x80x128xi32, #tpu.memory_space<hbm>>, %arg3: memref<128x32xf32, #tpu.memory_space<hbm>>, %arg4: memref<10112x32xf32, #tpu.memory_space<hbm>>, %arg5: memref<2x10112x32xf32, #tpu.memory_space<hbm>>, %arg6: memref<80x128xi32, #tpu.memory_space<vmem>>, %arg7: memref<128x32xf32, #tpu.memory_space<vmem>>, %arg8: memref<10112x32xf32, #tpu.memory_space<vmem_shared>>, %arg9: memref<!tpu.dma_semaphore, #tpu.memory_space<semaphore_mem>>) attributes {dimension_semantics = [#tpu.dimension_semantics<core_parallel>, #tpu.dimension_semantics<subcore_parallel>], iteration_bounds = array<i64: 2, 16>, scalar_prefetch = 0 : i64, scratch_operands = 4 : i64, tpu.core_type = #tpu.core_type<sc_vector_subcore>, window_params = [{transform_indices = #map}, {transform_indices = #map1}, {transform_indices = #map1}, {transform_indices = #map}]} {
    %mul3A = arith.constant 16 : i32
    %mul3A_0 = arith.muli %arg0, %mul3A : i32
    %add3A = arith.addi %mul3A_0, %arg1 : i32
    "tpu.region"() ({
      %run_scoped3A = tpu.sem_alloc : memref<!tpu.dma_semaphore, #tpu.memory_space<semaphore_mem>>
      %dma_start3A = arith.constant 0 : i32
      %dma_start3A_21 = arith.constant 0 : i32
      %dma_start3A_22 = tpu.memref_slice %arg2[%add3A, %dma_start3A, %dma_start3A_21] : memref<32x80x128xi32, #tpu.memory_space<hbm>> -> memref<1x80x128xi32, #tpu.memory_space<hbm>>
      %dma_start3A_23 = tpu.memref_squeeze %dma_start3A_22 : memref<1x80x128xi32, #tpu.memory_space<hbm>> -> memref<80x128xi32, #tpu.memory_space<hbm>>
      %dma_start3A_24 = arith.constant 0 : i32
      %dma_start3A_25 = arith.constant 0 : i32
      %dma_start3A_26 = tpu.memref_slice %arg2[%add3A, %dma_start3A_24, %dma_start3A_25] : memref<32x80x128xi32, #tpu.memory_space<hbm>> -> memref<1x80x128xi32, #tpu.memory_space<hbm>>
      %dma_start3A_27 = tpu.memref_squeeze %dma_start3A_26 : memref<1x80x128xi32, #tpu.memory_space<hbm>> -> memref<80x128xi32, #tpu.memory_space<hbm>>
      tpu.enqueue_dma source(%dma_start3A_27 : memref<80x128xi32, #tpu.memory_space<hbm>>) target(%arg6 : memref<80x128xi32, #tpu.memory_space<vmem>>) target_semaphore(%run_scoped3A : memref<!tpu.dma_semaphore, #tpu.memory_space<semaphore_mem>>)
      %dma_wait3A = arith.constant 0 : i32
      %dma_wait3A_28 = arith.constant 0 : i32
      %dma_wait3A_29 = tpu.memref_slice %arg2[%add3A, %dma_wait3A, %dma_wait3A_28] : memref<32x80x128xi32, #tpu.memory_space<hbm>> -> memref<1x80x128xi32, #tpu.memory_space<hbm>>
      %dma_wait3A_30 = tpu.memref_squeeze %dma_wait3A_29 : memref<1x80x128xi32, #tpu.memory_space<hbm>> -> memref<80x128xi32, #tpu.memory_space<hbm>>
      %dma_wait3A_31 = arith.constant 0 : i32
      %dma_wait3A_32 = arith.constant 0 : i32
      %dma_wait3A_33 = tpu.memref_slice %arg2[%add3A, %dma_wait3A_31, %dma_wait3A_32] : memref<32x80x128xi32, #tpu.memory_space<hbm>> -> memref<1x80x128xi32, #tpu.memory_space<hbm>>
      %dma_wait3A_34 = tpu.memref_squeeze %dma_wait3A_33 : memref<1x80x128xi32, #tpu.memory_space<hbm>> -> memref<80x128xi32, #tpu.memory_space<hbm>>
      tpu.wait_dma2 semaphore(%run_scoped3A : memref<!tpu.dma_semaphore, #tpu.memory_space<semaphore_mem>>) src(%dma_wait3A_34 : memref<80x128xi32, #tpu.memory_space<hbm>>) dst(%arg6 : memref<80x128xi32, #tpu.memory_space<vmem>>)
      tpu.yield
    }) : () -> ()
    "tpu.region"() ({
      %run_scoped3A = tpu.sem_alloc : memref<!tpu.dma_semaphore, #tpu.memory_space<semaphore_mem>>
      tpu.enqueue_dma source(%arg3 : memref<128x32xf32, #tpu.memory_space<hbm>>) target(%arg7 : memref<128x32xf32, #tpu.memory_space<vmem>>) target_semaphore(%run_scoped3A : memref<!tpu.dma_semaphore, #tpu.memory_space<semaphore_mem>>)
      tpu.wait_dma2 semaphore(%run_scoped3A : memref<!tpu.dma_semaphore, #tpu.memory_space<semaphore_mem>>) src(%arg3 : memref<128x32xf32, #tpu.memory_space<hbm>>) dst(%arg7 : memref<128x32xf32, #tpu.memory_space<vmem>>)
      tpu.yield
    }) : () -> ()
    %mul3A_1 = arith.constant 632 : i32
    %mul3A_2 = arith.muli %arg1, %mul3A_1 : i32
    %mul3A_3 = arith.constant 632 : i32
    %mul3A_4 = arith.muli %arg1, %mul3A_3 : i32
    "tpu.region"() ({
      %run_scoped3A = tpu.sem_alloc : memref<!tpu.dma_semaphore, #tpu.memory_space<semaphore_mem>>
      %dma_start3A = arith.constant 0 : i32
      %dma_start3A_21 = tpu.memref_slice %arg8[%mul3A_4, %dma_start3A] : memref<10112x32xf32, #tpu.memory_space<vmem_shared>> -> memref<632x32xf32, #tpu.memory_space<vmem_shared>>
      %dma_start3A_22 = arith.constant 0 : i32
      %dma_start3A_23 = tpu.memref_slice %arg4[%mul3A_2, %dma_start3A_22] : memref<10112x32xf32, #tpu.memory_space<hbm>> -> memref<632x32xf32, #tpu.memory_space<hbm>>
      tpu.enqueue_dma source(%dma_start3A_23 : memref<632x32xf32, #tpu.memory_space<hbm>>) target(%dma_start3A_21 : memref<632x32xf32, #tpu.memory_space<vmem_shared>>) target_semaphore(%run_scoped3A : memref<!tpu.dma_semaphore, #tpu.memory_space<semaphore_mem>>)
      %dma_wait3A = arith.constant 0 : i32
      %dma_wait3A_24 = tpu.memref_slice %arg8[%mul3A_4, %dma_wait3A] : memref<10112x32xf32, #tpu.memory_space<vmem_shared>> -> memref<632x32xf32, #tpu.memory_space<vmem_shared>>
      %dma_wait3A_25 = arith.constant 0 : i32
      %dma_wait3A_26 = tpu.memref_slice %arg4[%mul3A_2, %dma_wait3A_25] : memref<10112x32xf32, #tpu.memory_space<hbm>> -> memref<632x32xf32, #tpu.memory_space<hbm>>
      tpu.wait_dma2 semaphore(%run_scoped3A : memref<!tpu.dma_semaphore, #tpu.memory_space<semaphore_mem>>) src(%dma_wait3A_26 : memref<632x32xf32, #tpu.memory_space<hbm>>) dst(%dma_wait3A_24 : memref<632x32xf32, #tpu.memory_space<vmem_shared>>)
      tpu.yield
    }) : () -> ()
    %barrier3A = arith.constant 0 : index
    tpu.barrier barrier_id(%barrier3A)
    %scan3A = arith.constant 0 : i32
    %scan3A_5 = arith.constant 0 : i32
    %scan3A_6 = arith.constant 80 : i32
    %scan3A_7 = arith.addi %scan3A_5, %scan3A_6 : i32
    %scan3A_8 = arith.constant 1 : i32
    scf.for %scan3A_21 = %scan3A_5 to %scan3A_7 step %scan3A_8  : i32 {
      %dma_start3A = arith.constant 0 : i32
      %dma_start3A_22 = tpu.memref_slice %arg6[%scan3A_21, %dma_start3A] : memref<80x128xi32, #tpu.memory_space<vmem>> -> memref<1x128xi32, #tpu.memory_space<vmem>>
      %dma_start3A_23 = tpu.memref_squeeze %dma_start3A_22 : memref<1x128xi32, #tpu.memory_space<vmem>> -> memref<128xi32, #tpu.memory_space<vmem>>
      %dma_start3A_24 = arith.constant 0 : i32
      %dma_start3A_25 = arith.constant 0 : i32
      %dma_start3A_26 = tpu.memref_slice %arg8[%dma_start3A_24, %dma_start3A_25] : memref<10112x32xf32, #tpu.memory_space<vmem_shared>> -> memref<10112x32xf32, #tpu.memory_space<vmem_shared>>
      tpu.enqueue_indirect_dma source(%arg7 : memref<128x32xf32, #tpu.memory_space<vmem>>) target(%dma_start3A_26 : memref<10112x32xf32, #tpu.memory_space<vmem_shared>>) offsets(%dma_start3A_23 : memref<128xi32, #tpu.memory_space<vmem>>) semaphore(%arg9 : memref<!tpu.dma_semaphore, #tpu.memory_space<semaphore_mem>>) {add = true}
    }
    %scan3A_9 = arith.constant 80 : i32
    %scan3A_10 = arith.constant 0 : i32
    %scan3A_11 = arith.constant 0 : i32
    %scan3A_12 = arith.constant 80 : i32
    %scan3A_13 = arith.addi %scan3A_11, %scan3A_12 : i32
    %scan3A_14 = arith.constant 1 : i32
    scf.for %scan3A_21 = %scan3A_11 to %scan3A_13 step %scan3A_14  : i32 {
      %dma_wait3A = arith.constant 0 : i32
      %dma_wait3A_22 = tpu.memref_slice %arg6[%scan3A_21, %dma_wait3A] : memref<80x128xi32, #tpu.memory_space<vmem>> -> memref<1x128xi32, #tpu.memory_space<vmem>>
      %dma_wait3A_23 = tpu.memref_squeeze %dma_wait3A_22 : memref<1x128xi32, #tpu.memory_space<vmem>> -> memref<128xi32, #tpu.memory_space<vmem>>
      %dma_wait3A_24 = arith.constant 0 : i32
      %dma_wait3A_25 = arith.constant 0 : i32
      %dma_wait3A_26 = tpu.memref_slice %arg8[%dma_wait3A_24, %dma_wait3A_25] : memref<10112x32xf32, #tpu.memory_space<vmem_shared>> -> memref<10112x32xf32, #tpu.memory_space<vmem_shared>>
      tpu.wait_indirect_dma semaphore(%arg9 : memref<!tpu.dma_semaphore, #tpu.memory_space<semaphore_mem>>) src(%arg7 : memref<128x32xf32, #tpu.memory_space<vmem>>) dst(%dma_wait3A_26 : memref<10112x32xf32, #tpu.memory_space<vmem_shared>>)
    }
    %scan3A_15 = arith.constant 80 : i32
    %barrier3A_16 = arith.constant 0 : index
    tpu.barrier barrier_id(%barrier3A_16)
    %mul3A_17 = arith.constant 632 : i32
    %mul3A_18 = arith.muli %arg1, %mul3A_17 : i32
    %mul3A_19 = arith.constant 632 : i32
    %mul3A_20 = arith.muli %arg1, %mul3A_19 : i32
    "tpu.region"() ({
      %run_scoped3A = tpu.sem_alloc : memref<!tpu.dma_semaphore, #tpu.memory_space<semaphore_mem>>
      %dma_start3A = arith.constant 0 : i32
      %dma_start3A_21 = tpu.memref_slice %arg5[%arg0, %mul3A_20, %dma_start3A] : memref<2x10112x32xf32, #tpu.memory_space<hbm>> -> memref<1x632x32xf32, #tpu.memory_space<hbm>>
      %dma_start3A_22 = tpu.memref_squeeze %dma_start3A_21 : memref<1x632x32xf32, #tpu.memory_space<hbm>> -> memref<632x32xf32, #tpu.memory_space<hbm>>
      %dma_start3A_23 = arith.constant 0 : i32
      %dma_start3A_24 = tpu.memref_slice %arg8[%mul3A_18, %dma_start3A_23] : memref<10112x32xf32, #tpu.memory_space<vmem_shared>> -> memref<632x32xf32, #tpu.memory_space<vmem_shared>>
      tpu.enqueue_dma source(%dma_start3A_24 : memref<632x32xf32, #tpu.memory_space<vmem_shared>>) target(%dma_start3A_22 : memref<632x32xf32, #tpu.memory_space<hbm>>) target_semaphore(%run_scoped3A : memref<!tpu.dma_semaphore, #tpu.memory_space<semaphore_mem>>)
      %dma_wait3A = arith.constant 0 : i32
      %dma_wait3A_25 = tpu.memref_slice %arg5[%arg0, %mul3A_20, %dma_wait3A] : memref<2x10112x32xf32, #tpu.memory_space<hbm>> -> memref<1x632x32xf32, #tpu.memory_space<hbm>>
      %dma_wait3A_26 = tpu.memref_squeeze %dma_wait3A_25 : memref<1x632x32xf32, #tpu.memory_space<hbm>> -> memref<632x32xf32, #tpu.memory_space<hbm>>
      %dma_wait3A_27 = arith.constant 0 : i32
      %dma_wait3A_28 = tpu.memref_slice %arg8[%mul3A_18, %dma_wait3A_27] : memref<10112x32xf32, #tpu.memory_space<vmem_shared>> -> memref<632x32xf32, #tpu.memory_space<vmem_shared>>
      tpu.wait_dma2 semaphore(%run_scoped3A : memref<!tpu.dma_semaphore, #tpu.memory_space<semaphore_mem>>) src(%dma_wait3A_28 : memref<632x32xf32, #tpu.memory_space<vmem_shared>>) dst(%dma_wait3A_26 : memref<632x32xf32, #tpu.memory_space<hbm>>)
      tpu.yield
    }) : () -> ()
    return
  }
}

#map = affine_map<(d0, d1) -> (0, 0)>
#map1 = affine_map<(d0, d1) -> (0, 0, 0)>
module attributes {stable_mosaic.version = 14 : i64} {
  func.func @_sc_aggregate(%arg0: i32, %arg1: i32, %arg2: memref<10112x32xf32, #tpu.memory_space<hbm>>, %arg3: memref<32x80x128xi32, #tpu.memory_space<hbm>>, %arg4: memref<32x80x128xi32, #tpu.memory_space<hbm>>, %arg5: memref<10112x32xf32, #tpu.memory_space<hbm>>, %arg6: memref<2x10112x32xf32, #tpu.memory_space<hbm>>, %arg7: memref<80x128xi32, #tpu.memory_space<vmem>>, %arg8: memref<80x128xi32, #tpu.memory_space<vmem>>, %arg9: memref<2x8x128x32xf32, #tpu.memory_space<vmem>>, %arg10: memref<10112x32xf32, #tpu.memory_space<vmem_shared>>, %arg11: memref<10112x32xf32, #tpu.memory_space<vmem_shared>>, %arg12: memref<!tpu.dma_semaphore, #tpu.memory_space<semaphore_mem>>, %arg13: memref<!tpu.dma_semaphore, #tpu.memory_space<semaphore_mem>>) attributes {dimension_semantics = [#tpu.dimension_semantics<core_parallel>, #tpu.dimension_semantics<subcore_parallel>], iteration_bounds = array<i64: 2, 16>, scalar_prefetch = 0 : i64, scratch_operands = 7 : i64, tpu.core_type = #tpu.core_type<sc_vector_subcore>, window_params = [{transform_indices = #map}, {transform_indices = #map1}, {transform_indices = #map1}, {transform_indices = #map}, {transform_indices = #map1}]} {
    %mul3A = arith.constant 16 : i32
    %mul3A_0 = arith.muli %arg0, %mul3A : i32
    %add3A = arith.addi %mul3A_0, %arg1 : i32
    "tpu.region"() ({
      %run_scoped3A = tpu.sem_alloc : memref<!tpu.dma_semaphore, #tpu.memory_space<semaphore_mem>>
      %dma_start3A_226 = arith.constant 0 : i32
      %dma_start3A_227 = arith.constant 0 : i32
      %dma_start3A_228 = tpu.memref_slice %arg3[%add3A, %dma_start3A_226, %dma_start3A_227] : memref<32x80x128xi32, #tpu.memory_space<hbm>> -> memref<1x80x128xi32, #tpu.memory_space<hbm>>
      %dma_start3A_229 = tpu.memref_squeeze %dma_start3A_228 : memref<1x80x128xi32, #tpu.memory_space<hbm>> -> memref<80x128xi32, #tpu.memory_space<hbm>>
      %dma_start3A_230 = arith.constant 0 : i32
      %dma_start3A_231 = arith.constant 0 : i32
      %dma_start3A_232 = tpu.memref_slice %arg3[%add3A, %dma_start3A_230, %dma_start3A_231] : memref<32x80x128xi32, #tpu.memory_space<hbm>> -> memref<1x80x128xi32, #tpu.memory_space<hbm>>
      %dma_start3A_233 = tpu.memref_squeeze %dma_start3A_232 : memref<1x80x128xi32, #tpu.memory_space<hbm>> -> memref<80x128xi32, #tpu.memory_space<hbm>>
      tpu.enqueue_dma source(%dma_start3A_233 : memref<80x128xi32, #tpu.memory_space<hbm>>) target(%arg7 : memref<80x128xi32, #tpu.memory_space<vmem>>) target_semaphore(%run_scoped3A : memref<!tpu.dma_semaphore, #tpu.memory_space<semaphore_mem>>)
      %dma_wait3A = arith.constant 0 : i32
      %dma_wait3A_234 = arith.constant 0 : i32
      %dma_wait3A_235 = tpu.memref_slice %arg3[%add3A, %dma_wait3A, %dma_wait3A_234] : memref<32x80x128xi32, #tpu.memory_space<hbm>> -> memref<1x80x128xi32, #tpu.memory_space<hbm>>
      %dma_wait3A_236 = tpu.memref_squeeze %dma_wait3A_235 : memref<1x80x128xi32, #tpu.memory_space<hbm>> -> memref<80x128xi32, #tpu.memory_space<hbm>>
      %dma_wait3A_237 = arith.constant 0 : i32
      %dma_wait3A_238 = arith.constant 0 : i32
      %dma_wait3A_239 = tpu.memref_slice %arg3[%add3A, %dma_wait3A_237, %dma_wait3A_238] : memref<32x80x128xi32, #tpu.memory_space<hbm>> -> memref<1x80x128xi32, #tpu.memory_space<hbm>>
      %dma_wait3A_240 = tpu.memref_squeeze %dma_wait3A_239 : memref<1x80x128xi32, #tpu.memory_space<hbm>> -> memref<80x128xi32, #tpu.memory_space<hbm>>
      tpu.wait_dma2 semaphore(%run_scoped3A : memref<!tpu.dma_semaphore, #tpu.memory_space<semaphore_mem>>) src(%dma_wait3A_240 : memref<80x128xi32, #tpu.memory_space<hbm>>) dst(%arg7 : memref<80x128xi32, #tpu.memory_space<vmem>>)
      tpu.yield
    }) : () -> ()
    "tpu.region"() ({
      %run_scoped3A = tpu.sem_alloc : memref<!tpu.dma_semaphore, #tpu.memory_space<semaphore_mem>>
      %dma_start3A_226 = arith.constant 0 : i32
      %dma_start3A_227 = arith.constant 0 : i32
      %dma_start3A_228 = tpu.memref_slice %arg4[%add3A, %dma_start3A_226, %dma_start3A_227] : memref<32x80x128xi32, #tpu.memory_space<hbm>> -> memref<1x80x128xi32, #tpu.memory_space<hbm>>
      %dma_start3A_229 = tpu.memref_squeeze %dma_start3A_228 : memref<1x80x128xi32, #tpu.memory_space<hbm>> -> memref<80x128xi32, #tpu.memory_space<hbm>>
      %dma_start3A_230 = arith.constant 0 : i32
      %dma_start3A_231 = arith.constant 0 : i32
      %dma_start3A_232 = tpu.memref_slice %arg4[%add3A, %dma_start3A_230, %dma_start3A_231] : memref<32x80x128xi32, #tpu.memory_space<hbm>> -> memref<1x80x128xi32, #tpu.memory_space<hbm>>
      %dma_start3A_233 = tpu.memref_squeeze %dma_start3A_232 : memref<1x80x128xi32, #tpu.memory_space<hbm>> -> memref<80x128xi32, #tpu.memory_space<hbm>>
      tpu.enqueue_dma source(%dma_start3A_233 : memref<80x128xi32, #tpu.memory_space<hbm>>) target(%arg8 : memref<80x128xi32, #tpu.memory_space<vmem>>) target_semaphore(%run_scoped3A : memref<!tpu.dma_semaphore, #tpu.memory_space<semaphore_mem>>)
      %dma_wait3A = arith.constant 0 : i32
      %dma_wait3A_234 = arith.constant 0 : i32
      %dma_wait3A_235 = tpu.memref_slice %arg4[%add3A, %dma_wait3A, %dma_wait3A_234] : memref<32x80x128xi32, #tpu.memory_space<hbm>> -> memref<1x80x128xi32, #tpu.memory_space<hbm>>
      %dma_wait3A_236 = tpu.memref_squeeze %dma_wait3A_235 : memref<1x80x128xi32, #tpu.memory_space<hbm>> -> memref<80x128xi32, #tpu.memory_space<hbm>>
      %dma_wait3A_237 = arith.constant 0 : i32
      %dma_wait3A_238 = arith.constant 0 : i32
      %dma_wait3A_239 = tpu.memref_slice %arg4[%add3A, %dma_wait3A_237, %dma_wait3A_238] : memref<32x80x128xi32, #tpu.memory_space<hbm>> -> memref<1x80x128xi32, #tpu.memory_space<hbm>>
      %dma_wait3A_240 = tpu.memref_squeeze %dma_wait3A_239 : memref<1x80x128xi32, #tpu.memory_space<hbm>> -> memref<80x128xi32, #tpu.memory_space<hbm>>
      tpu.wait_dma2 semaphore(%run_scoped3A : memref<!tpu.dma_semaphore, #tpu.memory_space<semaphore_mem>>) src(%dma_wait3A_240 : memref<80x128xi32, #tpu.memory_space<hbm>>) dst(%arg8 : memref<80x128xi32, #tpu.memory_space<vmem>>)
      tpu.yield
    }) : () -> ()
    %mul3A_1 = arith.constant 632 : i32
    %mul3A_2 = arith.muli %arg1, %mul3A_1 : i32
    %eq3A = arith.constant 0 : i32
    %eq3A_3 = arith.cmpi eq, %arg0, %eq3A : i32
    %convert_element_type3A = arith.extui %eq3A_3 : i1 to i32
    %cond3A = arith.constant 0 : i32
    %cond3A_4 = arith.cmpi ne, %convert_element_type3A, %cond3A : i32
    scf.if %cond3A_4 {
      "tpu.region"() ({
        %run_scoped3A = tpu.sem_alloc : memref<!tpu.dma_semaphore, #tpu.memory_space<semaphore_mem>>
        %dma_start3A_226 = arith.constant 0 : i32
        %dma_start3A_227 = tpu.memref_slice %arg10[%mul3A_2, %dma_start3A_226] : memref<10112x32xf32, #tpu.memory_space<vmem_shared>> -> memref<632x32xf32, #tpu.memory_space<vmem_shared>>
        %dma_start3A_228 = arith.constant 0 : i32
        %dma_start3A_229 = tpu.memref_slice %arg2[%mul3A_2, %dma_start3A_228] : memref<10112x32xf32, #tpu.memory_space<hbm>> -> memref<632x32xf32, #tpu.memory_space<hbm>>
        tpu.enqueue_dma source(%dma_start3A_229 : memref<632x32xf32, #tpu.memory_space<hbm>>) target(%dma_start3A_227 : memref<632x32xf32, #tpu.memory_space<vmem_shared>>) target_semaphore(%run_scoped3A : memref<!tpu.dma_semaphore, #tpu.memory_space<semaphore_mem>>)
        %dma_wait3A = arith.constant 0 : i32
        %dma_wait3A_230 = tpu.memref_slice %arg10[%mul3A_2, %dma_wait3A] : memref<10112x32xf32, #tpu.memory_space<vmem_shared>> -> memref<632x32xf32, #tpu.memory_space<vmem_shared>>
        %dma_wait3A_231 = arith.constant 0 : i32
        %dma_wait3A_232 = tpu.memref_slice %arg2[%mul3A_2, %dma_wait3A_231] : memref<10112x32xf32, #tpu.memory_space<hbm>> -> memref<632x32xf32, #tpu.memory_space<hbm>>
        tpu.wait_dma2 semaphore(%run_scoped3A : memref<!tpu.dma_semaphore, #tpu.memory_space<semaphore_mem>>) src(%dma_wait3A_232 : memref<632x32xf32, #tpu.memory_space<hbm>>) dst(%dma_wait3A_230 : memref<632x32xf32, #tpu.memory_space<vmem_shared>>)
        tpu.yield
      }) : () -> ()
    } else {
    }
    %ne3A = arith.constant 0 : i32
    %ne3A_5 = arith.cmpi ne, %arg0, %ne3A : i32
    %convert_element_type3A_6 = arith.extui %ne3A_5 : i1 to i32
    %cond3A_7 = arith.constant 0 : i32
    %cond3A_8 = arith.cmpi ne, %convert_element_type3A_6, %cond3A_7 : i32
    scf.if %cond3A_8 {
      "tpu.region"() ({
        %run_scoped3A = tpu.sem_alloc : memref<!tpu.dma_semaphore, #tpu.memory_space<semaphore_mem>>
        %dma_start3A_226 = arith.constant 0 : i32
        %dma_start3A_227 = tpu.memref_slice %arg10[%mul3A_2, %dma_start3A_226] : memref<10112x32xf32, #tpu.memory_space<vmem_shared>> -> memref<632x32xf32, #tpu.memory_space<vmem_shared>>
        %dma_start3A_228 = arith.constant 0 : i32
        %dma_start3A_229 = tpu.memref_slice %arg5[%mul3A_2, %dma_start3A_228] : memref<10112x32xf32, #tpu.memory_space<hbm>> -> memref<632x32xf32, #tpu.memory_space<hbm>>
        tpu.enqueue_dma source(%dma_start3A_229 : memref<632x32xf32, #tpu.memory_space<hbm>>) target(%dma_start3A_227 : memref<632x32xf32, #tpu.memory_space<vmem_shared>>) target_semaphore(%run_scoped3A : memref<!tpu.dma_semaphore, #tpu.memory_space<semaphore_mem>>)
        %dma_wait3A = arith.constant 0 : i32
        %dma_wait3A_230 = tpu.memref_slice %arg10[%mul3A_2, %dma_wait3A] : memref<10112x32xf32, #tpu.memory_space<vmem_shared>> -> memref<632x32xf32, #tpu.memory_space<vmem_shared>>
        %dma_wait3A_231 = arith.constant 0 : i32
        %dma_wait3A_232 = tpu.memref_slice %arg5[%mul3A_2, %dma_wait3A_231] : memref<10112x32xf32, #tpu.memory_space<hbm>> -> memref<632x32xf32, #tpu.memory_space<hbm>>
        tpu.wait_dma2 semaphore(%run_scoped3A : memref<!tpu.dma_semaphore, #tpu.memory_space<semaphore_mem>>) src(%dma_wait3A_232 : memref<632x32xf32, #tpu.memory_space<hbm>>) dst(%dma_wait3A_230 : memref<632x32xf32, #tpu.memory_space<vmem_shared>>)
        tpu.yield
      }) : () -> ()
    } else {
    }
    "tpu.region"() ({
      %run_scoped3A = tpu.sem_alloc : memref<!tpu.dma_semaphore, #tpu.memory_space<semaphore_mem>>
      %dma_start3A_226 = arith.constant 0 : i32
      %dma_start3A_227 = tpu.memref_slice %arg11[%mul3A_2, %dma_start3A_226] : memref<10112x32xf32, #tpu.memory_space<vmem_shared>> -> memref<632x32xf32, #tpu.memory_space<vmem_shared>>
      %dma_start3A_228 = arith.constant 0 : i32
      %dma_start3A_229 = tpu.memref_slice %arg2[%mul3A_2, %dma_start3A_228] : memref<10112x32xf32, #tpu.memory_space<hbm>> -> memref<632x32xf32, #tpu.memory_space<hbm>>
      tpu.enqueue_dma source(%dma_start3A_229 : memref<632x32xf32, #tpu.memory_space<hbm>>) target(%dma_start3A_227 : memref<632x32xf32, #tpu.memory_space<vmem_shared>>) target_semaphore(%run_scoped3A : memref<!tpu.dma_semaphore, #tpu.memory_space<semaphore_mem>>)
      %dma_wait3A = arith.constant 0 : i32
      %dma_wait3A_230 = tpu.memref_slice %arg11[%mul3A_2, %dma_wait3A] : memref<10112x32xf32, #tpu.memory_space<vmem_shared>> -> memref<632x32xf32, #tpu.memory_space<vmem_shared>>
      %dma_wait3A_231 = arith.constant 0 : i32
      %dma_wait3A_232 = tpu.memref_slice %arg2[%mul3A_2, %dma_wait3A_231] : memref<10112x32xf32, #tpu.memory_space<hbm>> -> memref<632x32xf32, #tpu.memory_space<hbm>>
      tpu.wait_dma2 semaphore(%run_scoped3A : memref<!tpu.dma_semaphore, #tpu.memory_space<semaphore_mem>>) src(%dma_wait3A_232 : memref<632x32xf32, #tpu.memory_space<hbm>>) dst(%dma_wait3A_230 : memref<632x32xf32, #tpu.memory_space<vmem_shared>>)
      tpu.yield
    }) : () -> ()
    %barrier3A = arith.constant 0 : index
    tpu.barrier barrier_id(%barrier3A)
    %dma_start3A = arith.constant 0 : i32
    %dma_start3A_9 = arith.constant 0 : i32
    %dma_start3A_10 = arith.constant 0 : i32
    %dma_start3A_11 = arith.constant 0 : i32
    %dma_start3A_12 = arith.constant 0 : i32
    %dma_start3A_13 = tpu.memref_slice %arg9[%dma_start3A_9, %dma_start3A_10, %dma_start3A_11, %dma_start3A_12] : memref<2x8x128x32xf32, #tpu.memory_space<vmem>> -> memref<1x1x128x32xf32, #tpu.memory_space<vmem>>
    %dma_start3A_14 = tpu.memref_squeeze %dma_start3A_13 : memref<1x1x128x32xf32, #tpu.memory_space<vmem>> -> memref<128x32xf32, #tpu.memory_space<vmem>>
    %dma_start3A_15 = arith.constant 0 : i32
    %dma_start3A_16 = tpu.memref_slice %arg7[%dma_start3A, %dma_start3A_15] : memref<80x128xi32, #tpu.memory_space<vmem>> -> memref<1x128xi32, #tpu.memory_space<vmem>>
    %dma_start3A_17 = tpu.memref_squeeze %dma_start3A_16 : memref<1x128xi32, #tpu.memory_space<vmem>> -> memref<128xi32, #tpu.memory_space<vmem>>
    %dma_start3A_18 = arith.constant 0 : i32
    %dma_start3A_19 = arith.constant 0 : i32
    %dma_start3A_20 = tpu.memref_slice %arg11[%dma_start3A_18, %dma_start3A_19] : memref<10112x32xf32, #tpu.memory_space<vmem_shared>> -> memref<10112x32xf32, #tpu.memory_space<vmem_shared>>
    tpu.enqueue_indirect_dma source(%dma_start3A_20 : memref<10112x32xf32, #tpu.memory_space<vmem_shared>>) target(%dma_start3A_14 : memref<128x32xf32, #tpu.memory_space<vmem>>) offsets(%dma_start3A_17 : memref<128xi32, #tpu.memory_space<vmem>>) semaphore(%arg12 : memref<!tpu.dma_semaphore, #tpu.memory_space<semaphore_mem>>)
    %dma_start3A_21 = arith.constant 1 : i32
    %dma_start3A_22 = arith.constant 0 : i32
    %dma_start3A_23 = arith.constant 1 : i32
    %dma_start3A_24 = arith.constant 0 : i32
    %dma_start3A_25 = arith.constant 0 : i32
    %dma_start3A_26 = tpu.memref_slice %arg9[%dma_start3A_22, %dma_start3A_23, %dma_start3A_24, %dma_start3A_25] : memref<2x8x128x32xf32, #tpu.memory_space<vmem>> -> memref<1x1x128x32xf32, #tpu.memory_space<vmem>>
    %dma_start3A_27 = tpu.memref_squeeze %dma_start3A_26 : memref<1x1x128x32xf32, #tpu.memory_space<vmem>> -> memref<128x32xf32, #tpu.memory_space<vmem>>
    %dma_start3A_28 = arith.constant 0 : i32
    %dma_start3A_29 = tpu.memref_slice %arg7[%dma_start3A_21, %dma_start3A_28] : memref<80x128xi32, #tpu.memory_space<vmem>> -> memref<1x128xi32, #tpu.memory_space<vmem>>
    %dma_start3A_30 = tpu.memref_squeeze %dma_start3A_29 : memref<1x128xi32, #tpu.memory_space<vmem>> -> memref<128xi32, #tpu.memory_space<vmem>>
    %dma_start3A_31 = arith.constant 0 : i32
    %dma_start3A_32 = arith.constant 0 : i32
    %dma_start3A_33 = tpu.memref_slice %arg11[%dma_start3A_31, %dma_start3A_32] : memref<10112x32xf32, #tpu.memory_space<vmem_shared>> -> memref<10112x32xf32, #tpu.memory_space<vmem_shared>>
    tpu.enqueue_indirect_dma source(%dma_start3A_33 : memref<10112x32xf32, #tpu.memory_space<vmem_shared>>) target(%dma_start3A_27 : memref<128x32xf32, #tpu.memory_space<vmem>>) offsets(%dma_start3A_30 : memref<128xi32, #tpu.memory_space<vmem>>) semaphore(%arg12 : memref<!tpu.dma_semaphore, #tpu.memory_space<semaphore_mem>>)
    %dma_start3A_34 = arith.constant 2 : i32
    %dma_start3A_35 = arith.constant 0 : i32
    %dma_start3A_36 = arith.constant 2 : i32
    %dma_start3A_37 = arith.constant 0 : i32
    %dma_start3A_38 = arith.constant 0 : i32
    %dma_start3A_39 = tpu.memref_slice %arg9[%dma_start3A_35, %dma_start3A_36, %dma_start3A_37, %dma_start3A_38] : memref<2x8x128x32xf32, #tpu.memory_space<vmem>> -> memref<1x1x128x32xf32, #tpu.memory_space<vmem>>
    %dma_start3A_40 = tpu.memref_squeeze %dma_start3A_39 : memref<1x1x128x32xf32, #tpu.memory_space<vmem>> -> memref<128x32xf32, #tpu.memory_space<vmem>>
    %dma_start3A_41 = arith.constant 0 : i32
    %dma_start3A_42 = tpu.memref_slice %arg7[%dma_start3A_34, %dma_start3A_41] : memref<80x128xi32, #tpu.memory_space<vmem>> -> memref<1x128xi32, #tpu.memory_space<vmem>>
    %dma_start3A_43 = tpu.memref_squeeze %dma_start3A_42 : memref<1x128xi32, #tpu.memory_space<vmem>> -> memref<128xi32, #tpu.memory_space<vmem>>
    %dma_start3A_44 = arith.constant 0 : i32
    %dma_start3A_45 = arith.constant 0 : i32
    %dma_start3A_46 = tpu.memref_slice %arg11[%dma_start3A_44, %dma_start3A_45] : memref<10112x32xf32, #tpu.memory_space<vmem_shared>> -> memref<10112x32xf32, #tpu.memory_space<vmem_shared>>
    tpu.enqueue_indirect_dma source(%dma_start3A_46 : memref<10112x32xf32, #tpu.memory_space<vmem_shared>>) target(%dma_start3A_40 : memref<128x32xf32, #tpu.memory_space<vmem>>) offsets(%dma_start3A_43 : memref<128xi32, #tpu.memory_space<vmem>>) semaphore(%arg12 : memref<!tpu.dma_semaphore, #tpu.memory_space<semaphore_mem>>)
    %dma_start3A_47 = arith.constant 3 : i32
    %dma_start3A_48 = arith.constant 0 : i32
    %dma_start3A_49 = arith.constant 3 : i32
    %dma_start3A_50 = arith.constant 0 : i32
    %dma_start3A_51 = arith.constant 0 : i32
    %dma_start3A_52 = tpu.memref_slice %arg9[%dma_start3A_48, %dma_start3A_49, %dma_start3A_50, %dma_start3A_51] : memref<2x8x128x32xf32, #tpu.memory_space<vmem>> -> memref<1x1x128x32xf32, #tpu.memory_space<vmem>>
    %dma_start3A_53 = tpu.memref_squeeze %dma_start3A_52 : memref<1x1x128x32xf32, #tpu.memory_space<vmem>> -> memref<128x32xf32, #tpu.memory_space<vmem>>
    %dma_start3A_54 = arith.constant 0 : i32
    %dma_start3A_55 = tpu.memref_slice %arg7[%dma_start3A_47, %dma_start3A_54] : memref<80x128xi32, #tpu.memory_space<vmem>> -> memref<1x128xi32, #tpu.memory_space<vmem>>
    %dma_start3A_56 = tpu.memref_squeeze %dma_start3A_55 : memref<1x128xi32, #tpu.memory_space<vmem>> -> memref<128xi32, #tpu.memory_space<vmem>>
    %dma_start3A_57 = arith.constant 0 : i32
    %dma_start3A_58 = arith.constant 0 : i32
    %dma_start3A_59 = tpu.memref_slice %arg11[%dma_start3A_57, %dma_start3A_58] : memref<10112x32xf32, #tpu.memory_space<vmem_shared>> -> memref<10112x32xf32, #tpu.memory_space<vmem_shared>>
    tpu.enqueue_indirect_dma source(%dma_start3A_59 : memref<10112x32xf32, #tpu.memory_space<vmem_shared>>) target(%dma_start3A_53 : memref<128x32xf32, #tpu.memory_space<vmem>>) offsets(%dma_start3A_56 : memref<128xi32, #tpu.memory_space<vmem>>) semaphore(%arg12 : memref<!tpu.dma_semaphore, #tpu.memory_space<semaphore_mem>>)
    %dma_start3A_60 = arith.constant 4 : i32
    %dma_start3A_61 = arith.constant 0 : i32
    %dma_start3A_62 = arith.constant 4 : i32
    %dma_start3A_63 = arith.constant 0 : i32
    %dma_start3A_64 = arith.constant 0 : i32
    %dma_start3A_65 = tpu.memref_slice %arg9[%dma_start3A_61, %dma_start3A_62, %dma_start3A_63, %dma_start3A_64] : memref<2x8x128x32xf32, #tpu.memory_space<vmem>> -> memref<1x1x128x32xf32, #tpu.memory_space<vmem>>
    %dma_start3A_66 = tpu.memref_squeeze %dma_start3A_65 : memref<1x1x128x32xf32, #tpu.memory_space<vmem>> -> memref<128x32xf32, #tpu.memory_space<vmem>>
    %dma_start3A_67 = arith.constant 0 : i32
    %dma_start3A_68 = tpu.memref_slice %arg7[%dma_start3A_60, %dma_start3A_67] : memref<80x128xi32, #tpu.memory_space<vmem>> -> memref<1x128xi32, #tpu.memory_space<vmem>>
    %dma_start3A_69 = tpu.memref_squeeze %dma_start3A_68 : memref<1x128xi32, #tpu.memory_space<vmem>> -> memref<128xi32, #tpu.memory_space<vmem>>
    %dma_start3A_70 = arith.constant 0 : i32
    %dma_start3A_71 = arith.constant 0 : i32
    %dma_start3A_72 = tpu.memref_slice %arg11[%dma_start3A_70, %dma_start3A_71] : memref<10112x32xf32, #tpu.memory_space<vmem_shared>> -> memref<10112x32xf32, #tpu.memory_space<vmem_shared>>
    tpu.enqueue_indirect_dma source(%dma_start3A_72 : memref<10112x32xf32, #tpu.memory_space<vmem_shared>>) target(%dma_start3A_66 : memref<128x32xf32, #tpu.memory_space<vmem>>) offsets(%dma_start3A_69 : memref<128xi32, #tpu.memory_space<vmem>>) semaphore(%arg12 : memref<!tpu.dma_semaphore, #tpu.memory_space<semaphore_mem>>)
    %dma_start3A_73 = arith.constant 5 : i32
    %dma_start3A_74 = arith.constant 0 : i32
    %dma_start3A_75 = arith.constant 5 : i32
    %dma_start3A_76 = arith.constant 0 : i32
    %dma_start3A_77 = arith.constant 0 : i32
    %dma_start3A_78 = tpu.memref_slice %arg9[%dma_start3A_74, %dma_start3A_75, %dma_start3A_76, %dma_start3A_77] : memref<2x8x128x32xf32, #tpu.memory_space<vmem>> -> memref<1x1x128x32xf32, #tpu.memory_space<vmem>>
    %dma_start3A_79 = tpu.memref_squeeze %dma_start3A_78 : memref<1x1x128x32xf32, #tpu.memory_space<vmem>> -> memref<128x32xf32, #tpu.memory_space<vmem>>
    %dma_start3A_80 = arith.constant 0 : i32
    %dma_start3A_81 = tpu.memref_slice %arg7[%dma_start3A_73, %dma_start3A_80] : memref<80x128xi32, #tpu.memory_space<vmem>> -> memref<1x128xi32, #tpu.memory_space<vmem>>
    %dma_start3A_82 = tpu.memref_squeeze %dma_start3A_81 : memref<1x128xi32, #tpu.memory_space<vmem>> -> memref<128xi32, #tpu.memory_space<vmem>>
    %dma_start3A_83 = arith.constant 0 : i32
    %dma_start3A_84 = arith.constant 0 : i32
    %dma_start3A_85 = tpu.memref_slice %arg11[%dma_start3A_83, %dma_start3A_84] : memref<10112x32xf32, #tpu.memory_space<vmem_shared>> -> memref<10112x32xf32, #tpu.memory_space<vmem_shared>>
    tpu.enqueue_indirect_dma source(%dma_start3A_85 : memref<10112x32xf32, #tpu.memory_space<vmem_shared>>) target(%dma_start3A_79 : memref<128x32xf32, #tpu.memory_space<vmem>>) offsets(%dma_start3A_82 : memref<128xi32, #tpu.memory_space<vmem>>) semaphore(%arg12 : memref<!tpu.dma_semaphore, #tpu.memory_space<semaphore_mem>>)
    %dma_start3A_86 = arith.constant 6 : i32
    %dma_start3A_87 = arith.constant 0 : i32
    %dma_start3A_88 = arith.constant 6 : i32
    %dma_start3A_89 = arith.constant 0 : i32
    %dma_start3A_90 = arith.constant 0 : i32
    %dma_start3A_91 = tpu.memref_slice %arg9[%dma_start3A_87, %dma_start3A_88, %dma_start3A_89, %dma_start3A_90] : memref<2x8x128x32xf32, #tpu.memory_space<vmem>> -> memref<1x1x128x32xf32, #tpu.memory_space<vmem>>
    %dma_start3A_92 = tpu.memref_squeeze %dma_start3A_91 : memref<1x1x128x32xf32, #tpu.memory_space<vmem>> -> memref<128x32xf32, #tpu.memory_space<vmem>>
    %dma_start3A_93 = arith.constant 0 : i32
    %dma_start3A_94 = tpu.memref_slice %arg7[%dma_start3A_86, %dma_start3A_93] : memref<80x128xi32, #tpu.memory_space<vmem>> -> memref<1x128xi32, #tpu.memory_space<vmem>>
    %dma_start3A_95 = tpu.memref_squeeze %dma_start3A_94 : memref<1x128xi32, #tpu.memory_space<vmem>> -> memref<128xi32, #tpu.memory_space<vmem>>
    %dma_start3A_96 = arith.constant 0 : i32
    %dma_start3A_97 = arith.constant 0 : i32
    %dma_start3A_98 = tpu.memref_slice %arg11[%dma_start3A_96, %dma_start3A_97] : memref<10112x32xf32, #tpu.memory_space<vmem_shared>> -> memref<10112x32xf32, #tpu.memory_space<vmem_shared>>
    tpu.enqueue_indirect_dma source(%dma_start3A_98 : memref<10112x32xf32, #tpu.memory_space<vmem_shared>>) target(%dma_start3A_92 : memref<128x32xf32, #tpu.memory_space<vmem>>) offsets(%dma_start3A_95 : memref<128xi32, #tpu.memory_space<vmem>>) semaphore(%arg12 : memref<!tpu.dma_semaphore, #tpu.memory_space<semaphore_mem>>)
    %dma_start3A_99 = arith.constant 7 : i32
    %dma_start3A_100 = arith.constant 0 : i32
    %dma_start3A_101 = arith.constant 7 : i32
    %dma_start3A_102 = arith.constant 0 : i32
    %dma_start3A_103 = arith.constant 0 : i32
    %dma_start3A_104 = tpu.memref_slice %arg9[%dma_start3A_100, %dma_start3A_101, %dma_start3A_102, %dma_start3A_103] : memref<2x8x128x32xf32, #tpu.memory_space<vmem>> -> memref<1x1x128x32xf32, #tpu.memory_space<vmem>>
    %dma_start3A_105 = tpu.memref_squeeze %dma_start3A_104 : memref<1x1x128x32xf32, #tpu.memory_space<vmem>> -> memref<128x32xf32, #tpu.memory_space<vmem>>
    %dma_start3A_106 = arith.constant 0 : i32
    %dma_start3A_107 = tpu.memref_slice %arg7[%dma_start3A_99, %dma_start3A_106] : memref<80x128xi32, #tpu.memory_space<vmem>> -> memref<1x128xi32, #tpu.memory_space<vmem>>
    %dma_start3A_108 = tpu.memref_squeeze %dma_start3A_107 : memref<1x128xi32, #tpu.memory_space<vmem>> -> memref<128xi32, #tpu.memory_space<vmem>>
    %dma_start3A_109 = arith.constant 0 : i32
    %dma_start3A_110 = arith.constant 0 : i32
    %dma_start3A_111 = tpu.memref_slice %arg11[%dma_start3A_109, %dma_start3A_110] : memref<10112x32xf32, #tpu.memory_space<vmem_shared>> -> memref<10112x32xf32, #tpu.memory_space<vmem_shared>>
    tpu.enqueue_indirect_dma source(%dma_start3A_111 : memref<10112x32xf32, #tpu.memory_space<vmem_shared>>) target(%dma_start3A_105 : memref<128x32xf32, #tpu.memory_space<vmem>>) offsets(%dma_start3A_108 : memref<128xi32, #tpu.memory_space<vmem>>) semaphore(%arg12 : memref<!tpu.dma_semaphore, #tpu.memory_space<semaphore_mem>>)
    %dma_start3A_112 = arith.constant 8 : i32
    %dma_start3A_113 = arith.constant 1 : i32
    %dma_start3A_114 = arith.constant 0 : i32
    %dma_start3A_115 = arith.constant 0 : i32
    %dma_start3A_116 = arith.constant 0 : i32
    %dma_start3A_117 = tpu.memref_slice %arg9[%dma_start3A_113, %dma_start3A_114, %dma_start3A_115, %dma_start3A_116] : memref<2x8x128x32xf32, #tpu.memory_space<vmem>> -> memref<1x1x128x32xf32, #tpu.memory_space<vmem>>
    %dma_start3A_118 = tpu.memref_squeeze %dma_start3A_117 : memref<1x1x128x32xf32, #tpu.memory_space<vmem>> -> memref<128x32xf32, #tpu.memory_space<vmem>>
    %dma_start3A_119 = arith.constant 0 : i32
    %dma_start3A_120 = tpu.memref_slice %arg7[%dma_start3A_112, %dma_start3A_119] : memref<80x128xi32, #tpu.memory_space<vmem>> -> memref<1x128xi32, #tpu.memory_space<vmem>>
    %dma_start3A_121 = tpu.memref_squeeze %dma_start3A_120 : memref<1x128xi32, #tpu.memory_space<vmem>> -> memref<128xi32, #tpu.memory_space<vmem>>
    %dma_start3A_122 = arith.constant 0 : i32
    %dma_start3A_123 = arith.constant 0 : i32
    %dma_start3A_124 = tpu.memref_slice %arg11[%dma_start3A_122, %dma_start3A_123] : memref<10112x32xf32, #tpu.memory_space<vmem_shared>> -> memref<10112x32xf32, #tpu.memory_space<vmem_shared>>
    tpu.enqueue_indirect_dma source(%dma_start3A_124 : memref<10112x32xf32, #tpu.memory_space<vmem_shared>>) target(%dma_start3A_118 : memref<128x32xf32, #tpu.memory_space<vmem>>) offsets(%dma_start3A_121 : memref<128xi32, #tpu.memory_space<vmem>>) semaphore(%arg12 : memref<!tpu.dma_semaphore, #tpu.memory_space<semaphore_mem>>)
    %dma_start3A_125 = arith.constant 9 : i32
    %dma_start3A_126 = arith.constant 1 : i32
    %dma_start3A_127 = arith.constant 1 : i32
    %dma_start3A_128 = arith.constant 0 : i32
    %dma_start3A_129 = arith.constant 0 : i32
    %dma_start3A_130 = tpu.memref_slice %arg9[%dma_start3A_126, %dma_start3A_127, %dma_start3A_128, %dma_start3A_129] : memref<2x8x128x32xf32, #tpu.memory_space<vmem>> -> memref<1x1x128x32xf32, #tpu.memory_space<vmem>>
    %dma_start3A_131 = tpu.memref_squeeze %dma_start3A_130 : memref<1x1x128x32xf32, #tpu.memory_space<vmem>> -> memref<128x32xf32, #tpu.memory_space<vmem>>
    %dma_start3A_132 = arith.constant 0 : i32
    %dma_start3A_133 = tpu.memref_slice %arg7[%dma_start3A_125, %dma_start3A_132] : memref<80x128xi32, #tpu.memory_space<vmem>> -> memref<1x128xi32, #tpu.memory_space<vmem>>
    %dma_start3A_134 = tpu.memref_squeeze %dma_start3A_133 : memref<1x128xi32, #tpu.memory_space<vmem>> -> memref<128xi32, #tpu.memory_space<vmem>>
    %dma_start3A_135 = arith.constant 0 : i32
    %dma_start3A_136 = arith.constant 0 : i32
    %dma_start3A_137 = tpu.memref_slice %arg11[%dma_start3A_135, %dma_start3A_136] : memref<10112x32xf32, #tpu.memory_space<vmem_shared>> -> memref<10112x32xf32, #tpu.memory_space<vmem_shared>>
    tpu.enqueue_indirect_dma source(%dma_start3A_137 : memref<10112x32xf32, #tpu.memory_space<vmem_shared>>) target(%dma_start3A_131 : memref<128x32xf32, #tpu.memory_space<vmem>>) offsets(%dma_start3A_134 : memref<128xi32, #tpu.memory_space<vmem>>) semaphore(%arg12 : memref<!tpu.dma_semaphore, #tpu.memory_space<semaphore_mem>>)
    %dma_start3A_138 = arith.constant 10 : i32
    %dma_start3A_139 = arith.constant 1 : i32
    %dma_start3A_140 = arith.constant 2 : i32
    %dma_start3A_141 = arith.constant 0 : i32
    %dma_start3A_142 = arith.constant 0 : i32
    %dma_start3A_143 = tpu.memref_slice %arg9[%dma_start3A_139, %dma_start3A_140, %dma_start3A_141, %dma_start3A_142] : memref<2x8x128x32xf32, #tpu.memory_space<vmem>> -> memref<1x1x128x32xf32, #tpu.memory_space<vmem>>
    %dma_start3A_144 = tpu.memref_squeeze %dma_start3A_143 : memref<1x1x128x32xf32, #tpu.memory_space<vmem>> -> memref<128x32xf32, #tpu.memory_space<vmem>>
    %dma_start3A_145 = arith.constant 0 : i32
    %dma_start3A_146 = tpu.memref_slice %arg7[%dma_start3A_138, %dma_start3A_145] : memref<80x128xi32, #tpu.memory_space<vmem>> -> memref<1x128xi32, #tpu.memory_space<vmem>>
    %dma_start3A_147 = tpu.memref_squeeze %dma_start3A_146 : memref<1x128xi32, #tpu.memory_space<vmem>> -> memref<128xi32, #tpu.memory_space<vmem>>
    %dma_start3A_148 = arith.constant 0 : i32
    %dma_start3A_149 = arith.constant 0 : i32
    %dma_start3A_150 = tpu.memref_slice %arg11[%dma_start3A_148, %dma_start3A_149] : memref<10112x32xf32, #tpu.memory_space<vmem_shared>> -> memref<10112x32xf32, #tpu.memory_space<vmem_shared>>
    tpu.enqueue_indirect_dma source(%dma_start3A_150 : memref<10112x32xf32, #tpu.memory_space<vmem_shared>>) target(%dma_start3A_144 : memref<128x32xf32, #tpu.memory_space<vmem>>) offsets(%dma_start3A_147 : memref<128xi32, #tpu.memory_space<vmem>>) semaphore(%arg12 : memref<!tpu.dma_semaphore, #tpu.memory_space<semaphore_mem>>)
    %dma_start3A_151 = arith.constant 11 : i32
    %dma_start3A_152 = arith.constant 1 : i32
    %dma_start3A_153 = arith.constant 3 : i32
    %dma_start3A_154 = arith.constant 0 : i32
    %dma_start3A_155 = arith.constant 0 : i32
    %dma_start3A_156 = tpu.memref_slice %arg9[%dma_start3A_152, %dma_start3A_153, %dma_start3A_154, %dma_start3A_155] : memref<2x8x128x32xf32, #tpu.memory_space<vmem>> -> memref<1x1x128x32xf32, #tpu.memory_space<vmem>>
    %dma_start3A_157 = tpu.memref_squeeze %dma_start3A_156 : memref<1x1x128x32xf32, #tpu.memory_space<vmem>> -> memref<128x32xf32, #tpu.memory_space<vmem>>
    %dma_start3A_158 = arith.constant 0 : i32
    %dma_start3A_159 = tpu.memref_slice %arg7[%dma_start3A_151, %dma_start3A_158] : memref<80x128xi32, #tpu.memory_space<vmem>> -> memref<1x128xi32, #tpu.memory_space<vmem>>
    %dma_start3A_160 = tpu.memref_squeeze %dma_start3A_159 : memref<1x128xi32, #tpu.memory_space<vmem>> -> memref<128xi32, #tpu.memory_space<vmem>>
    %dma_start3A_161 = arith.constant 0 : i32
    %dma_start3A_162 = arith.constant 0 : i32
    %dma_start3A_163 = tpu.memref_slice %arg11[%dma_start3A_161, %dma_start3A_162] : memref<10112x32xf32, #tpu.memory_space<vmem_shared>> -> memref<10112x32xf32, #tpu.memory_space<vmem_shared>>
    tpu.enqueue_indirect_dma source(%dma_start3A_163 : memref<10112x32xf32, #tpu.memory_space<vmem_shared>>) target(%dma_start3A_157 : memref<128x32xf32, #tpu.memory_space<vmem>>) offsets(%dma_start3A_160 : memref<128xi32, #tpu.memory_space<vmem>>) semaphore(%arg12 : memref<!tpu.dma_semaphore, #tpu.memory_space<semaphore_mem>>)
    %dma_start3A_164 = arith.constant 12 : i32
    %dma_start3A_165 = arith.constant 1 : i32
    %dma_start3A_166 = arith.constant 4 : i32
    %dma_start3A_167 = arith.constant 0 : i32
    %dma_start3A_168 = arith.constant 0 : i32
    %dma_start3A_169 = tpu.memref_slice %arg9[%dma_start3A_165, %dma_start3A_166, %dma_start3A_167, %dma_start3A_168] : memref<2x8x128x32xf32, #tpu.memory_space<vmem>> -> memref<1x1x128x32xf32, #tpu.memory_space<vmem>>
    %dma_start3A_170 = tpu.memref_squeeze %dma_start3A_169 : memref<1x1x128x32xf32, #tpu.memory_space<vmem>> -> memref<128x32xf32, #tpu.memory_space<vmem>>
    %dma_start3A_171 = arith.constant 0 : i32
    %dma_start3A_172 = tpu.memref_slice %arg7[%dma_start3A_164, %dma_start3A_171] : memref<80x128xi32, #tpu.memory_space<vmem>> -> memref<1x128xi32, #tpu.memory_space<vmem>>
    %dma_start3A_173 = tpu.memref_squeeze %dma_start3A_172 : memref<1x128xi32, #tpu.memory_space<vmem>> -> memref<128xi32, #tpu.memory_space<vmem>>
    %dma_start3A_174 = arith.constant 0 : i32
    %dma_start3A_175 = arith.constant 0 : i32
    %dma_start3A_176 = tpu.memref_slice %arg11[%dma_start3A_174, %dma_start3A_175] : memref<10112x32xf32, #tpu.memory_space<vmem_shared>> -> memref<10112x32xf32, #tpu.memory_space<vmem_shared>>
    tpu.enqueue_indirect_dma source(%dma_start3A_176 : memref<10112x32xf32, #tpu.memory_space<vmem_shared>>) target(%dma_start3A_170 : memref<128x32xf32, #tpu.memory_space<vmem>>) offsets(%dma_start3A_173 : memref<128xi32, #tpu.memory_space<vmem>>) semaphore(%arg12 : memref<!tpu.dma_semaphore, #tpu.memory_space<semaphore_mem>>)
    %dma_start3A_177 = arith.constant 13 : i32
    %dma_start3A_178 = arith.constant 1 : i32
    %dma_start3A_179 = arith.constant 5 : i32
    %dma_start3A_180 = arith.constant 0 : i32
    %dma_start3A_181 = arith.constant 0 : i32
    %dma_start3A_182 = tpu.memref_slice %arg9[%dma_start3A_178, %dma_start3A_179, %dma_start3A_180, %dma_start3A_181] : memref<2x8x128x32xf32, #tpu.memory_space<vmem>> -> memref<1x1x128x32xf32, #tpu.memory_space<vmem>>
    %dma_start3A_183 = tpu.memref_squeeze %dma_start3A_182 : memref<1x1x128x32xf32, #tpu.memory_space<vmem>> -> memref<128x32xf32, #tpu.memory_space<vmem>>
    %dma_start3A_184 = arith.constant 0 : i32
    %dma_start3A_185 = tpu.memref_slice %arg7[%dma_start3A_177, %dma_start3A_184] : memref<80x128xi32, #tpu.memory_space<vmem>> -> memref<1x128xi32, #tpu.memory_space<vmem>>
    %dma_start3A_186 = tpu.memref_squeeze %dma_start3A_185 : memref<1x128xi32, #tpu.memory_space<vmem>> -> memref<128xi32, #tpu.memory_space<vmem>>
    %dma_start3A_187 = arith.constant 0 : i32
    %dma_start3A_188 = arith.constant 0 : i32
    %dma_start3A_189 = tpu.memref_slice %arg11[%dma_start3A_187, %dma_start3A_188] : memref<10112x32xf32, #tpu.memory_space<vmem_shared>> -> memref<10112x32xf32, #tpu.memory_space<vmem_shared>>
    tpu.enqueue_indirect_dma source(%dma_start3A_189 : memref<10112x32xf32, #tpu.memory_space<vmem_shared>>) target(%dma_start3A_183 : memref<128x32xf32, #tpu.memory_space<vmem>>) offsets(%dma_start3A_186 : memref<128xi32, #tpu.memory_space<vmem>>) semaphore(%arg12 : memref<!tpu.dma_semaphore, #tpu.memory_space<semaphore_mem>>)
    %dma_start3A_190 = arith.constant 14 : i32
    %dma_start3A_191 = arith.constant 1 : i32
    %dma_start3A_192 = arith.constant 6 : i32
    %dma_start3A_193 = arith.constant 0 : i32
    %dma_start3A_194 = arith.constant 0 : i32
    %dma_start3A_195 = tpu.memref_slice %arg9[%dma_start3A_191, %dma_start3A_192, %dma_start3A_193, %dma_start3A_194] : memref<2x8x128x32xf32, #tpu.memory_space<vmem>> -> memref<1x1x128x32xf32, #tpu.memory_space<vmem>>
    %dma_start3A_196 = tpu.memref_squeeze %dma_start3A_195 : memref<1x1x128x32xf32, #tpu.memory_space<vmem>> -> memref<128x32xf32, #tpu.memory_space<vmem>>
    %dma_start3A_197 = arith.constant 0 : i32
    %dma_start3A_198 = tpu.memref_slice %arg7[%dma_start3A_190, %dma_start3A_197] : memref<80x128xi32, #tpu.memory_space<vmem>> -> memref<1x128xi32, #tpu.memory_space<vmem>>
    %dma_start3A_199 = tpu.memref_squeeze %dma_start3A_198 : memref<1x128xi32, #tpu.memory_space<vmem>> -> memref<128xi32, #tpu.memory_space<vmem>>
    %dma_start3A_200 = arith.constant 0 : i32
    %dma_start3A_201 = arith.constant 0 : i32
    %dma_start3A_202 = tpu.memref_slice %arg11[%dma_start3A_200, %dma_start3A_201] : memref<10112x32xf32, #tpu.memory_space<vmem_shared>> -> memref<10112x32xf32, #tpu.memory_space<vmem_shared>>
    tpu.enqueue_indirect_dma source(%dma_start3A_202 : memref<10112x32xf32, #tpu.memory_space<vmem_shared>>) target(%dma_start3A_196 : memref<128x32xf32, #tpu.memory_space<vmem>>) offsets(%dma_start3A_199 : memref<128xi32, #tpu.memory_space<vmem>>) semaphore(%arg12 : memref<!tpu.dma_semaphore, #tpu.memory_space<semaphore_mem>>)
    %dma_start3A_203 = arith.constant 15 : i32
    %dma_start3A_204 = arith.constant 1 : i32
    %dma_start3A_205 = arith.constant 7 : i32
    %dma_start3A_206 = arith.constant 0 : i32
    %dma_start3A_207 = arith.constant 0 : i32
    %dma_start3A_208 = tpu.memref_slice %arg9[%dma_start3A_204, %dma_start3A_205, %dma_start3A_206, %dma_start3A_207] : memref<2x8x128x32xf32, #tpu.memory_space<vmem>> -> memref<1x1x128x32xf32, #tpu.memory_space<vmem>>
    %dma_start3A_209 = tpu.memref_squeeze %dma_start3A_208 : memref<1x1x128x32xf32, #tpu.memory_space<vmem>> -> memref<128x32xf32, #tpu.memory_space<vmem>>
    %dma_start3A_210 = arith.constant 0 : i32
    %dma_start3A_211 = tpu.memref_slice %arg7[%dma_start3A_203, %dma_start3A_210] : memref<80x128xi32, #tpu.memory_space<vmem>> -> memref<1x128xi32, #tpu.memory_space<vmem>>
    %dma_start3A_212 = tpu.memref_squeeze %dma_start3A_211 : memref<1x128xi32, #tpu.memory_space<vmem>> -> memref<128xi32, #tpu.memory_space<vmem>>
    %dma_start3A_213 = arith.constant 0 : i32
    %dma_start3A_214 = arith.constant 0 : i32
    %dma_start3A_215 = tpu.memref_slice %arg11[%dma_start3A_213, %dma_start3A_214] : memref<10112x32xf32, #tpu.memory_space<vmem_shared>> -> memref<10112x32xf32, #tpu.memory_space<vmem_shared>>
    tpu.enqueue_indirect_dma source(%dma_start3A_215 : memref<10112x32xf32, #tpu.memory_space<vmem_shared>>) target(%dma_start3A_209 : memref<128x32xf32, #tpu.memory_space<vmem>>) offsets(%dma_start3A_212 : memref<128xi32, #tpu.memory_space<vmem>>) semaphore(%arg12 : memref<!tpu.dma_semaphore, #tpu.memory_space<semaphore_mem>>)
    %scan3A = arith.constant 0 : i32
    %scan3A_216 = arith.constant 0 : i32
    %scan3A_217 = arith.constant 5 : i32
    %scan3A_218 = arith.addi %scan3A_216, %scan3A_217 : i32
    %scan3A_219 = arith.constant 1 : i32
    scf.for %scan3A_226 = %scan3A_216 to %scan3A_218 step %scan3A_219  : i32 {
      %mul3A_227 = arith.constant 2 : i32
      %mul3A_228 = arith.muli %mul3A_227, %scan3A_226 : i32
      %add3A_229 = arith.constant 1 : i32
      %add3A_230 = arith.addi %mul3A_228, %add3A_229 : i32
      %dma_wait3A = arith.constant 0 : i32
      %dma_wait3A_231 = arith.constant 0 : i32
      %dma_wait3A_232 = arith.constant 0 : i32
      %dma_wait3A_233 = arith.constant 0 : i32
      %dma_wait3A_234 = arith.constant 0 : i32
      %dma_wait3A_235 = tpu.memref_slice %arg9[%dma_wait3A_231, %dma_wait3A_232, %dma_wait3A_233, %dma_wait3A_234] : memref<2x8x128x32xf32, #tpu.memory_space<vmem>> -> memref<1x1x128x32xf32, #tpu.memory_space<vmem>>
      %dma_wait3A_236 = tpu.memref_squeeze %dma_wait3A_235 : memref<1x1x128x32xf32, #tpu.memory_space<vmem>> -> memref<128x32xf32, #tpu.memory_space<vmem>>
      %dma_wait3A_237 = arith.constant 0 : i32
      %dma_wait3A_238 = tpu.memref_slice %arg7[%dma_wait3A, %dma_wait3A_237] : memref<80x128xi32, #tpu.memory_space<vmem>> -> memref<1x128xi32, #tpu.memory_space<vmem>>
      %dma_wait3A_239 = tpu.memref_squeeze %dma_wait3A_238 : memref<1x128xi32, #tpu.memory_space<vmem>> -> memref<128xi32, #tpu.memory_space<vmem>>
      %dma_wait3A_240 = arith.constant 0 : i32
      %dma_wait3A_241 = arith.constant 0 : i32
      %dma_wait3A_242 = tpu.memref_slice %arg11[%dma_wait3A_240, %dma_wait3A_241] : memref<10112x32xf32, #tpu.memory_space<vmem_shared>> -> memref<10112x32xf32, #tpu.memory_space<vmem_shared>>
      tpu.wait_indirect_dma semaphore(%arg12 : memref<!tpu.dma_semaphore, #tpu.memory_space<semaphore_mem>>) src(%dma_wait3A_242 : memref<10112x32xf32, #tpu.memory_space<vmem_shared>>) dst(%dma_wait3A_236 : memref<128x32xf32, #tpu.memory_space<vmem>>)
      %dma_wait3A_243 = arith.constant 0 : i32
      %dma_wait3A_244 = arith.constant 0 : i32
      %dma_wait3A_245 = arith.constant 1 : i32
      %dma_wait3A_246 = arith.constant 0 : i32
      %dma_wait3A_247 = arith.constant 0 : i32
      %dma_wait3A_248 = tpu.memref_slice %arg9[%dma_wait3A_244, %dma_wait3A_245, %dma_wait3A_246, %dma_wait3A_247] : memref<2x8x128x32xf32, #tpu.memory_space<vmem>> -> memref<1x1x128x32xf32, #tpu.memory_space<vmem>>
      %dma_wait3A_249 = tpu.memref_squeeze %dma_wait3A_248 : memref<1x1x128x32xf32, #tpu.memory_space<vmem>> -> memref<128x32xf32, #tpu.memory_space<vmem>>
      %dma_wait3A_250 = arith.constant 0 : i32
      %dma_wait3A_251 = tpu.memref_slice %arg7[%dma_wait3A_243, %dma_wait3A_250] : memref<80x128xi32, #tpu.memory_space<vmem>> -> memref<1x128xi32, #tpu.memory_space<vmem>>
      %dma_wait3A_252 = tpu.memref_squeeze %dma_wait3A_251 : memref<1x128xi32, #tpu.memory_space<vmem>> -> memref<128xi32, #tpu.memory_space<vmem>>
      %dma_wait3A_253 = arith.constant 0 : i32
      %dma_wait3A_254 = arith.constant 0 : i32
      %dma_wait3A_255 = tpu.memref_slice %arg11[%dma_wait3A_253, %dma_wait3A_254] : memref<10112x32xf32, #tpu.memory_space<vmem_shared>> -> memref<10112x32xf32, #tpu.memory_space<vmem_shared>>
      tpu.wait_indirect_dma semaphore(%arg12 : memref<!tpu.dma_semaphore, #tpu.memory_space<semaphore_mem>>) src(%dma_wait3A_255 : memref<10112x32xf32, #tpu.memory_space<vmem_shared>>) dst(%dma_wait3A_249 : memref<128x32xf32, #tpu.memory_space<vmem>>)
      %dma_wait3A_256 = arith.constant 0 : i32
      %dma_wait3A_257 = arith.constant 0 : i32
      %dma_wait3A_258 = arith.constant 2 : i32
      %dma_wait3A_259 = arith.constant 0 : i32
      %dma_wait3A_260 = arith.constant 0 : i32
      %dma_wait3A_261 = tpu.memref_slice %arg9[%dma_wait3A_257, %dma_wait3A_258, %dma_wait3A_259, %dma_wait3A_260] : memref<2x8x128x32xf32, #tpu.memory_space<vmem>> -> memref<1x1x128x32xf32, #tpu.memory_space<vmem>>
      %dma_wait3A_262 = tpu.memref_squeeze %dma_wait3A_261 : memref<1x1x128x32xf32, #tpu.memory_space<vmem>> -> memref<128x32xf32, #tpu.memory_space<vmem>>
      %dma_wait3A_263 = arith.constant 0 : i32
      %dma_wait3A_264 = tpu.memref_slice %arg7[%dma_wait3A_256, %dma_wait3A_263] : memref<80x128xi32, #tpu.memory_space<vmem>> -> memref<1x128xi32, #tpu.memory_space<vmem>>
      %dma_wait3A_265 = tpu.memref_squeeze %dma_wait3A_264 : memref<1x128xi32, #tpu.memory_space<vmem>> -> memref<128xi32, #tpu.memory_space<vmem>>
      %dma_wait3A_266 = arith.constant 0 : i32
      %dma_wait3A_267 = arith.constant 0 : i32
      %dma_wait3A_268 = tpu.memref_slice %arg11[%dma_wait3A_266, %dma_wait3A_267] : memref<10112x32xf32, #tpu.memory_space<vmem_shared>> -> memref<10112x32xf32, #tpu.memory_space<vmem_shared>>
      tpu.wait_indirect_dma semaphore(%arg12 : memref<!tpu.dma_semaphore, #tpu.memory_space<semaphore_mem>>) src(%dma_wait3A_268 : memref<10112x32xf32, #tpu.memory_space<vmem_shared>>) dst(%dma_wait3A_262 : memref<128x32xf32, #tpu.memory_space<vmem>>)
      %dma_wait3A_269 = arith.constant 0 : i32
      %dma_wait3A_270 = arith.constant 0 : i32
      %dma_wait3A_271 = arith.constant 3 : i32
      %dma_wait3A_272 = arith.constant 0 : i32
      %dma_wait3A_273 = arith.constant 0 : i32
      %dma_wait3A_274 = tpu.memref_slice %arg9[%dma_wait3A_270, %dma_wait3A_271, %dma_wait3A_272, %dma_wait3A_273] : memref<2x8x128x32xf32, #tpu.memory_space<vmem>> -> memref<1x1x128x32xf32, #tpu.memory_space<vmem>>
      %dma_wait3A_275 = tpu.memref_squeeze %dma_wait3A_274 : memref<1x1x128x32xf32, #tpu.memory_space<vmem>> -> memref<128x32xf32, #tpu.memory_space<vmem>>
      %dma_wait3A_276 = arith.constant 0 : i32
      %dma_wait3A_277 = tpu.memref_slice %arg7[%dma_wait3A_269, %dma_wait3A_276] : memref<80x128xi32, #tpu.memory_space<vmem>> -> memref<1x128xi32, #tpu.memory_space<vmem>>
      %dma_wait3A_278 = tpu.memref_squeeze %dma_wait3A_277 : memref<1x128xi32, #tpu.memory_space<vmem>> -> memref<128xi32, #tpu.memory_space<vmem>>
      %dma_wait3A_279 = arith.constant 0 : i32
      %dma_wait3A_280 = arith.constant 0 : i32
      %dma_wait3A_281 = tpu.memref_slice %arg11[%dma_wait3A_279, %dma_wait3A_280] : memref<10112x32xf32, #tpu.memory_space<vmem_shared>> -> memref<10112x32xf32, #tpu.memory_space<vmem_shared>>
      tpu.wait_indirect_dma semaphore(%arg12 : memref<!tpu.dma_semaphore, #tpu.memory_space<semaphore_mem>>) src(%dma_wait3A_281 : memref<10112x32xf32, #tpu.memory_space<vmem_shared>>) dst(%dma_wait3A_275 : memref<128x32xf32, #tpu.memory_space<vmem>>)
      %dma_wait3A_282 = arith.constant 0 : i32
      %dma_wait3A_283 = arith.constant 0 : i32
      %dma_wait3A_284 = arith.constant 4 : i32
      %dma_wait3A_285 = arith.constant 0 : i32
      %dma_wait3A_286 = arith.constant 0 : i32
      %dma_wait3A_287 = tpu.memref_slice %arg9[%dma_wait3A_283, %dma_wait3A_284, %dma_wait3A_285, %dma_wait3A_286] : memref<2x8x128x32xf32, #tpu.memory_space<vmem>> -> memref<1x1x128x32xf32, #tpu.memory_space<vmem>>
      %dma_wait3A_288 = tpu.memref_squeeze %dma_wait3A_287 : memref<1x1x128x32xf32, #tpu.memory_space<vmem>> -> memref<128x32xf32, #tpu.memory_space<vmem>>
      %dma_wait3A_289 = arith.constant 0 : i32
      %dma_wait3A_290 = tpu.memref_slice %arg7[%dma_wait3A_282, %dma_wait3A_289] : memref<80x128xi32, #tpu.memory_space<vmem>> -> memref<1x128xi32, #tpu.memory_space<vmem>>
      %dma_wait3A_291 = tpu.memref_squeeze %dma_wait3A_290 : memref<1x128xi32, #tpu.memory_space<vmem>> -> memref<128xi32, #tpu.memory_space<vmem>>
      %dma_wait3A_292 = arith.constant 0 : i32
      %dma_wait3A_293 = arith.constant 0 : i32
      %dma_wait3A_294 = tpu.memref_slice %arg11[%dma_wait3A_292, %dma_wait3A_293] : memref<10112x32xf32, #tpu.memory_space<vmem_shared>> -> memref<10112x32xf32, #tpu.memory_space<vmem_shared>>
      tpu.wait_indirect_dma semaphore(%arg12 : memref<!tpu.dma_semaphore, #tpu.memory_space<semaphore_mem>>) src(%dma_wait3A_294 : memref<10112x32xf32, #tpu.memory_space<vmem_shared>>) dst(%dma_wait3A_288 : memref<128x32xf32, #tpu.memory_space<vmem>>)
      %dma_wait3A_295 = arith.constant 0 : i32
      %dma_wait3A_296 = arith.constant 0 : i32
      %dma_wait3A_297 = arith.constant 5 : i32
      %dma_wait3A_298 = arith.constant 0 : i32
      %dma_wait3A_299 = arith.constant 0 : i32
      %dma_wait3A_300 = tpu.memref_slice %arg9[%dma_wait3A_296, %dma_wait3A_297, %dma_wait3A_298, %dma_wait3A_299] : memref<2x8x128x32xf32, #tpu.memory_space<vmem>> -> memref<1x1x128x32xf32, #tpu.memory_space<vmem>>
      %dma_wait3A_301 = tpu.memref_squeeze %dma_wait3A_300 : memref<1x1x128x32xf32, #tpu.memory_space<vmem>> -> memref<128x32xf32, #tpu.memory_space<vmem>>
      %dma_wait3A_302 = arith.constant 0 : i32
      %dma_wait3A_303 = tpu.memref_slice %arg7[%dma_wait3A_295, %dma_wait3A_302] : memref<80x128xi32, #tpu.memory_space<vmem>> -> memref<1x128xi32, #tpu.memory_space<vmem>>
      %dma_wait3A_304 = tpu.memref_squeeze %dma_wait3A_303 : memref<1x128xi32, #tpu.memory_space<vmem>> -> memref<128xi32, #tpu.memory_space<vmem>>
      %dma_wait3A_305 = arith.constant 0 : i32
      %dma_wait3A_306 = arith.constant 0 : i32
      %dma_wait3A_307 = tpu.memref_slice %arg11[%dma_wait3A_305, %dma_wait3A_306] : memref<10112x32xf32, #tpu.memory_space<vmem_shared>> -> memref<10112x32xf32, #tpu.memory_space<vmem_shared>>
      tpu.wait_indirect_dma semaphore(%arg12 : memref<!tpu.dma_semaphore, #tpu.memory_space<semaphore_mem>>) src(%dma_wait3A_307 : memref<10112x32xf32, #tpu.memory_space<vmem_shared>>) dst(%dma_wait3A_301 : memref<128x32xf32, #tpu.memory_space<vmem>>)
      %dma_wait3A_308 = arith.constant 0 : i32
      %dma_wait3A_309 = arith.constant 0 : i32
      %dma_wait3A_310 = arith.constant 6 : i32
      %dma_wait3A_311 = arith.constant 0 : i32
      %dma_wait3A_312 = arith.constant 0 : i32
      %dma_wait3A_313 = tpu.memref_slice %arg9[%dma_wait3A_309, %dma_wait3A_310, %dma_wait3A_311, %dma_wait3A_312] : memref<2x8x128x32xf32, #tpu.memory_space<vmem>> -> memref<1x1x128x32xf32, #tpu.memory_space<vmem>>
      %dma_wait3A_314 = tpu.memref_squeeze %dma_wait3A_313 : memref<1x1x128x32xf32, #tpu.memory_space<vmem>> -> memref<128x32xf32, #tpu.memory_space<vmem>>
      %dma_wait3A_315 = arith.constant 0 : i32
      %dma_wait3A_316 = tpu.memref_slice %arg7[%dma_wait3A_308, %dma_wait3A_315] : memref<80x128xi32, #tpu.memory_space<vmem>> -> memref<1x128xi32, #tpu.memory_space<vmem>>
      %dma_wait3A_317 = tpu.memref_squeeze %dma_wait3A_316 : memref<1x128xi32, #tpu.memory_space<vmem>> -> memref<128xi32, #tpu.memory_space<vmem>>
      %dma_wait3A_318 = arith.constant 0 : i32
      %dma_wait3A_319 = arith.constant 0 : i32
      %dma_wait3A_320 = tpu.memref_slice %arg11[%dma_wait3A_318, %dma_wait3A_319] : memref<10112x32xf32, #tpu.memory_space<vmem_shared>> -> memref<10112x32xf32, #tpu.memory_space<vmem_shared>>
      tpu.wait_indirect_dma semaphore(%arg12 : memref<!tpu.dma_semaphore, #tpu.memory_space<semaphore_mem>>) src(%dma_wait3A_320 : memref<10112x32xf32, #tpu.memory_space<vmem_shared>>) dst(%dma_wait3A_314 : memref<128x32xf32, #tpu.memory_space<vmem>>)
      %dma_wait3A_321 = arith.constant 0 : i32
      %dma_wait3A_322 = arith.constant 0 : i32
      %dma_wait3A_323 = arith.constant 7 : i32
      %dma_wait3A_324 = arith.constant 0 : i32
      %dma_wait3A_325 = arith.constant 0 : i32
      %dma_wait3A_326 = tpu.memref_slice %arg9[%dma_wait3A_322, %dma_wait3A_323, %dma_wait3A_324, %dma_wait3A_325] : memref<2x8x128x32xf32, #tpu.memory_space<vmem>> -> memref<1x1x128x32xf32, #tpu.memory_space<vmem>>
      %dma_wait3A_327 = tpu.memref_squeeze %dma_wait3A_326 : memref<1x1x128x32xf32, #tpu.memory_space<vmem>> -> memref<128x32xf32, #tpu.memory_space<vmem>>
      %dma_wait3A_328 = arith.constant 0 : i32
      %dma_wait3A_329 = tpu.memref_slice %arg7[%dma_wait3A_321, %dma_wait3A_328] : memref<80x128xi32, #tpu.memory_space<vmem>> -> memref<1x128xi32, #tpu.memory_space<vmem>>
      %dma_wait3A_330 = tpu.memref_squeeze %dma_wait3A_329 : memref<1x128xi32, #tpu.memory_space<vmem>> -> memref<128xi32, #tpu.memory_space<vmem>>
      %dma_wait3A_331 = arith.constant 0 : i32
      %dma_wait3A_332 = arith.constant 0 : i32
      %dma_wait3A_333 = tpu.memref_slice %arg11[%dma_wait3A_331, %dma_wait3A_332] : memref<10112x32xf32, #tpu.memory_space<vmem_shared>> -> memref<10112x32xf32, #tpu.memory_space<vmem_shared>>
      tpu.wait_indirect_dma semaphore(%arg12 : memref<!tpu.dma_semaphore, #tpu.memory_space<semaphore_mem>>) src(%dma_wait3A_333 : memref<10112x32xf32, #tpu.memory_space<vmem_shared>>) dst(%dma_wait3A_327 : memref<128x32xf32, #tpu.memory_space<vmem>>)
      %mul3A_334 = arith.constant 8 : i32
      %mul3A_335 = arith.muli %mul3A_228, %mul3A_334 : i32
      %add3A_336 = arith.constant 0 : i32
      %add3A_337 = arith.addi %mul3A_335, %add3A_336 : i32
      %dma_start3A_338 = arith.constant 0 : i32
      %dma_start3A_339 = arith.constant 0 : i32
      %dma_start3A_340 = arith.constant 0 : i32
      %dma_start3A_341 = arith.constant 0 : i32
      %dma_start3A_342 = tpu.memref_slice %arg9[%dma_start3A_338, %dma_start3A_339, %dma_start3A_340, %dma_start3A_341] : memref<2x8x128x32xf32, #tpu.memory_space<vmem>> -> memref<1x1x128x32xf32, #tpu.memory_space<vmem>>
      %dma_start3A_343 = tpu.memref_squeeze %dma_start3A_342 : memref<1x1x128x32xf32, #tpu.memory_space<vmem>> -> memref<128x32xf32, #tpu.memory_space<vmem>>
      %dma_start3A_344 = arith.constant 0 : i32
      %dma_start3A_345 = tpu.memref_slice %arg8[%add3A_337, %dma_start3A_344] : memref<80x128xi32, #tpu.memory_space<vmem>> -> memref<1x128xi32, #tpu.memory_space<vmem>>
      %dma_start3A_346 = tpu.memref_squeeze %dma_start3A_345 : memref<1x128xi32, #tpu.memory_space<vmem>> -> memref<128xi32, #tpu.memory_space<vmem>>
      %dma_start3A_347 = arith.constant 0 : i32
      %dma_start3A_348 = arith.constant 0 : i32
      %dma_start3A_349 = tpu.memref_slice %arg10[%dma_start3A_347, %dma_start3A_348] : memref<10112x32xf32, #tpu.memory_space<vmem_shared>> -> memref<10112x32xf32, #tpu.memory_space<vmem_shared>>
      tpu.enqueue_indirect_dma source(%dma_start3A_343 : memref<128x32xf32, #tpu.memory_space<vmem>>) target(%dma_start3A_349 : memref<10112x32xf32, #tpu.memory_space<vmem_shared>>) offsets(%dma_start3A_346 : memref<128xi32, #tpu.memory_space<vmem>>) semaphore(%arg13 : memref<!tpu.dma_semaphore, #tpu.memory_space<semaphore_mem>>) {add = true}
      %mul3A_350 = arith.constant 8 : i32
      %mul3A_351 = arith.muli %mul3A_228, %mul3A_350 : i32
      %add3A_352 = arith.constant 1 : i32
      %add3A_353 = arith.addi %mul3A_351, %add3A_352 : i32
      %dma_start3A_354 = arith.constant 0 : i32
      %dma_start3A_355 = arith.constant 1 : i32
      %dma_start3A_356 = arith.constant 0 : i32
      %dma_start3A_357 = arith.constant 0 : i32
      %dma_start3A_358 = tpu.memref_slice %arg9[%dma_start3A_354, %dma_start3A_355, %dma_start3A_356, %dma_start3A_357] : memref<2x8x128x32xf32, #tpu.memory_space<vmem>> -> memref<1x1x128x32xf32, #tpu.memory_space<vmem>>
      %dma_start3A_359 = tpu.memref_squeeze %dma_start3A_358 : memref<1x1x128x32xf32, #tpu.memory_space<vmem>> -> memref<128x32xf32, #tpu.memory_space<vmem>>
      %dma_start3A_360 = arith.constant 0 : i32
      %dma_start3A_361 = tpu.memref_slice %arg8[%add3A_353, %dma_start3A_360] : memref<80x128xi32, #tpu.memory_space<vmem>> -> memref<1x128xi32, #tpu.memory_space<vmem>>
      %dma_start3A_362 = tpu.memref_squeeze %dma_start3A_361 : memref<1x128xi32, #tpu.memory_space<vmem>> -> memref<128xi32, #tpu.memory_space<vmem>>
      %dma_start3A_363 = arith.constant 0 : i32
      %dma_start3A_364 = arith.constant 0 : i32
      %dma_start3A_365 = tpu.memref_slice %arg10[%dma_start3A_363, %dma_start3A_364] : memref<10112x32xf32, #tpu.memory_space<vmem_shared>> -> memref<10112x32xf32, #tpu.memory_space<vmem_shared>>
      tpu.enqueue_indirect_dma source(%dma_start3A_359 : memref<128x32xf32, #tpu.memory_space<vmem>>) target(%dma_start3A_365 : memref<10112x32xf32, #tpu.memory_space<vmem_shared>>) offsets(%dma_start3A_362 : memref<128xi32, #tpu.memory_space<vmem>>) semaphore(%arg13 : memref<!tpu.dma_semaphore, #tpu.memory_space<semaphore_mem>>) {add = true}
      %mul3A_366 = arith.constant 8 : i32
      %mul3A_367 = arith.muli %mul3A_228, %mul3A_366 : i32
      %add3A_368 = arith.constant 2 : i32
      %add3A_369 = arith.addi %mul3A_367, %add3A_368 : i32
      %dma_start3A_370 = arith.constant 0 : i32
      %dma_start3A_371 = arith.constant 2 : i32
      %dma_start3A_372 = arith.constant 0 : i32
      %dma_start3A_373 = arith.constant 0 : i32
      %dma_start3A_374 = tpu.memref_slice %arg9[%dma_start3A_370, %dma_start3A_371, %dma_start3A_372, %dma_start3A_373] : memref<2x8x128x32xf32, #tpu.memory_space<vmem>> -> memref<1x1x128x32xf32, #tpu.memory_space<vmem>>
      %dma_start3A_375 = tpu.memref_squeeze %dma_start3A_374 : memref<1x1x128x32xf32, #tpu.memory_space<vmem>> -> memref<128x32xf32, #tpu.memory_space<vmem>>
      %dma_start3A_376 = arith.constant 0 : i32
      %dma_start3A_377 = tpu.memref_slice %arg8[%add3A_369, %dma_start3A_376] : memref<80x128xi32, #tpu.memory_space<vmem>> -> memref<1x128xi32, #tpu.memory_space<vmem>>
      %dma_start3A_378 = tpu.memref_squeeze %dma_start3A_377 : memref<1x128xi32, #tpu.memory_space<vmem>> -> memref<128xi32, #tpu.memory_space<vmem>>
      %dma_start3A_379 = arith.constant 0 : i32
      %dma_start3A_380 = arith.constant 0 : i32
      %dma_start3A_381 = tpu.memref_slice %arg10[%dma_start3A_379, %dma_start3A_380] : memref<10112x32xf32, #tpu.memory_space<vmem_shared>> -> memref<10112x32xf32, #tpu.memory_space<vmem_shared>>
      tpu.enqueue_indirect_dma source(%dma_start3A_375 : memref<128x32xf32, #tpu.memory_space<vmem>>) target(%dma_start3A_381 : memref<10112x32xf32, #tpu.memory_space<vmem_shared>>) offsets(%dma_start3A_378 : memref<128xi32, #tpu.memory_space<vmem>>) semaphore(%arg13 : memref<!tpu.dma_semaphore, #tpu.memory_space<semaphore_mem>>) {add = true}
      %mul3A_382 = arith.constant 8 : i32
      %mul3A_383 = arith.muli %mul3A_228, %mul3A_382 : i32
      %add3A_384 = arith.constant 3 : i32
      %add3A_385 = arith.addi %mul3A_383, %add3A_384 : i32
      %dma_start3A_386 = arith.constant 0 : i32
      %dma_start3A_387 = arith.constant 3 : i32
      %dma_start3A_388 = arith.constant 0 : i32
      %dma_start3A_389 = arith.constant 0 : i32
      %dma_start3A_390 = tpu.memref_slice %arg9[%dma_start3A_386, %dma_start3A_387, %dma_start3A_388, %dma_start3A_389] : memref<2x8x128x32xf32, #tpu.memory_space<vmem>> -> memref<1x1x128x32xf32, #tpu.memory_space<vmem>>
      %dma_start3A_391 = tpu.memref_squeeze %dma_start3A_390 : memref<1x1x128x32xf32, #tpu.memory_space<vmem>> -> memref<128x32xf32, #tpu.memory_space<vmem>>
      %dma_start3A_392 = arith.constant 0 : i32
      %dma_start3A_393 = tpu.memref_slice %arg8[%add3A_385, %dma_start3A_392] : memref<80x128xi32, #tpu.memory_space<vmem>> -> memref<1x128xi32, #tpu.memory_space<vmem>>
      %dma_start3A_394 = tpu.memref_squeeze %dma_start3A_393 : memref<1x128xi32, #tpu.memory_space<vmem>> -> memref<128xi32, #tpu.memory_space<vmem>>
      %dma_start3A_395 = arith.constant 0 : i32
      %dma_start3A_396 = arith.constant 0 : i32
      %dma_start3A_397 = tpu.memref_slice %arg10[%dma_start3A_395, %dma_start3A_396] : memref<10112x32xf32, #tpu.memory_space<vmem_shared>> -> memref<10112x32xf32, #tpu.memory_space<vmem_shared>>
      tpu.enqueue_indirect_dma source(%dma_start3A_391 : memref<128x32xf32, #tpu.memory_space<vmem>>) target(%dma_start3A_397 : memref<10112x32xf32, #tpu.memory_space<vmem_shared>>) offsets(%dma_start3A_394 : memref<128xi32, #tpu.memory_space<vmem>>) semaphore(%arg13 : memref<!tpu.dma_semaphore, #tpu.memory_space<semaphore_mem>>) {add = true}
      %mul3A_398 = arith.constant 8 : i32
      %mul3A_399 = arith.muli %mul3A_228, %mul3A_398 : i32
      %add3A_400 = arith.constant 4 : i32
      %add3A_401 = arith.addi %mul3A_399, %add3A_400 : i32
      %dma_start3A_402 = arith.constant 0 : i32
      %dma_start3A_403 = arith.constant 4 : i32
      %dma_start3A_404 = arith.constant 0 : i32
      %dma_start3A_405 = arith.constant 0 : i32
      %dma_start3A_406 = tpu.memref_slice %arg9[%dma_start3A_402, %dma_start3A_403, %dma_start3A_404, %dma_start3A_405] : memref<2x8x128x32xf32, #tpu.memory_space<vmem>> -> memref<1x1x128x32xf32, #tpu.memory_space<vmem>>
      %dma_start3A_407 = tpu.memref_squeeze %dma_start3A_406 : memref<1x1x128x32xf32, #tpu.memory_space<vmem>> -> memref<128x32xf32, #tpu.memory_space<vmem>>
      %dma_start3A_408 = arith.constant 0 : i32
      %dma_start3A_409 = tpu.memref_slice %arg8[%add3A_401, %dma_start3A_408] : memref<80x128xi32, #tpu.memory_space<vmem>> -> memref<1x128xi32, #tpu.memory_space<vmem>>
      %dma_start3A_410 = tpu.memref_squeeze %dma_start3A_409 : memref<1x128xi32, #tpu.memory_space<vmem>> -> memref<128xi32, #tpu.memory_space<vmem>>
      %dma_start3A_411 = arith.constant 0 : i32
      %dma_start3A_412 = arith.constant 0 : i32
      %dma_start3A_413 = tpu.memref_slice %arg10[%dma_start3A_411, %dma_start3A_412] : memref<10112x32xf32, #tpu.memory_space<vmem_shared>> -> memref<10112x32xf32, #tpu.memory_space<vmem_shared>>
      tpu.enqueue_indirect_dma source(%dma_start3A_407 : memref<128x32xf32, #tpu.memory_space<vmem>>) target(%dma_start3A_413 : memref<10112x32xf32, #tpu.memory_space<vmem_shared>>) offsets(%dma_start3A_410 : memref<128xi32, #tpu.memory_space<vmem>>) semaphore(%arg13 : memref<!tpu.dma_semaphore, #tpu.memory_space<semaphore_mem>>) {add = true}
      %mul3A_414 = arith.constant 8 : i32
      %mul3A_415 = arith.muli %mul3A_228, %mul3A_414 : i32
      %add3A_416 = arith.constant 5 : i32
      %add3A_417 = arith.addi %mul3A_415, %add3A_416 : i32
      %dma_start3A_418 = arith.constant 0 : i32
      %dma_start3A_419 = arith.constant 5 : i32
      %dma_start3A_420 = arith.constant 0 : i32
      %dma_start3A_421 = arith.constant 0 : i32
      %dma_start3A_422 = tpu.memref_slice %arg9[%dma_start3A_418, %dma_start3A_419, %dma_start3A_420, %dma_start3A_421] : memref<2x8x128x32xf32, #tpu.memory_space<vmem>> -> memref<1x1x128x32xf32, #tpu.memory_space<vmem>>
      %dma_start3A_423 = tpu.memref_squeeze %dma_start3A_422 : memref<1x1x128x32xf32, #tpu.memory_space<vmem>> -> memref<128x32xf32, #tpu.memory_space<vmem>>
      %dma_start3A_424 = arith.constant 0 : i32
      %dma_start3A_425 = tpu.memref_slice %arg8[%add3A_417, %dma_start3A_424] : memref<80x128xi32, #tpu.memory_space<vmem>> -> memref<1x128xi32, #tpu.memory_space<vmem>>
      %dma_start3A_426 = tpu.memref_squeeze %dma_start3A_425 : memref<1x128xi32, #tpu.memory_space<vmem>> -> memref<128xi32, #tpu.memory_space<vmem>>
      %dma_start3A_427 = arith.constant 0 : i32
      %dma_start3A_428 = arith.constant 0 : i32
      %dma_start3A_429 = tpu.memref_slice %arg10[%dma_start3A_427, %dma_start3A_428] : memref<10112x32xf32, #tpu.memory_space<vmem_shared>> -> memref<10112x32xf32, #tpu.memory_space<vmem_shared>>
      tpu.enqueue_indirect_dma source(%dma_start3A_423 : memref<128x32xf32, #tpu.memory_space<vmem>>) target(%dma_start3A_429 : memref<10112x32xf32, #tpu.memory_space<vmem_shared>>) offsets(%dma_start3A_426 : memref<128xi32, #tpu.memory_space<vmem>>) semaphore(%arg13 : memref<!tpu.dma_semaphore, #tpu.memory_space<semaphore_mem>>) {add = true}
      %mul3A_430 = arith.constant 8 : i32
      %mul3A_431 = arith.muli %mul3A_228, %mul3A_430 : i32
      %add3A_432 = arith.constant 6 : i32
      %add3A_433 = arith.addi %mul3A_431, %add3A_432 : i32
      %dma_start3A_434 = arith.constant 0 : i32
      %dma_start3A_435 = arith.constant 6 : i32
      %dma_start3A_436 = arith.constant 0 : i32
      %dma_start3A_437 = arith.constant 0 : i32
      %dma_start3A_438 = tpu.memref_slice %arg9[%dma_start3A_434, %dma_start3A_435, %dma_start3A_436, %dma_start3A_437] : memref<2x8x128x32xf32, #tpu.memory_space<vmem>> -> memref<1x1x128x32xf32, #tpu.memory_space<vmem>>
      %dma_start3A_439 = tpu.memref_squeeze %dma_start3A_438 : memref<1x1x128x32xf32, #tpu.memory_space<vmem>> -> memref<128x32xf32, #tpu.memory_space<vmem>>
      %dma_start3A_440 = arith.constant 0 : i32
      %dma_start3A_441 = tpu.memref_slice %arg8[%add3A_433, %dma_start3A_440] : memref<80x128xi32, #tpu.memory_space<vmem>> -> memref<1x128xi32, #tpu.memory_space<vmem>>
      %dma_start3A_442 = tpu.memref_squeeze %dma_start3A_441 : memref<1x128xi32, #tpu.memory_space<vmem>> -> memref<128xi32, #tpu.memory_space<vmem>>
      %dma_start3A_443 = arith.constant 0 : i32
      %dma_start3A_444 = arith.constant 0 : i32
      %dma_start3A_445 = tpu.memref_slice %arg10[%dma_start3A_443, %dma_start3A_444] : memref<10112x32xf32, #tpu.memory_space<vmem_shared>> -> memref<10112x32xf32, #tpu.memory_space<vmem_shared>>
      tpu.enqueue_indirect_dma source(%dma_start3A_439 : memref<128x32xf32, #tpu.memory_space<vmem>>) target(%dma_start3A_445 : memref<10112x32xf32, #tpu.memory_space<vmem_shared>>) offsets(%dma_start3A_442 : memref<128xi32, #tpu.memory_space<vmem>>) semaphore(%arg13 : memref<!tpu.dma_semaphore, #tpu.memory_space<semaphore_mem>>) {add = true}
      %mul3A_446 = arith.constant 8 : i32
      %mul3A_447 = arith.muli %mul3A_228, %mul3A_446 : i32
      %add3A_448 = arith.constant 7 : i32
      %add3A_449 = arith.addi %mul3A_447, %add3A_448 : i32
      %dma_start3A_450 = arith.constant 0 : i32
      %dma_start3A_451 = arith.constant 7 : i32
      %dma_start3A_452 = arith.constant 0 : i32
      %dma_start3A_453 = arith.constant 0 : i32
      %dma_start3A_454 = tpu.memref_slice %arg9[%dma_start3A_450, %dma_start3A_451, %dma_start3A_452, %dma_start3A_453] : memref<2x8x128x32xf32, #tpu.memory_space<vmem>> -> memref<1x1x128x32xf32, #tpu.memory_space<vmem>>
      %dma_start3A_455 = tpu.memref_squeeze %dma_start3A_454 : memref<1x1x128x32xf32, #tpu.memory_space<vmem>> -> memref<128x32xf32, #tpu.memory_space<vmem>>
      %dma_start3A_456 = arith.constant 0 : i32
      %dma_start3A_457 = tpu.memref_slice %arg8[%add3A_449, %dma_start3A_456] : memref<80x128xi32, #tpu.memory_space<vmem>> -> memref<1x128xi32, #tpu.memory_space<vmem>>
      %dma_start3A_458 = tpu.memref_squeeze %dma_start3A_457 : memref<1x128xi32, #tpu.memory_space<vmem>> -> memref<128xi32, #tpu.memory_space<vmem>>
      %dma_start3A_459 = arith.constant 0 : i32
      %dma_start3A_460 = arith.constant 0 : i32
      %dma_start3A_461 = tpu.memref_slice %arg10[%dma_start3A_459, %dma_start3A_460] : memref<10112x32xf32, #tpu.memory_space<vmem_shared>> -> memref<10112x32xf32, #tpu.memory_space<vmem_shared>>
      tpu.enqueue_indirect_dma source(%dma_start3A_455 : memref<128x32xf32, #tpu.memory_space<vmem>>) target(%dma_start3A_461 : memref<10112x32xf32, #tpu.memory_space<vmem_shared>>) offsets(%dma_start3A_458 : memref<128xi32, #tpu.memory_space<vmem>>) semaphore(%arg13 : memref<!tpu.dma_semaphore, #tpu.memory_space<semaphore_mem>>) {add = true}
      %dma_wait3A_462 = arith.constant 0 : i32
      %dma_wait3A_463 = arith.constant 1 : i32
      %dma_wait3A_464 = arith.constant 0 : i32
      %dma_wait3A_465 = arith.constant 0 : i32
      %dma_wait3A_466 = arith.constant 0 : i32
      %dma_wait3A_467 = tpu.memref_slice %arg9[%dma_wait3A_463, %dma_wait3A_464, %dma_wait3A_465, %dma_wait3A_466] : memref<2x8x128x32xf32, #tpu.memory_space<vmem>> -> memref<1x1x128x32xf32, #tpu.memory_space<vmem>>
      %dma_wait3A_468 = tpu.memref_squeeze %dma_wait3A_467 : memref<1x1x128x32xf32, #tpu.memory_space<vmem>> -> memref<128x32xf32, #tpu.memory_space<vmem>>
      %dma_wait3A_469 = arith.constant 0 : i32
      %dma_wait3A_470 = tpu.memref_slice %arg7[%dma_wait3A_462, %dma_wait3A_469] : memref<80x128xi32, #tpu.memory_space<vmem>> -> memref<1x128xi32, #tpu.memory_space<vmem>>
      %dma_wait3A_471 = tpu.memref_squeeze %dma_wait3A_470 : memref<1x128xi32, #tpu.memory_space<vmem>> -> memref<128xi32, #tpu.memory_space<vmem>>
      %dma_wait3A_472 = arith.constant 0 : i32
      %dma_wait3A_473 = arith.constant 0 : i32
      %dma_wait3A_474 = tpu.memref_slice %arg11[%dma_wait3A_472, %dma_wait3A_473] : memref<10112x32xf32, #tpu.memory_space<vmem_shared>> -> memref<10112x32xf32, #tpu.memory_space<vmem_shared>>
      tpu.wait_indirect_dma semaphore(%arg12 : memref<!tpu.dma_semaphore, #tpu.memory_space<semaphore_mem>>) src(%dma_wait3A_474 : memref<10112x32xf32, #tpu.memory_space<vmem_shared>>) dst(%dma_wait3A_468 : memref<128x32xf32, #tpu.memory_space<vmem>>)
      %dma_wait3A_475 = arith.constant 0 : i32
      %dma_wait3A_476 = arith.constant 1 : i32
      %dma_wait3A_477 = arith.constant 1 : i32
      %dma_wait3A_478 = arith.constant 0 : i32
      %dma_wait3A_479 = arith.constant 0 : i32
      %dma_wait3A_480 = tpu.memref_slice %arg9[%dma_wait3A_476, %dma_wait3A_477, %dma_wait3A_478, %dma_wait3A_479] : memref<2x8x128x32xf32, #tpu.memory_space<vmem>> -> memref<1x1x128x32xf32, #tpu.memory_space<vmem>>
      %dma_wait3A_481 = tpu.memref_squeeze %dma_wait3A_480 : memref<1x1x128x32xf32, #tpu.memory_space<vmem>> -> memref<128x32xf32, #tpu.memory_space<vmem>>
      %dma_wait3A_482 = arith.constant 0 : i32
      %dma_wait3A_483 = tpu.memref_slice %arg7[%dma_wait3A_475, %dma_wait3A_482] : memref<80x128xi32, #tpu.memory_space<vmem>> -> memref<1x128xi32, #tpu.memory_space<vmem>>
      %dma_wait3A_484 = tpu.memref_squeeze %dma_wait3A_483 : memref<1x128xi32, #tpu.memory_space<vmem>> -> memref<128xi32, #tpu.memory_space<vmem>>
      %dma_wait3A_485 = arith.constant 0 : i32
      %dma_wait3A_486 = arith.constant 0 : i32
      %dma_wait3A_487 = tpu.memref_slice %arg11[%dma_wait3A_485, %dma_wait3A_486] : memref<10112x32xf32, #tpu.memory_space<vmem_shared>> -> memref<10112x32xf32, #tpu.memory_space<vmem_shared>>
      tpu.wait_indirect_dma semaphore(%arg12 : memref<!tpu.dma_semaphore, #tpu.memory_space<semaphore_mem>>) src(%dma_wait3A_487 : memref<10112x32xf32, #tpu.memory_space<vmem_shared>>) dst(%dma_wait3A_481 : memref<128x32xf32, #tpu.memory_space<vmem>>)
      %dma_wait3A_488 = arith.constant 0 : i32
      %dma_wait3A_489 = arith.constant 1 : i32
      %dma_wait3A_490 = arith.constant 2 : i32
      %dma_wait3A_491 = arith.constant 0 : i32
      %dma_wait3A_492 = arith.constant 0 : i32
      %dma_wait3A_493 = tpu.memref_slice %arg9[%dma_wait3A_489, %dma_wait3A_490, %dma_wait3A_491, %dma_wait3A_492] : memref<2x8x128x32xf32, #tpu.memory_space<vmem>> -> memref<1x1x128x32xf32, #tpu.memory_space<vmem>>
      %dma_wait3A_494 = tpu.memref_squeeze %dma_wait3A_493 : memref<1x1x128x32xf32, #tpu.memory_space<vmem>> -> memref<128x32xf32, #tpu.memory_space<vmem>>
      %dma_wait3A_495 = arith.constant 0 : i32
      %dma_wait3A_496 = tpu.memref_slice %arg7[%dma_wait3A_488, %dma_wait3A_495] : memref<80x128xi32, #tpu.memory_space<vmem>> -> memref<1x128xi32, #tpu.memory_space<vmem>>
      %dma_wait3A_497 = tpu.memref_squeeze %dma_wait3A_496 : memref<1x128xi32, #tpu.memory_space<vmem>> -> memref<128xi32, #tpu.memory_space<vmem>>
      %dma_wait3A_498 = arith.constant 0 : i32
      %dma_wait3A_499 = arith.constant 0 : i32
      %dma_wait3A_500 = tpu.memref_slice %arg11[%dma_wait3A_498, %dma_wait3A_499] : memref<10112x32xf32, #tpu.memory_space<vmem_shared>> -> memref<10112x32xf32, #tpu.memory_space<vmem_shared>>
      tpu.wait_indirect_dma semaphore(%arg12 : memref<!tpu.dma_semaphore, #tpu.memory_space<semaphore_mem>>) src(%dma_wait3A_500 : memref<10112x32xf32, #tpu.memory_space<vmem_shared>>) dst(%dma_wait3A_494 : memref<128x32xf32, #tpu.memory_space<vmem>>)
      %dma_wait3A_501 = arith.constant 0 : i32
      %dma_wait3A_502 = arith.constant 1 : i32
      %dma_wait3A_503 = arith.constant 3 : i32
      %dma_wait3A_504 = arith.constant 0 : i32
      %dma_wait3A_505 = arith.constant 0 : i32
      %dma_wait3A_506 = tpu.memref_slice %arg9[%dma_wait3A_502, %dma_wait3A_503, %dma_wait3A_504, %dma_wait3A_505] : memref<2x8x128x32xf32, #tpu.memory_space<vmem>> -> memref<1x1x128x32xf32, #tpu.memory_space<vmem>>
      %dma_wait3A_507 = tpu.memref_squeeze %dma_wait3A_506 : memref<1x1x128x32xf32, #tpu.memory_space<vmem>> -> memref<128x32xf32, #tpu.memory_space<vmem>>
      %dma_wait3A_508 = arith.constant 0 : i32
      %dma_wait3A_509 = tpu.memref_slice %arg7[%dma_wait3A_501, %dma_wait3A_508] : memref<80x128xi32, #tpu.memory_space<vmem>> -> memref<1x128xi32, #tpu.memory_space<vmem>>
      %dma_wait3A_510 = tpu.memref_squeeze %dma_wait3A_509 : memref<1x128xi32, #tpu.memory_space<vmem>> -> memref<128xi32, #tpu.memory_space<vmem>>
      %dma_wait3A_511 = arith.constant 0 : i32
      %dma_wait3A_512 = arith.constant 0 : i32
      %dma_wait3A_513 = tpu.memref_slice %arg11[%dma_wait3A_511, %dma_wait3A_512] : memref<10112x32xf32, #tpu.memory_space<vmem_shared>> -> memref<10112x32xf32, #tpu.memory_space<vmem_shared>>
      tpu.wait_indirect_dma semaphore(%arg12 : memref<!tpu.dma_semaphore, #tpu.memory_space<semaphore_mem>>) src(%dma_wait3A_513 : memref<10112x32xf32, #tpu.memory_space<vmem_shared>>) dst(%dma_wait3A_507 : memref<128x32xf32, #tpu.memory_space<vmem>>)
      %dma_wait3A_514 = arith.constant 0 : i32
      %dma_wait3A_515 = arith.constant 1 : i32
      %dma_wait3A_516 = arith.constant 4 : i32
      %dma_wait3A_517 = arith.constant 0 : i32
      %dma_wait3A_518 = arith.constant 0 : i32
      %dma_wait3A_519 = tpu.memref_slice %arg9[%dma_wait3A_515, %dma_wait3A_516, %dma_wait3A_517, %dma_wait3A_518] : memref<2x8x128x32xf32, #tpu.memory_space<vmem>> -> memref<1x1x128x32xf32, #tpu.memory_space<vmem>>
      %dma_wait3A_520 = tpu.memref_squeeze %dma_wait3A_519 : memref<1x1x128x32xf32, #tpu.memory_space<vmem>> -> memref<128x32xf32, #tpu.memory_space<vmem>>
      %dma_wait3A_521 = arith.constant 0 : i32
      %dma_wait3A_522 = tpu.memref_slice %arg7[%dma_wait3A_514, %dma_wait3A_521] : memref<80x128xi32, #tpu.memory_space<vmem>> -> memref<1x128xi32, #tpu.memory_space<vmem>>
      %dma_wait3A_523 = tpu.memref_squeeze %dma_wait3A_522 : memref<1x128xi32, #tpu.memory_space<vmem>> -> memref<128xi32, #tpu.memory_space<vmem>>
      %dma_wait3A_524 = arith.constant 0 : i32
      %dma_wait3A_525 = arith.constant 0 : i32
      %dma_wait3A_526 = tpu.memref_slice %arg11[%dma_wait3A_524, %dma_wait3A_525] : memref<10112x32xf32, #tpu.memory_space<vmem_shared>> -> memref<10112x32xf32, #tpu.memory_space<vmem_shared>>
      tpu.wait_indirect_dma semaphore(%arg12 : memref<!tpu.dma_semaphore, #tpu.memory_space<semaphore_mem>>) src(%dma_wait3A_526 : memref<10112x32xf32, #tpu.memory_space<vmem_shared>>) dst(%dma_wait3A_520 : memref<128x32xf32, #tpu.memory_space<vmem>>)
      %dma_wait3A_527 = arith.constant 0 : i32
      %dma_wait3A_528 = arith.constant 1 : i32
      %dma_wait3A_529 = arith.constant 5 : i32
      %dma_wait3A_530 = arith.constant 0 : i32
      %dma_wait3A_531 = arith.constant 0 : i32
      %dma_wait3A_532 = tpu.memref_slice %arg9[%dma_wait3A_528, %dma_wait3A_529, %dma_wait3A_530, %dma_wait3A_531] : memref<2x8x128x32xf32, #tpu.memory_space<vmem>> -> memref<1x1x128x32xf32, #tpu.memory_space<vmem>>
      %dma_wait3A_533 = tpu.memref_squeeze %dma_wait3A_532 : memref<1x1x128x32xf32, #tpu.memory_space<vmem>> -> memref<128x32xf32, #tpu.memory_space<vmem>>
      %dma_wait3A_534 = arith.constant 0 : i32
      %dma_wait3A_535 = tpu.memref_slice %arg7[%dma_wait3A_527, %dma_wait3A_534] : memref<80x128xi32, #tpu.memory_space<vmem>> -> memref<1x128xi32, #tpu.memory_space<vmem>>
      %dma_wait3A_536 = tpu.memref_squeeze %dma_wait3A_535 : memref<1x128xi32, #tpu.memory_space<vmem>> -> memref<128xi32, #tpu.memory_space<vmem>>
      %dma_wait3A_537 = arith.constant 0 : i32
      %dma_wait3A_538 = arith.constant 0 : i32
      %dma_wait3A_539 = tpu.memref_slice %arg11[%dma_wait3A_537, %dma_wait3A_538] : memref<10112x32xf32, #tpu.memory_space<vmem_shared>> -> memref<10112x32xf32, #tpu.memory_space<vmem_shared>>
      tpu.wait_indirect_dma semaphore(%arg12 : memref<!tpu.dma_semaphore, #tpu.memory_space<semaphore_mem>>) src(%dma_wait3A_539 : memref<10112x32xf32, #tpu.memory_space<vmem_shared>>) dst(%dma_wait3A_533 : memref<128x32xf32, #tpu.memory_space<vmem>>)
      %dma_wait3A_540 = arith.constant 0 : i32
      %dma_wait3A_541 = arith.constant 1 : i32
      %dma_wait3A_542 = arith.constant 6 : i32
      %dma_wait3A_543 = arith.constant 0 : i32
      %dma_wait3A_544 = arith.constant 0 : i32
      %dma_wait3A_545 = tpu.memref_slice %arg9[%dma_wait3A_541, %dma_wait3A_542, %dma_wait3A_543, %dma_wait3A_544] : memref<2x8x128x32xf32, #tpu.memory_space<vmem>> -> memref<1x1x128x32xf32, #tpu.memory_space<vmem>>
      %dma_wait3A_546 = tpu.memref_squeeze %dma_wait3A_545 : memref<1x1x128x32xf32, #tpu.memory_space<vmem>> -> memref<128x32xf32, #tpu.memory_space<vmem>>
      %dma_wait3A_547 = arith.constant 0 : i32
      %dma_wait3A_548 = tpu.memref_slice %arg7[%dma_wait3A_540, %dma_wait3A_547] : memref<80x128xi32, #tpu.memory_space<vmem>> -> memref<1x128xi32, #tpu.memory_space<vmem>>
      %dma_wait3A_549 = tpu.memref_squeeze %dma_wait3A_548 : memref<1x128xi32, #tpu.memory_space<vmem>> -> memref<128xi32, #tpu.memory_space<vmem>>
      %dma_wait3A_550 = arith.constant 0 : i32
      %dma_wait3A_551 = arith.constant 0 : i32
      %dma_wait3A_552 = tpu.memref_slice %arg11[%dma_wait3A_550, %dma_wait3A_551] : memref<10112x32xf32, #tpu.memory_space<vmem_shared>> -> memref<10112x32xf32, #tpu.memory_space<vmem_shared>>
      tpu.wait_indirect_dma semaphore(%arg12 : memref<!tpu.dma_semaphore, #tpu.memory_space<semaphore_mem>>) src(%dma_wait3A_552 : memref<10112x32xf32, #tpu.memory_space<vmem_shared>>) dst(%dma_wait3A_546 : memref<128x32xf32, #tpu.memory_space<vmem>>)
      %dma_wait3A_553 = arith.constant 0 : i32
      %dma_wait3A_554 = arith.constant 1 : i32
      %dma_wait3A_555 = arith.constant 7 : i32
      %dma_wait3A_556 = arith.constant 0 : i32
      %dma_wait3A_557 = arith.constant 0 : i32
      %dma_wait3A_558 = tpu.memref_slice %arg9[%dma_wait3A_554, %dma_wait3A_555, %dma_wait3A_556, %dma_wait3A_557] : memref<2x8x128x32xf32, #tpu.memory_space<vmem>> -> memref<1x1x128x32xf32, #tpu.memory_space<vmem>>
      %dma_wait3A_559 = tpu.memref_squeeze %dma_wait3A_558 : memref<1x1x128x32xf32, #tpu.memory_space<vmem>> -> memref<128x32xf32, #tpu.memory_space<vmem>>
      %dma_wait3A_560 = arith.constant 0 : i32
      %dma_wait3A_561 = tpu.memref_slice %arg7[%dma_wait3A_553, %dma_wait3A_560] : memref<80x128xi32, #tpu.memory_space<vmem>> -> memref<1x128xi32, #tpu.memory_space<vmem>>
      %dma_wait3A_562 = tpu.memref_squeeze %dma_wait3A_561 : memref<1x128xi32, #tpu.memory_space<vmem>> -> memref<128xi32, #tpu.memory_space<vmem>>
      %dma_wait3A_563 = arith.constant 0 : i32
      %dma_wait3A_564 = arith.constant 0 : i32
      %dma_wait3A_565 = tpu.memref_slice %arg11[%dma_wait3A_563, %dma_wait3A_564] : memref<10112x32xf32, #tpu.memory_space<vmem_shared>> -> memref<10112x32xf32, #tpu.memory_space<vmem_shared>>
      tpu.wait_indirect_dma semaphore(%arg12 : memref<!tpu.dma_semaphore, #tpu.memory_space<semaphore_mem>>) src(%dma_wait3A_565 : memref<10112x32xf32, #tpu.memory_space<vmem_shared>>) dst(%dma_wait3A_559 : memref<128x32xf32, #tpu.memory_space<vmem>>)
      %mul3A_566 = arith.constant 8 : i32
      %mul3A_567 = arith.muli %add3A_230, %mul3A_566 : i32
      %add3A_568 = arith.constant 0 : i32
      %add3A_569 = arith.addi %mul3A_567, %add3A_568 : i32
      %dma_start3A_570 = arith.constant 1 : i32
      %dma_start3A_571 = arith.constant 0 : i32
      %dma_start3A_572 = arith.constant 0 : i32
      %dma_start3A_573 = arith.constant 0 : i32
      %dma_start3A_574 = tpu.memref_slice %arg9[%dma_start3A_570, %dma_start3A_571, %dma_start3A_572, %dma_start3A_573] : memref<2x8x128x32xf32, #tpu.memory_space<vmem>> -> memref<1x1x128x32xf32, #tpu.memory_space<vmem>>
      %dma_start3A_575 = tpu.memref_squeeze %dma_start3A_574 : memref<1x1x128x32xf32, #tpu.memory_space<vmem>> -> memref<128x32xf32, #tpu.memory_space<vmem>>
      %dma_start3A_576 = arith.constant 0 : i32
      %dma_start3A_577 = tpu.memref_slice %arg8[%add3A_569, %dma_start3A_576] : memref<80x128xi32, #tpu.memory_space<vmem>> -> memref<1x128xi32, #tpu.memory_space<vmem>>
      %dma_start3A_578 = tpu.memref_squeeze %dma_start3A_577 : memref<1x128xi32, #tpu.memory_space<vmem>> -> memref<128xi32, #tpu.memory_space<vmem>>
      %dma_start3A_579 = arith.constant 0 : i32
      %dma_start3A_580 = arith.constant 0 : i32
      %dma_start3A_581 = tpu.memref_slice %arg10[%dma_start3A_579, %dma_start3A_580] : memref<10112x32xf32, #tpu.memory_space<vmem_shared>> -> memref<10112x32xf32, #tpu.memory_space<vmem_shared>>
      tpu.enqueue_indirect_dma source(%dma_start3A_575 : memref<128x32xf32, #tpu.memory_space<vmem>>) target(%dma_start3A_581 : memref<10112x32xf32, #tpu.memory_space<vmem_shared>>) offsets(%dma_start3A_578 : memref<128xi32, #tpu.memory_space<vmem>>) semaphore(%arg13 : memref<!tpu.dma_semaphore, #tpu.memory_space<semaphore_mem>>) {add = true}
      %mul3A_582 = arith.constant 8 : i32
      %mul3A_583 = arith.muli %add3A_230, %mul3A_582 : i32
      %add3A_584 = arith.constant 1 : i32
      %add3A_585 = arith.addi %mul3A_583, %add3A_584 : i32
      %dma_start3A_586 = arith.constant 1 : i32
      %dma_start3A_587 = arith.constant 1 : i32
      %dma_start3A_588 = arith.constant 0 : i32
      %dma_start3A_589 = arith.constant 0 : i32
      %dma_start3A_590 = tpu.memref_slice %arg9[%dma_start3A_586, %dma_start3A_587, %dma_start3A_588, %dma_start3A_589] : memref<2x8x128x32xf32, #tpu.memory_space<vmem>> -> memref<1x1x128x32xf32, #tpu.memory_space<vmem>>
      %dma_start3A_591 = tpu.memref_squeeze %dma_start3A_590 : memref<1x1x128x32xf32, #tpu.memory_space<vmem>> -> memref<128x32xf32, #tpu.memory_space<vmem>>
      %dma_start3A_592 = arith.constant 0 : i32
      %dma_start3A_593 = tpu.memref_slice %arg8[%add3A_585, %dma_start3A_592] : memref<80x128xi32, #tpu.memory_space<vmem>> -> memref<1x128xi32, #tpu.memory_space<vmem>>
      %dma_start3A_594 = tpu.memref_squeeze %dma_start3A_593 : memref<1x128xi32, #tpu.memory_space<vmem>> -> memref<128xi32, #tpu.memory_space<vmem>>
      %dma_start3A_595 = arith.constant 0 : i32
      %dma_start3A_596 = arith.constant 0 : i32
      %dma_start3A_597 = tpu.memref_slice %arg10[%dma_start3A_595, %dma_start3A_596] : memref<10112x32xf32, #tpu.memory_space<vmem_shared>> -> memref<10112x32xf32, #tpu.memory_space<vmem_shared>>
      tpu.enqueue_indirect_dma source(%dma_start3A_591 : memref<128x32xf32, #tpu.memory_space<vmem>>) target(%dma_start3A_597 : memref<10112x32xf32, #tpu.memory_space<vmem_shared>>) offsets(%dma_start3A_594 : memref<128xi32, #tpu.memory_space<vmem>>) semaphore(%arg13 : memref<!tpu.dma_semaphore, #tpu.memory_space<semaphore_mem>>) {add = true}
      %mul3A_598 = arith.constant 8 : i32
      %mul3A_599 = arith.muli %add3A_230, %mul3A_598 : i32
      %add3A_600 = arith.constant 2 : i32
      %add3A_601 = arith.addi %mul3A_599, %add3A_600 : i32
      %dma_start3A_602 = arith.constant 1 : i32
      %dma_start3A_603 = arith.constant 2 : i32
      %dma_start3A_604 = arith.constant 0 : i32
      %dma_start3A_605 = arith.constant 0 : i32
      %dma_start3A_606 = tpu.memref_slice %arg9[%dma_start3A_602, %dma_start3A_603, %dma_start3A_604, %dma_start3A_605] : memref<2x8x128x32xf32, #tpu.memory_space<vmem>> -> memref<1x1x128x32xf32, #tpu.memory_space<vmem>>
      %dma_start3A_607 = tpu.memref_squeeze %dma_start3A_606 : memref<1x1x128x32xf32, #tpu.memory_space<vmem>> -> memref<128x32xf32, #tpu.memory_space<vmem>>
      %dma_start3A_608 = arith.constant 0 : i32
      %dma_start3A_609 = tpu.memref_slice %arg8[%add3A_601, %dma_start3A_608] : memref<80x128xi32, #tpu.memory_space<vmem>> -> memref<1x128xi32, #tpu.memory_space<vmem>>
      %dma_start3A_610 = tpu.memref_squeeze %dma_start3A_609 : memref<1x128xi32, #tpu.memory_space<vmem>> -> memref<128xi32, #tpu.memory_space<vmem>>
      %dma_start3A_611 = arith.constant 0 : i32
      %dma_start3A_612 = arith.constant 0 : i32
      %dma_start3A_613 = tpu.memref_slice %arg10[%dma_start3A_611, %dma_start3A_612] : memref<10112x32xf32, #tpu.memory_space<vmem_shared>> -> memref<10112x32xf32, #tpu.memory_space<vmem_shared>>
      tpu.enqueue_indirect_dma source(%dma_start3A_607 : memref<128x32xf32, #tpu.memory_space<vmem>>) target(%dma_start3A_613 : memref<10112x32xf32, #tpu.memory_space<vmem_shared>>) offsets(%dma_start3A_610 : memref<128xi32, #tpu.memory_space<vmem>>) semaphore(%arg13 : memref<!tpu.dma_semaphore, #tpu.memory_space<semaphore_mem>>) {add = true}
      %mul3A_614 = arith.constant 8 : i32
      %mul3A_615 = arith.muli %add3A_230, %mul3A_614 : i32
      %add3A_616 = arith.constant 3 : i32
      %add3A_617 = arith.addi %mul3A_615, %add3A_616 : i32
      %dma_start3A_618 = arith.constant 1 : i32
      %dma_start3A_619 = arith.constant 3 : i32
      %dma_start3A_620 = arith.constant 0 : i32
      %dma_start3A_621 = arith.constant 0 : i32
      %dma_start3A_622 = tpu.memref_slice %arg9[%dma_start3A_618, %dma_start3A_619, %dma_start3A_620, %dma_start3A_621] : memref<2x8x128x32xf32, #tpu.memory_space<vmem>> -> memref<1x1x128x32xf32, #tpu.memory_space<vmem>>
      %dma_start3A_623 = tpu.memref_squeeze %dma_start3A_622 : memref<1x1x128x32xf32, #tpu.memory_space<vmem>> -> memref<128x32xf32, #tpu.memory_space<vmem>>
      %dma_start3A_624 = arith.constant 0 : i32
      %dma_start3A_625 = tpu.memref_slice %arg8[%add3A_617, %dma_start3A_624] : memref<80x128xi32, #tpu.memory_space<vmem>> -> memref<1x128xi32, #tpu.memory_space<vmem>>
      %dma_start3A_626 = tpu.memref_squeeze %dma_start3A_625 : memref<1x128xi32, #tpu.memory_space<vmem>> -> memref<128xi32, #tpu.memory_space<vmem>>
      %dma_start3A_627 = arith.constant 0 : i32
      %dma_start3A_628 = arith.constant 0 : i32
      %dma_start3A_629 = tpu.memref_slice %arg10[%dma_start3A_627, %dma_start3A_628] : memref<10112x32xf32, #tpu.memory_space<vmem_shared>> -> memref<10112x32xf32, #tpu.memory_space<vmem_shared>>
      tpu.enqueue_indirect_dma source(%dma_start3A_623 : memref<128x32xf32, #tpu.memory_space<vmem>>) target(%dma_start3A_629 : memref<10112x32xf32, #tpu.memory_space<vmem_shared>>) offsets(%dma_start3A_626 : memref<128xi32, #tpu.memory_space<vmem>>) semaphore(%arg13 : memref<!tpu.dma_semaphore, #tpu.memory_space<semaphore_mem>>) {add = true}
      %mul3A_630 = arith.constant 8 : i32
      %mul3A_631 = arith.muli %add3A_230, %mul3A_630 : i32
      %add3A_632 = arith.constant 4 : i32
      %add3A_633 = arith.addi %mul3A_631, %add3A_632 : i32
      %dma_start3A_634 = arith.constant 1 : i32
      %dma_start3A_635 = arith.constant 4 : i32
      %dma_start3A_636 = arith.constant 0 : i32
      %dma_start3A_637 = arith.constant 0 : i32
      %dma_start3A_638 = tpu.memref_slice %arg9[%dma_start3A_634, %dma_start3A_635, %dma_start3A_636, %dma_start3A_637] : memref<2x8x128x32xf32, #tpu.memory_space<vmem>> -> memref<1x1x128x32xf32, #tpu.memory_space<vmem>>
      %dma_start3A_639 = tpu.memref_squeeze %dma_start3A_638 : memref<1x1x128x32xf32, #tpu.memory_space<vmem>> -> memref<128x32xf32, #tpu.memory_space<vmem>>
      %dma_start3A_640 = arith.constant 0 : i32
      %dma_start3A_641 = tpu.memref_slice %arg8[%add3A_633, %dma_start3A_640] : memref<80x128xi32, #tpu.memory_space<vmem>> -> memref<1x128xi32, #tpu.memory_space<vmem>>
      %dma_start3A_642 = tpu.memref_squeeze %dma_start3A_641 : memref<1x128xi32, #tpu.memory_space<vmem>> -> memref<128xi32, #tpu.memory_space<vmem>>
      %dma_start3A_643 = arith.constant 0 : i32
      %dma_start3A_644 = arith.constant 0 : i32
      %dma_start3A_645 = tpu.memref_slice %arg10[%dma_start3A_643, %dma_start3A_644] : memref<10112x32xf32, #tpu.memory_space<vmem_shared>> -> memref<10112x32xf32, #tpu.memory_space<vmem_shared>>
      tpu.enqueue_indirect_dma source(%dma_start3A_639 : memref<128x32xf32, #tpu.memory_space<vmem>>) target(%dma_start3A_645 : memref<10112x32xf32, #tpu.memory_space<vmem_shared>>) offsets(%dma_start3A_642 : memref<128xi32, #tpu.memory_space<vmem>>) semaphore(%arg13 : memref<!tpu.dma_semaphore, #tpu.memory_space<semaphore_mem>>) {add = true}
      %mul3A_646 = arith.constant 8 : i32
      %mul3A_647 = arith.muli %add3A_230, %mul3A_646 : i32
      %add3A_648 = arith.constant 5 : i32
      %add3A_649 = arith.addi %mul3A_647, %add3A_648 : i32
      %dma_start3A_650 = arith.constant 1 : i32
      %dma_start3A_651 = arith.constant 5 : i32
      %dma_start3A_652 = arith.constant 0 : i32
      %dma_start3A_653 = arith.constant 0 : i32
      %dma_start3A_654 = tpu.memref_slice %arg9[%dma_start3A_650, %dma_start3A_651, %dma_start3A_652, %dma_start3A_653] : memref<2x8x128x32xf32, #tpu.memory_space<vmem>> -> memref<1x1x128x32xf32, #tpu.memory_space<vmem>>
      %dma_start3A_655 = tpu.memref_squeeze %dma_start3A_654 : memref<1x1x128x32xf32, #tpu.memory_space<vmem>> -> memref<128x32xf32, #tpu.memory_space<vmem>>
      %dma_start3A_656 = arith.constant 0 : i32
      %dma_start3A_657 = tpu.memref_slice %arg8[%add3A_649, %dma_start3A_656] : memref<80x128xi32, #tpu.memory_space<vmem>> -> memref<1x128xi32, #tpu.memory_space<vmem>>
      %dma_start3A_658 = tpu.memref_squeeze %dma_start3A_657 : memref<1x128xi32, #tpu.memory_space<vmem>> -> memref<128xi32, #tpu.memory_space<vmem>>
      %dma_start3A_659 = arith.constant 0 : i32
      %dma_start3A_660 = arith.constant 0 : i32
      %dma_start3A_661 = tpu.memref_slice %arg10[%dma_start3A_659, %dma_start3A_660] : memref<10112x32xf32, #tpu.memory_space<vmem_shared>> -> memref<10112x32xf32, #tpu.memory_space<vmem_shared>>
      tpu.enqueue_indirect_dma source(%dma_start3A_655 : memref<128x32xf32, #tpu.memory_space<vmem>>) target(%dma_start3A_661 : memref<10112x32xf32, #tpu.memory_space<vmem_shared>>) offsets(%dma_start3A_658 : memref<128xi32, #tpu.memory_space<vmem>>) semaphore(%arg13 : memref<!tpu.dma_semaphore, #tpu.memory_space<semaphore_mem>>) {add = true}
      %mul3A_662 = arith.constant 8 : i32
      %mul3A_663 = arith.muli %add3A_230, %mul3A_662 : i32
      %add3A_664 = arith.constant 6 : i32
      %add3A_665 = arith.addi %mul3A_663, %add3A_664 : i32
      %dma_start3A_666 = arith.constant 1 : i32
      %dma_start3A_667 = arith.constant 6 : i32
      %dma_start3A_668 = arith.constant 0 : i32
      %dma_start3A_669 = arith.constant 0 : i32
      %dma_start3A_670 = tpu.memref_slice %arg9[%dma_start3A_666, %dma_start3A_667, %dma_start3A_668, %dma_start3A_669] : memref<2x8x128x32xf32, #tpu.memory_space<vmem>> -> memref<1x1x128x32xf32, #tpu.memory_space<vmem>>
      %dma_start3A_671 = tpu.memref_squeeze %dma_start3A_670 : memref<1x1x128x32xf32, #tpu.memory_space<vmem>> -> memref<128x32xf32, #tpu.memory_space<vmem>>
      %dma_start3A_672 = arith.constant 0 : i32
      %dma_start3A_673 = tpu.memref_slice %arg8[%add3A_665, %dma_start3A_672] : memref<80x128xi32, #tpu.memory_space<vmem>> -> memref<1x128xi32, #tpu.memory_space<vmem>>
      %dma_start3A_674 = tpu.memref_squeeze %dma_start3A_673 : memref<1x128xi32, #tpu.memory_space<vmem>> -> memref<128xi32, #tpu.memory_space<vmem>>
      %dma_start3A_675 = arith.constant 0 : i32
      %dma_start3A_676 = arith.constant 0 : i32
      %dma_start3A_677 = tpu.memref_slice %arg10[%dma_start3A_675, %dma_start3A_676] : memref<10112x32xf32, #tpu.memory_space<vmem_shared>> -> memref<10112x32xf32, #tpu.memory_space<vmem_shared>>
      tpu.enqueue_indirect_dma source(%dma_start3A_671 : memref<128x32xf32, #tpu.memory_space<vmem>>) target(%dma_start3A_677 : memref<10112x32xf32, #tpu.memory_space<vmem_shared>>) offsets(%dma_start3A_674 : memref<128xi32, #tpu.memory_space<vmem>>) semaphore(%arg13 : memref<!tpu.dma_semaphore, #tpu.memory_space<semaphore_mem>>) {add = true}
      %mul3A_678 = arith.constant 8 : i32
      %mul3A_679 = arith.muli %add3A_230, %mul3A_678 : i32
      %add3A_680 = arith.constant 7 : i32
      %add3A_681 = arith.addi %mul3A_679, %add3A_680 : i32
      %dma_start3A_682 = arith.constant 1 : i32
      %dma_start3A_683 = arith.constant 7 : i32
      %dma_start3A_684 = arith.constant 0 : i32
      %dma_start3A_685 = arith.constant 0 : i32
      %dma_start3A_686 = tpu.memref_slice %arg9[%dma_start3A_682, %dma_start3A_683, %dma_start3A_684, %dma_start3A_685] : memref<2x8x128x32xf32, #tpu.memory_space<vmem>> -> memref<1x1x128x32xf32, #tpu.memory_space<vmem>>
      %dma_start3A_687 = tpu.memref_squeeze %dma_start3A_686 : memref<1x1x128x32xf32, #tpu.memory_space<vmem>> -> memref<128x32xf32, #tpu.memory_space<vmem>>
      %dma_start3A_688 = arith.constant 0 : i32
      %dma_start3A_689 = tpu.memref_slice %arg8[%add3A_681, %dma_start3A_688] : memref<80x128xi32, #tpu.memory_space<vmem>> -> memref<1x128xi32, #tpu.memory_space<vmem>>
      %dma_start3A_690 = tpu.memref_squeeze %dma_start3A_689 : memref<1x128xi32, #tpu.memory_space<vmem>> -> memref<128xi32, #tpu.memory_space<vmem>>
      %dma_start3A_691 = arith.constant 0 : i32
      %dma_start3A_692 = arith.constant 0 : i32
      %dma_start3A_693 = tpu.memref_slice %arg10[%dma_start3A_691, %dma_start3A_692] : memref<10112x32xf32, #tpu.memory_space<vmem_shared>> -> memref<10112x32xf32, #tpu.memory_space<vmem_shared>>
      tpu.enqueue_indirect_dma source(%dma_start3A_687 : memref<128x32xf32, #tpu.memory_space<vmem>>) target(%dma_start3A_693 : memref<10112x32xf32, #tpu.memory_space<vmem_shared>>) offsets(%dma_start3A_690 : memref<128xi32, #tpu.memory_space<vmem>>) semaphore(%arg13 : memref<!tpu.dma_semaphore, #tpu.memory_space<semaphore_mem>>) {add = true}
      %mul3A_694 = arith.constant 8 : i32
      %mul3A_695 = arith.muli %mul3A_228, %mul3A_694 : i32
      %add3A_696 = arith.constant 0 : i32
      %add3A_697 = arith.addi %mul3A_695, %add3A_696 : i32
      %dma_wait3A_698 = arith.constant 0 : i32
      %dma_wait3A_699 = arith.constant 0 : i32
      %dma_wait3A_700 = arith.constant 0 : i32
      %dma_wait3A_701 = arith.constant 0 : i32
      %dma_wait3A_702 = tpu.memref_slice %arg9[%dma_wait3A_698, %dma_wait3A_699, %dma_wait3A_700, %dma_wait3A_701] : memref<2x8x128x32xf32, #tpu.memory_space<vmem>> -> memref<1x1x128x32xf32, #tpu.memory_space<vmem>>
      %dma_wait3A_703 = tpu.memref_squeeze %dma_wait3A_702 : memref<1x1x128x32xf32, #tpu.memory_space<vmem>> -> memref<128x32xf32, #tpu.memory_space<vmem>>
      %dma_wait3A_704 = arith.constant 0 : i32
      %dma_wait3A_705 = tpu.memref_slice %arg8[%add3A_697, %dma_wait3A_704] : memref<80x128xi32, #tpu.memory_space<vmem>> -> memref<1x128xi32, #tpu.memory_space<vmem>>
      %dma_wait3A_706 = tpu.memref_squeeze %dma_wait3A_705 : memref<1x128xi32, #tpu.memory_space<vmem>> -> memref<128xi32, #tpu.memory_space<vmem>>
      %dma_wait3A_707 = arith.constant 0 : i32
      %dma_wait3A_708 = arith.constant 0 : i32
      %dma_wait3A_709 = tpu.memref_slice %arg10[%dma_wait3A_707, %dma_wait3A_708] : memref<10112x32xf32, #tpu.memory_space<vmem_shared>> -> memref<10112x32xf32, #tpu.memory_space<vmem_shared>>
      tpu.wait_indirect_dma semaphore(%arg13 : memref<!tpu.dma_semaphore, #tpu.memory_space<semaphore_mem>>) src(%dma_wait3A_703 : memref<128x32xf32, #tpu.memory_space<vmem>>) dst(%dma_wait3A_709 : memref<10112x32xf32, #tpu.memory_space<vmem_shared>>)
      %mul3A_710 = arith.constant 8 : i32
      %mul3A_711 = arith.muli %mul3A_228, %mul3A_710 : i32
      %add3A_712 = arith.constant 1 : i32
      %add3A_713 = arith.addi %mul3A_711, %add3A_712 : i32
      %dma_wait3A_714 = arith.constant 0 : i32
      %dma_wait3A_715 = arith.constant 1 : i32
      %dma_wait3A_716 = arith.constant 0 : i32
      %dma_wait3A_717 = arith.constant 0 : i32
      %dma_wait3A_718 = tpu.memref_slice %arg9[%dma_wait3A_714, %dma_wait3A_715, %dma_wait3A_716, %dma_wait3A_717] : memref<2x8x128x32xf32, #tpu.memory_space<vmem>> -> memref<1x1x128x32xf32, #tpu.memory_space<vmem>>
      %dma_wait3A_719 = tpu.memref_squeeze %dma_wait3A_718 : memref<1x1x128x32xf32, #tpu.memory_space<vmem>> -> memref<128x32xf32, #tpu.memory_space<vmem>>
      %dma_wait3A_720 = arith.constant 0 : i32
      %dma_wait3A_721 = tpu.memref_slice %arg8[%add3A_713, %dma_wait3A_720] : memref<80x128xi32, #tpu.memory_space<vmem>> -> memref<1x128xi32, #tpu.memory_space<vmem>>
      %dma_wait3A_722 = tpu.memref_squeeze %dma_wait3A_721 : memref<1x128xi32, #tpu.memory_space<vmem>> -> memref<128xi32, #tpu.memory_space<vmem>>
      %dma_wait3A_723 = arith.constant 0 : i32
      %dma_wait3A_724 = arith.constant 0 : i32
      %dma_wait3A_725 = tpu.memref_slice %arg10[%dma_wait3A_723, %dma_wait3A_724] : memref<10112x32xf32, #tpu.memory_space<vmem_shared>> -> memref<10112x32xf32, #tpu.memory_space<vmem_shared>>
      tpu.wait_indirect_dma semaphore(%arg13 : memref<!tpu.dma_semaphore, #tpu.memory_space<semaphore_mem>>) src(%dma_wait3A_719 : memref<128x32xf32, #tpu.memory_space<vmem>>) dst(%dma_wait3A_725 : memref<10112x32xf32, #tpu.memory_space<vmem_shared>>)
      %mul3A_726 = arith.constant 8 : i32
      %mul3A_727 = arith.muli %mul3A_228, %mul3A_726 : i32
      %add3A_728 = arith.constant 2 : i32
      %add3A_729 = arith.addi %mul3A_727, %add3A_728 : i32
      %dma_wait3A_730 = arith.constant 0 : i32
      %dma_wait3A_731 = arith.constant 2 : i32
      %dma_wait3A_732 = arith.constant 0 : i32
      %dma_wait3A_733 = arith.constant 0 : i32
      %dma_wait3A_734 = tpu.memref_slice %arg9[%dma_wait3A_730, %dma_wait3A_731, %dma_wait3A_732, %dma_wait3A_733] : memref<2x8x128x32xf32, #tpu.memory_space<vmem>> -> memref<1x1x128x32xf32, #tpu.memory_space<vmem>>
      %dma_wait3A_735 = tpu.memref_squeeze %dma_wait3A_734 : memref<1x1x128x32xf32, #tpu.memory_space<vmem>> -> memref<128x32xf32, #tpu.memory_space<vmem>>
      %dma_wait3A_736 = arith.constant 0 : i32
      %dma_wait3A_737 = tpu.memref_slice %arg8[%add3A_729, %dma_wait3A_736] : memref<80x128xi32, #tpu.memory_space<vmem>> -> memref<1x128xi32, #tpu.memory_space<vmem>>
      %dma_wait3A_738 = tpu.memref_squeeze %dma_wait3A_737 : memref<1x128xi32, #tpu.memory_space<vmem>> -> memref<128xi32, #tpu.memory_space<vmem>>
      %dma_wait3A_739 = arith.constant 0 : i32
      %dma_wait3A_740 = arith.constant 0 : i32
      %dma_wait3A_741 = tpu.memref_slice %arg10[%dma_wait3A_739, %dma_wait3A_740] : memref<10112x32xf32, #tpu.memory_space<vmem_shared>> -> memref<10112x32xf32, #tpu.memory_space<vmem_shared>>
      tpu.wait_indirect_dma semaphore(%arg13 : memref<!tpu.dma_semaphore, #tpu.memory_space<semaphore_mem>>) src(%dma_wait3A_735 : memref<128x32xf32, #tpu.memory_space<vmem>>) dst(%dma_wait3A_741 : memref<10112x32xf32, #tpu.memory_space<vmem_shared>>)
      %mul3A_742 = arith.constant 8 : i32
      %mul3A_743 = arith.muli %mul3A_228, %mul3A_742 : i32
      %add3A_744 = arith.constant 3 : i32
      %add3A_745 = arith.addi %mul3A_743, %add3A_744 : i32
      %dma_wait3A_746 = arith.constant 0 : i32
      %dma_wait3A_747 = arith.constant 3 : i32
      %dma_wait3A_748 = arith.constant 0 : i32
      %dma_wait3A_749 = arith.constant 0 : i32
      %dma_wait3A_750 = tpu.memref_slice %arg9[%dma_wait3A_746, %dma_wait3A_747, %dma_wait3A_748, %dma_wait3A_749] : memref<2x8x128x32xf32, #tpu.memory_space<vmem>> -> memref<1x1x128x32xf32, #tpu.memory_space<vmem>>
      %dma_wait3A_751 = tpu.memref_squeeze %dma_wait3A_750 : memref<1x1x128x32xf32, #tpu.memory_space<vmem>> -> memref<128x32xf32, #tpu.memory_space<vmem>>
      %dma_wait3A_752 = arith.constant 0 : i32
      %dma_wait3A_753 = tpu.memref_slice %arg8[%add3A_745, %dma_wait3A_752] : memref<80x128xi32, #tpu.memory_space<vmem>> -> memref<1x128xi32, #tpu.memory_space<vmem>>
      %dma_wait3A_754 = tpu.memref_squeeze %dma_wait3A_753 : memref<1x128xi32, #tpu.memory_space<vmem>> -> memref<128xi32, #tpu.memory_space<vmem>>
      %dma_wait3A_755 = arith.constant 0 : i32
      %dma_wait3A_756 = arith.constant 0 : i32
      %dma_wait3A_757 = tpu.memref_slice %arg10[%dma_wait3A_755, %dma_wait3A_756] : memref<10112x32xf32, #tpu.memory_space<vmem_shared>> -> memref<10112x32xf32, #tpu.memory_space<vmem_shared>>
      tpu.wait_indirect_dma semaphore(%arg13 : memref<!tpu.dma_semaphore, #tpu.memory_space<semaphore_mem>>) src(%dma_wait3A_751 : memref<128x32xf32, #tpu.memory_space<vmem>>) dst(%dma_wait3A_757 : memref<10112x32xf32, #tpu.memory_space<vmem_shared>>)
      %mul3A_758 = arith.constant 8 : i32
      %mul3A_759 = arith.muli %mul3A_228, %mul3A_758 : i32
      %add3A_760 = arith.constant 4 : i32
      %add3A_761 = arith.addi %mul3A_759, %add3A_760 : i32
      %dma_wait3A_762 = arith.constant 0 : i32
      %dma_wait3A_763 = arith.constant 4 : i32
      %dma_wait3A_764 = arith.constant 0 : i32
      %dma_wait3A_765 = arith.constant 0 : i32
      %dma_wait3A_766 = tpu.memref_slice %arg9[%dma_wait3A_762, %dma_wait3A_763, %dma_wait3A_764, %dma_wait3A_765] : memref<2x8x128x32xf32, #tpu.memory_space<vmem>> -> memref<1x1x128x32xf32, #tpu.memory_space<vmem>>
      %dma_wait3A_767 = tpu.memref_squeeze %dma_wait3A_766 : memref<1x1x128x32xf32, #tpu.memory_space<vmem>> -> memref<128x32xf32, #tpu.memory_space<vmem>>
      %dma_wait3A_768 = arith.constant 0 : i32
      %dma_wait3A_769 = tpu.memref_slice %arg8[%add3A_761, %dma_wait3A_768] : memref<80x128xi32, #tpu.memory_space<vmem>> -> memref<1x128xi32, #tpu.memory_space<vmem>>
      %dma_wait3A_770 = tpu.memref_squeeze %dma_wait3A_769 : memref<1x128xi32, #tpu.memory_space<vmem>> -> memref<128xi32, #tpu.memory_space<vmem>>
      %dma_wait3A_771 = arith.constant 0 : i32
      %dma_wait3A_772 = arith.constant 0 : i32
      %dma_wait3A_773 = tpu.memref_slice %arg10[%dma_wait3A_771, %dma_wait3A_772] : memref<10112x32xf32, #tpu.memory_space<vmem_shared>> -> memref<10112x32xf32, #tpu.memory_space<vmem_shared>>
      tpu.wait_indirect_dma semaphore(%arg13 : memref<!tpu.dma_semaphore, #tpu.memory_space<semaphore_mem>>) src(%dma_wait3A_767 : memref<128x32xf32, #tpu.memory_space<vmem>>) dst(%dma_wait3A_773 : memref<10112x32xf32, #tpu.memory_space<vmem_shared>>)
      %mul3A_774 = arith.constant 8 : i32
      %mul3A_775 = arith.muli %mul3A_228, %mul3A_774 : i32
      %add3A_776 = arith.constant 5 : i32
      %add3A_777 = arith.addi %mul3A_775, %add3A_776 : i32
      %dma_wait3A_778 = arith.constant 0 : i32
      %dma_wait3A_779 = arith.constant 5 : i32
      %dma_wait3A_780 = arith.constant 0 : i32
      %dma_wait3A_781 = arith.constant 0 : i32
      %dma_wait3A_782 = tpu.memref_slice %arg9[%dma_wait3A_778, %dma_wait3A_779, %dma_wait3A_780, %dma_wait3A_781] : memref<2x8x128x32xf32, #tpu.memory_space<vmem>> -> memref<1x1x128x32xf32, #tpu.memory_space<vmem>>
      %dma_wait3A_783 = tpu.memref_squeeze %dma_wait3A_782 : memref<1x1x128x32xf32, #tpu.memory_space<vmem>> -> memref<128x32xf32, #tpu.memory_space<vmem>>
      %dma_wait3A_784 = arith.constant 0 : i32
      %dma_wait3A_785 = tpu.memref_slice %arg8[%add3A_777, %dma_wait3A_784] : memref<80x128xi32, #tpu.memory_space<vmem>> -> memref<1x128xi32, #tpu.memory_space<vmem>>
      %dma_wait3A_786 = tpu.memref_squeeze %dma_wait3A_785 : memref<1x128xi32, #tpu.memory_space<vmem>> -> memref<128xi32, #tpu.memory_space<vmem>>
      %dma_wait3A_787 = arith.constant 0 : i32
      %dma_wait3A_788 = arith.constant 0 : i32
      %dma_wait3A_789 = tpu.memref_slice %arg10[%dma_wait3A_787, %dma_wait3A_788] : memref<10112x32xf32, #tpu.memory_space<vmem_shared>> -> memref<10112x32xf32, #tpu.memory_space<vmem_shared>>
      tpu.wait_indirect_dma semaphore(%arg13 : memref<!tpu.dma_semaphore, #tpu.memory_space<semaphore_mem>>) src(%dma_wait3A_783 : memref<128x32xf32, #tpu.memory_space<vmem>>) dst(%dma_wait3A_789 : memref<10112x32xf32, #tpu.memory_space<vmem_shared>>)
      %mul3A_790 = arith.constant 8 : i32
      %mul3A_791 = arith.muli %mul3A_228, %mul3A_790 : i32
      %add3A_792 = arith.constant 6 : i32
      %add3A_793 = arith.addi %mul3A_791, %add3A_792 : i32
      %dma_wait3A_794 = arith.constant 0 : i32
      %dma_wait3A_795 = arith.constant 6 : i32
      %dma_wait3A_796 = arith.constant 0 : i32
      %dma_wait3A_797 = arith.constant 0 : i32
      %dma_wait3A_798 = tpu.memref_slice %arg9[%dma_wait3A_794, %dma_wait3A_795, %dma_wait3A_796, %dma_wait3A_797] : memref<2x8x128x32xf32, #tpu.memory_space<vmem>> -> memref<1x1x128x32xf32, #tpu.memory_space<vmem>>
      %dma_wait3A_799 = tpu.memref_squeeze %dma_wait3A_798 : memref<1x1x128x32xf32, #tpu.memory_space<vmem>> -> memref<128x32xf32, #tpu.memory_space<vmem>>
      %dma_wait3A_800 = arith.constant 0 : i32
      %dma_wait3A_801 = tpu.memref_slice %arg8[%add3A_793, %dma_wait3A_800] : memref<80x128xi32, #tpu.memory_space<vmem>> -> memref<1x128xi32, #tpu.memory_space<vmem>>
      %dma_wait3A_802 = tpu.memref_squeeze %dma_wait3A_801 : memref<1x128xi32, #tpu.memory_space<vmem>> -> memref<128xi32, #tpu.memory_space<vmem>>
      %dma_wait3A_803 = arith.constant 0 : i32
      %dma_wait3A_804 = arith.constant 0 : i32
      %dma_wait3A_805 = tpu.memref_slice %arg10[%dma_wait3A_803, %dma_wait3A_804] : memref<10112x32xf32, #tpu.memory_space<vmem_shared>> -> memref<10112x32xf32, #tpu.memory_space<vmem_shared>>
      tpu.wait_indirect_dma semaphore(%arg13 : memref<!tpu.dma_semaphore, #tpu.memory_space<semaphore_mem>>) src(%dma_wait3A_799 : memref<128x32xf32, #tpu.memory_space<vmem>>) dst(%dma_wait3A_805 : memref<10112x32xf32, #tpu.memory_space<vmem_shared>>)
      %mul3A_806 = arith.constant 8 : i32
      %mul3A_807 = arith.muli %mul3A_228, %mul3A_806 : i32
      %add3A_808 = arith.constant 7 : i32
      %add3A_809 = arith.addi %mul3A_807, %add3A_808 : i32
      %dma_wait3A_810 = arith.constant 0 : i32
      %dma_wait3A_811 = arith.constant 7 : i32
      %dma_wait3A_812 = arith.constant 0 : i32
      %dma_wait3A_813 = arith.constant 0 : i32
      %dma_wait3A_814 = tpu.memref_slice %arg9[%dma_wait3A_810, %dma_wait3A_811, %dma_wait3A_812, %dma_wait3A_813] : memref<2x8x128x32xf32, #tpu.memory_space<vmem>> -> memref<1x1x128x32xf32, #tpu.memory_space<vmem>>
      %dma_wait3A_815 = tpu.memref_squeeze %dma_wait3A_814 : memref<1x1x128x32xf32, #tpu.memory_space<vmem>> -> memref<128x32xf32, #tpu.memory_space<vmem>>
      %dma_wait3A_816 = arith.constant 0 : i32
      %dma_wait3A_817 = tpu.memref_slice %arg8[%add3A_809, %dma_wait3A_816] : memref<80x128xi32, #tpu.memory_space<vmem>> -> memref<1x128xi32, #tpu.memory_space<vmem>>
      %dma_wait3A_818 = tpu.memref_squeeze %dma_wait3A_817 : memref<1x128xi32, #tpu.memory_space<vmem>> -> memref<128xi32, #tpu.memory_space<vmem>>
      %dma_wait3A_819 = arith.constant 0 : i32
      %dma_wait3A_820 = arith.constant 0 : i32
      %dma_wait3A_821 = tpu.memref_slice %arg10[%dma_wait3A_819, %dma_wait3A_820] : memref<10112x32xf32, #tpu.memory_space<vmem_shared>> -> memref<10112x32xf32, #tpu.memory_space<vmem_shared>>
      tpu.wait_indirect_dma semaphore(%arg13 : memref<!tpu.dma_semaphore, #tpu.memory_space<semaphore_mem>>) src(%dma_wait3A_815 : memref<128x32xf32, #tpu.memory_space<vmem>>) dst(%dma_wait3A_821 : memref<10112x32xf32, #tpu.memory_space<vmem_shared>>)
      %add3A_822 = arith.constant 2 : i32
      %add3A_823 = arith.addi %mul3A_228, %add3A_822 : i32
      %lt3A = arith.constant 10 : i32
      %lt3A_824 = arith.cmpi slt, %add3A_823, %lt3A : i32
      %convert_element_type3A_825 = arith.extui %lt3A_824 : i1 to i32
      %cond3A_826 = arith.constant 0 : i32
      %cond3A_827 = arith.cmpi ne, %convert_element_type3A_825, %cond3A_826 : i32
      scf.if %cond3A_827 {
        %add3A_963 = arith.constant 2 : i32
        %add3A_964 = arith.addi %mul3A_228, %add3A_963 : i32
        %mul3A_965 = arith.constant 8 : i32
        %mul3A_966 = arith.muli %add3A_964, %mul3A_965 : i32
        %add3A_967 = arith.constant 0 : i32
        %add3A_968 = arith.addi %mul3A_966, %add3A_967 : i32
        %dma_start3A_969 = arith.constant 0 : i32
        %dma_start3A_970 = arith.constant 0 : i32
        %dma_start3A_971 = arith.constant 0 : i32
        %dma_start3A_972 = arith.constant 0 : i32
        %dma_start3A_973 = tpu.memref_slice %arg9[%dma_start3A_969, %dma_start3A_970, %dma_start3A_971, %dma_start3A_972] : memref<2x8x128x32xf32, #tpu.memory_space<vmem>> -> memref<1x1x128x32xf32, #tpu.memory_space<vmem>>
        %dma_start3A_974 = tpu.memref_squeeze %dma_start3A_973 : memref<1x1x128x32xf32, #tpu.memory_space<vmem>> -> memref<128x32xf32, #tpu.memory_space<vmem>>
        %dma_start3A_975 = arith.constant 0 : i32
        %dma_start3A_976 = tpu.memref_slice %arg7[%add3A_968, %dma_start3A_975] : memref<80x128xi32, #tpu.memory_space<vmem>> -> memref<1x128xi32, #tpu.memory_space<vmem>>
        %dma_start3A_977 = tpu.memref_squeeze %dma_start3A_976 : memref<1x128xi32, #tpu.memory_space<vmem>> -> memref<128xi32, #tpu.memory_space<vmem>>
        %dma_start3A_978 = arith.constant 0 : i32
        %dma_start3A_979 = arith.constant 0 : i32
        %dma_start3A_980 = tpu.memref_slice %arg11[%dma_start3A_978, %dma_start3A_979] : memref<10112x32xf32, #tpu.memory_space<vmem_shared>> -> memref<10112x32xf32, #tpu.memory_space<vmem_shared>>
        tpu.enqueue_indirect_dma source(%dma_start3A_980 : memref<10112x32xf32, #tpu.memory_space<vmem_shared>>) target(%dma_start3A_974 : memref<128x32xf32, #tpu.memory_space<vmem>>) offsets(%dma_start3A_977 : memref<128xi32, #tpu.memory_space<vmem>>) semaphore(%arg12 : memref<!tpu.dma_semaphore, #tpu.memory_space<semaphore_mem>>)
        %mul3A_981 = arith.constant 8 : i32
        %mul3A_982 = arith.muli %add3A_964, %mul3A_981 : i32
        %add3A_983 = arith.constant 1 : i32
        %add3A_984 = arith.addi %mul3A_982, %add3A_983 : i32
        %dma_start3A_985 = arith.constant 0 : i32
        %dma_start3A_986 = arith.constant 1 : i32
        %dma_start3A_987 = arith.constant 0 : i32
        %dma_start3A_988 = arith.constant 0 : i32
        %dma_start3A_989 = tpu.memref_slice %arg9[%dma_start3A_985, %dma_start3A_986, %dma_start3A_987, %dma_start3A_988] : memref<2x8x128x32xf32, #tpu.memory_space<vmem>> -> memref<1x1x128x32xf32, #tpu.memory_space<vmem>>
        %dma_start3A_990 = tpu.memref_squeeze %dma_start3A_989 : memref<1x1x128x32xf32, #tpu.memory_space<vmem>> -> memref<128x32xf32, #tpu.memory_space<vmem>>
        %dma_start3A_991 = arith.constant 0 : i32
        %dma_start3A_992 = tpu.memref_slice %arg7[%add3A_984, %dma_start3A_991] : memref<80x128xi32, #tpu.memory_space<vmem>> -> memref<1x128xi32, #tpu.memory_space<vmem>>
        %dma_start3A_993 = tpu.memref_squeeze %dma_start3A_992 : memref<1x128xi32, #tpu.memory_space<vmem>> -> memref<128xi32, #tpu.memory_space<vmem>>
        %dma_start3A_994 = arith.constant 0 : i32
        %dma_start3A_995 = arith.constant 0 : i32
        %dma_start3A_996 = tpu.memref_slice %arg11[%dma_start3A_994, %dma_start3A_995] : memref<10112x32xf32, #tpu.memory_space<vmem_shared>> -> memref<10112x32xf32, #tpu.memory_space<vmem_shared>>
        tpu.enqueue_indirect_dma source(%dma_start3A_996 : memref<10112x32xf32, #tpu.memory_space<vmem_shared>>) target(%dma_start3A_990 : memref<128x32xf32, #tpu.memory_space<vmem>>) offsets(%dma_start3A_993 : memref<128xi32, #tpu.memory_space<vmem>>) semaphore(%arg12 : memref<!tpu.dma_semaphore, #tpu.memory_space<semaphore_mem>>)
        %mul3A_997 = arith.constant 8 : i32
        %mul3A_998 = arith.muli %add3A_964, %mul3A_997 : i32
        %add3A_999 = arith.constant 2 : i32
        %add3A_1000 = arith.addi %mul3A_998, %add3A_999 : i32
        %dma_start3A_1001 = arith.constant 0 : i32
        %dma_start3A_1002 = arith.constant 2 : i32
        %dma_start3A_1003 = arith.constant 0 : i32
        %dma_start3A_1004 = arith.constant 0 : i32
        %dma_start3A_1005 = tpu.memref_slice %arg9[%dma_start3A_1001, %dma_start3A_1002, %dma_start3A_1003, %dma_start3A_1004] : memref<2x8x128x32xf32, #tpu.memory_space<vmem>> -> memref<1x1x128x32xf32, #tpu.memory_space<vmem>>
        %dma_start3A_1006 = tpu.memref_squeeze %dma_start3A_1005 : memref<1x1x128x32xf32, #tpu.memory_space<vmem>> -> memref<128x32xf32, #tpu.memory_space<vmem>>
        %dma_start3A_1007 = arith.constant 0 : i32
        %dma_start3A_1008 = tpu.memref_slice %arg7[%add3A_1000, %dma_start3A_1007] : memref<80x128xi32, #tpu.memory_space<vmem>> -> memref<1x128xi32, #tpu.memory_space<vmem>>
        %dma_start3A_1009 = tpu.memref_squeeze %dma_start3A_1008 : memref<1x128xi32, #tpu.memory_space<vmem>> -> memref<128xi32, #tpu.memory_space<vmem>>
        %dma_start3A_1010 = arith.constant 0 : i32
        %dma_start3A_1011 = arith.constant 0 : i32
        %dma_start3A_1012 = tpu.memref_slice %arg11[%dma_start3A_1010, %dma_start3A_1011] : memref<10112x32xf32, #tpu.memory_space<vmem_shared>> -> memref<10112x32xf32, #tpu.memory_space<vmem_shared>>
        tpu.enqueue_indirect_dma source(%dma_start3A_1012 : memref<10112x32xf32, #tpu.memory_space<vmem_shared>>) target(%dma_start3A_1006 : memref<128x32xf32, #tpu.memory_space<vmem>>) offsets(%dma_start3A_1009 : memref<128xi32, #tpu.memory_space<vmem>>) semaphore(%arg12 : memref<!tpu.dma_semaphore, #tpu.memory_space<semaphore_mem>>)
        %mul3A_1013 = arith.constant 8 : i32
        %mul3A_1014 = arith.muli %add3A_964, %mul3A_1013 : i32
        %add3A_1015 = arith.constant 3 : i32
        %add3A_1016 = arith.addi %mul3A_1014, %add3A_1015 : i32
        %dma_start3A_1017 = arith.constant 0 : i32
        %dma_start3A_1018 = arith.constant 3 : i32
        %dma_start3A_1019 = arith.constant 0 : i32
        %dma_start3A_1020 = arith.constant 0 : i32
        %dma_start3A_1021 = tpu.memref_slice %arg9[%dma_start3A_1017, %dma_start3A_1018, %dma_start3A_1019, %dma_start3A_1020] : memref<2x8x128x32xf32, #tpu.memory_space<vmem>> -> memref<1x1x128x32xf32, #tpu.memory_space<vmem>>
        %dma_start3A_1022 = tpu.memref_squeeze %dma_start3A_1021 : memref<1x1x128x32xf32, #tpu.memory_space<vmem>> -> memref<128x32xf32, #tpu.memory_space<vmem>>
        %dma_start3A_1023 = arith.constant 0 : i32
        %dma_start3A_1024 = tpu.memref_slice %arg7[%add3A_1016, %dma_start3A_1023] : memref<80x128xi32, #tpu.memory_space<vmem>> -> memref<1x128xi32, #tpu.memory_space<vmem>>
        %dma_start3A_1025 = tpu.memref_squeeze %dma_start3A_1024 : memref<1x128xi32, #tpu.memory_space<vmem>> -> memref<128xi32, #tpu.memory_space<vmem>>
        %dma_start3A_1026 = arith.constant 0 : i32
        %dma_start3A_1027 = arith.constant 0 : i32
        %dma_start3A_1028 = tpu.memref_slice %arg11[%dma_start3A_1026, %dma_start3A_1027] : memref<10112x32xf32, #tpu.memory_space<vmem_shared>> -> memref<10112x32xf32, #tpu.memory_space<vmem_shared>>
        tpu.enqueue_indirect_dma source(%dma_start3A_1028 : memref<10112x32xf32, #tpu.memory_space<vmem_shared>>) target(%dma_start3A_1022 : memref<128x32xf32, #tpu.memory_space<vmem>>) offsets(%dma_start3A_1025 : memref<128xi32, #tpu.memory_space<vmem>>) semaphore(%arg12 : memref<!tpu.dma_semaphore, #tpu.memory_space<semaphore_mem>>)
        %mul3A_1029 = arith.constant 8 : i32
        %mul3A_1030 = arith.muli %add3A_964, %mul3A_1029 : i32
        %add3A_1031 = arith.constant 4 : i32
        %add3A_1032 = arith.addi %mul3A_1030, %add3A_1031 : i32
        %dma_start3A_1033 = arith.constant 0 : i32
        %dma_start3A_1034 = arith.constant 4 : i32
        %dma_start3A_1035 = arith.constant 0 : i32
        %dma_start3A_1036 = arith.constant 0 : i32
        %dma_start3A_1037 = tpu.memref_slice %arg9[%dma_start3A_1033, %dma_start3A_1034, %dma_start3A_1035, %dma_start3A_1036] : memref<2x8x128x32xf32, #tpu.memory_space<vmem>> -> memref<1x1x128x32xf32, #tpu.memory_space<vmem>>
        %dma_start3A_1038 = tpu.memref_squeeze %dma_start3A_1037 : memref<1x1x128x32xf32, #tpu.memory_space<vmem>> -> memref<128x32xf32, #tpu.memory_space<vmem>>
        %dma_start3A_1039 = arith.constant 0 : i32
        %dma_start3A_1040 = tpu.memref_slice %arg7[%add3A_1032, %dma_start3A_1039] : memref<80x128xi32, #tpu.memory_space<vmem>> -> memref<1x128xi32, #tpu.memory_space<vmem>>
        %dma_start3A_1041 = tpu.memref_squeeze %dma_start3A_1040 : memref<1x128xi32, #tpu.memory_space<vmem>> -> memref<128xi32, #tpu.memory_space<vmem>>
        %dma_start3A_1042 = arith.constant 0 : i32
        %dma_start3A_1043 = arith.constant 0 : i32
        %dma_start3A_1044 = tpu.memref_slice %arg11[%dma_start3A_1042, %dma_start3A_1043] : memref<10112x32xf32, #tpu.memory_space<vmem_shared>> -> memref<10112x32xf32, #tpu.memory_space<vmem_shared>>
        tpu.enqueue_indirect_dma source(%dma_start3A_1044 : memref<10112x32xf32, #tpu.memory_space<vmem_shared>>) target(%dma_start3A_1038 : memref<128x32xf32, #tpu.memory_space<vmem>>) offsets(%dma_start3A_1041 : memref<128xi32, #tpu.memory_space<vmem>>) semaphore(%arg12 : memref<!tpu.dma_semaphore, #tpu.memory_space<semaphore_mem>>)
        %mul3A_1045 = arith.constant 8 : i32
        %mul3A_1046 = arith.muli %add3A_964, %mul3A_1045 : i32
        %add3A_1047 = arith.constant 5 : i32
        %add3A_1048 = arith.addi %mul3A_1046, %add3A_1047 : i32
        %dma_start3A_1049 = arith.constant 0 : i32
        %dma_start3A_1050 = arith.constant 5 : i32
        %dma_start3A_1051 = arith.constant 0 : i32
        %dma_start3A_1052 = arith.constant 0 : i32
        %dma_start3A_1053 = tpu.memref_slice %arg9[%dma_start3A_1049, %dma_start3A_1050, %dma_start3A_1051, %dma_start3A_1052] : memref<2x8x128x32xf32, #tpu.memory_space<vmem>> -> memref<1x1x128x32xf32, #tpu.memory_space<vmem>>
        %dma_start3A_1054 = tpu.memref_squeeze %dma_start3A_1053 : memref<1x1x128x32xf32, #tpu.memory_space<vmem>> -> memref<128x32xf32, #tpu.memory_space<vmem>>
        %dma_start3A_1055 = arith.constant 0 : i32
        %dma_start3A_1056 = tpu.memref_slice %arg7[%add3A_1048, %dma_start3A_1055] : memref<80x128xi32, #tpu.memory_space<vmem>> -> memref<1x128xi32, #tpu.memory_space<vmem>>
        %dma_start3A_1057 = tpu.memref_squeeze %dma_start3A_1056 : memref<1x128xi32, #tpu.memory_space<vmem>> -> memref<128xi32, #tpu.memory_space<vmem>>
        %dma_start3A_1058 = arith.constant 0 : i32
        %dma_start3A_1059 = arith.constant 0 : i32
        %dma_start3A_1060 = tpu.memref_slice %arg11[%dma_start3A_1058, %dma_start3A_1059] : memref<10112x32xf32, #tpu.memory_space<vmem_shared>> -> memref<10112x32xf32, #tpu.memory_space<vmem_shared>>
        tpu.enqueue_indirect_dma source(%dma_start3A_1060 : memref<10112x32xf32, #tpu.memory_space<vmem_shared>>) target(%dma_start3A_1054 : memref<128x32xf32, #tpu.memory_space<vmem>>) offsets(%dma_start3A_1057 : memref<128xi32, #tpu.memory_space<vmem>>) semaphore(%arg12 : memref<!tpu.dma_semaphore, #tpu.memory_space<semaphore_mem>>)
        %mul3A_1061 = arith.constant 8 : i32
        %mul3A_1062 = arith.muli %add3A_964, %mul3A_1061 : i32
        %add3A_1063 = arith.constant 6 : i32
        %add3A_1064 = arith.addi %mul3A_1062, %add3A_1063 : i32
        %dma_start3A_1065 = arith.constant 0 : i32
        %dma_start3A_1066 = arith.constant 6 : i32
        %dma_start3A_1067 = arith.constant 0 : i32
        %dma_start3A_1068 = arith.constant 0 : i32
        %dma_start3A_1069 = tpu.memref_slice %arg9[%dma_start3A_1065, %dma_start3A_1066, %dma_start3A_1067, %dma_start3A_1068] : memref<2x8x128x32xf32, #tpu.memory_space<vmem>> -> memref<1x1x128x32xf32, #tpu.memory_space<vmem>>
        %dma_start3A_1070 = tpu.memref_squeeze %dma_start3A_1069 : memref<1x1x128x32xf32, #tpu.memory_space<vmem>> -> memref<128x32xf32, #tpu.memory_space<vmem>>
        %dma_start3A_1071 = arith.constant 0 : i32
        %dma_start3A_1072 = tpu.memref_slice %arg7[%add3A_1064, %dma_start3A_1071] : memref<80x128xi32, #tpu.memory_space<vmem>> -> memref<1x128xi32, #tpu.memory_space<vmem>>
        %dma_start3A_1073 = tpu.memref_squeeze %dma_start3A_1072 : memref<1x128xi32, #tpu.memory_space<vmem>> -> memref<128xi32, #tpu.memory_space<vmem>>
        %dma_start3A_1074 = arith.constant 0 : i32
        %dma_start3A_1075 = arith.constant 0 : i32
        %dma_start3A_1076 = tpu.memref_slice %arg11[%dma_start3A_1074, %dma_start3A_1075] : memref<10112x32xf32, #tpu.memory_space<vmem_shared>> -> memref<10112x32xf32, #tpu.memory_space<vmem_shared>>
        tpu.enqueue_indirect_dma source(%dma_start3A_1076 : memref<10112x32xf32, #tpu.memory_space<vmem_shared>>) target(%dma_start3A_1070 : memref<128x32xf32, #tpu.memory_space<vmem>>) offsets(%dma_start3A_1073 : memref<128xi32, #tpu.memory_space<vmem>>) semaphore(%arg12 : memref<!tpu.dma_semaphore, #tpu.memory_space<semaphore_mem>>)
        %mul3A_1077 = arith.constant 8 : i32
        %mul3A_1078 = arith.muli %add3A_964, %mul3A_1077 : i32
        %add3A_1079 = arith.constant 7 : i32
        %add3A_1080 = arith.addi %mul3A_1078, %add3A_1079 : i32
        %dma_start3A_1081 = arith.constant 0 : i32
        %dma_start3A_1082 = arith.constant 7 : i32
        %dma_start3A_1083 = arith.constant 0 : i32
        %dma_start3A_1084 = arith.constant 0 : i32
        %dma_start3A_1085 = tpu.memref_slice %arg9[%dma_start3A_1081, %dma_start3A_1082, %dma_start3A_1083, %dma_start3A_1084] : memref<2x8x128x32xf32, #tpu.memory_space<vmem>> -> memref<1x1x128x32xf32, #tpu.memory_space<vmem>>
        %dma_start3A_1086 = tpu.memref_squeeze %dma_start3A_1085 : memref<1x1x128x32xf32, #tpu.memory_space<vmem>> -> memref<128x32xf32, #tpu.memory_space<vmem>>
        %dma_start3A_1087 = arith.constant 0 : i32
        %dma_start3A_1088 = tpu.memref_slice %arg7[%add3A_1080, %dma_start3A_1087] : memref<80x128xi32, #tpu.memory_space<vmem>> -> memref<1x128xi32, #tpu.memory_space<vmem>>
        %dma_start3A_1089 = tpu.memref_squeeze %dma_start3A_1088 : memref<1x128xi32, #tpu.memory_space<vmem>> -> memref<128xi32, #tpu.memory_space<vmem>>
        %dma_start3A_1090 = arith.constant 0 : i32
        %dma_start3A_1091 = arith.constant 0 : i32
        %dma_start3A_1092 = tpu.memref_slice %arg11[%dma_start3A_1090, %dma_start3A_1091] : memref<10112x32xf32, #tpu.memory_space<vmem_shared>> -> memref<10112x32xf32, #tpu.memory_space<vmem_shared>>
        tpu.enqueue_indirect_dma source(%dma_start3A_1092 : memref<10112x32xf32, #tpu.memory_space<vmem_shared>>) target(%dma_start3A_1086 : memref<128x32xf32, #tpu.memory_space<vmem>>) offsets(%dma_start3A_1089 : memref<128xi32, #tpu.memory_space<vmem>>) semaphore(%arg12 : memref<!tpu.dma_semaphore, #tpu.memory_space<semaphore_mem>>)
      } else {
      }
      %mul3A_828 = arith.constant 8 : i32
      %mul3A_829 = arith.muli %add3A_230, %mul3A_828 : i32
      %add3A_830 = arith.constant 0 : i32
      %add3A_831 = arith.addi %mul3A_829, %add3A_830 : i32
      %dma_wait3A_832 = arith.constant 1 : i32
      %dma_wait3A_833 = arith.constant 0 : i32
      %dma_wait3A_834 = arith.constant 0 : i32
      %dma_wait3A_835 = arith.constant 0 : i32
      %dma_wait3A_836 = tpu.memref_slice %arg9[%dma_wait3A_832, %dma_wait3A_833, %dma_wait3A_834, %dma_wait3A_835] : memref<2x8x128x32xf32, #tpu.memory_space<vmem>> -> memref<1x1x128x32xf32, #tpu.memory_space<vmem>>
      %dma_wait3A_837 = tpu.memref_squeeze %dma_wait3A_836 : memref<1x1x128x32xf32, #tpu.memory_space<vmem>> -> memref<128x32xf32, #tpu.memory_space<vmem>>
      %dma_wait3A_838 = arith.constant 0 : i32
      %dma_wait3A_839 = tpu.memref_slice %arg8[%add3A_831, %dma_wait3A_838] : memref<80x128xi32, #tpu.memory_space<vmem>> -> memref<1x128xi32, #tpu.memory_space<vmem>>
      %dma_wait3A_840 = tpu.memref_squeeze %dma_wait3A_839 : memref<1x128xi32, #tpu.memory_space<vmem>> -> memref<128xi32, #tpu.memory_space<vmem>>
      %dma_wait3A_841 = arith.constant 0 : i32
      %dma_wait3A_842 = arith.constant 0 : i32
      %dma_wait3A_843 = tpu.memref_slice %arg10[%dma_wait3A_841, %dma_wait3A_842] : memref<10112x32xf32, #tpu.memory_space<vmem_shared>> -> memref<10112x32xf32, #tpu.memory_space<vmem_shared>>
      tpu.wait_indirect_dma semaphore(%arg13 : memref<!tpu.dma_semaphore, #tpu.memory_space<semaphore_mem>>) src(%dma_wait3A_837 : memref<128x32xf32, #tpu.memory_space<vmem>>) dst(%dma_wait3A_843 : memref<10112x32xf32, #tpu.memory_space<vmem_shared>>)
      %mul3A_844 = arith.constant 8 : i32
      %mul3A_845 = arith.muli %add3A_230, %mul3A_844 : i32
      %add3A_846 = arith.constant 1 : i32
      %add3A_847 = arith.addi %mul3A_845, %add3A_846 : i32
      %dma_wait3A_848 = arith.constant 1 : i32
      %dma_wait3A_849 = arith.constant 1 : i32
      %dma_wait3A_850 = arith.constant 0 : i32
      %dma_wait3A_851 = arith.constant 0 : i32
      %dma_wait3A_852 = tpu.memref_slice %arg9[%dma_wait3A_848, %dma_wait3A_849, %dma_wait3A_850, %dma_wait3A_851] : memref<2x8x128x32xf32, #tpu.memory_space<vmem>> -> memref<1x1x128x32xf32, #tpu.memory_space<vmem>>
      %dma_wait3A_853 = tpu.memref_squeeze %dma_wait3A_852 : memref<1x1x128x32xf32, #tpu.memory_space<vmem>> -> memref<128x32xf32, #tpu.memory_space<vmem>>
      %dma_wait3A_854 = arith.constant 0 : i32
      %dma_wait3A_855 = tpu.memref_slice %arg8[%add3A_847, %dma_wait3A_854] : memref<80x128xi32, #tpu.memory_space<vmem>> -> memref<1x128xi32, #tpu.memory_space<vmem>>
      %dma_wait3A_856 = tpu.memref_squeeze %dma_wait3A_855 : memref<1x128xi32, #tpu.memory_space<vmem>> -> memref<128xi32, #tpu.memory_space<vmem>>
      %dma_wait3A_857 = arith.constant 0 : i32
      %dma_wait3A_858 = arith.constant 0 : i32
      %dma_wait3A_859 = tpu.memref_slice %arg10[%dma_wait3A_857, %dma_wait3A_858] : memref<10112x32xf32, #tpu.memory_space<vmem_shared>> -> memref<10112x32xf32, #tpu.memory_space<vmem_shared>>
      tpu.wait_indirect_dma semaphore(%arg13 : memref<!tpu.dma_semaphore, #tpu.memory_space<semaphore_mem>>) src(%dma_wait3A_853 : memref<128x32xf32, #tpu.memory_space<vmem>>) dst(%dma_wait3A_859 : memref<10112x32xf32, #tpu.memory_space<vmem_shared>>)
      %mul3A_860 = arith.constant 8 : i32
      %mul3A_861 = arith.muli %add3A_230, %mul3A_860 : i32
      %add3A_862 = arith.constant 2 : i32
      %add3A_863 = arith.addi %mul3A_861, %add3A_862 : i32
      %dma_wait3A_864 = arith.constant 1 : i32
      %dma_wait3A_865 = arith.constant 2 : i32
      %dma_wait3A_866 = arith.constant 0 : i32
      %dma_wait3A_867 = arith.constant 0 : i32
      %dma_wait3A_868 = tpu.memref_slice %arg9[%dma_wait3A_864, %dma_wait3A_865, %dma_wait3A_866, %dma_wait3A_867] : memref<2x8x128x32xf32, #tpu.memory_space<vmem>> -> memref<1x1x128x32xf32, #tpu.memory_space<vmem>>
      %dma_wait3A_869 = tpu.memref_squeeze %dma_wait3A_868 : memref<1x1x128x32xf32, #tpu.memory_space<vmem>> -> memref<128x32xf32, #tpu.memory_space<vmem>>
      %dma_wait3A_870 = arith.constant 0 : i32
      %dma_wait3A_871 = tpu.memref_slice %arg8[%add3A_863, %dma_wait3A_870] : memref<80x128xi32, #tpu.memory_space<vmem>> -> memref<1x128xi32, #tpu.memory_space<vmem>>
      %dma_wait3A_872 = tpu.memref_squeeze %dma_wait3A_871 : memref<1x128xi32, #tpu.memory_space<vmem>> -> memref<128xi32, #tpu.memory_space<vmem>>
      %dma_wait3A_873 = arith.constant 0 : i32
      %dma_wait3A_874 = arith.constant 0 : i32
      %dma_wait3A_875 = tpu.memref_slice %arg10[%dma_wait3A_873, %dma_wait3A_874] : memref<10112x32xf32, #tpu.memory_space<vmem_shared>> -> memref<10112x32xf32, #tpu.memory_space<vmem_shared>>
      tpu.wait_indirect_dma semaphore(%arg13 : memref<!tpu.dma_semaphore, #tpu.memory_space<semaphore_mem>>) src(%dma_wait3A_869 : memref<128x32xf32, #tpu.memory_space<vmem>>) dst(%dma_wait3A_875 : memref<10112x32xf32, #tpu.memory_space<vmem_shared>>)
      %mul3A_876 = arith.constant 8 : i32
      %mul3A_877 = arith.muli %add3A_230, %mul3A_876 : i32
      %add3A_878 = arith.constant 3 : i32
      %add3A_879 = arith.addi %mul3A_877, %add3A_878 : i32
      %dma_wait3A_880 = arith.constant 1 : i32
      %dma_wait3A_881 = arith.constant 3 : i32
      %dma_wait3A_882 = arith.constant 0 : i32
      %dma_wait3A_883 = arith.constant 0 : i32
      %dma_wait3A_884 = tpu.memref_slice %arg9[%dma_wait3A_880, %dma_wait3A_881, %dma_wait3A_882, %dma_wait3A_883] : memref<2x8x128x32xf32, #tpu.memory_space<vmem>> -> memref<1x1x128x32xf32, #tpu.memory_space<vmem>>
      %dma_wait3A_885 = tpu.memref_squeeze %dma_wait3A_884 : memref<1x1x128x32xf32, #tpu.memory_space<vmem>> -> memref<128x32xf32, #tpu.memory_space<vmem>>
      %dma_wait3A_886 = arith.constant 0 : i32
      %dma_wait3A_887 = tpu.memref_slice %arg8[%add3A_879, %dma_wait3A_886] : memref<80x128xi32, #tpu.memory_space<vmem>> -> memref<1x128xi32, #tpu.memory_space<vmem>>
      %dma_wait3A_888 = tpu.memref_squeeze %dma_wait3A_887 : memref<1x128xi32, #tpu.memory_space<vmem>> -> memref<128xi32, #tpu.memory_space<vmem>>
      %dma_wait3A_889 = arith.constant 0 : i32
      %dma_wait3A_890 = arith.constant 0 : i32
      %dma_wait3A_891 = tpu.memref_slice %arg10[%dma_wait3A_889, %dma_wait3A_890] : memref<10112x32xf32, #tpu.memory_space<vmem_shared>> -> memref<10112x32xf32, #tpu.memory_space<vmem_shared>>
      tpu.wait_indirect_dma semaphore(%arg13 : memref<!tpu.dma_semaphore, #tpu.memory_space<semaphore_mem>>) src(%dma_wait3A_885 : memref<128x32xf32, #tpu.memory_space<vmem>>) dst(%dma_wait3A_891 : memref<10112x32xf32, #tpu.memory_space<vmem_shared>>)
      %mul3A_892 = arith.constant 8 : i32
      %mul3A_893 = arith.muli %add3A_230, %mul3A_892 : i32
      %add3A_894 = arith.constant 4 : i32
      %add3A_895 = arith.addi %mul3A_893, %add3A_894 : i32
      %dma_wait3A_896 = arith.constant 1 : i32
      %dma_wait3A_897 = arith.constant 4 : i32
      %dma_wait3A_898 = arith.constant 0 : i32
      %dma_wait3A_899 = arith.constant 0 : i32
      %dma_wait3A_900 = tpu.memref_slice %arg9[%dma_wait3A_896, %dma_wait3A_897, %dma_wait3A_898, %dma_wait3A_899] : memref<2x8x128x32xf32, #tpu.memory_space<vmem>> -> memref<1x1x128x32xf32, #tpu.memory_space<vmem>>
      %dma_wait3A_901 = tpu.memref_squeeze %dma_wait3A_900 : memref<1x1x128x32xf32, #tpu.memory_space<vmem>> -> memref<128x32xf32, #tpu.memory_space<vmem>>
      %dma_wait3A_902 = arith.constant 0 : i32
      %dma_wait3A_903 = tpu.memref_slice %arg8[%add3A_895, %dma_wait3A_902] : memref<80x128xi32, #tpu.memory_space<vmem>> -> memref<1x128xi32, #tpu.memory_space<vmem>>
      %dma_wait3A_904 = tpu.memref_squeeze %dma_wait3A_903 : memref<1x128xi32, #tpu.memory_space<vmem>> -> memref<128xi32, #tpu.memory_space<vmem>>
      %dma_wait3A_905 = arith.constant 0 : i32
      %dma_wait3A_906 = arith.constant 0 : i32
      %dma_wait3A_907 = tpu.memref_slice %arg10[%dma_wait3A_905, %dma_wait3A_906] : memref<10112x32xf32, #tpu.memory_space<vmem_shared>> -> memref<10112x32xf32, #tpu.memory_space<vmem_shared>>
      tpu.wait_indirect_dma semaphore(%arg13 : memref<!tpu.dma_semaphore, #tpu.memory_space<semaphore_mem>>) src(%dma_wait3A_901 : memref<128x32xf32, #tpu.memory_space<vmem>>) dst(%dma_wait3A_907 : memref<10112x32xf32, #tpu.memory_space<vmem_shared>>)
      %mul3A_908 = arith.constant 8 : i32
      %mul3A_909 = arith.muli %add3A_230, %mul3A_908 : i32
      %add3A_910 = arith.constant 5 : i32
      %add3A_911 = arith.addi %mul3A_909, %add3A_910 : i32
      %dma_wait3A_912 = arith.constant 1 : i32
      %dma_wait3A_913 = arith.constant 5 : i32
      %dma_wait3A_914 = arith.constant 0 : i32
      %dma_wait3A_915 = arith.constant 0 : i32
      %dma_wait3A_916 = tpu.memref_slice %arg9[%dma_wait3A_912, %dma_wait3A_913, %dma_wait3A_914, %dma_wait3A_915] : memref<2x8x128x32xf32, #tpu.memory_space<vmem>> -> memref<1x1x128x32xf32, #tpu.memory_space<vmem>>
      %dma_wait3A_917 = tpu.memref_squeeze %dma_wait3A_916 : memref<1x1x128x32xf32, #tpu.memory_space<vmem>> -> memref<128x32xf32, #tpu.memory_space<vmem>>
      %dma_wait3A_918 = arith.constant 0 : i32
      %dma_wait3A_919 = tpu.memref_slice %arg8[%add3A_911, %dma_wait3A_918] : memref<80x128xi32, #tpu.memory_space<vmem>> -> memref<1x128xi32, #tpu.memory_space<vmem>>
      %dma_wait3A_920 = tpu.memref_squeeze %dma_wait3A_919 : memref<1x128xi32, #tpu.memory_space<vmem>> -> memref<128xi32, #tpu.memory_space<vmem>>
      %dma_wait3A_921 = arith.constant 0 : i32
      %dma_wait3A_922 = arith.constant 0 : i32
      %dma_wait3A_923 = tpu.memref_slice %arg10[%dma_wait3A_921, %dma_wait3A_922] : memref<10112x32xf32, #tpu.memory_space<vmem_shared>> -> memref<10112x32xf32, #tpu.memory_space<vmem_shared>>
      tpu.wait_indirect_dma semaphore(%arg13 : memref<!tpu.dma_semaphore, #tpu.memory_space<semaphore_mem>>) src(%dma_wait3A_917 : memref<128x32xf32, #tpu.memory_space<vmem>>) dst(%dma_wait3A_923 : memref<10112x32xf32, #tpu.memory_space<vmem_shared>>)
      %mul3A_924 = arith.constant 8 : i32
      %mul3A_925 = arith.muli %add3A_230, %mul3A_924 : i32
      %add3A_926 = arith.constant 6 : i32
      %add3A_927 = arith.addi %mul3A_925, %add3A_926 : i32
      %dma_wait3A_928 = arith.constant 1 : i32
      %dma_wait3A_929 = arith.constant 6 : i32
      %dma_wait3A_930 = arith.constant 0 : i32
      %dma_wait3A_931 = arith.constant 0 : i32
      %dma_wait3A_932 = tpu.memref_slice %arg9[%dma_wait3A_928, %dma_wait3A_929, %dma_wait3A_930, %dma_wait3A_931] : memref<2x8x128x32xf32, #tpu.memory_space<vmem>> -> memref<1x1x128x32xf32, #tpu.memory_space<vmem>>
      %dma_wait3A_933 = tpu.memref_squeeze %dma_wait3A_932 : memref<1x1x128x32xf32, #tpu.memory_space<vmem>> -> memref<128x32xf32, #tpu.memory_space<vmem>>
      %dma_wait3A_934 = arith.constant 0 : i32
      %dma_wait3A_935 = tpu.memref_slice %arg8[%add3A_927, %dma_wait3A_934] : memref<80x128xi32, #tpu.memory_space<vmem>> -> memref<1x128xi32, #tpu.memory_space<vmem>>
      %dma_wait3A_936 = tpu.memref_squeeze %dma_wait3A_935 : memref<1x128xi32, #tpu.memory_space<vmem>> -> memref<128xi32, #tpu.memory_space<vmem>>
      %dma_wait3A_937 = arith.constant 0 : i32
      %dma_wait3A_938 = arith.constant 0 : i32
      %dma_wait3A_939 = tpu.memref_slice %arg10[%dma_wait3A_937, %dma_wait3A_938] : memref<10112x32xf32, #tpu.memory_space<vmem_shared>> -> memref<10112x32xf32, #tpu.memory_space<vmem_shared>>
      tpu.wait_indirect_dma semaphore(%arg13 : memref<!tpu.dma_semaphore, #tpu.memory_space<semaphore_mem>>) src(%dma_wait3A_933 : memref<128x32xf32, #tpu.memory_space<vmem>>) dst(%dma_wait3A_939 : memref<10112x32xf32, #tpu.memory_space<vmem_shared>>)
      %mul3A_940 = arith.constant 8 : i32
      %mul3A_941 = arith.muli %add3A_230, %mul3A_940 : i32
      %add3A_942 = arith.constant 7 : i32
      %add3A_943 = arith.addi %mul3A_941, %add3A_942 : i32
      %dma_wait3A_944 = arith.constant 1 : i32
      %dma_wait3A_945 = arith.constant 7 : i32
      %dma_wait3A_946 = arith.constant 0 : i32
      %dma_wait3A_947 = arith.constant 0 : i32
      %dma_wait3A_948 = tpu.memref_slice %arg9[%dma_wait3A_944, %dma_wait3A_945, %dma_wait3A_946, %dma_wait3A_947] : memref<2x8x128x32xf32, #tpu.memory_space<vmem>> -> memref<1x1x128x32xf32, #tpu.memory_space<vmem>>
      %dma_wait3A_949 = tpu.memref_squeeze %dma_wait3A_948 : memref<1x1x128x32xf32, #tpu.memory_space<vmem>> -> memref<128x32xf32, #tpu.memory_space<vmem>>
      %dma_wait3A_950 = arith.constant 0 : i32
      %dma_wait3A_951 = tpu.memref_slice %arg8[%add3A_943, %dma_wait3A_950] : memref<80x128xi32, #tpu.memory_space<vmem>> -> memref<1x128xi32, #tpu.memory_space<vmem>>
      %dma_wait3A_952 = tpu.memref_squeeze %dma_wait3A_951 : memref<1x128xi32, #tpu.memory_space<vmem>> -> memref<128xi32, #tpu.memory_space<vmem>>
      %dma_wait3A_953 = arith.constant 0 : i32
      %dma_wait3A_954 = arith.constant 0 : i32
      %dma_wait3A_955 = tpu.memref_slice %arg10[%dma_wait3A_953, %dma_wait3A_954] : memref<10112x32xf32, #tpu.memory_space<vmem_shared>> -> memref<10112x32xf32, #tpu.memory_space<vmem_shared>>
      tpu.wait_indirect_dma semaphore(%arg13 : memref<!tpu.dma_semaphore, #tpu.memory_space<semaphore_mem>>) src(%dma_wait3A_949 : memref<128x32xf32, #tpu.memory_space<vmem>>) dst(%dma_wait3A_955 : memref<10112x32xf32, #tpu.memory_space<vmem_shared>>)
      %add3A_956 = arith.constant 2 : i32
      %add3A_957 = arith.addi %add3A_230, %add3A_956 : i32
      %lt3A_958 = arith.constant 10 : i32
      %lt3A_959 = arith.cmpi slt, %add3A_957, %lt3A_958 : i32
      %convert_element_type3A_960 = arith.extui %lt3A_959 : i1 to i32
      %cond3A_961 = arith.constant 0 : i32
      %cond3A_962 = arith.cmpi ne, %convert_element_type3A_960, %cond3A_961 : i32
      scf.if %cond3A_962 {
        %add3A_963 = arith.constant 2 : i32
        %add3A_964 = arith.addi %add3A_230, %add3A_963 : i32
        %mul3A_965 = arith.constant 8 : i32
        %mul3A_966 = arith.muli %add3A_964, %mul3A_965 : i32
        %add3A_967 = arith.constant 0 : i32
        %add3A_968 = arith.addi %mul3A_966, %add3A_967 : i32
        %dma_start3A_969 = arith.constant 1 : i32
        %dma_start3A_970 = arith.constant 0 : i32
        %dma_start3A_971 = arith.constant 0 : i32
        %dma_start3A_972 = arith.constant 0 : i32
        %dma_start3A_973 = tpu.memref_slice %arg9[%dma_start3A_969, %dma_start3A_970, %dma_start3A_971, %dma_start3A_972] : memref<2x8x128x32xf32, #tpu.memory_space<vmem>> -> memref<1x1x128x32xf32, #tpu.memory_space<vmem>>
        %dma_start3A_974 = tpu.memref_squeeze %dma_start3A_973 : memref<1x1x128x32xf32, #tpu.memory_space<vmem>> -> memref<128x32xf32, #tpu.memory_space<vmem>>
        %dma_start3A_975 = arith.constant 0 : i32
        %dma_start3A_976 = tpu.memref_slice %arg7[%add3A_968, %dma_start3A_975] : memref<80x128xi32, #tpu.memory_space<vmem>> -> memref<1x128xi32, #tpu.memory_space<vmem>>
        %dma_start3A_977 = tpu.memref_squeeze %dma_start3A_976 : memref<1x128xi32, #tpu.memory_space<vmem>> -> memref<128xi32, #tpu.memory_space<vmem>>
        %dma_start3A_978 = arith.constant 0 : i32
        %dma_start3A_979 = arith.constant 0 : i32
        %dma_start3A_980 = tpu.memref_slice %arg11[%dma_start3A_978, %dma_start3A_979] : memref<10112x32xf32, #tpu.memory_space<vmem_shared>> -> memref<10112x32xf32, #tpu.memory_space<vmem_shared>>
        tpu.enqueue_indirect_dma source(%dma_start3A_980 : memref<10112x32xf32, #tpu.memory_space<vmem_shared>>) target(%dma_start3A_974 : memref<128x32xf32, #tpu.memory_space<vmem>>) offsets(%dma_start3A_977 : memref<128xi32, #tpu.memory_space<vmem>>) semaphore(%arg12 : memref<!tpu.dma_semaphore, #tpu.memory_space<semaphore_mem>>)
        %mul3A_981 = arith.constant 8 : i32
        %mul3A_982 = arith.muli %add3A_964, %mul3A_981 : i32
        %add3A_983 = arith.constant 1 : i32
        %add3A_984 = arith.addi %mul3A_982, %add3A_983 : i32
        %dma_start3A_985 = arith.constant 1 : i32
        %dma_start3A_986 = arith.constant 1 : i32
        %dma_start3A_987 = arith.constant 0 : i32
        %dma_start3A_988 = arith.constant 0 : i32
        %dma_start3A_989 = tpu.memref_slice %arg9[%dma_start3A_985, %dma_start3A_986, %dma_start3A_987, %dma_start3A_988] : memref<2x8x128x32xf32, #tpu.memory_space<vmem>> -> memref<1x1x128x32xf32, #tpu.memory_space<vmem>>
        %dma_start3A_990 = tpu.memref_squeeze %dma_start3A_989 : memref<1x1x128x32xf32, #tpu.memory_space<vmem>> -> memref<128x32xf32, #tpu.memory_space<vmem>>
        %dma_start3A_991 = arith.constant 0 : i32
        %dma_start3A_992 = tpu.memref_slice %arg7[%add3A_984, %dma_start3A_991] : memref<80x128xi32, #tpu.memory_space<vmem>> -> memref<1x128xi32, #tpu.memory_space<vmem>>
        %dma_start3A_993 = tpu.memref_squeeze %dma_start3A_992 : memref<1x128xi32, #tpu.memory_space<vmem>> -> memref<128xi32, #tpu.memory_space<vmem>>
        %dma_start3A_994 = arith.constant 0 : i32
        %dma_start3A_995 = arith.constant 0 : i32
        %dma_start3A_996 = tpu.memref_slice %arg11[%dma_start3A_994, %dma_start3A_995] : memref<10112x32xf32, #tpu.memory_space<vmem_shared>> -> memref<10112x32xf32, #tpu.memory_space<vmem_shared>>
        tpu.enqueue_indirect_dma source(%dma_start3A_996 : memref<10112x32xf32, #tpu.memory_space<vmem_shared>>) target(%dma_start3A_990 : memref<128x32xf32, #tpu.memory_space<vmem>>) offsets(%dma_start3A_993 : memref<128xi32, #tpu.memory_space<vmem>>) semaphore(%arg12 : memref<!tpu.dma_semaphore, #tpu.memory_space<semaphore_mem>>)
        %mul3A_997 = arith.constant 8 : i32
        %mul3A_998 = arith.muli %add3A_964, %mul3A_997 : i32
        %add3A_999 = arith.constant 2 : i32
        %add3A_1000 = arith.addi %mul3A_998, %add3A_999 : i32
        %dma_start3A_1001 = arith.constant 1 : i32
        %dma_start3A_1002 = arith.constant 2 : i32
        %dma_start3A_1003 = arith.constant 0 : i32
        %dma_start3A_1004 = arith.constant 0 : i32
        %dma_start3A_1005 = tpu.memref_slice %arg9[%dma_start3A_1001, %dma_start3A_1002, %dma_start3A_1003, %dma_start3A_1004] : memref<2x8x128x32xf32, #tpu.memory_space<vmem>> -> memref<1x1x128x32xf32, #tpu.memory_space<vmem>>
        %dma_start3A_1006 = tpu.memref_squeeze %dma_start3A_1005 : memref<1x1x128x32xf32, #tpu.memory_space<vmem>> -> memref<128x32xf32, #tpu.memory_space<vmem>>
        %dma_start3A_1007 = arith.constant 0 : i32
        %dma_start3A_1008 = tpu.memref_slice %arg7[%add3A_1000, %dma_start3A_1007] : memref<80x128xi32, #tpu.memory_space<vmem>> -> memref<1x128xi32, #tpu.memory_space<vmem>>
        %dma_start3A_1009 = tpu.memref_squeeze %dma_start3A_1008 : memref<1x128xi32, #tpu.memory_space<vmem>> -> memref<128xi32, #tpu.memory_space<vmem>>
        %dma_start3A_1010 = arith.constant 0 : i32
        %dma_start3A_1011 = arith.constant 0 : i32
        %dma_start3A_1012 = tpu.memref_slice %arg11[%dma_start3A_1010, %dma_start3A_1011] : memref<10112x32xf32, #tpu.memory_space<vmem_shared>> -> memref<10112x32xf32, #tpu.memory_space<vmem_shared>>
        tpu.enqueue_indirect_dma source(%dma_start3A_1012 : memref<10112x32xf32, #tpu.memory_space<vmem_shared>>) target(%dma_start3A_1006 : memref<128x32xf32, #tpu.memory_space<vmem>>) offsets(%dma_start3A_1009 : memref<128xi32, #tpu.memory_space<vmem>>) semaphore(%arg12 : memref<!tpu.dma_semaphore, #tpu.memory_space<semaphore_mem>>)
        %mul3A_1013 = arith.constant 8 : i32
        %mul3A_1014 = arith.muli %add3A_964, %mul3A_1013 : i32
        %add3A_1015 = arith.constant 3 : i32
        %add3A_1016 = arith.addi %mul3A_1014, %add3A_1015 : i32
        %dma_start3A_1017 = arith.constant 1 : i32
        %dma_start3A_1018 = arith.constant 3 : i32
        %dma_start3A_1019 = arith.constant 0 : i32
        %dma_start3A_1020 = arith.constant 0 : i32
        %dma_start3A_1021 = tpu.memref_slice %arg9[%dma_start3A_1017, %dma_start3A_1018, %dma_start3A_1019, %dma_start3A_1020] : memref<2x8x128x32xf32, #tpu.memory_space<vmem>> -> memref<1x1x128x32xf32, #tpu.memory_space<vmem>>
        %dma_start3A_1022 = tpu.memref_squeeze %dma_start3A_1021 : memref<1x1x128x32xf32, #tpu.memory_space<vmem>> -> memref<128x32xf32, #tpu.memory_space<vmem>>
        %dma_start3A_1023 = arith.constant 0 : i32
        %dma_start3A_1024 = tpu.memref_slice %arg7[%add3A_1016, %dma_start3A_1023] : memref<80x128xi32, #tpu.memory_space<vmem>> -> memref<1x128xi32, #tpu.memory_space<vmem>>
        %dma_start3A_1025 = tpu.memref_squeeze %dma_start3A_1024 : memref<1x128xi32, #tpu.memory_space<vmem>> -> memref<128xi32, #tpu.memory_space<vmem>>
        %dma_start3A_1026 = arith.constant 0 : i32
        %dma_start3A_1027 = arith.constant 0 : i32
        %dma_start3A_1028 = tpu.memref_slice %arg11[%dma_start3A_1026, %dma_start3A_1027] : memref<10112x32xf32, #tpu.memory_space<vmem_shared>> -> memref<10112x32xf32, #tpu.memory_space<vmem_shared>>
        tpu.enqueue_indirect_dma source(%dma_start3A_1028 : memref<10112x32xf32, #tpu.memory_space<vmem_shared>>) target(%dma_start3A_1022 : memref<128x32xf32, #tpu.memory_space<vmem>>) offsets(%dma_start3A_1025 : memref<128xi32, #tpu.memory_space<vmem>>) semaphore(%arg12 : memref<!tpu.dma_semaphore, #tpu.memory_space<semaphore_mem>>)
        %mul3A_1029 = arith.constant 8 : i32
        %mul3A_1030 = arith.muli %add3A_964, %mul3A_1029 : i32
        %add3A_1031 = arith.constant 4 : i32
        %add3A_1032 = arith.addi %mul3A_1030, %add3A_1031 : i32
        %dma_start3A_1033 = arith.constant 1 : i32
        %dma_start3A_1034 = arith.constant 4 : i32
        %dma_start3A_1035 = arith.constant 0 : i32
        %dma_start3A_1036 = arith.constant 0 : i32
        %dma_start3A_1037 = tpu.memref_slice %arg9[%dma_start3A_1033, %dma_start3A_1034, %dma_start3A_1035, %dma_start3A_1036] : memref<2x8x128x32xf32, #tpu.memory_space<vmem>> -> memref<1x1x128x32xf32, #tpu.memory_space<vmem>>
        %dma_start3A_1038 = tpu.memref_squeeze %dma_start3A_1037 : memref<1x1x128x32xf32, #tpu.memory_space<vmem>> -> memref<128x32xf32, #tpu.memory_space<vmem>>
        %dma_start3A_1039 = arith.constant 0 : i32
        %dma_start3A_1040 = tpu.memref_slice %arg7[%add3A_1032, %dma_start3A_1039] : memref<80x128xi32, #tpu.memory_space<vmem>> -> memref<1x128xi32, #tpu.memory_space<vmem>>
        %dma_start3A_1041 = tpu.memref_squeeze %dma_start3A_1040 : memref<1x128xi32, #tpu.memory_space<vmem>> -> memref<128xi32, #tpu.memory_space<vmem>>
        %dma_start3A_1042 = arith.constant 0 : i32
        %dma_start3A_1043 = arith.constant 0 : i32
        %dma_start3A_1044 = tpu.memref_slice %arg11[%dma_start3A_1042, %dma_start3A_1043] : memref<10112x32xf32, #tpu.memory_space<vmem_shared>> -> memref<10112x32xf32, #tpu.memory_space<vmem_shared>>
        tpu.enqueue_indirect_dma source(%dma_start3A_1044 : memref<10112x32xf32, #tpu.memory_space<vmem_shared>>) target(%dma_start3A_1038 : memref<128x32xf32, #tpu.memory_space<vmem>>) offsets(%dma_start3A_1041 : memref<128xi32, #tpu.memory_space<vmem>>) semaphore(%arg12 : memref<!tpu.dma_semaphore, #tpu.memory_space<semaphore_mem>>)
        %mul3A_1045 = arith.constant 8 : i32
        %mul3A_1046 = arith.muli %add3A_964, %mul3A_1045 : i32
        %add3A_1047 = arith.constant 5 : i32
        %add3A_1048 = arith.addi %mul3A_1046, %add3A_1047 : i32
        %dma_start3A_1049 = arith.constant 1 : i32
        %dma_start3A_1050 = arith.constant 5 : i32
        %dma_start3A_1051 = arith.constant 0 : i32
        %dma_start3A_1052 = arith.constant 0 : i32
        %dma_start3A_1053 = tpu.memref_slice %arg9[%dma_start3A_1049, %dma_start3A_1050, %dma_start3A_1051, %dma_start3A_1052] : memref<2x8x128x32xf32, #tpu.memory_space<vmem>> -> memref<1x1x128x32xf32, #tpu.memory_space<vmem>>
        %dma_start3A_1054 = tpu.memref_squeeze %dma_start3A_1053 : memref<1x1x128x32xf32, #tpu.memory_space<vmem>> -> memref<128x32xf32, #tpu.memory_space<vmem>>
        %dma_start3A_1055 = arith.constant 0 : i32
        %dma_start3A_1056 = tpu.memref_slice %arg7[%add3A_1048, %dma_start3A_1055] : memref<80x128xi32, #tpu.memory_space<vmem>> -> memref<1x128xi32, #tpu.memory_space<vmem>>
        %dma_start3A_1057 = tpu.memref_squeeze %dma_start3A_1056 : memref<1x128xi32, #tpu.memory_space<vmem>> -> memref<128xi32, #tpu.memory_space<vmem>>
        %dma_start3A_1058 = arith.constant 0 : i32
        %dma_start3A_1059 = arith.constant 0 : i32
        %dma_start3A_1060 = tpu.memref_slice %arg11[%dma_start3A_1058, %dma_start3A_1059] : memref<10112x32xf32, #tpu.memory_space<vmem_shared>> -> memref<10112x32xf32, #tpu.memory_space<vmem_shared>>
        tpu.enqueue_indirect_dma source(%dma_start3A_1060 : memref<10112x32xf32, #tpu.memory_space<vmem_shared>>) target(%dma_start3A_1054 : memref<128x32xf32, #tpu.memory_space<vmem>>) offsets(%dma_start3A_1057 : memref<128xi32, #tpu.memory_space<vmem>>) semaphore(%arg12 : memref<!tpu.dma_semaphore, #tpu.memory_space<semaphore_mem>>)
        %mul3A_1061 = arith.constant 8 : i32
        %mul3A_1062 = arith.muli %add3A_964, %mul3A_1061 : i32
        %add3A_1063 = arith.constant 6 : i32
        %add3A_1064 = arith.addi %mul3A_1062, %add3A_1063 : i32
        %dma_start3A_1065 = arith.constant 1 : i32
        %dma_start3A_1066 = arith.constant 6 : i32
        %dma_start3A_1067 = arith.constant 0 : i32
        %dma_start3A_1068 = arith.constant 0 : i32
        %dma_start3A_1069 = tpu.memref_slice %arg9[%dma_start3A_1065, %dma_start3A_1066, %dma_start3A_1067, %dma_start3A_1068] : memref<2x8x128x32xf32, #tpu.memory_space<vmem>> -> memref<1x1x128x32xf32, #tpu.memory_space<vmem>>
        %dma_start3A_1070 = tpu.memref_squeeze %dma_start3A_1069 : memref<1x1x128x32xf32, #tpu.memory_space<vmem>> -> memref<128x32xf32, #tpu.memory_space<vmem>>
        %dma_start3A_1071 = arith.constant 0 : i32
        %dma_start3A_1072 = tpu.memref_slice %arg7[%add3A_1064, %dma_start3A_1071] : memref<80x128xi32, #tpu.memory_space<vmem>> -> memref<1x128xi32, #tpu.memory_space<vmem>>
        %dma_start3A_1073 = tpu.memref_squeeze %dma_start3A_1072 : memref<1x128xi32, #tpu.memory_space<vmem>> -> memref<128xi32, #tpu.memory_space<vmem>>
        %dma_start3A_1074 = arith.constant 0 : i32
        %dma_start3A_1075 = arith.constant 0 : i32
        %dma_start3A_1076 = tpu.memref_slice %arg11[%dma_start3A_1074, %dma_start3A_1075] : memref<10112x32xf32, #tpu.memory_space<vmem_shared>> -> memref<10112x32xf32, #tpu.memory_space<vmem_shared>>
        tpu.enqueue_indirect_dma source(%dma_start3A_1076 : memref<10112x32xf32, #tpu.memory_space<vmem_shared>>) target(%dma_start3A_1070 : memref<128x32xf32, #tpu.memory_space<vmem>>) offsets(%dma_start3A_1073 : memref<128xi32, #tpu.memory_space<vmem>>) semaphore(%arg12 : memref<!tpu.dma_semaphore, #tpu.memory_space<semaphore_mem>>)
        %mul3A_1077 = arith.constant 8 : i32
        %mul3A_1078 = arith.muli %add3A_964, %mul3A_1077 : i32
        %add3A_1079 = arith.constant 7 : i32
        %add3A_1080 = arith.addi %mul3A_1078, %add3A_1079 : i32
        %dma_start3A_1081 = arith.constant 1 : i32
        %dma_start3A_1082 = arith.constant 7 : i32
        %dma_start3A_1083 = arith.constant 0 : i32
        %dma_start3A_1084 = arith.constant 0 : i32
        %dma_start3A_1085 = tpu.memref_slice %arg9[%dma_start3A_1081, %dma_start3A_1082, %dma_start3A_1083, %dma_start3A_1084] : memref<2x8x128x32xf32, #tpu.memory_space<vmem>> -> memref<1x1x128x32xf32, #tpu.memory_space<vmem>>
        %dma_start3A_1086 = tpu.memref_squeeze %dma_start3A_1085 : memref<1x1x128x32xf32, #tpu.memory_space<vmem>> -> memref<128x32xf32, #tpu.memory_space<vmem>>
        %dma_start3A_1087 = arith.constant 0 : i32
        %dma_start3A_1088 = tpu.memref_slice %arg7[%add3A_1080, %dma_start3A_1087] : memref<80x128xi32, #tpu.memory_space<vmem>> -> memref<1x128xi32, #tpu.memory_space<vmem>>
        %dma_start3A_1089 = tpu.memref_squeeze %dma_start3A_1088 : memref<1x128xi32, #tpu.memory_space<vmem>> -> memref<128xi32, #tpu.memory_space<vmem>>
        %dma_start3A_1090 = arith.constant 0 : i32
        %dma_start3A_1091 = arith.constant 0 : i32
        %dma_start3A_1092 = tpu.memref_slice %arg11[%dma_start3A_1090, %dma_start3A_1091] : memref<10112x32xf32, #tpu.memory_space<vmem_shared>> -> memref<10112x32xf32, #tpu.memory_space<vmem_shared>>
        tpu.enqueue_indirect_dma source(%dma_start3A_1092 : memref<10112x32xf32, #tpu.memory_space<vmem_shared>>) target(%dma_start3A_1086 : memref<128x32xf32, #tpu.memory_space<vmem>>) offsets(%dma_start3A_1089 : memref<128xi32, #tpu.memory_space<vmem>>) semaphore(%arg12 : memref<!tpu.dma_semaphore, #tpu.memory_space<semaphore_mem>>)
      } else {
      }
    }
    %scan3A_220 = arith.constant 5 : i32
    %barrier3A_221 = arith.constant 0 : index
    tpu.barrier barrier_id(%barrier3A_221)
    %mul3A_222 = arith.constant 632 : i32
    %mul3A_223 = arith.muli %arg1, %mul3A_222 : i32
    %mul3A_224 = arith.constant 632 : i32
    %mul3A_225 = arith.muli %arg1, %mul3A_224 : i32
    "tpu.region"() ({
      %run_scoped3A = tpu.sem_alloc : memref<!tpu.dma_semaphore, #tpu.memory_space<semaphore_mem>>
      %dma_start3A_226 = arith.constant 0 : i32
      %dma_start3A_227 = tpu.memref_slice %arg6[%arg0, %mul3A_225, %dma_start3A_226] : memref<2x10112x32xf32, #tpu.memory_space<hbm>> -> memref<1x632x32xf32, #tpu.memory_space<hbm>>
      %dma_start3A_228 = tpu.memref_squeeze %dma_start3A_227 : memref<1x632x32xf32, #tpu.memory_space<hbm>> -> memref<632x32xf32, #tpu.memory_space<hbm>>
      %dma_start3A_229 = arith.constant 0 : i32
      %dma_start3A_230 = tpu.memref_slice %arg10[%mul3A_223, %dma_start3A_229] : memref<10112x32xf32, #tpu.memory_space<vmem_shared>> -> memref<632x32xf32, #tpu.memory_space<vmem_shared>>
      tpu.enqueue_dma source(%dma_start3A_230 : memref<632x32xf32, #tpu.memory_space<vmem_shared>>) target(%dma_start3A_228 : memref<632x32xf32, #tpu.memory_space<hbm>>) target_semaphore(%run_scoped3A : memref<!tpu.dma_semaphore, #tpu.memory_space<semaphore_mem>>)
      %dma_wait3A = arith.constant 0 : i32
      %dma_wait3A_231 = tpu.memref_slice %arg6[%arg0, %mul3A_225, %dma_wait3A] : memref<2x10112x32xf32, #tpu.memory_space<hbm>> -> memref<1x632x32xf32, #tpu.memory_space<hbm>>
      %dma_wait3A_232 = tpu.memref_squeeze %dma_wait3A_231 : memref<1x632x32xf32, #tpu.memory_space<hbm>> -> memref<632x32xf32, #tpu.memory_space<hbm>>
      %dma_wait3A_233 = arith.constant 0 : i32
      %dma_wait3A_234 = tpu.memref_slice %arg10[%mul3A_223, %dma_wait3A_233] : memref<10112x32xf32, #tpu.memory_space<vmem_shared>> -> memref<632x32xf32, #tpu.memory_space<vmem_shared>>
      tpu.wait_dma2 semaphore(%run_scoped3A : memref<!tpu.dma_semaphore, #tpu.memory_space<semaphore_mem>>) src(%dma_wait3A_234 : memref<632x32xf32, #tpu.memory_space<vmem_shared>>) dst(%dma_wait3A_232 : memref<632x32xf32, #tpu.memory_space<hbm>>)
      tpu.yield
    }) : () -> ()
    return
  }
}

module attributes {stable_mosaic.version = 14 : i64} {
  func.func @_tc_scale_body(%arg0: memref<2528x128xf32, #tpu.memory_space<vmem>>, %arg1: memref<2x2528x128xf32, #tpu.memory_space<vmem>>, %arg2: memref<2528x128xf32, #tpu.memory_space<vmem>>, %arg3: memref<2528x128xf32, #tpu.memory_space<vmem>>) attributes {dimension_semantics = [], scalar_prefetch = 0 : i64, scratch_operands = 0 : i64, tpu.core_type = #tpu.core_type<tc>} {
    %get3A = arith.constant 0 : index
    %get3A_0 = arith.constant 0 : index
    %get3A_1 = arith.constant 0 : index
    %get3A_2 = vector.load %arg1[%get3A, %get3A_0, %get3A_1] : memref<2x2528x128xf32, #tpu.memory_space<vmem>>, vector<1x2528x128xf32>
    %get3A_3 = vector.shape_cast %get3A_2 : vector<1x2528x128xf32> to vector<2528x128xf32>
    %add3A = arith.constant 1.000000e+00 : f32
    %add3A_4 = vector.broadcast %add3A : f32 to vector<2528x128xf32>
    %add3A_5 = arith.addf %add3A_4, %get3A_3 : vector<2528x128xf32>
    %get3A_6 = arith.constant 1 : index
    %get3A_7 = arith.constant 0 : index
    %get3A_8 = arith.constant 0 : index
    %get3A_9 = vector.load %arg1[%get3A_6, %get3A_7, %get3A_8] : memref<2x2528x128xf32, #tpu.memory_space<vmem>>, vector<1x2528x128xf32>
    %get3A_10 = vector.shape_cast %get3A_9 : vector<1x2528x128xf32> to vector<2528x128xf32>
    %add3A_11 = arith.addf %add3A_5, %get3A_10 : vector<2528x128xf32>
    %rsqrt3A = math.rsqrt %add3A_11 : vector<2528x128xf32>
    %get3A_12 = arith.constant 0 : index
    %get3A_13 = arith.constant 0 : index
    %get3A_14 = vector.load %arg0[%get3A_12, %get3A_13] : memref<2528x128xf32, #tpu.memory_space<vmem>>, vector<2528x128xf32>
    %mul3A = arith.mulf %get3A_14, %rsqrt3A : vector<2528x128xf32>
    %swap3A = arith.constant 0 : index
    %swap3A_15 = arith.constant 0 : index
    %swap3A_16 = vector.load %arg2[%swap3A, %swap3A_15] : memref<2528x128xf32, #tpu.memory_space<vmem>>, vector<2528x128xf32>
    tpu.vector_store %arg2[%swap3A, %swap3A_15], %mul3A {strides = array<i32>} : memref<2528x128xf32, #tpu.memory_space<vmem>>, vector<2528x128xf32>,
    %swap3A_17 = arith.constant 0 : index
    %swap3A_18 = arith.constant 0 : index
    %swap3A_19 = vector.load %arg3[%swap3A_17, %swap3A_18] : memref<2528x128xf32, #tpu.memory_space<vmem>>, vector<2528x128xf32>
    tpu.vector_store %arg3[%swap3A_17, %swap3A_18], %rsqrt3A {strides = array<i32>} : memref<2528x128xf32, #tpu.memory_space<vmem>>, vector<2528x128xf32>,
    return
  }
}

module attributes {stable_mosaic.version = 14 : i64} {
  func.func @_tc_mm1_body(%arg0: i32, %arg1: memref<2528x128xf32, #tpu.memory_space<vmem>>, %arg2: memref<128x32xf32, #tpu.memory_space<vmem>>, %arg3: memref<632x128xf32, #tpu.memory_space<vmem>>) attributes {dimension_semantics = [#tpu.dimension_semantics<arbitrary>], iteration_bounds = array<i64: 4>, scalar_prefetch = 0 : i64, scratch_operands = 0 : i64, tpu.core_type = #tpu.core_type<tc>, window_params = [{transform_indices = @transform_0, window_bounds = array<i64: 2528, 128>}, {pipeline_mode = #tpu.pipeline_mode<synchronous>, transform_indices = @transform_1, window_bounds = array<i64: 128, 32>}, {transform_indices = @transform_2, window_bounds = array<i64: 632, 128>}]} {
    %get3A = arith.constant 0 : index
    %get3A_0 = arith.constant 0 : index
    %get3A_1 = vector.load %arg1[%get3A, %get3A_0] : memref<2528x128xf32, #tpu.memory_space<vmem>>, vector<2528x128xf32>
    %get3A_2 = arith.constant 0 : index
    %get3A_3 = arith.constant 0 : index
    %get3A_4 = vector.load %arg2[%get3A_2, %get3A_3] : memref<128x32xf32, #tpu.memory_space<vmem>>, vector<128x32xf32>
    %dot_general3A = arith.constant dense<0.000000e+00> : vector<2528x32xf32>
    %dot_general3A_5 = tpu.matmul %get3A_1, %get3A_4, %dot_general3A {dimension_numbers = #tpu.dot_dimension_numbers<[1], [0], [0], [1], [0, 0, 1, 1], [], []>, transpose_lhs_hint = false} : vector<2528x128xf32>, vector<128x32xf32>, vector<2528x32xf32> -> vector<2528x32xf32>
    %reshape3A = vector.shape_cast %dot_general3A_5 : vector<2528x32xf32> to vector<632x4x32xf32>
    %slice3A = vector.extract_strided_slice %reshape3A {offsets = [0, 0, 0], sizes = [632, 1, 32], strides = [1, 1, 1]} : vector<632x4x32xf32> to vector<632x1x32xf32>
    %squeeze3A = vector.shape_cast %slice3A : vector<632x1x32xf32> to vector<632x32xf32>
    %swap3A = arith.constant 0 : index
    %swap3A_6 = arith.constant 0 : index
    %swap3A_7 = vector.load %arg3[%swap3A, %swap3A_6] : memref<632x128xf32, #tpu.memory_space<vmem>>, vector<632x32xf32>
    tpu.vector_store %arg3[%swap3A, %swap3A_6], %squeeze3A {strides = array<i32>} : memref<632x128xf32, #tpu.memory_space<vmem>>, vector<632x32xf32>,
    %slice3A_8 = vector.extract_strided_slice %reshape3A {offsets = [0, 1, 0], sizes = [632, 1, 32], strides = [1, 1, 1]} : vector<632x4x32xf32> to vector<632x1x32xf32>
    %squeeze3A_9 = vector.shape_cast %slice3A_8 : vector<632x1x32xf32> to vector<632x32xf32>
    %swap3A_10 = arith.constant 0 : index
    %swap3A_11 = arith.constant 32 : index
    %swap3A_12 = vector.load %arg3[%swap3A_10, %swap3A_11] : memref<632x128xf32, #tpu.memory_space<vmem>>, vector<632x32xf32>
    tpu.vector_store %arg3[%swap3A_10, %swap3A_11], %squeeze3A_9 {strides = array<i32>} : memref<632x128xf32, #tpu.memory_space<vmem>>, vector<632x32xf32>,
    %slice3A_13 = vector.extract_strided_slice %reshape3A {offsets = [0, 2, 0], sizes = [632, 1, 32], strides = [1, 1, 1]} : vector<632x4x32xf32> to vector<632x1x32xf32>
    %squeeze3A_14 = vector.shape_cast %slice3A_13 : vector<632x1x32xf32> to vector<632x32xf32>
    %swap3A_15 = arith.constant 0 : index
    %swap3A_16 = arith.constant 64 : index
    %swap3A_17 = vector.load %arg3[%swap3A_15, %swap3A_16] : memref<632x128xf32, #tpu.memory_space<vmem>>, vector<632x32xf32>
    tpu.vector_store %arg3[%swap3A_15, %swap3A_16], %squeeze3A_14 {strides = array<i32>} : memref<632x128xf32, #tpu.memory_space<vmem>>, vector<632x32xf32>,
    %slice3A_18 = vector.extract_strided_slice %reshape3A {offsets = [0, 3, 0], sizes = [632, 1, 32], strides = [1, 1, 1]} : vector<632x4x32xf32> to vector<632x1x32xf32>
    %squeeze3A_19 = vector.shape_cast %slice3A_18 : vector<632x1x32xf32> to vector<632x32xf32>
    %swap3A_20 = arith.constant 0 : index
    %swap3A_21 = arith.constant 96 : index
    %swap3A_22 = vector.load %arg3[%swap3A_20, %swap3A_21] : memref<632x128xf32, #tpu.memory_space<vmem>>, vector<632x32xf32>
    tpu.vector_store %arg3[%swap3A_20, %swap3A_21], %squeeze3A_19 {strides = array<i32>} : memref<632x128xf32, #tpu.memory_space<vmem>>, vector<632x32xf32>,
    return
  }
  func.func @transform_0(%arg0: i32) -> (i32, i32) {
    %c0_i32 = arith.constant 0 : i32
    %c0_i32_0 = arith.constant 0 : i32
    return %arg0, %c0_i32 : i32, i32
  }
  func.func @transform_1(%arg0: i32) -> (i32, i32) {
    %c0_i32 = arith.constant 0 : i32
    %c0_i32_0 = arith.constant 0 : i32
    %c0_i32_1 = arith.constant 0 : i32
    return %c0_i32, %c0_i32_0 : i32, i32
  }
  func.func @transform_2(%arg0: i32) -> (i32, i32) {
    %c0_i32 = arith.constant 0 : i32
    %c0_i32_0 = arith.constant 0 : i32
    return %arg0, %c0_i32 : i32, i32
  }
}

module attributes {stable_mosaic.version = 14 : i64} {
  func.func @_tc_mid_body(%arg0: memref<2x2528x128xf32, #tpu.memory_space<vmem>>, %arg1: memref<2528x128xf32, #tpu.memory_space<vmem>>, %arg2: memref<128x128xf32, #tpu.memory_space<vmem>>, %arg3: memref<1x128xf32, #tpu.memory_space<vmem>>, %arg4: memref<2528x128xf32, #tpu.memory_space<vmem>>) attributes {dimension_semantics = [], scalar_prefetch = 0 : i64, scratch_operands = 0 : i64, tpu.core_type = #tpu.core_type<tc>} {
    %get3A = arith.constant 0 : index
    %get3A_0 = arith.constant 0 : index
    %get3A_1 = vector.load %arg1[%get3A, %get3A_0] : memref<2528x128xf32, #tpu.memory_space<vmem>>, vector<2528x128xf32>
    %get3A_2 = arith.constant 0 : index
    %get3A_3 = arith.constant 0 : index
    %get3A_4 = arith.constant 0 : index
    %get3A_5 = vector.load %arg0[%get3A_2, %get3A_3, %get3A_4] : memref<2x2528x128xf32, #tpu.memory_space<vmem>>, vector<1x2528x128xf32>
    %get3A_6 = vector.shape_cast %get3A_5 : vector<1x2528x128xf32> to vector<2528x128xf32>
    %get3A_7 = arith.constant 1 : index
    %get3A_8 = arith.constant 0 : index
    %get3A_9 = arith.constant 0 : index
    %get3A_10 = vector.load %arg0[%get3A_7, %get3A_8, %get3A_9] : memref<2x2528x128xf32, #tpu.memory_space<vmem>>, vector<1x2528x128xf32>
    %get3A_11 = vector.shape_cast %get3A_10 : vector<1x2528x128xf32> to vector<2528x128xf32>
    %add3A = arith.addf %get3A_6, %get3A_11 : vector<2528x128xf32>
    %mul3A = arith.mulf %add3A, %get3A_1 : vector<2528x128xf32>
    %get3A_12 = arith.constant 0 : index
    %get3A_13 = arith.constant 0 : index
    %get3A_14 = vector.load %arg3[%get3A_12, %get3A_13] : memref<1x128xf32, #tpu.memory_space<vmem>>, vector<1x128xf32>
    %add3A_15 = vector.broadcast %get3A_14 : vector<1x128xf32> to vector<2528x128xf32>
    %add3A_16 = arith.addf %mul3A, %add3A_15 : vector<2528x128xf32>
    %max3A = arith.constant 0.000000e+00 : f32
    %max3A_17 = vector.broadcast %max3A : f32 to vector<2528x128xf32>
    %max3A_18 = arith.maximumf %add3A_16, %max3A_17 : vector<2528x128xf32>
    %get3A_19 = arith.constant 0 : index
    %get3A_20 = arith.constant 0 : index
    %get3A_21 = vector.load %arg2[%get3A_19, %get3A_20] : memref<128x128xf32, #tpu.memory_space<vmem>>, vector<128x128xf32>
    %dot_general3A = arith.constant dense<0.000000e+00> : vector<2528x128xf32>
    %dot_general3A_22 = tpu.matmul %max3A_18, %get3A_21, %dot_general3A {dimension_numbers = #tpu.dot_dimension_numbers<[1], [0], [0], [1], [0, 0, 1, 1], [], []>, transpose_lhs_hint = false} : vector<2528x128xf32>, vector<128x128xf32>, vector<2528x128xf32> -> vector<2528x128xf32>
    %mul3A_23 = arith.mulf %dot_general3A_22, %get3A_1 : vector<2528x128xf32>
    %swap3A = arith.constant 0 : index
    %swap3A_24 = arith.constant 0 : index
    %swap3A_25 = vector.load %arg4[%swap3A, %swap3A_24] : memref<2528x128xf32, #tpu.memory_space<vmem>>, vector<2528x128xf32>
    tpu.vector_store %arg4[%swap3A, %swap3A_24], %mul3A_23 {strides = array<i32>} : memref<2528x128xf32, #tpu.memory_space<vmem>>, vector<2528x128xf32>,
    return
  }
}

module attributes {stable_mosaic.version = 14 : i64} {
  func.func @_tc_final_body(%arg0: memref<2x2528x128xf32, #tpu.memory_space<vmem>>, %arg1: memref<2528x128xf32, #tpu.memory_space<vmem>>, %arg2: memref<128x4xf32, #tpu.memory_space<vmem>>, %arg3: memref<1x128xf32, #tpu.memory_space<vmem>>, %arg4: memref<1x4xf32, #tpu.memory_space<vmem>>, %arg5: memref<2528x4xf32, #tpu.memory_space<vmem>>) attributes {dimension_semantics = [], scalar_prefetch = 0 : i64, scratch_operands = 0 : i64, tpu.core_type = #tpu.core_type<tc>} {
    %get3A = arith.constant 0 : index
    %get3A_0 = arith.constant 0 : index
    %get3A_1 = vector.load %arg1[%get3A, %get3A_0] : memref<2528x128xf32, #tpu.memory_space<vmem>>, vector<2528x128xf32>
    %get3A_2 = arith.constant 0 : index
    %get3A_3 = arith.constant 0 : index
    %get3A_4 = arith.constant 0 : index
    %get3A_5 = vector.load %arg0[%get3A_2, %get3A_3, %get3A_4] : memref<2x2528x128xf32, #tpu.memory_space<vmem>>, vector<1x2528x128xf32>
    %get3A_6 = vector.shape_cast %get3A_5 : vector<1x2528x128xf32> to vector<2528x128xf32>
    %get3A_7 = arith.constant 1 : index
    %get3A_8 = arith.constant 0 : index
    %get3A_9 = arith.constant 0 : index
    %get3A_10 = vector.load %arg0[%get3A_7, %get3A_8, %get3A_9] : memref<2x2528x128xf32, #tpu.memory_space<vmem>>, vector<1x2528x128xf32>
    %get3A_11 = vector.shape_cast %get3A_10 : vector<1x2528x128xf32> to vector<2528x128xf32>
    %add3A = arith.addf %get3A_6, %get3A_11 : vector<2528x128xf32>
    %mul3A = arith.mulf %add3A, %get3A_1 : vector<2528x128xf32>
    %get3A_12 = arith.constant 0 : index
    %get3A_13 = arith.constant 0 : index
    %get3A_14 = vector.load %arg3[%get3A_12, %get3A_13] : memref<1x128xf32, #tpu.memory_space<vmem>>, vector<1x128xf32>
    %add3A_15 = vector.broadcast %get3A_14 : vector<1x128xf32> to vector<2528x128xf32>
    %add3A_16 = arith.addf %mul3A, %add3A_15 : vector<2528x128xf32>
    %max3A = arith.constant 0.000000e+00 : f32
    %max3A_17 = vector.broadcast %max3A : f32 to vector<2528x128xf32>
    %max3A_18 = arith.maximumf %add3A_16, %max3A_17 : vector<2528x128xf32>
    %get3A_19 = arith.constant 0 : index
    %get3A_20 = arith.constant 0 : index
    %get3A_21 = vector.load %arg2[%get3A_19, %get3A_20] : memref<128x4xf32, #tpu.memory_space<vmem>>, vector<128x4xf32>
    %dot_general3A = arith.constant dense<0.000000e+00> : vector<2528x4xf32>
    %dot_general3A_22 = tpu.matmul %max3A_18, %get3A_21, %dot_general3A {dimension_numbers = #tpu.dot_dimension_numbers<[1], [0], [0], [1], [0, 0, 1, 1], [], []>, transpose_lhs_hint = false} : vector<2528x128xf32>, vector<128x4xf32>, vector<2528x4xf32> -> vector<2528x4xf32>
    %get3A_23 = arith.constant 0 : index
    %get3A_24 = arith.constant 0 : index
    %get3A_25 = vector.load %arg4[%get3A_23, %get3A_24] : memref<1x4xf32, #tpu.memory_space<vmem>>, vector<1x4xf32>
    %add3A_26 = vector.broadcast %get3A_25 : vector<1x4xf32> to vector<2528x4xf32>
    %add3A_27 = arith.addf %dot_general3A_22, %add3A_26 : vector<2528x4xf32>
    %swap3A = arith.constant 0 : index
    %swap3A_28 = arith.constant 0 : index
    %swap3A_29 = vector.load %arg5[%swap3A, %swap3A_28] : memref<2528x4xf32, #tpu.memory_space<vmem>>, vector<2528x4xf32>
    tpu.vector_store %arg5[%swap3A, %swap3A_28], %add3A_27 {strides = array<i32>} : memref<2528x4xf32, #tpu.memory_space<vmem>>, vector<2528x4xf32>,
    return
  }
}

</mosaic_0001>

<sc_bundles>
// kernel: kernel.12.cloned.1.call-start
scs
__scs_entry_jumppad:
0x0: {  	(pc) =	sbr.rel $0x88, $3  }
0x1: {  	(tag) =	ssettag $0x0;
	lr =	simm.s32 $0x1  }
0x2: {  	[smem:$0x3F99] =	sst lr;
	_ =	strace $0xD0000000  }
0x3: {  	_ = 	snop  }
0x4: {  	_ = 	snop  }
0x5: {  	_ = 	snop  }
0x6: {  	_ = 	snop  }
0x7: {  	_ = 	snop  }
__scs_overlays_trampoline_lowered:
0x8: {  	[smem:$0x3FA8] =	sst s0  }
0x9: {  	[smem:$0x3FA9] =	sst s1  }
0xa: {  	[smem:$0x3FAA] =	sst s2  }
0xb: {  	[smem:$0x3FAB] =	sst s3  }
0xc: {  	[smem:$0x3FAC] =	sst s4  }
0xd: {  	[smem:$0x3FAD] =	sst s5  }
0xe: {  	[smem:$0x3FAE] =	sst s6  }
0xf: {  	[smem:$0x3FAF] =	sst s7  }
0x10: {  	[smem:$0x3FB0] =	sst s8  }
0x11: {  	[smem:$0x3FB1] =	sst s9;
	s0 =	simm.s32 @!p0 $0x0  }
0x12: {  	s1 =	sld [smem:$0x3F97];
	s0 =	simm.s32 @p0 $0x1  }
0x13: {  	[smem:$0x3FB2] =	sst s0;
	s0 =	simm.s32 @!p1 $0x0  }
0x14: {  	s2 =	sld [smem:$0x3F96];
	s0 =	simm.s32 @p1 $0x1  }
0x15: {  	[smem:$0x3FB3] =	sst s0;
	s0 =	simm.s32 @!p2 $0x0  }
0x16: {  	s3 =	sld [smem:$0x3FDB];
	s0 =	simm.s32 @p2 $0x1  }
0x17: {  	s4 =	simm.s32 $0x1BF5;
	[smem:$0x3FB5] =	sst s0  }
0x18: {  	s0 =	sld [smem:$0x3F98];
	_ =	swait.ge [sflag:s4], $0x0  }
0x19: {  	s7 =	sld [smem:$0x3F99]  }
0x1a: {  	s8 =	sadd.s32 $0xFFFFE003, lr  }
0x1b: {  	s9 =	sadd.s32 $0xFFFFFEF7, lr;
	s5 =	simm.s32 $0xFFFFFFFF;
	p2 =	slt.u32 s8, $0xFFFFF086  }
0x1c: {  	p1 =	slt.u32 s9, $0xF7A;
	s5 =	simm.s32 @!p2 $0x0  }
0x1d: {  	s5 =	simm.s32 @p1 $0x1;
	p0 =	seq.s32 s7, s2  }
0x1e: {  	s7 =	smul.u32 @!p0 $0xF7A, s2;
	p2 =	seq.s32 @!p0 s5, $0x0  }
0x1f: {  	s9 =	smul.u32 $0xF7A, s1;
	s8 =	simm.s32 @!p0 $0x1BF5;
	p2 =	por !p2, p0  }
0x20: {  	[sflag:s8] =	ssyncset.s32 @!p0 $0xFFFFF086;
	s6 =	sadd.s32 @!p0 s3, s7;
	s7 =	simm.s32 @!p0 $0x108  }
0x21: {  	s3 =	sadd.s32 s3, s9;
	s6 =	sadd.s32 @!p0 $0x88, s6;
	s7 =	simm.s32 @p2 $0x1082  }
0x22: {  	[simem:s7], [sflag:s8] =	dma.local @!p0 [hbm:s6], $0xF7A  }
0x23: {  	s9 =	sor.u32 $0xD0000000, s2;
	s6 =	simm.s32 $0x108;
	_ =	swait.ge @!p0 [sflag:s8], $0x0  }
0x24: {  	s3 =	sadd.s32 $0x88, s3;
	s6 =	simm.s32 @!p1 $0x1082;
	[sflag:s4] =	ssyncset.s32 $0xFFFFF086  }
0x25: {  	[simem:s6], [sflag:s4] =	dma.local [hbm:s3], $0xF7A  }
0x26: {  	[smem:$0x3F99] =	sst s1;
	(tag) =	ssettag s2;
	_ =	strace s9  }
0x27: {  	s1 =	sld [smem:$0x3FA9]  }
0x28: {  	s2 =	sld [smem:$0x3FAA]  }
0x29: {  	s4 =	sld [smem:$0x3FAC]  }
0x2a: {  	p0 =	seq.s32 s5, $0x0;
	s5 =	sld [smem:$0x3FAD]  }
0x2b: {  	s6 =	sld [smem:$0x3FAE]  }
0x2c: {  	s7 =	sld [smem:$0x3FAF]  }
0x2d: {  	s3 =	simm.s32 $0x108;
	s8 =	sld [smem:$0x3FB0]  }
0x2e: {  	s3 =	simm.s32 @!p0 $0x1082;
	s9 =	sld [smem:$0x3FB1]  }
0x2f: {  	lr =	sadd.s32 s0, s3;
	s0 =	sld [smem:$0x3FA8]  }
0x30: {  	s3 =	sld [smem:$0x3FAB]  }
0x31: {  	[smem:$0x3FB4] =	sst s10  }
0x32: {  	s10 =	sld [smem:$0x3FB2];
	_ =	sdelay $0x3  }
0x33: {  	p0 =	seq.s32 s10, $0x1;
	s10 =	sld [smem:$0x3FB4];
	_ =	sdelay $0x3  }
0x34: {  	[smem:$0x3FB4] =	sst s10  }
0x35: {  	s10 =	sld [smem:$0x3FB3];
	_ =	sdelay $0x3  }
0x36: {  	p1 =	seq.s32 s10, $0x1;
	s10 =	sld [smem:$0x3FB4];
	_ =	sdelay $0x3  }
0x37: {  	[smem:$0x3FB4] =	sst s10  }
0x38: {  	s10 =	sld [smem:$0x3FB5]  }
0x39: {  	_ = 	snop;
	(pc) =	sbr.ind lr, $3  }
0x3a: {  	_ = 	snop  }
0x3b: {  	_ = 	snop  }
0x3c: {  	p2 =	seq.s32 s10, $0x1;
	s10 =	sld [smem:$0x3FB4]  }
0x3d: {  	_ =	shalt  }
0x3e: {  	_ =	shalt  }
0x3f: {  	_ =	shalt  }
0x40: {  	_ =	shalt  }
0x41: {  	_ =	shalt  }
0x42: {  	_ =	shalt  }
0x43: {  	_ =	shalt  }
0x44: {  	_ =	shalt  }
0x45: {  	_ =	shalt  }
0x46: {  	_ =	shalt  }
0x47: {  	_ =	shalt  }
0x48: {  	_ =	shalt  }
0x49: {  	_ =	shalt  }
0x4a: {  	_ =	shalt  }
0x4b: {  	_ =	shalt  }
0x4c: {  	_ =	shalt  }
0x4d: {  	_ =	shalt  }
0x4e: {  	_ =	shalt  }
0x4f: {  	_ =	shalt  }
0x50: {  	_ =	shalt  }
0x51: {  	_ =	shalt  }
0x52: {  	_ =	shalt  }
0x53: {  	_ =	shalt  }
0x54: {  	_ =	shalt  }
0x55: {  	_ =	shalt  }
0x56: {  	_ =	shalt  }
0x57: {  	_ =	shalt  }
0x58: {  	_ =	shalt  }
0x59: {  	_ =	shalt  }
0x5a: {  	_ =	shalt  }
0x5b: {  	_ =	shalt  }
0x5c: {  	_ =	shalt  }
0x5d: {  	_ =	shalt  }
0x5e: {  	_ =	shalt  }
0x5f: {  	_ =	shalt  }
0x60: {  	_ =	shalt  }
0x61: {  	_ =	shalt  }
0x62: {  	_ =	shalt  }
0x63: {  	_ =	shalt  }
0x64: {  	_ =	shalt  }
0x65: {  	_ =	shalt  }
0x66: {  	_ =	shalt  }
0x67: {  	_ =	shalt  }
0x68: {  	_ =	shalt  }
0x69: {  	_ =	shalt  }
0x6a: {  	_ =	shalt  }
0x6b: {  	_ =	shalt  }
0x6c: {  	_ =	shalt  }
0x6d: {  	_ =	shalt  }
0x6e: {  	_ =	shalt  }
0x6f: {  	_ =	shalt  }
0x70: {  	_ =	shalt  }
0x71: {  	_ =	shalt  }
0x72: {  	_ =	shalt  }
0x73: {  	_ =	shalt  }
0x74: {  	_ =	shalt  }
0x75: {  	_ =	shalt  }
0x76: {  	_ =	shalt  }
0x77: {  	_ =	shalt  }
0x78: {  	_ =	shalt  }
0x79: {  	_ =	shalt  }
0x7a: {  	_ =	shalt  }
0x7b: {  	_ =	shalt  }
0x7c: {  	_ =	shalt  }
0x7d: {  	_ =	shalt  }
0x7e: {  	_ =	shalt  }
0x7f: {  	_ =	shalt  }
0x80: {  	_ =	shalt  }
0x81: {  	_ =	shalt  }
0x82: {  	_ =	shalt  }
0x83: {  	_ =	shalt  }
0x84: {  	_ =	shalt  }
0x85: {  	_ =	shalt  }
0x86: {  	_ =	shalt  }
0x87: {  	_ =	shalt  }
.Lfunc_end0:
.L_simem_size_0:
called_computation.1_lowered:
.L_overlay_start_0:
0x88: {  	s2 =	sld [smem:$0x3FD9]  }
0x89: {  	s3 =	sld [smem:$0x3FFE];
	_ =	sdelay $0x1  }
0x8a: {  	s1 =	srdreg.scid  }
0x8b: {  	s0 =	sand.u32 $0x1, s1  }
0x8c: {  	s16 =	sshll.u32 s0, $0xA;
	s2 =	sadd.s32 s3, s2  }
0x8d: {  	s2 =	sadd.s32 s2, s16  }
0x8e: {  	[smem:$0x3FC0] =	sst s2  }
0x8f: {  	_ = 	snop  }
0x90: {  	(tm) =	ssettm $0x1  }
0x91: {  	s17 =	sld [smem:$0x3FFB];
	_ =	sdelay $0x3  }
0x92: {  	_ =	strace s17  }
0x93: {  	s2 =	sld [smem:$0x3FFC];
	_ =	sdelay $0x3  }
0x94: {  	_ =	strace s2  }
0x95: {  	s2 =	sld [smem:$0x3FFD];
	_ =	sdelay $0x3  }
0x96: {  	_ =	strace s2  }
0x97: {  	_ =	strace $0x8FFFFFFF  }
0x98: {  	s18 =	sld [smem:$0x3FDB];
	_ =	sdelay $0x1  }
0x99: {  	s19 =	simm.s32 $_scs_section_size  }
0x9a: {  	s4 =	simm.s32 $_size__tile_overlayer_lowered;
	s5 =	simm.s32 $_tile_overlayer_lowered  }
0x9b: {  	s22 =	simm.s32 $0x1BFF;
	s21 =	sshll.u32 s5, $0x1;
	s2 =	sadd.s32 s19, s18  }
0x9c: {  	s6 =	simm.s32 $0x0;
	s20 =	sshll.u32 s4, $0x1;
	s4 =	sadd.s32 s21, s2  }
0x9d: {  	[timem:s6], [sflag:s22] =	dma.local [hbm:s4], s20  }
0x9e: {  	_ =	swait.ge [sflag:s22], s20  }
0x9f: {  	s3 =	ssub.s32 $0x0, s20;
	[sflag:s22] =	ssyncset.done $0x0  }
0xa0: {  	[sflag:s22] =	ssyncadd.s32 s3;
	_ =	sdelay $0x1  }
0xa1: {  	s23 =	simm.s32 $0x1B8B  }
0xa2: {  	_ =	swait.ge [sflag:s23], $0x1  }
0xa3: {  	[sflag:s23] =	ssyncset.done $0x0  }
0xa4: {  	s25 =	simm.s32 $0x1B8E;
	s24 =	sld [smem:$0x3FFE];
	[sflag:s23] =	ssyncadd.s32 $0xFFFFFFFF  }
0xa5: {  	s26 =	simm.s32 $execute0_lowered;
	[smem:$0x3FD2] =	sst s25  }
0xa6: {  	s4 =	sshll.u32 s26, $0x1;
	_ =	strace $0x80000049;
	[dreg:$0x1] =	wrdreg $0xFFFFFFFF  }
0xa7: {  	s28 =	simm.s32 $_size_execute0_lowered;
	s2 =	sadd.s32 s2, s4;
	[dreg:$0x0] =	wrdreg $0x0  }
0xa8: {  	s4 =	sshll.u32 s28, $0x1;
	[dreg:$0x2] =	wrdreg s2  }
0xa9: {  	[dreg:$0x3] =	wrdreg s4  }
0xaa: {  	[dreg:$0x4] =	wrdreg $0xC0  }
0xab: {  	_ =	task [dreg:s6], $0x5FFFF  }
0xac: {  	[dreg:$0x1] =	wrdreg $0xFFFFFFFF  }
0xad: {  	[dreg:$0x0] =	wrdreg $0x60  }
0xae: {  	[dreg:$0x2] =	wrdreg s24  }
0xaf: {  	[dreg:$0x3] =	wrdreg $0x150000  }
0xb0: {  	[dreg:$0x4] =	wrdreg $0x19F000  }
0xb1: {  	[dreg:$0x5] =	wrdreg $0x9  }
0xb2: {  	_ =	task.clear_ibuf [dreg:s6], $0x6FFFF;
	_ =	strace $0x90000049  }
0xb3: {  	s29 =	simm.s32 $0x9;
	_ =	strace $0x8000004B  }
0xb4: {  	_ =	swait.ge [sflag:s29], $0x1  }
0xb5: {  	[sflag:s29] =	ssyncadd.s32 $0xFFFFFFFF  }
0xb6: {  	_ =	strace $0x9000004B  }
0xb7: {  	_ =	sfence  }
0xb8: {  	s30 =	sld [smem:$0x0];
	_ =	sdelay $0x2  }
0xb9: {  	s31 =	sshll.u32 s1, $0xD;
	s1 =	sshrl.u32 s1, $0x2  }
0xba: {  	s3 =	sand.u32 $0x4000, s31;
	s1 =	sadd.s32 s1, s30  }
0xbb: {  	s0 =	sor.u32 s3, s0;
	s1 =	sshll.u32 s1, $0x11  }
0xbc: {  	s0 =	sor.u32 s1, s0  }
0xbd: {  	s0 =	sadd.s32 $0x8F2B, s0  }
0xbe: {  	[sflag:s0] =	ssyncadd.remote.s32 $0x1  }
0xbf: {  	_ =	sfence.sel $0xFFFF  }
0xc0: {  	[dreg:$0x0] =	wrdreg $0xFFFFFFFF;
	(pc) =	sbr.abs _section_cstart, $3  }
0xc1: {  	[dreg:$0x1] =	wrdreg $0xFFFFFFFF  }
0xc2: {  	_ =	task.clear_ibuf [dreg:s6], $0x2FFFF;
	_ =	strace $0x9FFFFFFF  }
0xc3: {  	(tm) =	ssettm $0x7FFFFFFF  }
tec
execute0_lowered:
.L_overlay_start_1:
0x0: {  	(tag) =	ssettag $0x1  }
0x1: {  	s0 =	rddreg [dreg:$0x0]  }
0x2: {  	s2 =	rddreg [dreg:$0x1]  }
0x3: {  	s3 =	rddreg [dreg:$0x2]  }
0x4: {  	s4 =	stileid.u32;
	s1 =	srdreg.scid;
	s6 =	simm.s32 $0x0  }
0x5: {  	s11 =	simm.s32 $0x3;
	s16 =	simm.s32 $0x80;
	s17 =	simm.s32 $0x5000  }
0x6: {  	s18 =	simm.s32 $0x6000;
	s29 =	simm.s32 $0xB000;
	s31 =	simm.s32 $0xC000  }
0x7: {  	s19 =	simm.s32 $0xE000;
	s28 =	simm.s32 $0x10000;
	s30 =	simm.s32 $0x13000  }
0x8: {  	s12 =	simm.s32 $0x1;
	s5 =	smul.u32 $0x4F00, s4;
	s1 =	sand.u32 $0x1, s1  }
0x9: {  	[smem:$0x7FF] =	sst s6;
	s25 =	sshll.u32 s4, $0x6;
	s20 =	sshll.u32 s1, $0x4  }
0xa: {  	s7 =	smul.u32 $0x4F000, s1;
	_ =	strace $0x8000004A;
	s9 =	ssub.s32 $0x2, s1  }
0xb: {  	p0 =	seq.s32 s1, $0x0;
	s13 =	sor.u32 $0x1C03, s25;
	s1 =	simm.s32 $0xD000  }
0xc: {  	s25 =	simm.s32 $0x14000;
	s6 =	sor.u32 s4, s20;
	s8 =	sshrl.u32 s5, $0x3  }
0xd: {  	s21 =	sshrl.u32 s9, $0x1;
	s23 =	sadd.s32 s5, s2;
	s20 =	simm.s32 $0x7000  }
0xe: {  	s6 =	smul.u32 $0x500, s6;
	s7 =	sadd.s32 s5, s7;
	s8 =	sadd.s32 s8, s0  }
0xf: {  	s9 =	ssub.s32 s9, s21;
	s5 =	sadd.s32 s5, s3;
	s14 =	sshrl.u32 s23, $0x3  }
0x10: {  	s23 =	simm.s32 $0xF000;
	s21 =	simm.s32 $0x12000;
	s7 =	sshrl.u32 s7, $0x3  }
0x11: {  	s24 =	smax.u32 s9, $0x1;
	s26 =	sshrl.u32 s5, $0x3;
	s5 =	simm.s32 $0x2  }
0x12: {  	s6 =	sadd.s32 s6, s0;
	s0 =	sadd.s32 s7, s0;
	[dreg:$0x9] =	wrdreg s24  }
0x13: {  	s7 =	sadd.s32 $0x16000, s8;
	[dreg:$0xa] =	wrdreg s26;
	s24 =	simm.s32 $0x9000  }
.Ltmp0:
0x14: {  	s22 =	sadd.s32 $0x29C00, s6;
	[dreg:$0x7] =	wrdreg s7;
	(pc) =	sbr.rel .LBB2_1-.Ltmp0, $4  }
0x15: {  	s26 =	simm.s32 $0xA000;
	s6 =	sadd.s32 $0x2200, s6;
	[dreg:$0x4] =	wrdreg s22  }
0x16: {  	s0 =	sadd.s32 $0x33C00, s0;
	[dreg:$0x5] =	wrdreg s6;
	s6 =	sadd.s32 $0xC200, s8  }
0x17: {  	[dreg:$0x8] =	wrdreg s0;
	s22 =	simm.s32 $0x8000;
	s6 =	smov.u32 @p0 s7  }
0x18: {  	s0 =	simm.s32 $0x11000;
	[dreg:$0x6] =	wrdreg s6;
	s6 =	simm.s32 $0x0  }
.LBB2_4:
0x19: {  	[bflag:$0x0] =	sbarrier.arrive $0xFFFF  }
0x1a: {  	s4 =	rddreg [dreg:$0x8]  }
0x1b: {  	[hbm:s4], [sflag:s13] =	dma.local [spmem:s14], $0x9E0  }
0x1c: {  	_ =	swait.ge [sflag:s11], $0x9E0  }
0x1d: {  	s6 =	sadd.s32 $0x1, s6;
	s15 =	rddreg [dreg:$0x9]  }
0x1e: {  	p0 =	sne.s32 s6, s15  }
.Ltmp1:
0x1f: {  	_ = 	snop;
	(pc) =	sbr.rel @!p0 .LBB2_5-.Ltmp1, $3  }
0x20: {  	_ =	sdelay $0x1  }
0x21: {  	[sflag:s11] =	ssyncset.done $0x0  }
0x22: {  	[sflag:s11] =	ssyncadd.s32 $0xFFFFF620  }
.LBB2_1:
0x23: {  	s4 =	simm.s32 $0x0;
	s7 =	rddreg [dreg:$0x4]  }
0x24: {  	[tilespmem:s4], [sflag:$0x3] =	stream.linear.gather [hbm4b:s7+s4], $0x2800, $0x38;
	[tilespmem:$0x1EE00] =	vst v63  }
0x25: {  	_ =	swait.ge [sflag:s11], $0x2800  }
0x26: {  	[sflag:s11] =	ssyncset.done $0x0  }
0x27: {  	s8 =	simm.s32 $0x2800;
	s15 =	rddreg [dreg:$0x5];
	[sflag:s11] =	ssyncadd.s32 $0xFFFFD800  }
0x28: {  	[tilespmem:s8], [sflag:$0x3] =	stream.linear.gather [hbm4b:s15+s4], $0x2800, $0x38;
	[tilespmem:$0x1EE00] =	vst v63  }
0x29: {  	_ =	swait.ge [sflag:s11], $0x2800  }
0x2a: {  	[sflag:s11] =	ssyncset.done $0x0  }
0x2b: {  	s9 =	rddreg [dreg:$0x6];
	[sflag:s11] =	ssyncadd.s32 $0xFFFFD800  }
0x2c: {  	[spmem:s14], [sflag:s13] =	dma.local [hbm:s9], $0x9E0  }
0x2d: {  	_ =	swait.ge [sflag:s11], $0x9E0  }
0x2e: {  	[sflag:s11] =	ssyncset.done $0x0;
	s10 =	rddreg [dreg:$0x7]  }
0x2f: {  	s15 =	rddreg [dreg:$0xa];
	[sflag:s11] =	ssyncadd.s32 $0xFFFFF620  }
0x30: {  	[spmem:s15], [sflag:s13] =	dma.local [hbm:s10], $0x9E0  }
0x31: {  	_ =	swait.ge [sflag:s11], $0x9E0  }
0x32: {  	[sflag:s11] =	ssyncset.done $0x0  }
0x33: {  	[sflag:s11] =	ssyncadd.s32 $0xFFFFF620  }
0x34: {  	[bflag:$0x0] =	sbarrier.arrive $0xFFFF  }
0x35: {  	[tilespmem:s17], [sflag:$0x1] =	stream.indirect.gather [spmem:s3], $0x20, s4, s16, $0xb8;
	[tilespmem:$0x1EE00] =	vst v63  }
0x36: {  	_ = 	snop  }
0x37: {  	[tilespmem:s18], [sflag:$0x1] =	stream.indirect.gather [spmem:s3], $0x20, s16, s16, $0xb8;
	[tilespmem:$0x1EE00] =	vst v63  }
0x38: {  	s8 =	simm.s32 $0x100  }
0x39: {  	[tilespmem:s20], [sflag:$0x1] =	stream.indirect.gather [spmem:s3], $0x20, s8, s16, $0xb8;
	[tilespmem:$0x1EE00] =	vst v63  }
0x3a: {  	s9 =	simm.s32 $0x180  }
0x3b: {  	[tilespmem:s22], [sflag:$0x1] =	stream.indirect.gather [spmem:s3], $0x20, s9, s16, $0xb8;
	[tilespmem:$0x1EE00] =	vst v63  }
0x3c: {  	s10 =	simm.s32 $0x200  }
0x3d: {  	[tilespmem:s24], [sflag:$0x1] =	stream.indirect.gather [spmem:s3], $0x20, s10, s16, $0xb8;
	[tilespmem:$0x1EE00] =	vst v63  }
0x3e: {  	s15 =	simm.s32 $0x280  }
0x3f: {  	[tilespmem:s26], [sflag:$0x1] =	stream.indirect.gather [spmem:s3], $0x20, s15, s16, $0xb8;
	[tilespmem:$0x1EE00] =	vst v63  }
0x40: {  	s7 =	simm.s32 $0x300  }
0x41: {  	[tilespmem:s29], [sflag:$0x1] =	stream.indirect.gather [spmem:s3], $0x20, s7, s16, $0xb8;
	[tilespmem:$0x1EE00] =	vst v63  }
0x42: {  	s8 =	simm.s32 $0x380  }
0x43: {  	[tilespmem:s31], [sflag:$0x1] =	stream.indirect.gather [spmem:s3], $0x20, s8, s16, $0xb8;
	[tilespmem:$0x1EE00] =	vst v63  }
0x44: {  	s9 =	simm.s32 $0x400  }
0x45: {  	[tilespmem:s1], [sflag:$0x1] =	stream.indirect.gather [spmem:s3], $0x20, s9, s16, $0xb8;
	[tilespmem:$0x1EE00] =	vst v63  }
0x46: {  	s10 =	simm.s32 $0x480  }
0x47: {  	[tilespmem:s19], [sflag:$0x1] =	stream.indirect.gather [spmem:s3], $0x20, s10, s16, $0xb8;
	[tilespmem:$0x1EE00] =	vst v63  }
0x48: {  	s15 =	simm.s32 $0x500  }
0x49: {  	[tilespmem:s23], [sflag:$0x1] =	stream.indirect.gather [spmem:s3], $0x20, s15, s16, $0xb8;
	[tilespmem:$0x1EE00] =	vst v63  }
0x4a: {  	s7 =	simm.s32 $0x580  }
0x4b: {  	[tilespmem:s28], [sflag:$0x1] =	stream.indirect.gather [spmem:s3], $0x20, s7, s16, $0xb8;
	[tilespmem:$0x1EE00] =	vst v63  }
0x4c: {  	s8 =	simm.s32 $0x600  }
0x4d: {  	[tilespmem:s0], [sflag:$0x1] =	stream.indirect.gather [spmem:s3], $0x20, s8, s16, $0xb8;
	[tilespmem:$0x1EE00] =	vst v63  }
0x4e: {  	s9 =	simm.s32 $0x680  }
0x4f: {  	[tilespmem:s21], [sflag:$0x1] =	stream.indirect.gather [spmem:s3], $0x20, s9, s16, $0xb8;
	[tilespmem:$0x1EE00] =	vst v63  }
0x50: {  	s10 =	simm.s32 $0x700  }
0x51: {  	[tilespmem:s30], [sflag:$0x1] =	stream.indirect.gather [spmem:s3], $0x20, s10, s16, $0xb8;
	[tilespmem:$0x1EE00] =	vst v63  }
0x52: {  	s15 =	simm.s32 $0x780;
	s9 =	simm.s32 $0x0  }
0x53: {  	[tilespmem:s25], [sflag:$0x1] =	stream.indirect.gather [spmem:s3], $0x20, s15, s16, $0xb8;
	[tilespmem:$0x1EE00] =	vst v63  }
.LBB2_2:
0x54: {  	_ =	swait.ge [sflag:s12], $0x1000  }
0x55: {  	[sflag:s12] =	ssyncset.done $0x0  }
0x56: {  	[sflag:s12] =	ssyncadd.s32 $0xFFFFF000  }
0x57: {  	_ =	swait.ge [sflag:s12], $0x1000  }
0x58: {  	[sflag:s12] =	ssyncset.done $0x0  }
0x59: {  	[sflag:s12] =	ssyncadd.s32 $0xFFFFF000  }
0x5a: {  	_ =	swait.ge [sflag:s12], $0x1000  }
0x5b: {  	[sflag:s12] =	ssyncset.done $0x0  }
0x5c: {  	[sflag:s12] =	ssyncadd.s32 $0xFFFFF000  }
0x5d: {  	_ =	swait.ge [sflag:s12], $0x1000  }
0x5e: {  	[sflag:s12] =	ssyncset.done $0x0  }
0x5f: {  	[sflag:s12] =	ssyncadd.s32 $0xFFFFF000  }
0x60: {  	_ =	swait.ge [sflag:s12], $0x1000  }
0x61: {  	[sflag:s12] =	ssyncset.done $0x0  }
0x62: {  	[sflag:s12] =	ssyncadd.s32 $0xFFFFF000  }
0x63: {  	_ =	swait.ge [sflag:s12], $0x1000  }
0x64: {  	[sflag:s12] =	ssyncset.done $0x0  }
0x65: {  	[sflag:s12] =	ssyncadd.s32 $0xFFFFF000  }
0x66: {  	_ =	swait.ge [sflag:s12], $0x1000  }
0x67: {  	[sflag:s12] =	ssyncset.done $0x0  }
0x68: {  	[sflag:s12] =	ssyncadd.s32 $0xFFFFF000  }
0x69: {  	_ =	swait.ge [sflag:s12], $0x1000  }
0x6a: {  	s10 =	sshra.s32 s9, $0x2;
	[sflag:s12] =	ssyncset.done $0x0  }
0x6b: {  	s8 =	sadd.s32 $0x2800, s10;
	[sflag:s12] =	ssyncadd.s32 $0xFFFFF000  }
0x6c: {  	[spmem:s2] =	stream.indirect.scatter.add.f32 [tilespmem:s17], [sflag:$0x2], $0x20, s8, s16, $0xb8;
	[tilespmem:$0x1EE00] =	vst v63  }
0x6d: {  	s4 =	sadd.s32 $0x2880, s10  }
0x6e: {  	[spmem:s2] =	stream.indirect.scatter.add.f32 [tilespmem:s18], [sflag:$0x2], $0x20, s4, s16, $0xb8;
	[tilespmem:$0x1EE00] =	vst v63  }
0x6f: {  	s7 =	sadd.s32 $0x2900, s10  }
0x70: {  	[spmem:s2] =	stream.indirect.scatter.add.f32 [tilespmem:s20], [sflag:$0x2], $0x20, s7, s16, $0xb8;
	[tilespmem:$0x1EE00] =	vst v63  }
0x71: {  	s15 =	sadd.s32 $0x2980, s10  }
0x72: {  	[spmem:s2] =	stream.indirect.scatter.add.f32 [tilespmem:s22], [sflag:$0x2], $0x20, s15, s16, $0xb8;
	[tilespmem:$0x1EE00] =	vst v63  }
0x73: {  	s4 =	sadd.s32 $0x2A00, s10  }
0x74: {  	[spmem:s2] =	stream.indirect.scatter.add.f32 [tilespmem:s24], [sflag:$0x2], $0x20, s4, s16, $0xb8;
	[tilespmem:$0x1EE00] =	vst v63  }
0x75: {  	s7 =	sadd.s32 $0x2A80, s10  }
0x76: {  	[spmem:s2] =	stream.indirect.scatter.add.f32 [tilespmem:s26], [sflag:$0x2], $0x20, s7, s16, $0xb8;
	[tilespmem:$0x1EE00] =	vst v63  }
0x77: {  	s15 =	sadd.s32 $0x2B00, s10  }
0x78: {  	[spmem:s2] =	stream.indirect.scatter.add.f32 [tilespmem:s29], [sflag:$0x2], $0x20, s15, s16, $0xb8;
	[tilespmem:$0x1EE00] =	vst v63  }
0x79: {  	s4 =	sadd.s32 $0x2B80, s10  }
0x7a: {  	[spmem:s2] =	stream.indirect.scatter.add.f32 [tilespmem:s31], [sflag:$0x2], $0x20, s4, s16, $0xb8;
	[tilespmem:$0x1EE00] =	vst v63  }
0x7b: {  	_ =	swait.ge [sflag:s12], $0x1000  }
0x7c: {  	[sflag:s12] =	ssyncset.done $0x0  }
0x7d: {  	[sflag:s12] =	ssyncadd.s32 $0xFFFFF000  }
0x7e: {  	_ =	swait.ge [sflag:s12], $0x1000  }
0x7f: {  	[sflag:s12] =	ssyncset.done $0x0  }
0x80: {  	[sflag:s12] =	ssyncadd.s32 $0xFFFFF000  }
0x81: {  	_ =	swait.ge [sflag:s12], $0x1000  }
0x82: {  	[sflag:s12] =	ssyncset.done $0x0  }
0x83: {  	[sflag:s12] =	ssyncadd.s32 $0xFFFFF000  }
0x84: {  	_ =	swait.ge [sflag:s12], $0x1000  }
0x85: {  	[sflag:s12] =	ssyncset.done $0x0  }
0x86: {  	[sflag:s12] =	ssyncadd.s32 $0xFFFFF000  }
0x87: {  	_ =	swait.ge [sflag:s12], $0x1000  }
0x88: {  	[sflag:s12] =	ssyncset.done $0x0  }
0x89: {  	[sflag:s12] =	ssyncadd.s32 $0xFFFFF000  }
0x8a: {  	_ =	swait.ge [sflag:s12], $0x1000  }
0x8b: {  	[sflag:s12] =	ssyncset.done $0x0  }
0x8c: {  	[sflag:s12] =	ssyncadd.s32 $0xFFFFF000  }
0x8d: {  	_ =	swait.ge [sflag:s12], $0x1000  }
0x8e: {  	[sflag:s12] =	ssyncset.done $0x0  }
0x8f: {  	[sflag:s12] =	ssyncadd.s32 $0xFFFFF000  }
0x90: {  	_ =	swait.ge [sflag:s12], $0x1000  }
0x91: {  	[sflag:s12] =	ssyncset.done $0x0  }
0x92: {  	s7 =	sadd.s32 $0x2C00, s10;
	[sflag:s12] =	ssyncadd.s32 $0xFFFFF000  }
0x93: {  	[spmem:s2] =	stream.indirect.scatter.add.f32 [tilespmem:s1], [sflag:$0x2], $0x20, s7, s16, $0xb8;
	[tilespmem:$0x1EE00] =	vst v63  }
0x94: {  	s15 =	sadd.s32 $0x2C80, s10  }
0x95: {  	[spmem:s2] =	stream.indirect.scatter.add.f32 [tilespmem:s19], [sflag:$0x2], $0x20, s15, s16, $0xb8;
	[tilespmem:$0x1EE00] =	vst v63  }
0x96: {  	s4 =	sadd.s32 $0x2D00, s10  }
0x97: {  	[spmem:s2] =	stream.indirect.scatter.add.f32 [tilespmem:s23], [sflag:$0x2], $0x20, s4, s16, $0xb8;
	[tilespmem:$0x1EE00] =	vst v63  }
0x98: {  	s7 =	sadd.s32 $0x2D80, s10  }
0x99: {  	[spmem:s2] =	stream.indirect.scatter.add.f32 [tilespmem:s28], [sflag:$0x2], $0x20, s7, s16, $0xb8;
	[tilespmem:$0x1EE00] =	vst v63  }
0x9a: {  	s15 =	sadd.s32 $0x2E00, s10  }
0x9b: {  	[spmem:s2] =	stream.indirect.scatter.add.f32 [tilespmem:s0], [sflag:$0x2], $0x20, s15, s16, $0xb8;
	[tilespmem:$0x1EE00] =	vst v63  }
0x9c: {  	s4 =	sadd.s32 $0x2E80, s10  }
0x9d: {  	[spmem:s2] =	stream.indirect.scatter.add.f32 [tilespmem:s21], [sflag:$0x2], $0x20, s4, s16, $0xb8;
	[tilespmem:$0x1EE00] =	vst v63  }
0x9e: {  	s7 =	sadd.s32 $0x2F00, s10  }
0x9f: {  	[spmem:s2] =	stream.indirect.scatter.add.f32 [tilespmem:s30], [sflag:$0x2], $0x20, s7, s16, $0xb8;
	[tilespmem:$0x1EE00] =	vst v63  }
0xa0: {  	s15 =	sadd.s32 $0x2F80, s10  }
0xa1: {  	[spmem:s2] =	stream.indirect.scatter.add.f32 [tilespmem:s25], [sflag:$0x2], $0x20, s15, s16, $0xb8;
	[tilespmem:$0x1EE00] =	vst v63  }
0xa2: {  	_ =	swait.ge [sflag:s5], $0x1000  }
0xa3: {  	[sflag:s5] =	ssyncset.done $0x0  }
0xa4: {  	[sflag:s5] =	ssyncadd.s32 $0xFFFFF000  }
0xa5: {  	_ =	swait.ge [sflag:s5], $0x1000  }
0xa6: {  	[sflag:s5] =	ssyncset.done $0x0  }
0xa7: {  	[sflag:s5] =	ssyncadd.s32 $0xFFFFF000  }
0xa8: {  	_ =	swait.ge [sflag:s5], $0x1000  }
0xa9: {  	[sflag:s5] =	ssyncset.done $0x0  }
0xaa: {  	[sflag:s5] =	ssyncadd.s32 $0xFFFFF000  }
0xab: {  	_ =	swait.ge [sflag:s5], $0x1000  }
0xac: {  	[sflag:s5] =	ssyncset.done $0x0  }
0xad: {  	[sflag:s5] =	ssyncadd.s32 $0xFFFFF000  }
0xae: {  	_ =	swait.ge [sflag:s5], $0x1000  }
0xaf: {  	[sflag:s5] =	ssyncset.done $0x0  }
0xb0: {  	[sflag:s5] =	ssyncadd.s32 $0xFFFFF000  }
0xb1: {  	_ =	swait.ge [sflag:s5], $0x1000  }
0xb2: {  	[sflag:s5] =	ssyncset.done $0x0  }
0xb3: {  	[sflag:s5] =	ssyncadd.s32 $0xFFFFF000  }
0xb4: {  	_ =	swait.ge [sflag:s5], $0x1000  }
0xb5: {  	[sflag:s5] =	ssyncset.done $0x0  }
0xb6: {  	[sflag:s5] =	ssyncadd.s32 $0xFFFFF000  }
0xb7: {  	p0 =	seq.s32 s9, $0x8000;
	_ =	swait.ge [sflag:s5], $0x1000  }
0xb8: {  	s8 =	sshra.s32 @!p0 s9, $0x2;
	s4 =	simm.s32 @!p0 $0x5000;
	[sflag:s5] =	ssyncset.done $0x0  }
0xb9: {  	s7 =	simm.s32 @!p0 $0x80;
	s15 =	sadd.s32 @!p0 $0x800, s8;
	[sflag:s5] =	ssyncadd.s32 $0xFFFFF000  }
0xba: {  	[tilespmem:s4], [sflag:$0x1] =	stream.indirect.gather @!p0 [spmem:s3], $0x20, s15, s7, $0xb8;
	[tilespmem:$0x1EE00] =	vst v63  }
0xbb: {  	s4 =	sadd.s32 @!p0 $0x880, s8;
	s15 =	simm.s32 @!p0 $0x6000  }
0xbc: {  	[tilespmem:s15], [sflag:$0x1] =	stream.indirect.gather @!p0 [spmem:s3], $0x20, s4, s7, $0xb8;
	[tilespmem:$0x1EE00] =	vst v63  }
0xbd: {  	s4 =	sadd.s32 @!p0 $0x900, s8;
	s15 =	simm.s32 @!p0 $0x7000  }
0xbe: {  	[tilespmem:s15], [sflag:$0x1] =	stream.indirect.gather @!p0 [spmem:s3], $0x20, s4, s7, $0xb8;
	[tilespmem:$0x1EE00] =	vst v63  }
0xbf: {  	s4 =	sadd.s32 @!p0 $0x980, s8;
	s15 =	simm.s32 @!p0 $0x8000  }
0xc0: {  	[tilespmem:s15], [sflag:$0x1] =	stream.indirect.gather @!p0 [spmem:s3], $0x20, s4, s7, $0xb8;
	[tilespmem:$0x1EE00] =	vst v63  }
0xc1: {  	s4 =	sadd.s32 @!p0 $0xA00, s8;
	s15 =	simm.s32 @!p0 $0x9000  }
0xc2: {  	[tilespmem:s15], [sflag:$0x1] =	stream.indirect.gather @!p0 [spmem:s3], $0x20, s4, s7, $0xb8;
	[tilespmem:$0x1EE00] =	vst v63  }
0xc3: {  	s4 =	sadd.s32 @!p0 $0xA80, s8;
	s15 =	simm.s32 @!p0 $0xA000  }
0xc4: {  	[tilespmem:s15], [sflag:$0x1] =	stream.indirect.gather @!p0 [spmem:s3], $0x20, s4, s7, $0xb8;
	[tilespmem:$0x1EE00] =	vst v63  }
0xc5: {  	s4 =	sadd.s32 @!p0 $0xB00, s8;
	s15 =	simm.s32 @!p0 $0xB000  }
0xc6: {  	[tilespmem:s15], [sflag:$0x1] =	stream.indirect.gather @!p0 [spmem:s3], $0x20, s4, s7, $0xb8;
	[tilespmem:$0x1EE00] =	vst v63  }
0xc7: {  	s4 =	sadd.s32 @!p0 $0xB80, s8;
	s8 =	simm.s32 @!p0 $0xC000  }
0xc8: {  	[tilespmem:s8], [sflag:$0x1] =	stream.indirect.gather @!p0 [spmem:s3], $0x20, s4, s7, $0xb8;
	[tilespmem:$0x1EE00] =	vst v63  }
0xc9: {  	_ =	swait.ge [sflag:s5], $0x1000  }
0xca: {  	[sflag:s5] =	ssyncset.done $0x0  }
0xcb: {  	[sflag:s5] =	ssyncadd.s32 $0xFFFFF000  }
0xcc: {  	_ =	swait.ge [sflag:s5], $0x1000  }
0xcd: {  	[sflag:s5] =	ssyncset.done $0x0  }
0xce: {  	[sflag:s5] =	ssyncadd.s32 $0xFFFFF000  }
0xcf: {  	_ =	swait.ge [sflag:s5], $0x1000  }
0xd0: {  	[sflag:s5] =	ssyncset.done $0x0  }
0xd1: {  	[sflag:s5] =	ssyncadd.s32 $0xFFFFF000  }
0xd2: {  	_ =	swait.ge [sflag:s5], $0x1000  }
0xd3: {  	[sflag:s5] =	ssyncset.done $0x0  }
0xd4: {  	[sflag:s5] =	ssyncadd.s32 $0xFFFFF000  }
0xd5: {  	_ =	swait.ge [sflag:s5], $0x1000  }
0xd6: {  	[sflag:s5] =	ssyncset.done $0x0  }
0xd7: {  	[sflag:s5] =	ssyncadd.s32 $0xFFFFF000  }
0xd8: {  	_ =	swait.ge [sflag:s5], $0x1000  }
0xd9: {  	[sflag:s5] =	ssyncset.done $0x0  }
0xda: {  	[sflag:s5] =	ssyncadd.s32 $0xFFFFF000  }
0xdb: {  	_ =	swait.ge [sflag:s5], $0x1000  }
.Ltmp2:
0xdc: {  	[sflag:s5] =	ssyncset.done $0x0;
	(pc) =	sbr.rel @p0 .LBB2_4-.Ltmp2, $4  }
0xdd: {  	[sflag:s5] =	ssyncadd.s32 $0xFFFFF000  }
0xde: {  	_ =	swait.ge [sflag:s5], $0x1000  }
0xdf: {  	[sflag:s5] =	ssyncset.done $0x0  }
0xe0: {  	[sflag:s5] =	ssyncadd.s32 $0xFFFFF000  }
0xe1: {  	s4 =	sadd.s32 $0xC00, s10  }
0xe2: {  	[tilespmem:s1], [sflag:$0x1] =	stream.indirect.gather [spmem:s3], $0x20, s4, s16, $0xb8;
	[tilespmem:$0x1EE00] =	vst v63  }
0xe3: {  	s15 =	sadd.s32 $0xC80, s10  }
0xe4: {  	[tilespmem:s19], [sflag:$0x1] =	stream.indirect.gather [spmem:s3], $0x20, s15, s16, $0xb8;
	[tilespmem:$0x1EE00] =	vst v63  }
0xe5: {  	s7 =	sadd.s32 $0xD00, s10  }
0xe6: {  	[tilespmem:s23], [sflag:$0x1] =	stream.indirect.gather [spmem:s3], $0x20, s7, s16, $0xb8;
	[tilespmem:$0x1EE00] =	vst v63  }
0xe7: {  	s8 =	sadd.s32 $0xD80, s10  }
0xe8: {  	[tilespmem:s28], [sflag:$0x1] =	stream.indirect.gather [spmem:s3], $0x20, s8, s16, $0xb8;
	[tilespmem:$0x1EE00] =	vst v63  }
0xe9: {  	s15 =	sadd.s32 $0xE00, s10  }
0xea: {  	[tilespmem:s0], [sflag:$0x1] =	stream.indirect.gather [spmem:s3], $0x20, s15, s16, $0xb8;
	[tilespmem:$0x1EE00] =	vst v63  }
0xeb: {  	s7 =	sadd.s32 $0xE80, s10  }
0xec: {  	[tilespmem:s21], [sflag:$0x1] =	stream.indirect.gather [spmem:s3], $0x20, s7, s16, $0xb8;
	[tilespmem:$0x1EE00] =	vst v63  }
.Ltmp3:
0xed: {  	_ = 	snop;
	(pc) =	sbr.rel .LBB2_2-.Ltmp3, $4  }
0xee: {  	s8 =	sadd.s32 $0xF00, s10  }
0xef: {  	[tilespmem:s30], [sflag:$0x1] =	stream.indirect.gather [spmem:s3], $0x20, s8, s16, $0xb8;
	[tilespmem:$0x1EE00] =	vst v63  }
0xf0: {  	s9 =	sadd.s32 $0x2000, s9;
	s15 =	sadd.s32 $0xF80, s10  }
0xf1: {  	[tilespmem:s25], [sflag:$0x1] =	stream.indirect.gather [spmem:s3], $0x20, s15, s16, $0xb8;
	[tilespmem:$0x1EE00] =	vst v63  }
.LBB2_5:
0xf2: {  	_ =	sfence.sel $0x180000  }
0xf3: {  	[bflag:$0x0] =	sbarrier.arrive $0xFFFF  }
0xf4: {  	_ =	strace $0x9000004A  }
0xf5: {  	s0 =	stileid.u32;
	[bflag:$0x2] =	sbarrier.arrive $0xFFFF  }
0xf6: {  	p0 =	sne.s32 s0, $0x0;
	s0 =	rddreg [dreg:$0x3]  }
0xf7: {  	s0 =	sadd.s32 @!p0 $0x100000, s0  }
0xf8: {  	[sflag:s0] =	ssyncadd.tile.s32 @!p0 $0x1;
	_ =	shalt  }
.Lfunc_end2:
_tile_overlayer_lowered:
.L_overlay_start_2:
0xf9: {  	(tag) =	ssettag $0x2  }
0xfa: {  	s0 =	rddreg [dreg:$0x0];
	s2 =	stileid.u32  }
0xfb: {  	s1 =	rddreg [dreg:$0x1];
	p0 =	sne.s32 s2, $0x0  }
0xfc: {  	s3 =	rddreg [dreg:$0x2];
	[bflag:$0x3] =	sbarrier.arrive $0xFFFF;
	s2 =	simm.s32 @!p0 $0x1C03  }
0xfd: {  	[timem:s3], [sflag:s2] =	dma.local @!p0 [hbm:s0], s1  }
0xfe: {  	s0 =	simm.s32 @!p0 $0x3  }
0xff: {  	_ =	swait.ge @!p0 [sflag:s0], s1  }
0x100: {  	s1 =	ssub.s32 @!p0 $0x0, s1;
	[sflag:s0] =	ssyncset.done @!p0 $0x0  }
0x101: {  	[sflag:s0] =	ssyncadd.s32 @!p0 s1  }
0x102: {  	[bflag:$0x3] =	sbarrier.arrive $0xFFFF  }
0x103: {  	_ =	shalt  }

// kernel: kernel.15.cloned.1.call-start
scs
__scs_entry_jumppad:
0x0: {  	(pc) =	sbr.rel $0x88, $3  }
0x1: {  	(tag) =	ssettag $0x0;
	lr =	simm.s32 $0x1  }
0x2: {  	[smem:$0x3F99] =	sst lr;
	_ =	strace $0xD0000000  }
0x3: {  	_ = 	snop  }
0x4: {  	_ = 	snop  }
0x5: {  	_ = 	snop  }
0x6: {  	_ = 	snop  }
0x7: {  	_ = 	snop  }
__scs_overlays_trampoline_lowered:
0x8: {  	[smem:$0x3FA8] =	sst s0  }
0x9: {  	[smem:$0x3FA9] =	sst s1  }
0xa: {  	[smem:$0x3FAA] =	sst s2  }
0xb: {  	[smem:$0x3FAB] =	sst s3  }
0xc: {  	[smem:$0x3FAC] =	sst s4  }
0xd: {  	[smem:$0x3FAD] =	sst s5  }
0xe: {  	[smem:$0x3FAE] =	sst s6  }
0xf: {  	[smem:$0x3FAF] =	sst s7  }
0x10: {  	[smem:$0x3FB0] =	sst s8  }
0x11: {  	[smem:$0x3FB1] =	sst s9;
	s0 =	simm.s32 @!p0 $0x0  }
0x12: {  	s1 =	sld [smem:$0x3F97];
	s0 =	simm.s32 @p0 $0x1  }
0x13: {  	[smem:$0x3FB2] =	sst s0;
	s0 =	simm.s32 @!p1 $0x0  }
0x14: {  	s2 =	sld [smem:$0x3F96];
	s0 =	simm.s32 @p1 $0x1  }
0x15: {  	[smem:$0x3FB3] =	sst s0;
	s0 =	simm.s32 @!p2 $0x0  }
0x16: {  	s3 =	sld [smem:$0x3FDB];
	s0 =	simm.s32 @p2 $0x1  }
0x17: {  	s4 =	simm.s32 $0x1BF5;
	[smem:$0x3FB5] =	sst s0  }
0x18: {  	s0 =	sld [smem:$0x3F98];
	_ =	swait.ge [sflag:s4], $0x0  }
0x19: {  	s7 =	sld [smem:$0x3F99]  }
0x1a: {  	s8 =	sadd.s32 $0xFFFFE003, lr  }
0x1b: {  	s9 =	sadd.s32 $0xFFFFFEF7, lr;
	s5 =	simm.s32 $0xFFFFFFFF;
	p2 =	slt.u32 s8, $0xFFFFF086  }
0x1c: {  	p1 =	slt.u32 s9, $0xF7A;
	s5 =	simm.s32 @!p2 $0x0  }
0x1d: {  	s5 =	simm.s32 @p1 $0x1;
	p0 =	seq.s32 s7, s2  }
0x1e: {  	s7 =	smul.u32 @!p0 $0xF7A, s2;
	p2 =	seq.s32 @!p0 s5, $0x0  }
0x1f: {  	s9 =	smul.u32 $0xF7A, s1;
	s8 =	simm.s32 @!p0 $0x1BF5;
	p2 =	por !p2, p0  }
0x20: {  	[sflag:s8] =	ssyncset.s32 @!p0 $0xFFFFF086;
	s6 =	sadd.s32 @!p0 s3, s7;
	s7 =	simm.s32 @!p0 $0x108  }
0x21: {  	s3 =	sadd.s32 s3, s9;
	s6 =	sadd.s32 @!p0 $0x88, s6;
	s7 =	simm.s32 @p2 $0x1082  }
0x22: {  	[simem:s7], [sflag:s8] =	dma.local @!p0 [hbm:s6], $0xF7A  }
0x23: {  	s9 =	sor.u32 $0xD0000000, s2;
	s6 =	simm.s32 $0x108;
	_ =	swait.ge @!p0 [sflag:s8], $0x0  }
0x24: {  	s3 =	sadd.s32 $0x88, s3;
	s6 =	simm.s32 @!p1 $0x1082;
	[sflag:s4] =	ssyncset.s32 $0xFFFFF086  }
0x25: {  	[simem:s6], [sflag:s4] =	dma.local [hbm:s3], $0xF7A  }
0x26: {  	[smem:$0x3F99] =	sst s1;
	(tag) =	ssettag s2;
	_ =	strace s9  }
0x27: {  	s1 =	sld [smem:$0x3FA9]  }
0x28: {  	s2 =	sld [smem:$0x3FAA]  }
0x29: {  	s4 =	sld [smem:$0x3FAC]  }
0x2a: {  	p0 =	seq.s32 s5, $0x0;
	s5 =	sld [smem:$0x3FAD]  }
0x2b: {  	s6 =	sld [smem:$0x3FAE]  }
0x2c: {  	s7 =	sld [smem:$0x3FAF]  }
0x2d: {  	s3 =	simm.s32 $0x108;
	s8 =	sld [smem:$0x3FB0]  }
0x2e: {  	s3 =	simm.s32 @!p0 $0x1082;
	s9 =	sld [smem:$0x3FB1]  }
0x2f: {  	lr =	sadd.s32 s0, s3;
	s0 =	sld [smem:$0x3FA8]  }
0x30: {  	s3 =	sld [smem:$0x3FAB]  }
0x31: {  	[smem:$0x3FB4] =	sst s10  }
0x32: {  	s10 =	sld [smem:$0x3FB2];
	_ =	sdelay $0x3  }
0x33: {  	p0 =	seq.s32 s10, $0x1;
	s10 =	sld [smem:$0x3FB4];
	_ =	sdelay $0x3  }
0x34: {  	[smem:$0x3FB4] =	sst s10  }
0x35: {  	s10 =	sld [smem:$0x3FB3];
	_ =	sdelay $0x3  }
0x36: {  	p1 =	seq.s32 s10, $0x1;
	s10 =	sld [smem:$0x3FB4];
	_ =	sdelay $0x3  }
0x37: {  	[smem:$0x3FB4] =	sst s10  }
0x38: {  	s10 =	sld [smem:$0x3FB5]  }
0x39: {  	_ = 	snop;
	(pc) =	sbr.ind lr, $3  }
0x3a: {  	_ = 	snop  }
0x3b: {  	_ = 	snop  }
0x3c: {  	p2 =	seq.s32 s10, $0x1;
	s10 =	sld [smem:$0x3FB4]  }
0x3d: {  	_ =	shalt  }
0x3e: {  	_ =	shalt  }
0x3f: {  	_ =	shalt  }
0x40: {  	_ =	shalt  }
0x41: {  	_ =	shalt  }
0x42: {  	_ =	shalt  }
0x43: {  	_ =	shalt  }
0x44: {  	_ =	shalt  }
0x45: {  	_ =	shalt  }
0x46: {  	_ =	shalt  }
0x47: {  	_ =	shalt  }
0x48: {  	_ =	shalt  }
0x49: {  	_ =	shalt  }
0x4a: {  	_ =	shalt  }
0x4b: {  	_ =	shalt  }
0x4c: {  	_ =	shalt  }
0x4d: {  	_ =	shalt  }
0x4e: {  	_ =	shalt  }
0x4f: {  	_ =	shalt  }
0x50: {  	_ =	shalt  }
0x51: {  	_ =	shalt  }
0x52: {  	_ =	shalt  }
0x53: {  	_ =	shalt  }
0x54: {  	_ =	shalt  }
0x55: {  	_ =	shalt  }
0x56: {  	_ =	shalt  }
0x57: {  	_ =	shalt  }
0x58: {  	_ =	shalt  }
0x59: {  	_ =	shalt  }
0x5a: {  	_ =	shalt  }
0x5b: {  	_ =	shalt  }
0x5c: {  	_ =	shalt  }
0x5d: {  	_ =	shalt  }
0x5e: {  	_ =	shalt  }
0x5f: {  	_ =	shalt  }
0x60: {  	_ =	shalt  }
0x61: {  	_ =	shalt  }
0x62: {  	_ =	shalt  }
0x63: {  	_ =	shalt  }
0x64: {  	_ =	shalt  }
0x65: {  	_ =	shalt  }
0x66: {  	_ =	shalt  }
0x67: {  	_ =	shalt  }
0x68: {  	_ =	shalt  }
0x69: {  	_ =	shalt  }
0x6a: {  	_ =	shalt  }
0x6b: {  	_ =	shalt  }
0x6c: {  	_ =	shalt  }
0x6d: {  	_ =	shalt  }
0x6e: {  	_ =	shalt  }
0x6f: {  	_ =	shalt  }
0x70: {  	_ =	shalt  }
0x71: {  	_ =	shalt  }
0x72: {  	_ =	shalt  }
0x73: {  	_ =	shalt  }
0x74: {  	_ =	shalt  }
0x75: {  	_ =	shalt  }
0x76: {  	_ =	shalt  }
0x77: {  	_ =	shalt  }
0x78: {  	_ =	shalt  }
0x79: {  	_ =	shalt  }
0x7a: {  	_ =	shalt  }
0x7b: {  	_ =	shalt  }
0x7c: {  	_ =	shalt  }
0x7d: {  	_ =	shalt  }
0x7e: {  	_ =	shalt  }
0x7f: {  	_ =	shalt  }
0x80: {  	_ =	shalt  }
0x81: {  	_ =	shalt  }
0x82: {  	_ =	shalt  }
0x83: {  	_ =	shalt  }
0x84: {  	_ =	shalt  }
0x85: {  	_ =	shalt  }
0x86: {  	_ =	shalt  }
0x87: {  	_ =	shalt  }
.Lfunc_end0:
.L_simem_size_0:
called_computation.2_lowered:
.L_overlay_start_0:
0x88: {  	s2 =	sld [smem:$0x3FD9]  }
0x89: {  	s3 =	sld [smem:$0x3FFE];
	_ =	sdelay $0x1  }
0x8a: {  	s1 =	srdreg.scid  }
0x8b: {  	s0 =	sand.u32 $0x1, s1  }
0x8c: {  	s16 =	sshll.u32 s0, $0xA;
	s2 =	sadd.s32 s3, s2  }
0x8d: {  	s2 =	sadd.s32 s2, s16  }
0x8e: {  	[smem:$0x3FC0] =	sst s2  }
0x8f: {  	_ = 	snop  }
0x90: {  	(tm) =	ssettm $0x1  }
0x91: {  	s17 =	sld [smem:$0x3FFB];
	_ =	sdelay $0x3  }
0x92: {  	_ =	strace s17  }
0x93: {  	s2 =	sld [smem:$0x3FFC];
	_ =	sdelay $0x3  }
0x94: {  	_ =	strace s2  }
0x95: {  	s2 =	sld [smem:$0x3FFD];
	_ =	sdelay $0x3  }
0x96: {  	_ =	strace s2  }
0x97: {  	_ =	strace $0x8FFFFFFF  }
0x98: {  	s18 =	sld [smem:$0x3FDB];
	_ =	sdelay $0x1  }
0x99: {  	s19 =	simm.s32 $_scs_section_size  }
0x9a: {  	s4 =	simm.s32 $_size__tile_overlayer_lowered;
	s5 =	simm.s32 $_tile_overlayer_lowered  }
0x9b: {  	s22 =	simm.s32 $0x1BFF;
	s21 =	sshll.u32 s5, $0x1;
	s2 =	sadd.s32 s19, s18  }
0x9c: {  	s6 =	simm.s32 $0x0;
	s20 =	sshll.u32 s4, $0x1;
	s4 =	sadd.s32 s21, s2  }
0x9d: {  	[timem:s6], [sflag:s22] =	dma.local [hbm:s4], s20  }
0x9e: {  	_ =	swait.ge [sflag:s22], s20  }
0x9f: {  	s3 =	ssub.s32 $0x0, s20;
	[sflag:s22] =	ssyncset.done $0x0  }
0xa0: {  	[sflag:s22] =	ssyncadd.s32 s3;
	_ =	sdelay $0x1  }
0xa1: {  	s23 =	simm.s32 $0x1B8B  }
0xa2: {  	_ =	swait.ge [sflag:s23], $0x1  }
0xa3: {  	[sflag:s23] =	ssyncset.done $0x0  }
0xa4: {  	s25 =	simm.s32 $0x1B8E;
	s24 =	sld [smem:$0x3FFE];
	[sflag:s23] =	ssyncadd.s32 $0xFFFFFFFF  }
0xa5: {  	s26 =	simm.s32 $execute0_lowered;
	[smem:$0x3FD2] =	sst s25  }
0xa6: {  	s4 =	sshll.u32 s26, $0x1;
	_ =	strace $0x8000004C;
	[dreg:$0x1] =	wrdreg $0xFFFFFFFF  }
0xa7: {  	s28 =	simm.s32 $_size_execute0_lowered;
	s2 =	sadd.s32 s2, s4;
	[dreg:$0x0] =	wrdreg $0x0  }
0xa8: {  	s4 =	sshll.u32 s28, $0x1;
	[dreg:$0x2] =	wrdreg s2  }
0xa9: {  	[dreg:$0x3] =	wrdreg s4  }
0xaa: {  	[dreg:$0x4] =	wrdreg $0xC0  }
0xab: {  	_ =	task [dreg:s6], $0x5FFFF  }
0xac: {  	[dreg:$0x1] =	wrdreg $0xFFFFFFFF  }
0xad: {  	[dreg:$0x0] =	wrdreg $0x60  }
0xae: {  	[dreg:$0x2] =	wrdreg s24  }
0xaf: {  	[dreg:$0x3] =	wrdreg $0x150000  }
0xb0: {  	[dreg:$0x4] =	wrdreg $0x19F000  }
0xb1: {  	[dreg:$0x5] =	wrdreg $0x9  }
0xb2: {  	_ =	task.clear_ibuf [dreg:s6], $0x6FFFF;
	_ =	strace $0x9000004C  }
0xb3: {  	s29 =	simm.s32 $0x9;
	_ =	strace $0x8000004E  }
0xb4: {  	_ =	swait.ge [sflag:s29], $0x1  }
0xb5: {  	[sflag:s29] =	ssyncadd.s32 $0xFFFFFFFF  }
0xb6: {  	_ =	strace $0x9000004E  }
0xb7: {  	_ =	sfence  }
0xb8: {  	s30 =	sld [smem:$0x0];
	_ =	sdelay $0x2  }
0xb9: {  	s31 =	sshll.u32 s1, $0xD;
	s1 =	sshrl.u32 s1, $0x2  }
0xba: {  	s3 =	sand.u32 $0x4000, s31;
	s1 =	sadd.s32 s1, s30  }
0xbb: {  	s0 =	sor.u32 s3, s0;
	s1 =	sshll.u32 s1, $0x11  }
0xbc: {  	s0 =	sor.u32 s1, s0  }
0xbd: {  	s0 =	sadd.s32 $0x8F2B, s0  }
0xbe: {  	[sflag:s0] =	ssyncadd.remote.s32 $0x1  }
0xbf: {  	_ =	sfence.sel $0xFFFF  }
0xc0: {  	[dreg:$0x0] =	wrdreg $0xFFFFFFFF;
	(pc) =	sbr.abs _section_cstart, $3  }
0xc1: {  	[dreg:$0x1] =	wrdreg $0xFFFFFFFF  }
0xc2: {  	_ =	task.clear_ibuf [dreg:s6], $0x2FFFF;
	_ =	strace $0x9FFFFFFF  }
0xc3: {  	(tm) =	ssettm $0x7FFFFFFF  }
tec
execute0_lowered:
.L_overlay_start_1:
0x0: {  	(tag) =	ssettag $0x1  }
0x1: {  	s0 =	rddreg [dreg:$0x0]  }
0x2: {  	s2 =	rddreg [dreg:$0x1]  }
0x3: {  	s3 =	rddreg [dreg:$0x2]  }
0x4: {  	s4 =	stileid.u32;
	s1 =	srdreg.scid;
	s6 =	simm.s32 $0x0  }
0x5: {  	s11 =	simm.s32 $0x3;
	s16 =	simm.s32 $0x80;
	s17 =	simm.s32 $0x5000  }
0x6: {  	s18 =	simm.s32 $0x6000;
	s29 =	simm.s32 $0xB000;
	s31 =	simm.s32 $0xC000  }
0x7: {  	s19 =	simm.s32 $0xE000;
	s28 =	simm.s32 $0x10000;
	s30 =	simm.s32 $0x13000  }
0x8: {  	s12 =	simm.s32 $0x1;
	s5 =	smul.u32 $0x4F00, s4;
	s1 =	sand.u32 $0x1, s1  }
0x9: {  	[smem:$0x7FF] =	sst s6;
	s25 =	sshll.u32 s4, $0x6;
	s20 =	sshll.u32 s1, $0x4  }
0xa: {  	s7 =	smul.u32 $0x4F000, s1;
	_ =	strace $0x8000004D;
	s9 =	ssub.s32 $0x2, s1  }
0xb: {  	p0 =	seq.s32 s1, $0x0;
	s13 =	sor.u32 $0x1C03, s25;
	s1 =	simm.s32 $0xD000  }
0xc: {  	s25 =	simm.s32 $0x14000;
	s6 =	sor.u32 s4, s20;
	s8 =	sshrl.u32 s5, $0x3  }
0xd: {  	s21 =	sshrl.u32 s9, $0x1;
	s23 =	sadd.s32 s5, s2;
	s20 =	simm.s32 $0x7000  }
0xe: {  	s6 =	smul.u32 $0x500, s6;
	s7 =	sadd.s32 s5, s7;
	s8 =	sadd.s32 s8, s0  }
0xf: {  	s9 =	ssub.s32 s9, s21;
	s5 =	sadd.s32 s5, s3;
	s14 =	sshrl.u32 s23, $0x3  }
0x10: {  	s23 =	simm.s32 $0xF000;
	s21 =	simm.s32 $0x12000;
	s7 =	sshrl.u32 s7, $0x3  }
0x11: {  	s24 =	smax.u32 s9, $0x1;
	s26 =	sshrl.u32 s5, $0x3;
	s5 =	simm.s32 $0x2  }
0x12: {  	s6 =	sadd.s32 s6, s0;
	s0 =	sadd.s32 s7, s0;
	[dreg:$0x9] =	wrdreg s24  }
0x13: {  	s7 =	sadd.s32 $0x16000, s8;
	[dreg:$0xa] =	wrdreg s26;
	s24 =	simm.s32 $0x9000  }
.Ltmp0:
0x14: {  	s22 =	sadd.s32 $0x29C00, s6;
	[dreg:$0x7] =	wrdreg s7;
	(pc) =	sbr.rel .LBB2_1-.Ltmp0, $4  }
0x15: {  	s26 =	simm.s32 $0xA000;
	s6 =	sadd.s32 $0x2200, s6;
	[dreg:$0x4] =	wrdreg s22  }
0x16: {  	s0 =	sadd.s32 $0x33C00, s0;
	[dreg:$0x5] =	wrdreg s6;
	s6 =	sadd.s32 $0xC200, s8  }
0x17: {  	[dreg:$0x8] =	wrdreg s0;
	s22 =	simm.s32 $0x8000;
	s6 =	smov.u32 @p0 s7  }
0x18: {  	s0 =	simm.s32 $0x11000;
	[dreg:$0x6] =	wrdreg s6;
	s6 =	simm.s32 $0x0  }
.LBB2_4:
0x19: {  	[bflag:$0x0] =	sbarrier.arrive $0xFFFF  }
0x1a: {  	s4 =	rddreg [dreg:$0x8]  }
0x1b: {  	[hbm:s4], [sflag:s13] =	dma.local [spmem:s14], $0x9E0  }
0x1c: {  	_ =	swait.ge [sflag:s11], $0x9E0  }
0x1d: {  	s6 =	sadd.s32 $0x1, s6;
	s15 =	rddreg [dreg:$0x9]  }
0x1e: {  	p0 =	sne.s32 s6, s15  }
.Ltmp1:
0x1f: {  	_ = 	snop;
	(pc) =	sbr.rel @!p0 .LBB2_5-.Ltmp1, $3  }
0x20: {  	_ =	sdelay $0x1  }
0x21: {  	[sflag:s11] =	ssyncset.done $0x0  }
0x22: {  	[sflag:s11] =	ssyncadd.s32 $0xFFFFF620  }
.LBB2_1:
0x23: {  	s4 =	simm.s32 $0x0;
	s7 =	rddreg [dreg:$0x4]  }
0x24: {  	[tilespmem:s4], [sflag:$0x3] =	stream.linear.gather [hbm4b:s7+s4], $0x2800, $0x38;
	[tilespmem:$0x1EE00] =	vst v63  }
0x25: {  	_ =	swait.ge [sflag:s11], $0x2800  }
0x26: {  	[sflag:s11] =	ssyncset.done $0x0  }
0x27: {  	s8 =	simm.s32 $0x2800;
	s15 =	rddreg [dreg:$0x5];
	[sflag:s11] =	ssyncadd.s32 $0xFFFFD800  }
0x28: {  	[tilespmem:s8], [sflag:$0x3] =	stream.linear.gather [hbm4b:s15+s4], $0x2800, $0x38;
	[tilespmem:$0x1EE00] =	vst v63  }
0x29: {  	_ =	swait.ge [sflag:s11], $0x2800  }
0x2a: {  	[sflag:s11] =	ssyncset.done $0x0  }
0x2b: {  	s9 =	rddreg [dreg:$0x6];
	[sflag:s11] =	ssyncadd.s32 $0xFFFFD800  }
0x2c: {  	[spmem:s14], [sflag:s13] =	dma.local [hbm:s9], $0x9E0  }
0x2d: {  	_ =	swait.ge [sflag:s11], $0x9E0  }
0x2e: {  	[sflag:s11] =	ssyncset.done $0x0;
	s10 =	rddreg [dreg:$0x7]  }
0x2f: {  	s15 =	rddreg [dreg:$0xa];
	[sflag:s11] =	ssyncadd.s32 $0xFFFFF620  }
0x30: {  	[spmem:s15], [sflag:s13] =	dma.local [hbm:s10], $0x9E0  }
0x31: {  	_ =	swait.ge [sflag:s11], $0x9E0  }
0x32: {  	[sflag:s11] =	ssyncset.done $0x0  }
0x33: {  	[sflag:s11] =	ssyncadd.s32 $0xFFFFF620  }
0x34: {  	[bflag:$0x0] =	sbarrier.arrive $0xFFFF  }
0x35: {  	[tilespmem:s17], [sflag:$0x1] =	stream.indirect.gather [spmem:s3], $0x20, s4, s16, $0xb8;
	[tilespmem:$0x1EE00] =	vst v63  }
0x36: {  	_ = 	snop  }
0x37: {  	[tilespmem:s18], [sflag:$0x1] =	stream.indirect.gather [spmem:s3], $0x20, s16, s16, $0xb8;
	[tilespmem:$0x1EE00] =	vst v63  }
0x38: {  	s8 =	simm.s32 $0x100  }
0x39: {  	[tilespmem:s20], [sflag:$0x1] =	stream.indirect.gather [spmem:s3], $0x20, s8, s16, $0xb8;
	[tilespmem:$0x1EE00] =	vst v63  }
0x3a: {  	s9 =	simm.s32 $0x180  }
0x3b: {  	[tilespmem:s22], [sflag:$0x1] =	stream.indirect.gather [spmem:s3], $0x20, s9, s16, $0xb8;
	[tilespmem:$0x1EE00] =	vst v63  }
0x3c: {  	s10 =	simm.s32 $0x200  }
0x3d: {  	[tilespmem:s24], [sflag:$0x1] =	stream.indirect.gather [spmem:s3], $0x20, s10, s16, $0xb8;
	[tilespmem:$0x1EE00] =	vst v63  }
0x3e: {  	s15 =	simm.s32 $0x280  }
0x3f: {  	[tilespmem:s26], [sflag:$0x1] =	stream.indirect.gather [spmem:s3], $0x20, s15, s16, $0xb8;
	[tilespmem:$0x1EE00] =	vst v63  }
0x40: {  	s7 =	simm.s32 $0x300  }
0x41: {  	[tilespmem:s29], [sflag:$0x1] =	stream.indirect.gather [spmem:s3], $0x20, s7, s16, $0xb8;
	[tilespmem:$0x1EE00] =	vst v63  }
0x42: {  	s8 =	simm.s32 $0x380  }
0x43: {  	[tilespmem:s31], [sflag:$0x1] =	stream.indirect.gather [spmem:s3], $0x20, s8, s16, $0xb8;
	[tilespmem:$0x1EE00] =	vst v63  }
0x44: {  	s9 =	simm.s32 $0x400  }
0x45: {  	[tilespmem:s1], [sflag:$0x1] =	stream.indirect.gather [spmem:s3], $0x20, s9, s16, $0xb8;
	[tilespmem:$0x1EE00] =	vst v63  }
0x46: {  	s10 =	simm.s32 $0x480  }
0x47: {  	[tilespmem:s19], [sflag:$0x1] =	stream.indirect.gather [spmem:s3], $0x20, s10, s16, $0xb8;
	[tilespmem:$0x1EE00] =	vst v63  }
0x48: {  	s15 =	simm.s32 $0x500  }
0x49: {  	[tilespmem:s23], [sflag:$0x1] =	stream.indirect.gather [spmem:s3], $0x20, s15, s16, $0xb8;
	[tilespmem:$0x1EE00] =	vst v63  }
0x4a: {  	s7 =	simm.s32 $0x580  }
0x4b: {  	[tilespmem:s28], [sflag:$0x1] =	stream.indirect.gather [spmem:s3], $0x20, s7, s16, $0xb8;
	[tilespmem:$0x1EE00] =	vst v63  }
0x4c: {  	s8 =	simm.s32 $0x600  }
0x4d: {  	[tilespmem:s0], [sflag:$0x1] =	stream.indirect.gather [spmem:s3], $0x20, s8, s16, $0xb8;
	[tilespmem:$0x1EE00] =	vst v63  }
0x4e: {  	s9 =	simm.s32 $0x680  }
0x4f: {  	[tilespmem:s21], [sflag:$0x1] =	stream.indirect.gather [spmem:s3], $0x20, s9, s16, $0xb8;
	[tilespmem:$0x1EE00] =	vst v63  }
0x50: {  	s10 =	simm.s32 $0x700  }
0x51: {  	[tilespmem:s30], [sflag:$0x1] =	stream.indirect.gather [spmem:s3], $0x20, s10, s16, $0xb8;
	[tilespmem:$0x1EE00] =	vst v63  }
0x52: {  	s15 =	simm.s32 $0x780;
	s9 =	simm.s32 $0x0  }
0x53: {  	[tilespmem:s25], [sflag:$0x1] =	stream.indirect.gather [spmem:s3], $0x20, s15, s16, $0xb8;
	[tilespmem:$0x1EE00] =	vst v63  }
.LBB2_2:
0x54: {  	_ =	swait.ge [sflag:s12], $0x1000  }
0x55: {  	[sflag:s12] =	ssyncset.done $0x0  }
0x56: {  	[sflag:s12] =	ssyncadd.s32 $0xFFFFF000  }
0x57: {  	_ =	swait.ge [sflag:s12], $0x1000  }
0x58: {  	[sflag:s12] =	ssyncset.done $0x0  }
0x59: {  	[sflag:s12] =	ssyncadd.s32 $0xFFFFF000  }
0x5a: {  	_ =	swait.ge [sflag:s12], $0x1000  }
0x5b: {  	[sflag:s12] =	ssyncset.done $0x0  }
0x5c: {  	[sflag:s12] =	ssyncadd.s32 $0xFFFFF000  }
0x5d: {  	_ =	swait.ge [sflag:s12], $0x1000  }
0x5e: {  	[sflag:s12] =	ssyncset.done $0x0  }
0x5f: {  	[sflag:s12] =	ssyncadd.s32 $0xFFFFF000  }
0x60: {  	_ =	swait.ge [sflag:s12], $0x1000  }
0x61: {  	[sflag:s12] =	ssyncset.done $0x0  }
0x62: {  	[sflag:s12] =	ssyncadd.s32 $0xFFFFF000  }
0x63: {  	_ =	swait.ge [sflag:s12], $0x1000  }
0x64: {  	[sflag:s12] =	ssyncset.done $0x0  }
0x65: {  	[sflag:s12] =	ssyncadd.s32 $0xFFFFF000  }
0x66: {  	_ =	swait.ge [sflag:s12], $0x1000  }
0x67: {  	[sflag:s12] =	ssyncset.done $0x0  }
0x68: {  	[sflag:s12] =	ssyncadd.s32 $0xFFFFF000  }
0x69: {  	_ =	swait.ge [sflag:s12], $0x1000  }
0x6a: {  	s10 =	sshra.s32 s9, $0x2;
	[sflag:s12] =	ssyncset.done $0x0  }
0x6b: {  	s8 =	sadd.s32 $0x2800, s10;
	[sflag:s12] =	ssyncadd.s32 $0xFFFFF000  }
0x6c: {  	[spmem:s2] =	stream.indirect.scatter.add.f32 [tilespmem:s17], [sflag:$0x2], $0x20, s8, s16, $0xb8;
	[tilespmem:$0x1EE00] =	vst v63  }
0x6d: {  	s4 =	sadd.s32 $0x2880, s10  }
0x6e: {  	[spmem:s2] =	stream.indirect.scatter.add.f32 [tilespmem:s18], [sflag:$0x2], $0x20, s4, s16, $0xb8;
	[tilespmem:$0x1EE00] =	vst v63  }
0x6f: {  	s7 =	sadd.s32 $0x2900, s10  }
0x70: {  	[spmem:s2] =	stream.indirect.scatter.add.f32 [tilespmem:s20], [sflag:$0x2], $0x20, s7, s16, $0xb8;
	[tilespmem:$0x1EE00] =	vst v63  }
0x71: {  	s15 =	sadd.s32 $0x2980, s10  }
0x72: {  	[spmem:s2] =	stream.indirect.scatter.add.f32 [tilespmem:s22], [sflag:$0x2], $0x20, s15, s16, $0xb8;
	[tilespmem:$0x1EE00] =	vst v63  }
0x73: {  	s4 =	sadd.s32 $0x2A00, s10  }
0x74: {  	[spmem:s2] =	stream.indirect.scatter.add.f32 [tilespmem:s24], [sflag:$0x2], $0x20, s4, s16, $0xb8;
	[tilespmem:$0x1EE00] =	vst v63  }
0x75: {  	s7 =	sadd.s32 $0x2A80, s10  }
0x76: {  	[spmem:s2] =	stream.indirect.scatter.add.f32 [tilespmem:s26], [sflag:$0x2], $0x20, s7, s16, $0xb8;
	[tilespmem:$0x1EE00] =	vst v63  }
0x77: {  	s15 =	sadd.s32 $0x2B00, s10  }
0x78: {  	[spmem:s2] =	stream.indirect.scatter.add.f32 [tilespmem:s29], [sflag:$0x2], $0x20, s15, s16, $0xb8;
	[tilespmem:$0x1EE00] =	vst v63  }
0x79: {  	s4 =	sadd.s32 $0x2B80, s10  }
0x7a: {  	[spmem:s2] =	stream.indirect.scatter.add.f32 [tilespmem:s31], [sflag:$0x2], $0x20, s4, s16, $0xb8;
	[tilespmem:$0x1EE00] =	vst v63  }
0x7b: {  	_ =	swait.ge [sflag:s12], $0x1000  }
0x7c: {  	[sflag:s12] =	ssyncset.done $0x0  }
0x7d: {  	[sflag:s12] =	ssyncadd.s32 $0xFFFFF000  }
0x7e: {  	_ =	swait.ge [sflag:s12], $0x1000  }
0x7f: {  	[sflag:s12] =	ssyncset.done $0x0  }
0x80: {  	[sflag:s12] =	ssyncadd.s32 $0xFFFFF000  }
0x81: {  	_ =	swait.ge [sflag:s12], $0x1000  }
0x82: {  	[sflag:s12] =	ssyncset.done $0x0  }
0x83: {  	[sflag:s12] =	ssyncadd.s32 $0xFFFFF000  }
0x84: {  	_ =	swait.ge [sflag:s12], $0x1000  }
0x85: {  	[sflag:s12] =	ssyncset.done $0x0  }
0x86: {  	[sflag:s12] =	ssyncadd.s32 $0xFFFFF000  }
0x87: {  	_ =	swait.ge [sflag:s12], $0x1000  }
0x88: {  	[sflag:s12] =	ssyncset.done $0x0  }
0x89: {  	[sflag:s12] =	ssyncadd.s32 $0xFFFFF000  }
0x8a: {  	_ =	swait.ge [sflag:s12], $0x1000  }
0x8b: {  	[sflag:s12] =	ssyncset.done $0x0  }
0x8c: {  	[sflag:s12] =	ssyncadd.s32 $0xFFFFF000  }
0x8d: {  	_ =	swait.ge [sflag:s12], $0x1000  }
0x8e: {  	[sflag:s12] =	ssyncset.done $0x0  }
0x8f: {  	[sflag:s12] =	ssyncadd.s32 $0xFFFFF000  }
0x90: {  	_ =	swait.ge [sflag:s12], $0x1000  }
0x91: {  	[sflag:s12] =	ssyncset.done $0x0  }
0x92: {  	s7 =	sadd.s32 $0x2C00, s10;
	[sflag:s12] =	ssyncadd.s32 $0xFFFFF000  }
0x93: {  	[spmem:s2] =	stream.indirect.scatter.add.f32 [tilespmem:s1], [sflag:$0x2], $0x20, s7, s16, $0xb8;
	[tilespmem:$0x1EE00] =	vst v63  }
0x94: {  	s15 =	sadd.s32 $0x2C80, s10  }
0x95: {  	[spmem:s2] =	stream.indirect.scatter.add.f32 [tilespmem:s19], [sflag:$0x2], $0x20, s15, s16, $0xb8;
	[tilespmem:$0x1EE00] =	vst v63  }
0x96: {  	s4 =	sadd.s32 $0x2D00, s10  }
0x97: {  	[spmem:s2] =	stream.indirect.scatter.add.f32 [tilespmem:s23], [sflag:$0x2], $0x20, s4, s16, $0xb8;
	[tilespmem:$0x1EE00] =	vst v63  }
0x98: {  	s7 =	sadd.s32 $0x2D80, s10  }
0x99: {  	[spmem:s2] =	stream.indirect.scatter.add.f32 [tilespmem:s28], [sflag:$0x2], $0x20, s7, s16, $0xb8;
	[tilespmem:$0x1EE00] =	vst v63  }
0x9a: {  	s15 =	sadd.s32 $0x2E00, s10  }
0x9b: {  	[spmem:s2] =	stream.indirect.scatter.add.f32 [tilespmem:s0], [sflag:$0x2], $0x20, s15, s16, $0xb8;
	[tilespmem:$0x1EE00] =	vst v63  }
0x9c: {  	s4 =	sadd.s32 $0x2E80, s10  }
0x9d: {  	[spmem:s2] =	stream.indirect.scatter.add.f32 [tilespmem:s21], [sflag:$0x2], $0x20, s4, s16, $0xb8;
	[tilespmem:$0x1EE00] =	vst v63  }
0x9e: {  	s7 =	sadd.s32 $0x2F00, s10  }
0x9f: {  	[spmem:s2] =	stream.indirect.scatter.add.f32 [tilespmem:s30], [sflag:$0x2], $0x20, s7, s16, $0xb8;
	[tilespmem:$0x1EE00] =	vst v63  }
0xa0: {  	s15 =	sadd.s32 $0x2F80, s10  }
0xa1: {  	[spmem:s2] =	stream.indirect.scatter.add.f32 [tilespmem:s25], [sflag:$0x2], $0x20, s15, s16, $0xb8;
	[tilespmem:$0x1EE00] =	vst v63  }
0xa2: {  	_ =	swait.ge [sflag:s5], $0x1000  }
0xa3: {  	[sflag:s5] =	ssyncset.done $0x0  }
0xa4: {  	[sflag:s5] =	ssyncadd.s32 $0xFFFFF000  }
0xa5: {  	_ =	swait.ge [sflag:s5], $0x1000  }
0xa6: {  	[sflag:s5] =	ssyncset.done $0x0  }
0xa7: {  	[sflag:s5] =	ssyncadd.s32 $0xFFFFF000  }
0xa8: {  	_ =	swait.ge [sflag:s5], $0x1000  }
0xa9: {  	[sflag:s5] =	ssyncset.done $0x0  }
0xaa: {  	[sflag:s5] =	ssyncadd.s32 $0xFFFFF000  }
0xab: {  	_ =	swait.ge [sflag:s5], $0x1000  }
0xac: {  	[sflag:s5] =	ssyncset.done $0x0  }
0xad: {  	[sflag:s5] =	ssyncadd.s32 $0xFFFFF000  }
0xae: {  	_ =	swait.ge [sflag:s5], $0x1000  }
0xaf: {  	[sflag:s5] =	ssyncset.done $0x0  }
0xb0: {  	[sflag:s5] =	ssyncadd.s32 $0xFFFFF000  }
0xb1: {  	_ =	swait.ge [sflag:s5], $0x1000  }
0xb2: {  	[sflag:s5] =	ssyncset.done $0x0  }
0xb3: {  	[sflag:s5] =	ssyncadd.s32 $0xFFFFF000  }
0xb4: {  	_ =	swait.ge [sflag:s5], $0x1000  }
0xb5: {  	[sflag:s5] =	ssyncset.done $0x0  }
0xb6: {  	[sflag:s5] =	ssyncadd.s32 $0xFFFFF000  }
0xb7: {  	p0 =	seq.s32 s9, $0x8000;
	_ =	swait.ge [sflag:s5], $0x1000  }
0xb8: {  	s8 =	sshra.s32 @!p0 s9, $0x2;
	s4 =	simm.s32 @!p0 $0x5000;
	[sflag:s5] =	ssyncset.done $0x0  }
0xb9: {  	s7 =	simm.s32 @!p0 $0x80;
	s15 =	sadd.s32 @!p0 $0x800, s8;
	[sflag:s5] =	ssyncadd.s32 $0xFFFFF000  }
0xba: {  	[tilespmem:s4], [sflag:$0x1] =	stream.indirect.gather @!p0 [spmem:s3], $0x20, s15, s7, $0xb8;
	[tilespmem:$0x1EE00] =	vst v63  }
0xbb: {  	s4 =	sadd.s32 @!p0 $0x880, s8;
	s15 =	simm.s32 @!p0 $0x6000  }
0xbc: {  	[tilespmem:s15], [sflag:$0x1] =	stream.indirect.gather @!p0 [spmem:s3], $0x20, s4, s7, $0xb8;
	[tilespmem:$0x1EE00] =	vst v63  }
0xbd: {  	s4 =	sadd.s32 @!p0 $0x900, s8;
	s15 =	simm.s32 @!p0 $0x7000  }
0xbe: {  	[tilespmem:s15], [sflag:$0x1] =	stream.indirect.gather @!p0 [spmem:s3], $0x20, s4, s7, $0xb8;
	[tilespmem:$0x1EE00] =	vst v63  }
0xbf: {  	s4 =	sadd.s32 @!p0 $0x980, s8;
	s15 =	simm.s32 @!p0 $0x8000  }
0xc0: {  	[tilespmem:s15], [sflag:$0x1] =	stream.indirect.gather @!p0 [spmem:s3], $0x20, s4, s7, $0xb8;
	[tilespmem:$0x1EE00] =	vst v63  }
0xc1: {  	s4 =	sadd.s32 @!p0 $0xA00, s8;
	s15 =	simm.s32 @!p0 $0x9000  }
0xc2: {  	[tilespmem:s15], [sflag:$0x1] =	stream.indirect.gather @!p0 [spmem:s3], $0x20, s4, s7, $0xb8;
	[tilespmem:$0x1EE00] =	vst v63  }
0xc3: {  	s4 =	sadd.s32 @!p0 $0xA80, s8;
	s15 =	simm.s32 @!p0 $0xA000  }
0xc4: {  	[tilespmem:s15], [sflag:$0x1] =	stream.indirect.gather @!p0 [spmem:s3], $0x20, s4, s7, $0xb8;
	[tilespmem:$0x1EE00] =	vst v63  }
0xc5: {  	s4 =	sadd.s32 @!p0 $0xB00, s8;
	s15 =	simm.s32 @!p0 $0xB000  }
0xc6: {  	[tilespmem:s15], [sflag:$0x1] =	stream.indirect.gather @!p0 [spmem:s3], $0x20, s4, s7, $0xb8;
	[tilespmem:$0x1EE00] =	vst v63  }
0xc7: {  	s4 =	sadd.s32 @!p0 $0xB80, s8;
	s8 =	simm.s32 @!p0 $0xC000  }
0xc8: {  	[tilespmem:s8], [sflag:$0x1] =	stream.indirect.gather @!p0 [spmem:s3], $0x20, s4, s7, $0xb8;
	[tilespmem:$0x1EE00] =	vst v63  }
0xc9: {  	_ =	swait.ge [sflag:s5], $0x1000  }
0xca: {  	[sflag:s5] =	ssyncset.done $0x0  }
0xcb: {  	[sflag:s5] =	ssyncadd.s32 $0xFFFFF000  }
0xcc: {  	_ =	swait.ge [sflag:s5], $0x1000  }
0xcd: {  	[sflag:s5] =	ssyncset.done $0x0  }
0xce: {  	[sflag:s5] =	ssyncadd.s32 $0xFFFFF000  }
0xcf: {  	_ =	swait.ge [sflag:s5], $0x1000  }
0xd0: {  	[sflag:s5] =	ssyncset.done $0x0  }
0xd1: {  	[sflag:s5] =	ssyncadd.s32 $0xFFFFF000  }
0xd2: {  	_ =	swait.ge [sflag:s5], $0x1000  }
0xd3: {  	[sflag:s5] =	ssyncset.done $0x0  }
0xd4: {  	[sflag:s5] =	ssyncadd.s32 $0xFFFFF000  }
0xd5: {  	_ =	swait.ge [sflag:s5], $0x1000  }
0xd6: {  	[sflag:s5] =	ssyncset.done $0x0  }
0xd7: {  	[sflag:s5] =	ssyncadd.s32 $0xFFFFF000  }
0xd8: {  	_ =	swait.ge [sflag:s5], $0x1000  }
0xd9: {  	[sflag:s5] =	ssyncset.done $0x0  }
0xda: {  	[sflag:s5] =	ssyncadd.s32 $0xFFFFF000  }
0xdb: {  	_ =	swait.ge [sflag:s5], $0x1000  }
.Ltmp2:
0xdc: {  	[sflag:s5] =	ssyncset.done $0x0;
	(pc) =	sbr.rel @p0 .LBB2_4-.Ltmp2, $4  }
0xdd: {  	[sflag:s5] =	ssyncadd.s32 $0xFFFFF000  }
0xde: {  	_ =	swait.ge [sflag:s5], $0x1000  }
0xdf: {  	[sflag:s5] =	ssyncset.done $0x0  }
0xe0: {  	[sflag:s5] =	ssyncadd.s32 $0xFFFFF000  }
0xe1: {  	s4 =	sadd.s32 $0xC00, s10  }
0xe2: {  	[tilespmem:s1], [sflag:$0x1] =	stream.indirect.gather [spmem:s3], $0x20, s4, s16, $0xb8;
	[tilespmem:$0x1EE00] =	vst v63  }
0xe3: {  	s15 =	sadd.s32 $0xC80, s10  }
0xe4: {  	[tilespmem:s19], [sflag:$0x1] =	stream.indirect.gather [spmem:s3], $0x20, s15, s16, $0xb8;
	[tilespmem:$0x1EE00] =	vst v63  }
0xe5: {  	s7 =	sadd.s32 $0xD00, s10  }
0xe6: {  	[tilespmem:s23], [sflag:$0x1] =	stream.indirect.gather [spmem:s3], $0x20, s7, s16, $0xb8;
	[tilespmem:$0x1EE00] =	vst v63  }
0xe7: {  	s8 =	sadd.s32 $0xD80, s10  }
0xe8: {  	[tilespmem:s28], [sflag:$0x1] =	stream.indirect.gather [spmem:s3], $0x20, s8, s16, $0xb8;
	[tilespmem:$0x1EE00] =	vst v63  }
0xe9: {  	s15 =	sadd.s32 $0xE00, s10  }
0xea: {  	[tilespmem:s0], [sflag:$0x1] =	stream.indirect.gather [spmem:s3], $0x20, s15, s16, $0xb8;
	[tilespmem:$0x1EE00] =	vst v63  }
0xeb: {  	s7 =	sadd.s32 $0xE80, s10  }
0xec: {  	[tilespmem:s21], [sflag:$0x1] =	stream.indirect.gather [spmem:s3], $0x20, s7, s16, $0xb8;
	[tilespmem:$0x1EE00] =	vst v63  }
.Ltmp3:
0xed: {  	_ = 	snop;
	(pc) =	sbr.rel .LBB2_2-.Ltmp3, $4  }
0xee: {  	s8 =	sadd.s32 $0xF00, s10  }
0xef: {  	[tilespmem:s30], [sflag:$0x1] =	stream.indirect.gather [spmem:s3], $0x20, s8, s16, $0xb8;
	[tilespmem:$0x1EE00] =	vst v63  }
0xf0: {  	s9 =	sadd.s32 $0x2000, s9;
	s15 =	sadd.s32 $0xF80, s10  }
0xf1: {  	[tilespmem:s25], [sflag:$0x1] =	stream.indirect.gather [spmem:s3], $0x20, s15, s16, $0xb8;
	[tilespmem:$0x1EE00] =	vst v63  }
.LBB2_5:
0xf2: {  	_ =	sfence.sel $0x180000  }
0xf3: {  	[bflag:$0x0] =	sbarrier.arrive $0xFFFF  }
0xf4: {  	_ =	strace $0x9000004D  }
0xf5: {  	s0 =	stileid.u32;
	[bflag:$0x2] =	sbarrier.arrive $0xFFFF  }
0xf6: {  	p0 =	sne.s32 s0, $0x0;
	s0 =	rddreg [dreg:$0x3]  }
0xf7: {  	s0 =	sadd.s32 @!p0 $0x100000, s0  }
0xf8: {  	[sflag:s0] =	ssyncadd.tile.s32 @!p0 $0x1;
	_ =	shalt  }
.Lfunc_end2:
_tile_overlayer_lowered:
.L_overlay_start_2:
0xf9: {  	(tag) =	ssettag $0x2  }
0xfa: {  	s0 =	rddreg [dreg:$0x0];
	s2 =	stileid.u32  }
0xfb: {  	s1 =	rddreg [dreg:$0x1];
	p0 =	sne.s32 s2, $0x0  }
0xfc: {  	s3 =	rddreg [dreg:$0x2];
	[bflag:$0x3] =	sbarrier.arrive $0xFFFF;
	s2 =	simm.s32 @!p0 $0x1C03  }
0xfd: {  	[timem:s3], [sflag:s2] =	dma.local @!p0 [hbm:s0], s1  }
0xfe: {  	s0 =	simm.s32 @!p0 $0x3  }
0xff: {  	_ =	swait.ge @!p0 [sflag:s0], s1  }
0x100: {  	s1 =	ssub.s32 @!p0 $0x0, s1;
	[sflag:s0] =	ssyncset.done @!p0 $0x0  }
0x101: {  	[sflag:s0] =	ssyncadd.s32 @!p0 s1  }
0x102: {  	[bflag:$0x3] =	sbarrier.arrive $0xFFFF  }
0x103: {  	_ =	shalt  }

// kernel: kernel.9.cloned.1.call-start
scs
__scs_entry_jumppad:
0x0: {  	(pc) =	sbr.rel $0x88, $3  }
0x1: {  	(tag) =	ssettag $0x0;
	lr =	simm.s32 $0x1  }
0x2: {  	[smem:$0x3F99] =	sst lr;
	_ =	strace $0xD0000000  }
0x3: {  	_ = 	snop  }
0x4: {  	_ = 	snop  }
0x5: {  	_ = 	snop  }
0x6: {  	_ = 	snop  }
0x7: {  	_ = 	snop  }
__scs_overlays_trampoline_lowered:
0x8: {  	[smem:$0x3FA8] =	sst s0  }
0x9: {  	[smem:$0x3FA9] =	sst s1  }
0xa: {  	[smem:$0x3FAA] =	sst s2  }
0xb: {  	[smem:$0x3FAB] =	sst s3  }
0xc: {  	[smem:$0x3FAC] =	sst s4  }
0xd: {  	[smem:$0x3FAD] =	sst s5  }
0xe: {  	[smem:$0x3FAE] =	sst s6  }
0xf: {  	[smem:$0x3FAF] =	sst s7  }
0x10: {  	[smem:$0x3FB0] =	sst s8  }
0x11: {  	[smem:$0x3FB1] =	sst s9;
	s0 =	simm.s32 @!p0 $0x0  }
0x12: {  	s1 =	sld [smem:$0x3F97];
	s0 =	simm.s32 @p0 $0x1  }
0x13: {  	[smem:$0x3FB2] =	sst s0;
	s0 =	simm.s32 @!p1 $0x0  }
0x14: {  	s2 =	sld [smem:$0x3F96];
	s0 =	simm.s32 @p1 $0x1  }
0x15: {  	[smem:$0x3FB3] =	sst s0;
	s0 =	simm.s32 @!p2 $0x0  }
0x16: {  	s3 =	sld [smem:$0x3FDB];
	s0 =	simm.s32 @p2 $0x1  }
0x17: {  	s4 =	simm.s32 $0x1BF5;
	[smem:$0x3FB5] =	sst s0  }
0x18: {  	s0 =	sld [smem:$0x3F98];
	_ =	swait.ge [sflag:s4], $0x0  }
0x19: {  	s7 =	sld [smem:$0x3F99]  }
0x1a: {  	s8 =	sadd.s32 $0xFFFFE003, lr  }
0x1b: {  	s9 =	sadd.s32 $0xFFFFFEF7, lr;
	s5 =	simm.s32 $0xFFFFFFFF;
	p2 =	slt.u32 s8, $0xFFFFF086  }
0x1c: {  	p1 =	slt.u32 s9, $0xF7A;
	s5 =	simm.s32 @!p2 $0x0  }
0x1d: {  	s5 =	simm.s32 @p1 $0x1;
	p0 =	seq.s32 s7, s2  }
0x1e: {  	s7 =	smul.u32 @!p0 $0xF7A, s2;
	p2 =	seq.s32 @!p0 s5, $0x0  }
0x1f: {  	s9 =	smul.u32 $0xF7A, s1;
	s8 =	simm.s32 @!p0 $0x1BF5;
	p2 =	por !p2, p0  }
0x20: {  	[sflag:s8] =	ssyncset.s32 @!p0 $0xFFFFF086;
	s6 =	sadd.s32 @!p0 s3, s7;
	s7 =	simm.s32 @!p0 $0x108  }
0x21: {  	s3 =	sadd.s32 s3, s9;
	s6 =	sadd.s32 @!p0 $0x88, s6;
	s7 =	simm.s32 @p2 $0x1082  }
0x22: {  	[simem:s7], [sflag:s8] =	dma.local @!p0 [hbm:s6], $0xF7A  }
0x23: {  	s9 =	sor.u32 $0xD0000000, s2;
	s6 =	simm.s32 $0x108;
	_ =	swait.ge @!p0 [sflag:s8], $0x0  }
0x24: {  	s3 =	sadd.s32 $0x88, s3;
	s6 =	simm.s32 @!p1 $0x1082;
	[sflag:s4] =	ssyncset.s32 $0xFFFFF086  }
0x25: {  	[simem:s6], [sflag:s4] =	dma.local [hbm:s3], $0xF7A  }
0x26: {  	[smem:$0x3F99] =	sst s1;
	(tag) =	ssettag s2;
	_ =	strace s9  }
0x27: {  	s1 =	sld [smem:$0x3FA9]  }
0x28: {  	s2 =	sld [smem:$0x3FAA]  }
0x29: {  	s4 =	sld [smem:$0x3FAC]  }
0x2a: {  	p0 =	seq.s32 s5, $0x0;
	s5 =	sld [smem:$0x3FAD]  }
0x2b: {  	s6 =	sld [smem:$0x3FAE]  }
0x2c: {  	s7 =	sld [smem:$0x3FAF]  }
0x2d: {  	s3 =	simm.s32 $0x108;
	s8 =	sld [smem:$0x3FB0]  }
0x2e: {  	s3 =	simm.s32 @!p0 $0x1082;
	s9 =	sld [smem:$0x3FB1]  }
0x2f: {  	lr =	sadd.s32 s0, s3;
	s0 =	sld [smem:$0x3FA8]  }
0x30: {  	s3 =	sld [smem:$0x3FAB]  }
0x31: {  	[smem:$0x3FB4] =	sst s10  }
0x32: {  	s10 =	sld [smem:$0x3FB2];
	_ =	sdelay $0x3  }
0x33: {  	p0 =	seq.s32 s10, $0x1;
	s10 =	sld [smem:$0x3FB4];
	_ =	sdelay $0x3  }
0x34: {  	[smem:$0x3FB4] =	sst s10  }
0x35: {  	s10 =	sld [smem:$0x3FB3];
	_ =	sdelay $0x3  }
0x36: {  	p1 =	seq.s32 s10, $0x1;
	s10 =	sld [smem:$0x3FB4];
	_ =	sdelay $0x3  }
0x37: {  	[smem:$0x3FB4] =	sst s10  }
0x38: {  	s10 =	sld [smem:$0x3FB5]  }
0x39: {  	_ = 	snop;
	(pc) =	sbr.ind lr, $3  }
0x3a: {  	_ = 	snop  }
0x3b: {  	_ = 	snop  }
0x3c: {  	p2 =	seq.s32 s10, $0x1;
	s10 =	sld [smem:$0x3FB4]  }
0x3d: {  	_ =	shalt  }
0x3e: {  	_ =	shalt  }
0x3f: {  	_ =	shalt  }
0x40: {  	_ =	shalt  }
0x41: {  	_ =	shalt  }
0x42: {  	_ =	shalt  }
0x43: {  	_ =	shalt  }
0x44: {  	_ =	shalt  }
0x45: {  	_ =	shalt  }
0x46: {  	_ =	shalt  }
0x47: {  	_ =	shalt  }
0x48: {  	_ =	shalt  }
0x49: {  	_ =	shalt  }
0x4a: {  	_ =	shalt  }
0x4b: {  	_ =	shalt  }
0x4c: {  	_ =	shalt  }
0x4d: {  	_ =	shalt  }
0x4e: {  	_ =	shalt  }
0x4f: {  	_ =	shalt  }
0x50: {  	_ =	shalt  }
0x51: {  	_ =	shalt  }
0x52: {  	_ =	shalt  }
0x53: {  	_ =	shalt  }
0x54: {  	_ =	shalt  }
0x55: {  	_ =	shalt  }
0x56: {  	_ =	shalt  }
0x57: {  	_ =	shalt  }
0x58: {  	_ =	shalt  }
0x59: {  	_ =	shalt  }
0x5a: {  	_ =	shalt  }
0x5b: {  	_ =	shalt  }
0x5c: {  	_ =	shalt  }
0x5d: {  	_ =	shalt  }
0x5e: {  	_ =	shalt  }
0x5f: {  	_ =	shalt  }
0x60: {  	_ =	shalt  }
0x61: {  	_ =	shalt  }
0x62: {  	_ =	shalt  }
0x63: {  	_ =	shalt  }
0x64: {  	_ =	shalt  }
0x65: {  	_ =	shalt  }
0x66: {  	_ =	shalt  }
0x67: {  	_ =	shalt  }
0x68: {  	_ =	shalt  }
0x69: {  	_ =	shalt  }
0x6a: {  	_ =	shalt  }
0x6b: {  	_ =	shalt  }
0x6c: {  	_ =	shalt  }
0x6d: {  	_ =	shalt  }
0x6e: {  	_ =	shalt  }
0x6f: {  	_ =	shalt  }
0x70: {  	_ =	shalt  }
0x71: {  	_ =	shalt  }
0x72: {  	_ =	shalt  }
0x73: {  	_ =	shalt  }
0x74: {  	_ =	shalt  }
0x75: {  	_ =	shalt  }
0x76: {  	_ =	shalt  }
0x77: {  	_ =	shalt  }
0x78: {  	_ =	shalt  }
0x79: {  	_ =	shalt  }
0x7a: {  	_ =	shalt  }
0x7b: {  	_ =	shalt  }
0x7c: {  	_ =	shalt  }
0x7d: {  	_ =	shalt  }
0x7e: {  	_ =	shalt  }
0x7f: {  	_ =	shalt  }
0x80: {  	_ =	shalt  }
0x81: {  	_ =	shalt  }
0x82: {  	_ =	shalt  }
0x83: {  	_ =	shalt  }
0x84: {  	_ =	shalt  }
0x85: {  	_ =	shalt  }
0x86: {  	_ =	shalt  }
0x87: {  	_ =	shalt  }
.Lfunc_end0:
.L_simem_size_0:
called_computation_lowered:
.L_overlay_start_0:
0x88: {  	s2 =	sld [smem:$0x3FD9]  }
0x89: {  	s3 =	sld [smem:$0x3FFE];
	_ =	sdelay $0x1  }
0x8a: {  	s1 =	srdreg.scid  }
0x8b: {  	s0 =	sand.u32 $0x1, s1  }
0x8c: {  	s17 =	sshll.u32 s0, $0xA;
	s2 =	sadd.s32 s3, s2  }
0x8d: {  	s2 =	sadd.s32 s2, s17  }
0x8e: {  	[smem:$0x3FC0] =	sst s2  }
0x8f: {  	_ = 	snop  }
0x90: {  	s2 =	sld [smem:$0x3FD0];
	(tm) =	ssettm $0x1  }
0x91: {  	s18 =	sld [smem:$0x3FFB];
	_ =	sdelay $0x3  }
0x92: {  	_ =	strace s18  }
0x93: {  	s3 =	sld [smem:$0x3FFC];
	_ =	sdelay $0x3  }
0x94: {  	_ =	strace s3  }
0x95: {  	s3 =	sld [smem:$0x3FFD];
	_ =	sdelay $0x3  }
0x96: {  	_ =	strace s3  }
0x97: {  	_ =	strace $0x8FFFFFFF  }
0x98: {  	s19 =	sld [smem:$0x3FDB];
	_ =	sdelay $0x1  }
0x99: {  	s4 =	simm.s32 $_scs_section_size  }
0x9a: {  	s5 =	simm.s32 $_size__tile_overlayer_lowered;
	s6 =	simm.s32 $_tile_overlayer_lowered  }
0x9b: {  	s22 =	simm.s32 $0x1BFF;
	s21 =	sshll.u32 s6, $0x1;
	s3 =	sadd.s32 s4, s19  }
0x9c: {  	s7 =	simm.s32 $0x0;
	s20 =	sshll.u32 s5, $0x1;
	s5 =	sadd.s32 s21, s3  }
0x9d: {  	[timem:s7], [sflag:s22] =	dma.local [hbm:s5], s20  }
0x9e: {  	_ =	swait.ge [sflag:s22], s20  }
0x9f: {  	s4 =	ssub.s32 $0x0, s20;
	[sflag:s22] =	ssyncset.done $0x0  }
0xa0: {  	[sflag:s22] =	ssyncadd.s32 s4;
	_ =	sdelay $0x1  }
0xa1: {  	s23 =	simm.s32 $0x1B8B  }
0xa2: {  	_ =	swait.ge [sflag:s23], $0x1  }
0xa3: {  	[sflag:s23] =	ssyncset.done $0x0  }
0xa4: {  	s25 =	simm.s32 $0x1B8E;
	s24 =	sld [smem:$0x3FFE];
	[sflag:s23] =	ssyncadd.s32 $0xFFFFFFFF  }
0xa5: {  	s26 =	simm.s32 $execute0_lowered;
	[smem:$0x3FD2] =	sst s25  }
0xa6: {  	s5 =	sshll.u32 s26, $0x1;
	_ =	strace $0x80000046;
	[dreg:$0x1] =	wrdreg $0xFFFFFFFF  }
0xa7: {  	s28 =	simm.s32 $_size_execute0_lowered;
	s3 =	sadd.s32 s3, s5;
	[dreg:$0x0] =	wrdreg $0x0  }
0xa8: {  	s5 =	sshll.u32 s28, $0x1;
	[dreg:$0x2] =	wrdreg s3  }
0xa9: {  	[dreg:$0x3] =	wrdreg s5  }
0xaa: {  	[dreg:$0x4] =	wrdreg $0xC0  }
0xab: {  	_ =	task [dreg:s7], $0x5FFFF  }
0xac: {  	[dreg:$0x1] =	wrdreg $0xFFFFFFFF  }
0xad: {  	[dreg:$0x0] =	wrdreg $0x60  }
0xae: {  	[dreg:$0x2] =	wrdreg s24  }
0xaf: {  	[dreg:$0x3] =	wrdreg s2  }
0xb0: {  	[dreg:$0x4] =	wrdreg $0x38000  }
0xb1: {  	[dreg:$0x5] =	wrdreg $0x9  }
0xb2: {  	_ =	task.clear_ibuf [dreg:s7], $0x6FFFF;
	_ =	strace $0x90000046  }
0xb3: {  	s29 =	simm.s32 $0x9;
	_ =	strace $0x80000048  }
0xb4: {  	_ =	swait.ge [sflag:s29], $0x1  }
0xb5: {  	[sflag:s29] =	ssyncadd.s32 $0xFFFFFFFF  }
0xb6: {  	_ =	strace $0x90000048  }
0xb7: {  	_ =	sfence  }
0xb8: {  	s30 =	sld [smem:$0x0];
	_ =	sdelay $0x2  }
0xb9: {  	s31 =	sshll.u32 s1, $0xD;
	s1 =	sshrl.u32 s1, $0x2  }
0xba: {  	s3 =	sand.u32 $0x4000, s31;
	s1 =	sadd.s32 s1, s30  }
0xbb: {  	s0 =	sor.u32 s3, s0;
	s1 =	sshll.u32 s1, $0x11  }
0xbc: {  	s0 =	sor.u32 s1, s0  }
0xbd: {  	s0 =	sadd.s32 $0x8F2B, s0  }
0xbe: {  	[sflag:s0] =	ssyncadd.remote.s32 $0x1  }
0xbf: {  	_ =	sfence.sel $0xFFFF  }
0xc0: {  	[dreg:$0x0] =	wrdreg $0xFFFFFFFF;
	(pc) =	sbr.abs _section_cstart, $3  }
0xc1: {  	[dreg:$0x1] =	wrdreg $0xFFFFFFFF  }
0xc2: {  	_ =	task.clear_ibuf [dreg:s7], $0x2FFFF;
	_ =	strace $0x9FFFFFFF  }
0xc3: {  	(tm) =	ssettm $0x7FFFFFFF  }
tec
execute0_lowered:
.L_overlay_start_1:
0x0: {  	(tag) =	ssettag $0x1  }
0x1: {  	s6 =	rddreg [dreg:$0x0]  }
0x2: {  	s2 =	rddreg [dreg:$0x1]  }
0x3: {  	s0 =	srdreg.scid;
	s3 =	rddreg [dreg:$0x2]  }
0x4: {  	s4 =	simm.s32 $0x0;
	s13 =	simm.s32 $0x80;
	s14 =	simm.s32 $0x1  }
0x5: {  	s15 =	simm.s32 $0x0;
	s5 =	sand.u32 $0x1, s0;
	s0 =	stileid.u32  }
0x6: {  	[smem:$0x7FF] =	sst s4;
	s1 =	sshll.u32 s5, $0x4;
	s8 =	smul.u32 $0x4F00, s0  }
0x7: {  	s9 =	smul.u32 $0x4F000, s5;
	s5 =	ssub.s32 $0x2, s5;
	s1 =	sor.u32 s0, s1  }
0x8: {  	s31 =	sshll.u32 s0, $0x6;
	s11 =	sshrl.u32 s5, $0x1;
	s7 =	smul.u32 $0x500, s1  }
0x9: {  	s1 =	rddreg [dreg:$0x3];
	_ =	strace $0x80000047;
	s10 =	sshrl.u32 s8, $0x3  }
0xa: {  	s9 =	sadd.s32 s8, s9;
	s11 =	ssub.s32 s5, s11;
	s12 =	sadd.s32 s8, s3  }
0xb: {  	s10 =	sadd.s32 s10, s6;
	s9 =	sshrl.u32 s9, $0x3;
	s8 =	smax.u32 s11, $0x1  }
0xc: {  	s11 =	sor.u32 $0x1C02, s31;
	s12 =	sshrl.u32 s12, $0x3;
	s7 =	sadd.s32 s7, s6  }
0xd: {  	s9 =	sadd.s32 s9, s6;
	s6 =	sadd.s32 $0xC200, s10;
	s10 =	simm.s32 $0x2800  }
0xe: {  	s5 =	sadd.s32 $0x2200, s7;
	s7 =	sadd.s32 $0x16000, s9;
	s9 =	simm.s32 $0x2  }
.LBB2_1:
0xf: {  	[tilespmem:s4], [sflag:$0x2] =	stream.linear.gather [hbm4b:s5+s4], $0x2800, $0x38;
	[tilespmem:$0x8700] =	vst v63  }
0x10: {  	_ =	swait.ge [sflag:s9], $0x2800  }
0x11: {  	[sflag:s9] =	ssyncset.done $0x0  }
0x12: {  	[sflag:s9] =	ssyncadd.s32 $0xFFFFD800  }
0x13: {  	[tilespmem:s10], [sflag:$0x2] =	stream.linear.gather [hbm4b:s2+s4], $0x1000, $0x38;
	[tilespmem:$0x8700] =	vst v63  }
0x14: {  	_ =	swait.ge [sflag:s9], $0x1000  }
0x15: {  	[sflag:s9] =	ssyncset.done $0x0  }
0x16: {  	[sflag:s9] =	ssyncadd.s32 $0xFFFFF000  }
0x17: {  	[spmem:s12], [sflag:s11] =	dma.local [hbm:s6], $0x9E0  }
0x18: {  	_ =	swait.ge [sflag:s9], $0x9E0  }
0x19: {  	[sflag:s9] =	ssyncset.done $0x0  }
0x1a: {  	[sflag:s9] =	ssyncadd.s32 $0xFFFFF620  }
0x1b: {  	s16 =	simm.s32 $0x0;
	[bflag:$0x0] =	sbarrier.arrive $0xFFFF  }
.LBB2_2:
0x1c: {  	p0 =	sne.s32 s16, $0x9E00  }
.Ltmp0:
0x1d: {  	_ = 	snop;
	(pc) =	sbr.rel @p0 .LBB2_2-.Ltmp0, $3  }
0x1e: {  	_ =	sdelay $0x1  }
0x1f: {  	s17 =	sshra.s32 s16, $0x2;
	s16 =	sadd.s32 $0x200, s16  }
0x20: {  	[spmem:s3] =	stream.indirect.scatter.add.f32 [tilespmem:s10], [sflag:$0x1], $0x20, s17, s13, $0xb8;
	[tilespmem:$0x8700] =	vst v63  }
0x21: {  	_ =	swait.ge [sflag:s14], $0x1000  }
0x22: {  	s16 =	simm.s32 $0x4F;
	[sflag:s14] =	ssyncset.done $0x0  }
.LBB2_4:
0x23: {  	p0 =	sne.s32 s16, $0x1;
	s16 =	sadd.s32 $0xFFFFFFFF, s16;
	[sflag:s14] =	ssyncadd.s32 $0xFFFFF000  }
.Ltmp1:
0x24: {  	(pc) =	sbr.rel @p0 .LBB2_4-.Ltmp1, $3  }
0x25: {  	_ =	sdelay $0x1  }
0x26: {  	_ =	swait.ge [sflag:s14], $0x1000  }
0x27: {  	[sflag:s14] =	ssyncset.done $0x0  }
0x28: {  	s15 =	sadd.s32 $0x1, s15  }
0x29: {  	[sflag:s14] =	ssyncadd.s32 $0xFFFFF000;
	p0 =	sne.s32 s15, s8  }
.Ltmp2:
0x2a: {  	[bflag:$0x0] =	sbarrier.arrive $0xFFFF;
	(pc) =	sbr.rel @p0 .LBB2_1-.Ltmp2, $4  }
0x2b: {  	[hbm:s7], [sflag:s11] =	dma.local [spmem:s12], $0x9E0  }
0x2c: {  	_ =	swait.ge [sflag:s9], $0x9E0  }
0x2d: {  	[sflag:s9] =	ssyncset.done $0x0  }
0x2e: {  	[sflag:s9] =	ssyncadd.s32 $0xFFFFF620  }
0x2f: {  	_ =	sfence.sel $0x180000  }
0x30: {  	[bflag:$0x0] =	sbarrier.arrive $0xFFFF  }
0x31: {  	p0 =	sne.s32 s0, $0x0;
	_ =	strace $0x90000047  }
0x32: {  	s0 =	sadd.s32 @!p0 $0x100000, s1;
	[bflag:$0x2] =	sbarrier.arrive $0xFFFF  }
0x33: {  	[sflag:s0] =	ssyncadd.tile.s32 @!p0 $0x1;
	_ =	shalt  }
.Lfunc_end2:
_tile_overlayer_lowered:
.L_overlay_start_2:
0x34: {  	(tag) =	ssettag $0x2  }
0x35: {  	s0 =	rddreg [dreg:$0x0];
	s2 =	stileid.u32  }
0x36: {  	s1 =	rddreg [dreg:$0x1];
	p0 =	sne.s32 s2, $0x0  }
0x37: {  	s3 =	rddreg [dreg:$0x2];
	[bflag:$0x3] =	sbarrier.arrive $0xFFFF;
	s2 =	simm.s32 @!p0 $0x1C02  }
0x38: {  	[timem:s3], [sflag:s2] =	dma.local @!p0 [hbm:s0], s1  }
0x39: {  	s0 =	simm.s32 @!p0 $0x2  }
0x3a: {  	_ =	swait.ge @!p0 [sflag:s0], s1  }
0x3b: {  	s1 =	ssub.s32 @!p0 $0x0, s1;
	[sflag:s0] =	ssyncset.done @!p0 $0x0  }
0x3c: {  	[sflag:s0] =	ssyncadd.s32 @!p0 s1  }
0x3d: {  	[bflag:$0x3] =	sbarrier.arrive $0xFFFF  }
0x3e: {  	_ =	shalt  }

</sc_bundles>
